<compile_context>
chip_gen: v7x
topology: tpu7x:2x2x1
jax: 0.10.2.dev20260603
libtpu: 0.0.44.dev20260713+nightly
codegen_flags: <defaults>
</compile_context>

<pallas_src>
import jax
import jax.numpy as jnp
from jax import lax
from jax.experimental import pallas as pl
from jax.experimental.pallas import tpu as pltpu
from jax.experimental.pallas import tpu_sc as plsc

_N = 5000
_PAD = 5120
_T = 0.5
_MAX_ROUNDS = 100
_NEG = -1e30
_BIGS = 3e38
_NSUB = 16
_L = 16
_SLICE = _PAD // _NSUB
_CHUNKS = _SLICE // _L
_OROWS = _PAD // _NSUB
_OW = 5
_LAST = _NSUB - 1
_LASTW = (_N - _LAST * _OROWS) * _OW


def _sc_body(bh, sh, cnth, outh, bv, x1v, y1v, x2v, y2v, sv_, cntv, alive,
             outv, stage, candv, cands):
    sid = lax.axis_index("s")
    base = sid * _SLICE
    l16 = lax.iota(jnp.int32, 16)
    l16f = l16.astype(jnp.float32)
    l16x4 = l16 * 4
    zeros16 = jnp.zeros((16,), jnp.float32)
    obase_v = jnp.full((16,), sid * _OROWS, jnp.int32)

    pltpu.sync_copy(bh.at[pl.ds(base * 4, _SLICE * 4)], bv)
    pltpu.sync_copy(sh.at[pl.ds(base, _SLICE)], sv_)
    pltpu.sync_copy(cnth, cntv)
    cnt = jnp.max(cntv[...].astype(jnp.float32)).astype(jnp.int32)

    for j in range(_CHUNKS):
        sl = pl.ds(j * _L, _L)
        bix = j * 64 + l16x4
        x1v[sl] = plsc.load_gather(bv, [bix])
        y1v[sl] = plsc.load_gather(bv, [bix + 1])
        x2v[sl] = plsc.load_gather(bv, [bix + 2])
        y2v[sl] = plsc.load_gather(bv, [bix + 3])

    for j in range(_CHUNKS):
        iv = base + j * _L + l16
        alive[pl.ds(j * _L, _L)] = jnp.where(iv < _N, 1.0, 0.0)
    for r in range(_OROWS * _OW // _L):
        outv[pl.ds(r * _L, _L)] = zeros16

    def cond_fn(carry):
        t, kc, exh, ip1s, ip2s = carry[:5]
        pend = (ip1s < jnp.float32(_N)) | (ip2s < jnp.float32(_N))
        more = (kc < cnt) & (t <= _MAX_ROUNDS) & (exh == 0)
        return pend | more

    def round_body(carry):
        (t, kc, exh, ip1s, ip2s,
         ip1v, x11, y11, x21, y21, s1v, a1v,
         ip2v, x12, y12, x22, y22, s2v, a2v) = carry
        vw1 = ip1v < _N
        vw2 = ip2v < _N
        mv1 = jnp.full((16,), _NEG, jnp.float32)
        mi1 = jnp.full((16,), 1e9, jnp.float32)
        mv2 = jnp.full((16,), _NEG, jnp.float32)
        mi2 = jnp.full((16,), 1e9, jnp.float32)
        pr1 = zeros16
        pr2 = zeros16
        for j in range(_CHUNKS):
            sl = pl.ds(j * _L, _L)
            iv = base + j * _L + l16
            av = alive[sl]
            xv1 = x1v[sl]
            yv1 = y1v[sl]
            xv2 = x2v[sl]
            yv2 = y2v[sl]
            scv = sv_[sl]
            areav = (xv2 - xv1) * (yv2 - yv1)
            w1 = jnp.maximum(jnp.minimum(xv2, x21) - jnp.maximum(xv1, x11),
                             0.0)
            h1 = jnp.maximum(jnp.minimum(yv2, y21) - jnp.maximum(yv1, y11),
                             0.0)
            in1 = w1 * h1
            k1 = (in1 > _T * jnp.maximum(areav + a1v - in1, 1e-9)) & vw1
            w2 = jnp.maximum(jnp.minimum(xv2, x22) - jnp.maximum(xv1, x12),
                             0.0)
            h2 = jnp.maximum(jnp.minimum(yv2, y22) - jnp.maximum(yv1, y12),
                             0.0)
            in2 = w2 * h2
            k2 = (in2 > _T * jnp.maximum(areav + a2v - in2, 1e-9)) & vw2
            anew = jnp.where((iv != ip1v) & (iv != ip2v) & ~k1 & ~k2 &
                             (av > 0.5), 1.0, 0.0)
            alive[sl] = anew
            hi1 = (scv > s1v) | ((scv == s1v) & (iv < ip1v))
            pr1 = pr1 + jnp.where(hi1, 1.0, 0.0)
            hi2 = (scv > s2v) | ((scv == s2v) & (iv < ip2v))
            pr2 = pr2 + jnp.where(hi2, 1.0, 0.0)
            c = jnp.where(anew > 0.5, scv, _NEG)
            ivf = iv.astype(jnp.float32)
            g1 = c > mv1
            g2 = c > mv2
            mv2 = jnp.where(g1, mv1, jnp.where(g2, c, mv2))
            mi2 = jnp.where(g1, mi1, jnp.where(g2, ivf, mi2))
            mv1 = jnp.where(g1, c, mv1)
            mi1 = jnp.where(g1, ivf, mi1)
        m1 = jnp.max(mv1)
        i1f = jnp.min(jnp.where(mv1 == m1, mi1, jnp.float32(1e9)))
        i1b = jnp.full((16,), i1f)
        sc2l = jnp.where(mi1 == i1b, mv2, mv1)
        id2l = jnp.where(mi1 == i1b, mi2, mi1)
        m2 = jnp.max(sc2l)
        i2f = jnp.min(jnp.where(sc2l == m2, id2l, jnp.float32(1e9)))
        p1s = jnp.sum(pr1)
        p2s = jnp.sum(pr2)
        li1 = jnp.clip(jnp.full((16,), i1f.astype(jnp.int32)) - base,
                       0, _SLICE - 1)
        li2 = jnp.clip(jnp.full((16,), i2f.astype(jnp.int32)) - base,
                       0, _SLICE - 1)
        ax1 = plsc.load_gather(x1v, [li1])
        ay1 = plsc.load_gather(y1v, [li1])
        ax2 = plsc.load_gather(x2v, [li1])
        ay2 = plsc.load_gather(y2v, [li1])
        bx1 = plsc.load_gather(x1v, [li2])
        by1 = plsc.load_gather(y1v, [li2])
        bx2 = plsc.load_gather(x2v, [li2])
        by2 = plsc.load_gather(y2v, [li2])
        row = jnp.where(l16 == 0, m1,
              jnp.where(l16 == 1, i1f,
              jnp.where(l16 == 2, m2,
              jnp.where(l16 == 3, i2f,
              jnp.where(l16 == 4, p1s,
              jnp.where(l16 == 5, p2s,
              jnp.where(l16 == 6, ax1,
              jnp.where(l16 == 7, ay1,
              jnp.where(l16 == 8, ax2,
              jnp.where(l16 == 9, ay2,
              jnp.where(l16 == 10, bx1,
              jnp.where(l16 == 11, by1,
              jnp.where(l16 == 12, bx2,
              jnp.where(l16 == 13, by2, 0.0))))))))))))))
        stage[...] = row
        p = t & 1
        pltpu.sync_copy(stage, cands.at[p, sid])
        plsc.subcore_barrier()
        pltpu.sync_copy(cands.at[p], candv)
        zi = jnp.zeros((16,), jnp.int32)
        a_s = plsc.load_gather(candv, [l16, zi])
        a_i = plsc.load_gather(candv, [l16, zi + 1])
        b_s = plsc.load_gather(candv, [l16, zi + 2])
        b_i = plsc.load_gather(candv, [l16, zi + 3])
        a_p = plsc.load_gather(candv, [l16, zi + 4])
        b_p = plsc.load_gather(candv, [l16, zi + 5])
        mg1 = jnp.max(a_s)
        wl1v = plsc.all_reduce_ffs(a_s == mg1)
        iw1f = jnp.max(plsc.load_gather(candv, [wl1v, zi + 1]))
        nx11 = plsc.load_gather(candv, [wl1v, zi + 6])
        ny11 = plsc.load_gather(candv, [wl1v, zi + 7])
        nx21 = plsc.load_gather(candv, [wl1v, zi + 8])
        ny21 = plsc.load_gather(candv, [wl1v, zi + 9])
        sc2m = jnp.where(l16 == wl1v, b_s, a_s)
        ix2m = jnp.where(l16 == wl1v, b_i, a_i)
        mg2 = jnp.max(sc2m)
        wl2v = plsc.all_reduce_ffs(sc2m == mg2)
        iw2f = jnp.max(jnp.where(l16 == wl2v, ix2m, jnp.float32(-1)))
        cb = jnp.where(wl2v == wl1v, zi + 10, zi + 6)
        nx12 = plsc.load_gather(candv, [wl2v, cb])
        ny12 = plsc.load_gather(candv, [wl2v, cb + 1])
        nx22 = plsc.load_gather(candv, [wl2v, cb + 2])
        ny22 = plsc.load_gather(candv, [wl2v, cb + 3])
        rank1 = jnp.full((16,), jnp.sum(a_p).astype(jnp.int32))
        rank2 = jnp.full((16,), jnp.sum(b_p).astype(jnp.int32))
        rec1 = vw1 & (rank1 >= obase_v) & (rank1 < obase_v + _OROWS)
        rr1 = jnp.where(l16 == 0, x11,
              jnp.where(l16 == 1, y11,
              jnp.where(l16 == 2, x21,
              jnp.where(l16 == 3, y21,
              jnp.where(l16 == 4, s1v, 0.0)))))
        ri1 = jnp.where(rec1, (rank1 - obase_v) * _OW, 0) + l16
        plsc.store_scatter(outv, [ri1], rr1, mask=rec1 & (l16 < _OW))
        rec2 = vw2 & (rank2 >= obase_v) & (rank2 < obase_v + _OROWS)
        rr2 = jnp.where(l16 == 0, x12,
              jnp.where(l16 == 1, y12,
              jnp.where(l16 == 2, x22,
              jnp.where(l16 == 3, y22,
              jnp.where(l16 == 4, s2v, 0.0)))))
        ri2 = jnp.where(rec2, (rank2 - obase_v) * _OW, 0) + l16
        plsc.store_scatter(outv, [ri2], rr2, mask=rec2 & (l16 < _OW))
        acc1 = (iw1f < jnp.float32(_N)) & (kc < cnt) & (t <= _MAX_ROUNDS)
        inw = jnp.maximum(jnp.minimum(nx21, nx22) - jnp.maximum(nx11, nx12),
                          0.0)
        inh = jnp.maximum(jnp.minimum(ny21, ny22) - jnp.maximum(ny11, ny12),
                          0.0)
        in12 = inw * inh
        ar1 = (nx21 - nx11) * (ny21 - ny11)
        ar2 = (nx22 - nx12) * (ny22 - ny12)
        sepv = in12 <= _T * jnp.maximum(ar1 + ar2 - in12, 1e-9)
        sep = jnp.max(jnp.where(sepv, 1.0, 0.0)) > 0.5
        acc2 = acc1 & (iw2f < jnp.float32(_N)) & sep & (kc + 1 < cnt)
        kc_n = kc + jnp.where(acc1, 1, 0) + jnp.where(acc2, 1, 0)
        exh_n = jnp.where(iw1f < jnp.float32(_N), 0, 1)
        bigiv = jnp.full((16,), 2**30, jnp.int32)
        bigsv = jnp.full((16,), _BIGS, jnp.float32)
        ip1v_n = jnp.where(acc1, jnp.full((16,), iw1f.astype(jnp.int32)),
                           bigiv)
        s1v_n = jnp.where(acc1, jnp.full((16,), mg1), bigsv)
        a1v_n = ar1
        ip2v_n = jnp.where(acc2, jnp.full((16,), iw2f.astype(jnp.int32)),
                           bigiv)
        s2v_n = jnp.where(acc2, jnp.full((16,), mg2), bigsv)
        a2v_n = ar2
        ip1s_n = jnp.where(acc1, iw1f, jnp.float32(1e9))
        ip2s_n = jnp.where(acc2, iw2f, jnp.float32(1e9))
        return (t + 1, kc_n, exh_n, ip1s_n, ip2s_n,
                ip1v_n, nx11, ny11, nx21, ny21, s1v_n, a1v_n,
                ip2v_n, nx12, ny12, nx22, ny22, s2v_n, a2v_n)

    big = jnp.full((16,), _BIGS, jnp.float32)
    bigi = jnp.full((16,), 2**30, jnp.int32)
    carry = (jnp.int32(0), jnp.int32(0), jnp.int32(0),
             jnp.float32(1e9), jnp.float32(1e9),
             bigi, zeros16, zeros16, zeros16, zeros16, big, zeros16,
             bigi, zeros16, zeros16, zeros16, zeros16, big, zeros16)
    lax.while_loop(cond_fn, round_body, carry)

    @pl.when(sid < _LAST)
    def _():
        pltpu.sync_copy(outv,
                        outh.at[pl.ds(sid * _OROWS * _OW, _OROWS * _OW)])

    @pl.when(sid == _LAST)
    def _():
        pltpu.sync_copy(outv.at[pl.ds(0, _LASTW)],
                        outh.at[pl.ds(_LAST * _OROWS * _OW, _LASTW)])


@jax.jit
def _nms_sc(boxes, scores, counts):
    bflat = jnp.pad(boxes.reshape(-1), (0, (_PAD - _N) * 4))
    s = jnp.pad(scores, (0, _PAD - _N))
    cnt = jnp.full((16,), jnp.asarray(counts, jnp.int32))
    mesh = plsc.VectorSubcoreMesh(core_axis_name="c", subcore_axis_name="s",
                                  num_cores=1)
    f = pl.kernel(
        _sc_body,
        out_type=jax.ShapeDtypeStruct((_N * _OW,), jnp.float32),
        mesh=mesh,
        compiler_params=pltpu.CompilerParams(needs_layout_passes=False,
                                             use_tc_tiling_on_sc=False),
        scratch_types=[
            pltpu.VMEM((_SLICE * 4,), jnp.float32),
            pltpu.VMEM((_SLICE,), jnp.float32),
            pltpu.VMEM((_SLICE,), jnp.float32),
            pltpu.VMEM((_SLICE,), jnp.float32),
            pltpu.VMEM((_SLICE,), jnp.float32),
            pltpu.VMEM((_SLICE,), jnp.float32),
            pltpu.VMEM((16,), jnp.int32),
            pltpu.VMEM((_SLICE,), jnp.float32),
            pltpu.VMEM((_OROWS * _OW,), jnp.float32),
            pltpu.VMEM((16,), jnp.float32),
            pltpu.VMEM((16, 16), jnp.float32),
            pltpu.VMEM_SHARED((2, 16, 16), jnp.float32),
        ],
    )
    out = f(bflat, s, cnt)
    return out.reshape(_N, _OW)


def kernel(boxes, scores, counts):
    return _nms_sc(boxes, scores, counts)

# --- scband reference (transcript-rebuilt; emitter-appended) ---
"""Pipeline reference for scband-att-model-24678882083678 (READ-ONLY COPY).

The authoritative reference and input builder live on the scoring server;
editing this copy changes nothing except your own understanding.
"""

import jax, jax.numpy as jnp
import numpy as np

N = 5000
COUNTS = 100
T = 0.5

def setup_inputs(seed: int = 0):
    key = jax.random.key(seed)
    k1, k2, k3 = jax.random.split(key, 3)
    xy = jax.random.uniform(k1, (N, 2)) * 0.8
    wh = jax.random.uniform(k2, (N, 2)) * 0.19 + 0.01
    boxes = jnp.concatenate([xy, xy + wh], axis=1).astype(jnp.float32)
    scores = jax.random.uniform(k3, (N,)).astype(jnp.float32)
    return {"boxes": boxes, "scores": scores, "counts": COUNTS}

def pairwise_iou(b1, b2):
    # torchvision.ops.box_iou equivalent
    area1 = (b1[:, 2] - b1[:, 0]) * (b1[:, 3] - b1[:, 1])
    area2 = (b2[:, 2] - b2[:, 0]) * (b2[:, 3] - b2[:, 1])
    lt = jnp.maximum(b1[:, None, :2], b2[None, :, :2])
    rb = jnp.minimum(b1[:, None, 2:], b2[None, :, 2:])
    wh = jnp.clip(rb - lt, 0.0, None)
    inter = wh[..., 0] * wh[..., 1]
    union = area1[:, None] + area2[None, :] - inter
    return inter / jnp.maximum(union, 1e-9)

def reference(boxes, scores, counts):
    # Faithful core of AttModel.get_attention_dict -> get_top_bbox -> filter_c_wsl:
    # sort by score descending, compute full IoU matrix, greedily keep boxes that
    # are mutually compatible (IoU <= T) with all previously kept boxes, capped at
    # `counts` kept boxes.
    n = boxes.shape[0]
    order = jnp.argsort(-scores)
    b = jnp.take(boxes, order, axis=0)
    s = jnp.take(scores, order, axis=0)
    iou = pairwise_iou(b, b)
    idx = jnp.arange(n)

    def body(i, keep):
        suppress = (iou[i] > T) & keep[i] & (idx > i)
        return keep & (~suppress)

    keep = jax.lax.fori_loop(0, n, body, jnp.ones(n, dtype=bool))
    csum = jnp.cumsum(keep.astype(jnp.int32))
    keep = keep & (csum <= counts)
    km = keep.astype(b.dtype)
    # [N, 5]: masked kept boxes (sorted order) + masked kept scores
    out = jnp.concatenate([b * km[:, None], (s * km)[:, None]], axis=1)
    return out

if False:  # reference __main__ guard neutralized (emitter)
    inp = setup_inputs()
    o = reference(**inp)
    print(o.shape, float(o[:, 4].sum()))

if __name__ == "__main__":
    import jax
    _d = setup_inputs()
    print(jax.jit(kernel)(*tuple(_d.values())))

</pallas_src>

<mosaic_0001>
#map = affine_map<(d0, d1) -> (0)>
module attributes {stable_mosaic.version = 14 : i64} {
  func.func @_sc_body(%arg0: i32, %arg1: i32, %arg2: memref<20480xf32, #tpu.memory_space<hbm>>, %arg3: memref<5120xf32, #tpu.memory_space<hbm>>, %arg4: memref<16xi32, #tpu.memory_space<hbm>>, %arg5: memref<25000xf32, #tpu.memory_space<hbm>>, %arg6: memref<1280xf32, #tpu.memory_space<vmem>>, %arg7: memref<320xf32, #tpu.memory_space<vmem>>, %arg8: memref<320xf32, #tpu.memory_space<vmem>>, %arg9: memref<320xf32, #tpu.memory_space<vmem>>, %arg10: memref<320xf32, #tpu.memory_space<vmem>>, %arg11: memref<320xf32, #tpu.memory_space<vmem>>, %arg12: memref<16xi32, #tpu.memory_space<vmem>>, %arg13: memref<320xf32, #tpu.memory_space<vmem>>, %arg14: memref<1600xf32, #tpu.memory_space<vmem>>, %arg15: memref<16xf32, #tpu.memory_space<vmem>>, %arg16: memref<16x16xf32, #tpu.memory_space<vmem>>, %arg17: memref<2x16x16xf32, #tpu.memory_space<vmem_shared>>) attributes {dimension_semantics = [#tpu.dimension_semantics<core_parallel>, #tpu.dimension_semantics<subcore_parallel>], iteration_bounds = array<i64: 1, 16>, scalar_prefetch = 0 : i64, scratch_operands = 12 : i64, tpu.core_type = #tpu.core_type<sc_vector_subcore>, window_params = [{transform_indices = #map}, {transform_indices = #map}, {transform_indices = #map}, {transform_indices = #map}]} {
    %mul3A = arith.constant 320 : i32
    %mul3A_0 = arith.muli %arg1, %mul3A : i32
    %iota3A = tpu.iota {dimensions = array<i32: 0>} : vector<16xi32>
    %convert_element_type3A = arith.sitofp %iota3A : vector<16xi32> to vector<16xf32>
    %mul3A_1 = arith.constant 4 : i32
    %mul3A_2 = vector.broadcast %mul3A_1 : i32 to vector<16xi32>
    %mul3A_3 = arith.muli %iota3A, %mul3A_2 : vector<16xi32>
    %broadcast_in_dim3A = arith.constant 0.000000e+00 : f32
    %broadcast_in_dim3A_4 = vector.broadcast %broadcast_in_dim3A : f32 to vector<16xf32>
    %mul3A_5 = arith.constant 320 : i32
    %mul3A_6 = arith.muli %arg1, %mul3A_5 : i32
    %broadcast_in_dim3A_7 = vector.broadcast %mul3A_6 : i32 to vector<16xi32>
    %mul3A_8 = arith.constant 4 : i32
    %mul3A_9 = arith.muli %mul3A_0, %mul3A_8 : i32
    "tpu.region"() ({
      %run_scoped3A = tpu.sem_alloc : memref<!tpu.dma_semaphore, #tpu.memory_space<semaphore_mem>>
      %dma_start3A = tpu.memref_slice %arg2[%mul3A_9] : memref<20480xf32, #tpu.memory_space<hbm>> -> memref<1280xf32, #tpu.memory_space<hbm>>
      %dma_start3A_987 = tpu.memref_slice %arg2[%mul3A_9] : memref<20480xf32, #tpu.memory_space<hbm>> -> memref<1280xf32, #tpu.memory_space<hbm>>
      tpu.enqueue_dma source(%dma_start3A_987 : memref<1280xf32, #tpu.memory_space<hbm>>) target(%arg6 : memref<1280xf32, #tpu.memory_space<vmem>>) target_semaphore(%run_scoped3A : memref<!tpu.dma_semaphore, #tpu.memory_space<semaphore_mem>>)
      %dma_wait3A = tpu.memref_slice %arg2[%mul3A_9] : memref<20480xf32, #tpu.memory_space<hbm>> -> memref<1280xf32, #tpu.memory_space<hbm>>
      %dma_wait3A_988 = tpu.memref_slice %arg2[%mul3A_9] : memref<20480xf32, #tpu.memory_space<hbm>> -> memref<1280xf32, #tpu.memory_space<hbm>>
      tpu.wait_dma2 semaphore(%run_scoped3A : memref<!tpu.dma_semaphore, #tpu.memory_space<semaphore_mem>>) src(%dma_wait3A_988 : memref<1280xf32, #tpu.memory_space<hbm>>) dst(%arg6 : memref<1280xf32, #tpu.memory_space<vmem>>)
      tpu.yield
    }) : () -> ()
    "tpu.region"() ({
      %run_scoped3A = tpu.sem_alloc : memref<!tpu.dma_semaphore, #tpu.memory_space<semaphore_mem>>
      %dma_start3A = tpu.memref_slice %arg3[%mul3A_0] : memref<5120xf32, #tpu.memory_space<hbm>> -> memref<320xf32, #tpu.memory_space<hbm>>
      %dma_start3A_987 = tpu.memref_slice %arg3[%mul3A_0] : memref<5120xf32, #tpu.memory_space<hbm>> -> memref<320xf32, #tpu.memory_space<hbm>>
      tpu.enqueue_dma source(%dma_start3A_987 : memref<320xf32, #tpu.memory_space<hbm>>) target(%arg11 : memref<320xf32, #tpu.memory_space<vmem>>) target_semaphore(%run_scoped3A : memref<!tpu.dma_semaphore, #tpu.memory_space<semaphore_mem>>)
      %dma_wait3A = tpu.memref_slice %arg3[%mul3A_0] : memref<5120xf32, #tpu.memory_space<hbm>> -> memref<320xf32, #tpu.memory_space<hbm>>
      %dma_wait3A_988 = tpu.memref_slice %arg3[%mul3A_0] : memref<5120xf32, #tpu.memory_space<hbm>> -> memref<320xf32, #tpu.memory_space<hbm>>
      tpu.wait_dma2 semaphore(%run_scoped3A : memref<!tpu.dma_semaphore, #tpu.memory_space<semaphore_mem>>) src(%dma_wait3A_988 : memref<320xf32, #tpu.memory_space<hbm>>) dst(%arg11 : memref<320xf32, #tpu.memory_space<vmem>>)
      tpu.yield
    }) : () -> ()
    "tpu.region"() ({
      %run_scoped3A = tpu.sem_alloc : memref<!tpu.dma_semaphore, #tpu.memory_space<semaphore_mem>>
      tpu.enqueue_dma source(%arg4 : memref<16xi32, #tpu.memory_space<hbm>>) target(%arg12 : memref<16xi32, #tpu.memory_space<vmem>>) target_semaphore(%run_scoped3A : memref<!tpu.dma_semaphore, #tpu.memory_space<semaphore_mem>>)
      tpu.wait_dma2 semaphore(%run_scoped3A : memref<!tpu.dma_semaphore, #tpu.memory_space<semaphore_mem>>) src(%arg4 : memref<16xi32, #tpu.memory_space<hbm>>) dst(%arg12 : memref<16xi32, #tpu.memory_space<vmem>>)
      tpu.yield
    }) : () -> ()
    %get3A = arith.constant 0 : index
    %get3A_10 = tpu.vector_load %arg12[%get3A] {strides = array<i32>} : memref<16xi32, #tpu.memory_space<vmem>>, vector<16xi32>,
    %convert_element_type3A_11 = arith.sitofp %get3A_10 : vector<16xi32> to vector<16xf32>
    %reduce_max3A = arith.constant true
    %reduce_max3A_12 = vector.broadcast %reduce_max3A : i1 to vector<16xi1>
    %reduce_max3A_13 = tpu.scan <max>, %convert_element_type3A_11 masked %reduce_max3A_12 : vector<16xf32>, vector<16xi1> -> vector<16xf32>
    %reduce_max3A_14 = vector.extract %reduce_max3A_13[15] : f32 from vector<16xf32>
    %convert_element_type3A_15 = arith.fptosi %reduce_max3A_14 : f32 to i32
    %add3A = arith.constant 0 : i32
    %add3A_16 = vector.broadcast %add3A : i32 to vector<16xi32>
    %add3A_17 = arith.addi %add3A_16, %mul3A_3 : vector<16xi32>
    %gather3A = tpu.vector_load_idx %arg6[%add3A_17] : memref<1280xf32, #tpu.memory_space<vmem>>[vector<16xi32>], vector<16xf32>,
    %swap3A = arith.constant 0 : index
    %swap3A_18 = tpu.vector_load %arg7[%swap3A] {strides = array<i32>} : memref<320xf32, #tpu.memory_space<vmem>>, vector<16xf32>,
    tpu.vector_store %arg7[%swap3A], %gather3A {strides = array<i32>} : memref<320xf32, #tpu.memory_space<vmem>>, vector<16xf32>,
    %add3A_19 = arith.constant 1 : i32
    %add3A_20 = vector.broadcast %add3A_19 : i32 to vector<16xi32>
    %add3A_21 = arith.addi %add3A_17, %add3A_20 : vector<16xi32>
    %gather3A_22 = tpu.vector_load_idx %arg6[%add3A_21] : memref<1280xf32, #tpu.memory_space<vmem>>[vector<16xi32>], vector<16xf32>,
    %swap3A_23 = arith.constant 0 : index
    %swap3A_24 = tpu.vector_load %arg8[%swap3A_23] {strides = array<i32>} : memref<320xf32, #tpu.memory_space<vmem>>, vector<16xf32>,
    tpu.vector_store %arg8[%swap3A_23], %gather3A_22 {strides = array<i32>} : memref<320xf32, #tpu.memory_space<vmem>>, vector<16xf32>,
    %add3A_25 = arith.constant 2 : i32
    %add3A_26 = vector.broadcast %add3A_25 : i32 to vector<16xi32>
    %add3A_27 = arith.addi %add3A_17, %add3A_26 : vector<16xi32>
    %gather3A_28 = tpu.vector_load_idx %arg6[%add3A_27] : memref<1280xf32, #tpu.memory_space<vmem>>[vector<16xi32>], vector<16xf32>,
    %swap3A_29 = arith.constant 0 : index
    %swap3A_30 = tpu.vector_load %arg9[%swap3A_29] {strides = array<i32>} : memref<320xf32, #tpu.memory_space<vmem>>, vector<16xf32>,
    tpu.vector_store %arg9[%swap3A_29], %gather3A_28 {strides = array<i32>} : memref<320xf32, #tpu.memory_space<vmem>>, vector<16xf32>,
    %add3A_31 = arith.constant 3 : i32
    %add3A_32 = vector.broadcast %add3A_31 : i32 to vector<16xi32>
    %add3A_33 = arith.addi %add3A_17, %add3A_32 : vector<16xi32>
    %gather3A_34 = tpu.vector_load_idx %arg6[%add3A_33] : memref<1280xf32, #tpu.memory_space<vmem>>[vector<16xi32>], vector<16xf32>,
    %swap3A_35 = arith.constant 0 : index
    %swap3A_36 = tpu.vector_load %arg10[%swap3A_35] {strides = array<i32>} : memref<320xf32, #tpu.memory_space<vmem>>, vector<16xf32>,
    tpu.vector_store %arg10[%swap3A_35], %gather3A_34 {strides = array<i32>} : memref<320xf32, #tpu.memory_space<vmem>>, vector<16xf32>,
    %add3A_37 = arith.constant 64 : i32
    %add3A_38 = vector.broadcast %add3A_37 : i32 to vector<16xi32>
    %add3A_39 = arith.addi %add3A_38, %mul3A_3 : vector<16xi32>
    %gather3A_40 = tpu.vector_load_idx %arg6[%add3A_39] : memref<1280xf32, #tpu.memory_space<vmem>>[vector<16xi32>], vector<16xf32>,
    %swap3A_41 = arith.constant 16 : index
    %swap3A_42 = tpu.vector_load %arg7[%swap3A_41] {strides = array<i32>} : memref<320xf32, #tpu.memory_space<vmem>>, vector<16xf32>,
    tpu.vector_store %arg7[%swap3A_41], %gather3A_40 {strides = array<i32>} : memref<320xf32, #tpu.memory_space<vmem>>, vector<16xf32>,
    %add3A_43 = arith.constant 1 : i32
    %add3A_44 = vector.broadcast %add3A_43 : i32 to vector<16xi32>
    %add3A_45 = arith.addi %add3A_39, %add3A_44 : vector<16xi32>
    %gather3A_46 = tpu.vector_load_idx %arg6[%add3A_45] : memref<1280xf32, #tpu.memory_space<vmem>>[vector<16xi32>], vector<16xf32>,
    %swap3A_47 = arith.constant 16 : index
    %swap3A_48 = tpu.vector_load %arg8[%swap3A_47] {strides = array<i32>} : memref<320xf32, #tpu.memory_space<vmem>>, vector<16xf32>,
    tpu.vector_store %arg8[%swap3A_47], %gather3A_46 {strides = array<i32>} : memref<320xf32, #tpu.memory_space<vmem>>, vector<16xf32>,
    %add3A_49 = arith.constant 2 : i32
    %add3A_50 = vector.broadcast %add3A_49 : i32 to vector<16xi32>
    %add3A_51 = arith.addi %add3A_39, %add3A_50 : vector<16xi32>
    %gather3A_52 = tpu.vector_load_idx %arg6[%add3A_51] : memref<1280xf32, #tpu.memory_space<vmem>>[vector<16xi32>], vector<16xf32>,
    %swap3A_53 = arith.constant 16 : index
    %swap3A_54 = tpu.vector_load %arg9[%swap3A_53] {strides = array<i32>} : memref<320xf32, #tpu.memory_space<vmem>>, vector<16xf32>,
    tpu.vector_store %arg9[%swap3A_53], %gather3A_52 {strides = array<i32>} : memref<320xf32, #tpu.memory_space<vmem>>, vector<16xf32>,
    %add3A_55 = arith.constant 3 : i32
    %add3A_56 = vector.broadcast %add3A_55 : i32 to vector<16xi32>
    %add3A_57 = arith.addi %add3A_39, %add3A_56 : vector<16xi32>
    %gather3A_58 = tpu.vector_load_idx %arg6[%add3A_57] : memref<1280xf32, #tpu.memory_space<vmem>>[vector<16xi32>], vector<16xf32>,
    %swap3A_59 = arith.constant 16 : index
    %swap3A_60 = tpu.vector_load %arg10[%swap3A_59] {strides = array<i32>} : memref<320xf32, #tpu.memory_space<vmem>>, vector<16xf32>,
    tpu.vector_store %arg10[%swap3A_59], %gather3A_58 {strides = array<i32>} : memref<320xf32, #tpu.memory_space<vmem>>, vector<16xf32>,
    %add3A_61 = arith.constant 128 : i32
    %add3A_62 = vector.broadcast %add3A_61 : i32 to vector<16xi32>
    %add3A_63 = arith.addi %add3A_62, %mul3A_3 : vector<16xi32>
    %gather3A_64 = tpu.vector_load_idx %arg6[%add3A_63] : memref<1280xf32, #tpu.memory_space<vmem>>[vector<16xi32>], vector<16xf32>,
    %swap3A_65 = arith.constant 32 : index
    %swap3A_66 = tpu.vector_load %arg7[%swap3A_65] {strides = array<i32>} : memref<320xf32, #tpu.memory_space<vmem>>, vector<16xf32>,
    tpu.vector_store %arg7[%swap3A_65], %gather3A_64 {strides = array<i32>} : memref<320xf32, #tpu.memory_space<vmem>>, vector<16xf32>,
    %add3A_67 = arith.constant 1 : i32
    %add3A_68 = vector.broadcast %add3A_67 : i32 to vector<16xi32>
    %add3A_69 = arith.addi %add3A_63, %add3A_68 : vector<16xi32>
    %gather3A_70 = tpu.vector_load_idx %arg6[%add3A_69] : memref<1280xf32, #tpu.memory_space<vmem>>[vector<16xi32>], vector<16xf32>,
    %swap3A_71 = arith.constant 32 : index
    %swap3A_72 = tpu.vector_load %arg8[%swap3A_71] {strides = array<i32>} : memref<320xf32, #tpu.memory_space<vmem>>, vector<16xf32>,
    tpu.vector_store %arg8[%swap3A_71], %gather3A_70 {strides = array<i32>} : memref<320xf32, #tpu.memory_space<vmem>>, vector<16xf32>,
    %add3A_73 = arith.constant 2 : i32
    %add3A_74 = vector.broadcast %add3A_73 : i32 to vector<16xi32>
    %add3A_75 = arith.addi %add3A_63, %add3A_74 : vector<16xi32>
    %gather3A_76 = tpu.vector_load_idx %arg6[%add3A_75] : memref<1280xf32, #tpu.memory_space<vmem>>[vector<16xi32>], vector<16xf32>,
    %swap3A_77 = arith.constant 32 : index
    %swap3A_78 = tpu.vector_load %arg9[%swap3A_77] {strides = array<i32>} : memref<320xf32, #tpu.memory_space<vmem>>, vector<16xf32>,
    tpu.vector_store %arg9[%swap3A_77], %gather3A_76 {strides = array<i32>} : memref<320xf32, #tpu.memory_space<vmem>>, vector<16xf32>,
    %add3A_79 = arith.constant 3 : i32
    %add3A_80 = vector.broadcast %add3A_79 : i32 to vector<16xi32>
    %add3A_81 = arith.addi %add3A_63, %add3A_80 : vector<16xi32>
    %gather3A_82 = tpu.vector_load_idx %arg6[%add3A_81] : memref<1280xf32, #tpu.memory_space<vmem>>[vector<16xi32>], vector<16xf32>,
    %swap3A_83 = arith.constant 32 : index
    %swap3A_84 = tpu.vector_load %arg10[%swap3A_83] {strides = array<i32>} : memref<320xf32, #tpu.memory_space<vmem>>, vector<16xf32>,
    tpu.vector_store %arg10[%swap3A_83], %gather3A_82 {strides = array<i32>} : memref<320xf32, #tpu.memory_space<vmem>>, vector<16xf32>,
    %add3A_85 = arith.constant 192 : i32
    %add3A_86 = vector.broadcast %add3A_85 : i32 to vector<16xi32>
    %add3A_87 = arith.addi %add3A_86, %mul3A_3 : vector<16xi32>
    %gather3A_88 = tpu.vector_load_idx %arg6[%add3A_87] : memref<1280xf32, #tpu.memory_space<vmem>>[vector<16xi32>], vector<16xf32>,
    %swap3A_89 = arith.constant 48 : index
    %swap3A_90 = tpu.vector_load %arg7[%swap3A_89] {strides = array<i32>} : memref<320xf32, #tpu.memory_space<vmem>>, vector<16xf32>,
    tpu.vector_store %arg7[%swap3A_89], %gather3A_88 {strides = array<i32>} : memref<320xf32, #tpu.memory_space<vmem>>, vector<16xf32>,
    %add3A_91 = arith.constant 1 : i32
    %add3A_92 = vector.broadcast %add3A_91 : i32 to vector<16xi32>
    %add3A_93 = arith.addi %add3A_87, %add3A_92 : vector<16xi32>
    %gather3A_94 = tpu.vector_load_idx %arg6[%add3A_93] : memref<1280xf32, #tpu.memory_space<vmem>>[vector<16xi32>], vector<16xf32>,
    %swap3A_95 = arith.constant 48 : index
    %swap3A_96 = tpu.vector_load %arg8[%swap3A_95] {strides = array<i32>} : memref<320xf32, #tpu.memory_space<vmem>>, vector<16xf32>,
    tpu.vector_store %arg8[%swap3A_95], %gather3A_94 {strides = array<i32>} : memref<320xf32, #tpu.memory_space<vmem>>, vector<16xf32>,
    %add3A_97 = arith.constant 2 : i32
    %add3A_98 = vector.broadcast %add3A_97 : i32 to vector<16xi32>
    %add3A_99 = arith.addi %add3A_87, %add3A_98 : vector<16xi32>
    %gather3A_100 = tpu.vector_load_idx %arg6[%add3A_99] : memref<1280xf32, #tpu.memory_space<vmem>>[vector<16xi32>], vector<16xf32>,
    %swap3A_101 = arith.constant 48 : index
    %swap3A_102 = tpu.vector_load %arg9[%swap3A_101] {strides = array<i32>} : memref<320xf32, #tpu.memory_space<vmem>>, vector<16xf32>,
    tpu.vector_store %arg9[%swap3A_101], %gather3A_100 {strides = array<i32>} : memref<320xf32, #tpu.memory_space<vmem>>, vector<16xf32>,
    %add3A_103 = arith.constant 3 : i32
    %add3A_104 = vector.broadcast %add3A_103 : i32 to vector<16xi32>
    %add3A_105 = arith.addi %add3A_87, %add3A_104 : vector<16xi32>
    %gather3A_106 = tpu.vector_load_idx %arg6[%add3A_105] : memref<1280xf32, #tpu.memory_space<vmem>>[vector<16xi32>], vector<16xf32>,
    %swap3A_107 = arith.constant 48 : index
    %swap3A_108 = tpu.vector_load %arg10[%swap3A_107] {strides = array<i32>} : memref<320xf32, #tpu.memory_space<vmem>>, vector<16xf32>,
    tpu.vector_store %arg10[%swap3A_107], %gather3A_106 {strides = array<i32>} : memref<320xf32, #tpu.memory_space<vmem>>, vector<16xf32>,
    %add3A_109 = arith.constant 256 : i32
    %add3A_110 = vector.broadcast %add3A_109 : i32 to vector<16xi32>
    %add3A_111 = arith.addi %add3A_110, %mul3A_3 : vector<16xi32>
    %gather3A_112 = tpu.vector_load_idx %arg6[%add3A_111] : memref<1280xf32, #tpu.memory_space<vmem>>[vector<16xi32>], vector<16xf32>,
    %swap3A_113 = arith.constant 64 : index
    %swap3A_114 = tpu.vector_load %arg7[%swap3A_113] {strides = array<i32>} : memref<320xf32, #tpu.memory_space<vmem>>, vector<16xf32>,
    tpu.vector_store %arg7[%swap3A_113], %gather3A_112 {strides = array<i32>} : memref<320xf32, #tpu.memory_space<vmem>>, vector<16xf32>,
    %add3A_115 = arith.constant 1 : i32
    %add3A_116 = vector.broadcast %add3A_115 : i32 to vector<16xi32>
    %add3A_117 = arith.addi %add3A_111, %add3A_116 : vector<16xi32>
    %gather3A_118 = tpu.vector_load_idx %arg6[%add3A_117] : memref<1280xf32, #tpu.memory_space<vmem>>[vector<16xi32>], vector<16xf32>,
    %swap3A_119 = arith.constant 64 : index
    %swap3A_120 = tpu.vector_load %arg8[%swap3A_119] {strides = array<i32>} : memref<320xf32, #tpu.memory_space<vmem>>, vector<16xf32>,
    tpu.vector_store %arg8[%swap3A_119], %gather3A_118 {strides = array<i32>} : memref<320xf32, #tpu.memory_space<vmem>>, vector<16xf32>,
    %add3A_121 = arith.constant 2 : i32
    %add3A_122 = vector.broadcast %add3A_121 : i32 to vector<16xi32>
    %add3A_123 = arith.addi %add3A_111, %add3A_122 : vector<16xi32>
    %gather3A_124 = tpu.vector_load_idx %arg6[%add3A_123] : memref<1280xf32, #tpu.memory_space<vmem>>[vector<16xi32>], vector<16xf32>,
    %swap3A_125 = arith.constant 64 : index
    %swap3A_126 = tpu.vector_load %arg9[%swap3A_125] {strides = array<i32>} : memref<320xf32, #tpu.memory_space<vmem>>, vector<16xf32>,
    tpu.vector_store %arg9[%swap3A_125], %gather3A_124 {strides = array<i32>} : memref<320xf32, #tpu.memory_space<vmem>>, vector<16xf32>,
    %add3A_127 = arith.constant 3 : i32
    %add3A_128 = vector.broadcast %add3A_127 : i32 to vector<16xi32>
    %add3A_129 = arith.addi %add3A_111, %add3A_128 : vector<16xi32>
    %gather3A_130 = tpu.vector_load_idx %arg6[%add3A_129] : memref<1280xf32, #tpu.memory_space<vmem>>[vector<16xi32>], vector<16xf32>,
    %swap3A_131 = arith.constant 64 : index
    %swap3A_132 = tpu.vector_load %arg10[%swap3A_131] {strides = array<i32>} : memref<320xf32, #tpu.memory_space<vmem>>, vector<16xf32>,
    tpu.vector_store %arg10[%swap3A_131], %gather3A_130 {strides = array<i32>} : memref<320xf32, #tpu.memory_space<vmem>>, vector<16xf32>,
    %add3A_133 = arith.constant 320 : i32
    %add3A_134 = vector.broadcast %add3A_133 : i32 to vector<16xi32>
    %add3A_135 = arith.addi %add3A_134, %mul3A_3 : vector<16xi32>
    %gather3A_136 = tpu.vector_load_idx %arg6[%add3A_135] : memref<1280xf32, #tpu.memory_space<vmem>>[vector<16xi32>], vector<16xf32>,
    %swap3A_137 = arith.constant 80 : index
    %swap3A_138 = tpu.vector_load %arg7[%swap3A_137] {strides = array<i32>} : memref<320xf32, #tpu.memory_space<vmem>>, vector<16xf32>,
    tpu.vector_store %arg7[%swap3A_137], %gather3A_136 {strides = array<i32>} : memref<320xf32, #tpu.memory_space<vmem>>, vector<16xf32>,
    %add3A_139 = arith.constant 1 : i32
    %add3A_140 = vector.broadcast %add3A_139 : i32 to vector<16xi32>
    %add3A_141 = arith.addi %add3A_135, %add3A_140 : vector<16xi32>
    %gather3A_142 = tpu.vector_load_idx %arg6[%add3A_141] : memref<1280xf32, #tpu.memory_space<vmem>>[vector<16xi32>], vector<16xf32>,
    %swap3A_143 = arith.constant 80 : index
    %swap3A_144 = tpu.vector_load %arg8[%swap3A_143] {strides = array<i32>} : memref<320xf32, #tpu.memory_space<vmem>>, vector<16xf32>,
    tpu.vector_store %arg8[%swap3A_143], %gather3A_142 {strides = array<i32>} : memref<320xf32, #tpu.memory_space<vmem>>, vector<16xf32>,
    %add3A_145 = arith.constant 2 : i32
    %add3A_146 = vector.broadcast %add3A_145 : i32 to vector<16xi32>
    %add3A_147 = arith.addi %add3A_135, %add3A_146 : vector<16xi32>
    %gather3A_148 = tpu.vector_load_idx %arg6[%add3A_147] : memref<1280xf32, #tpu.memory_space<vmem>>[vector<16xi32>], vector<16xf32>,
    %swap3A_149 = arith.constant 80 : index
    %swap3A_150 = tpu.vector_load %arg9[%swap3A_149] {strides = array<i32>} : memref<320xf32, #tpu.memory_space<vmem>>, vector<16xf32>,
    tpu.vector_store %arg9[%swap3A_149], %gather3A_148 {strides = array<i32>} : memref<320xf32, #tpu.memory_space<vmem>>, vector<16xf32>,
    %add3A_151 = arith.constant 3 : i32
    %add3A_152 = vector.broadcast %add3A_151 : i32 to vector<16xi32>
    %add3A_153 = arith.addi %add3A_135, %add3A_152 : vector<16xi32>
    %gather3A_154 = tpu.vector_load_idx %arg6[%add3A_153] : memref<1280xf32, #tpu.memory_space<vmem>>[vector<16xi32>], vector<16xf32>,
    %swap3A_155 = arith.constant 80 : index
    %swap3A_156 = tpu.vector_load %arg10[%swap3A_155] {strides = array<i32>} : memref<320xf32, #tpu.memory_space<vmem>>, vector<16xf32>,
    tpu.vector_store %arg10[%swap3A_155], %gather3A_154 {strides = array<i32>} : memref<320xf32, #tpu.memory_space<vmem>>, vector<16xf32>,
    %add3A_157 = arith.constant 384 : i32
    %add3A_158 = vector.broadcast %add3A_157 : i32 to vector<16xi32>
    %add3A_159 = arith.addi %add3A_158, %mul3A_3 : vector<16xi32>
    %gather3A_160 = tpu.vector_load_idx %arg6[%add3A_159] : memref<1280xf32, #tpu.memory_space<vmem>>[vector<16xi32>], vector<16xf32>,
    %swap3A_161 = arith.constant 96 : index
    %swap3A_162 = tpu.vector_load %arg7[%swap3A_161] {strides = array<i32>} : memref<320xf32, #tpu.memory_space<vmem>>, vector<16xf32>,
    tpu.vector_store %arg7[%swap3A_161], %gather3A_160 {strides = array<i32>} : memref<320xf32, #tpu.memory_space<vmem>>, vector<16xf32>,
    %add3A_163 = arith.constant 1 : i32
    %add3A_164 = vector.broadcast %add3A_163 : i32 to vector<16xi32>
    %add3A_165 = arith.addi %add3A_159, %add3A_164 : vector<16xi32>
    %gather3A_166 = tpu.vector_load_idx %arg6[%add3A_165] : memref<1280xf32, #tpu.memory_space<vmem>>[vector<16xi32>], vector<16xf32>,
    %swap3A_167 = arith.constant 96 : index
    %swap3A_168 = tpu.vector_load %arg8[%swap3A_167] {strides = array<i32>} : memref<320xf32, #tpu.memory_space<vmem>>, vector<16xf32>,
    tpu.vector_store %arg8[%swap3A_167], %gather3A_166 {strides = array<i32>} : memref<320xf32, #tpu.memory_space<vmem>>, vector<16xf32>,
    %add3A_169 = arith.constant 2 : i32
    %add3A_170 = vector.broadcast %add3A_169 : i32 to vector<16xi32>
    %add3A_171 = arith.addi %add3A_159, %add3A_170 : vector<16xi32>
    %gather3A_172 = tpu.vector_load_idx %arg6[%add3A_171] : memref<1280xf32, #tpu.memory_space<vmem>>[vector<16xi32>], vector<16xf32>,
    %swap3A_173 = arith.constant 96 : index
    %swap3A_174 = tpu.vector_load %arg9[%swap3A_173] {strides = array<i32>} : memref<320xf32, #tpu.memory_space<vmem>>, vector<16xf32>,
    tpu.vector_store %arg9[%swap3A_173], %gather3A_172 {strides = array<i32>} : memref<320xf32, #tpu.memory_space<vmem>>, vector<16xf32>,
    %add3A_175 = arith.constant 3 : i32
    %add3A_176 = vector.broadcast %add3A_175 : i32 to vector<16xi32>
    %add3A_177 = arith.addi %add3A_159, %add3A_176 : vector<16xi32>
    %gather3A_178 = tpu.vector_load_idx %arg6[%add3A_177] : memref<1280xf32, #tpu.memory_space<vmem>>[vector<16xi32>], vector<16xf32>,
    %swap3A_179 = arith.constant 96 : index
    %swap3A_180 = tpu.vector_load %arg10[%swap3A_179] {strides = array<i32>} : memref<320xf32, #tpu.memory_space<vmem>>, vector<16xf32>,
    tpu.vector_store %arg10[%swap3A_179], %gather3A_178 {strides = array<i32>} : memref<320xf32, #tpu.memory_space<vmem>>, vector<16xf32>,
    %add3A_181 = arith.constant 448 : i32
    %add3A_182 = vector.broadcast %add3A_181 : i32 to vector<16xi32>
    %add3A_183 = arith.addi %add3A_182, %mul3A_3 : vector<16xi32>
    %gather3A_184 = tpu.vector_load_idx %arg6[%add3A_183] : memref<1280xf32, #tpu.memory_space<vmem>>[vector<16xi32>], vector<16xf32>,
    %swap3A_185 = arith.constant 112 : index
    %swap3A_186 = tpu.vector_load %arg7[%swap3A_185] {strides = array<i32>} : memref<320xf32, #tpu.memory_space<vmem>>, vector<16xf32>,
    tpu.vector_store %arg7[%swap3A_185], %gather3A_184 {strides = array<i32>} : memref<320xf32, #tpu.memory_space<vmem>>, vector<16xf32>,
    %add3A_187 = arith.constant 1 : i32
    %add3A_188 = vector.broadcast %add3A_187 : i32 to vector<16xi32>
    %add3A_189 = arith.addi %add3A_183, %add3A_188 : vector<16xi32>
    %gather3A_190 = tpu.vector_load_idx %arg6[%add3A_189] : memref<1280xf32, #tpu.memory_space<vmem>>[vector<16xi32>], vector<16xf32>,
    %swap3A_191 = arith.constant 112 : index
    %swap3A_192 = tpu.vector_load %arg8[%swap3A_191] {strides = array<i32>} : memref<320xf32, #tpu.memory_space<vmem>>, vector<16xf32>,
    tpu.vector_store %arg8[%swap3A_191], %gather3A_190 {strides = array<i32>} : memref<320xf32, #tpu.memory_space<vmem>>, vector<16xf32>,
    %add3A_193 = arith.constant 2 : i32
    %add3A_194 = vector.broadcast %add3A_193 : i32 to vector<16xi32>
    %add3A_195 = arith.addi %add3A_183, %add3A_194 : vector<16xi32>
    %gather3A_196 = tpu.vector_load_idx %arg6[%add3A_195] : memref<1280xf32, #tpu.memory_space<vmem>>[vector<16xi32>], vector<16xf32>,
    %swap3A_197 = arith.constant 112 : index
    %swap3A_198 = tpu.vector_load %arg9[%swap3A_197] {strides = array<i32>} : memref<320xf32, #tpu.memory_space<vmem>>, vector<16xf32>,
    tpu.vector_store %arg9[%swap3A_197], %gather3A_196 {strides = array<i32>} : memref<320xf32, #tpu.memory_space<vmem>>, vector<16xf32>,
    %add3A_199 = arith.constant 3 : i32
    %add3A_200 = vector.broadcast %add3A_199 : i32 to vector<16xi32>
    %add3A_201 = arith.addi %add3A_183, %add3A_200 : vector<16xi32>
    %gather3A_202 = tpu.vector_load_idx %arg6[%add3A_201] : memref<1280xf32, #tpu.memory_space<vmem>>[vector<16xi32>], vector<16xf32>,
    %swap3A_203 = arith.constant 112 : index
    %swap3A_204 = tpu.vector_load %arg10[%swap3A_203] {strides = array<i32>} : memref<320xf32, #tpu.memory_space<vmem>>, vector<16xf32>,
    tpu.vector_store %arg10[%swap3A_203], %gather3A_202 {strides = array<i32>} : memref<320xf32, #tpu.memory_space<vmem>>, vector<16xf32>,
    %add3A_205 = arith.constant 512 : i32
    %add3A_206 = vector.broadcast %add3A_205 : i32 to vector<16xi32>
    %add3A_207 = arith.addi %add3A_206, %mul3A_3 : vector<16xi32>
    %gather3A_208 = tpu.vector_load_idx %arg6[%add3A_207] : memref<1280xf32, #tpu.memory_space<vmem>>[vector<16xi32>], vector<16xf32>,
    %swap3A_209 = arith.constant 128 : index
    %swap3A_210 = tpu.vector_load %arg7[%swap3A_209] {strides = array<i32>} : memref<320xf32, #tpu.memory_space<vmem>>, vector<16xf32>,
    tpu.vector_store %arg7[%swap3A_209], %gather3A_208 {strides = array<i32>} : memref<320xf32, #tpu.memory_space<vmem>>, vector<16xf32>,
    %add3A_211 = arith.constant 1 : i32
    %add3A_212 = vector.broadcast %add3A_211 : i32 to vector<16xi32>
    %add3A_213 = arith.addi %add3A_207, %add3A_212 : vector<16xi32>
    %gather3A_214 = tpu.vector_load_idx %arg6[%add3A_213] : memref<1280xf32, #tpu.memory_space<vmem>>[vector<16xi32>], vector<16xf32>,
    %swap3A_215 = arith.constant 128 : index
    %swap3A_216 = tpu.vector_load %arg8[%swap3A_215] {strides = array<i32>} : memref<320xf32, #tpu.memory_space<vmem>>, vector<16xf32>,
    tpu.vector_store %arg8[%swap3A_215], %gather3A_214 {strides = array<i32>} : memref<320xf32, #tpu.memory_space<vmem>>, vector<16xf32>,
    %add3A_217 = arith.constant 2 : i32
    %add3A_218 = vector.broadcast %add3A_217 : i32 to vector<16xi32>
    %add3A_219 = arith.addi %add3A_207, %add3A_218 : vector<16xi32>
    %gather3A_220 = tpu.vector_load_idx %arg6[%add3A_219] : memref<1280xf32, #tpu.memory_space<vmem>>[vector<16xi32>], vector<16xf32>,
    %swap3A_221 = arith.constant 128 : index
    %swap3A_222 = tpu.vector_load %arg9[%swap3A_221] {strides = array<i32>} : memref<320xf32, #tpu.memory_space<vmem>>, vector<16xf32>,
    tpu.vector_store %arg9[%swap3A_221], %gather3A_220 {strides = array<i32>} : memref<320xf32, #tpu.memory_space<vmem>>, vector<16xf32>,
    %add3A_223 = arith.constant 3 : i32
    %add3A_224 = vector.broadcast %add3A_223 : i32 to vector<16xi32>
    %add3A_225 = arith.addi %add3A_207, %add3A_224 : vector<16xi32>
    %gather3A_226 = tpu.vector_load_idx %arg6[%add3A_225] : memref<1280xf32, #tpu.memory_space<vmem>>[vector<16xi32>], vector<16xf32>,
    %swap3A_227 = arith.constant 128 : index
    %swap3A_228 = tpu.vector_load %arg10[%swap3A_227] {strides = array<i32>} : memref<320xf32, #tpu.memory_space<vmem>>, vector<16xf32>,
    tpu.vector_store %arg10[%swap3A_227], %gather3A_226 {strides = array<i32>} : memref<320xf32, #tpu.memory_space<vmem>>, vector<16xf32>,
    %add3A_229 = arith.constant 576 : i32
    %add3A_230 = vector.broadcast %add3A_229 : i32 to vector<16xi32>
    %add3A_231 = arith.addi %add3A_230, %mul3A_3 : vector<16xi32>
    %gather3A_232 = tpu.vector_load_idx %arg6[%add3A_231] : memref<1280xf32, #tpu.memory_space<vmem>>[vector<16xi32>], vector<16xf32>,
    %swap3A_233 = arith.constant 144 : index
    %swap3A_234 = tpu.vector_load %arg7[%swap3A_233] {strides = array<i32>} : memref<320xf32, #tpu.memory_space<vmem>>, vector<16xf32>,
    tpu.vector_store %arg7[%swap3A_233], %gather3A_232 {strides = array<i32>} : memref<320xf32, #tpu.memory_space<vmem>>, vector<16xf32>,
    %add3A_235 = arith.constant 1 : i32
    %add3A_236 = vector.broadcast %add3A_235 : i32 to vector<16xi32>
    %add3A_237 = arith.addi %add3A_231, %add3A_236 : vector<16xi32>
    %gather3A_238 = tpu.vector_load_idx %arg6[%add3A_237] : memref<1280xf32, #tpu.memory_space<vmem>>[vector<16xi32>], vector<16xf32>,
    %swap3A_239 = arith.constant 144 : index
    %swap3A_240 = tpu.vector_load %arg8[%swap3A_239] {strides = array<i32>} : memref<320xf32, #tpu.memory_space<vmem>>, vector<16xf32>,
    tpu.vector_store %arg8[%swap3A_239], %gather3A_238 {strides = array<i32>} : memref<320xf32, #tpu.memory_space<vmem>>, vector<16xf32>,
    %add3A_241 = arith.constant 2 : i32
    %add3A_242 = vector.broadcast %add3A_241 : i32 to vector<16xi32>
    %add3A_243 = arith.addi %add3A_231, %add3A_242 : vector<16xi32>
    %gather3A_244 = tpu.vector_load_idx %arg6[%add3A_243] : memref<1280xf32, #tpu.memory_space<vmem>>[vector<16xi32>], vector<16xf32>,
    %swap3A_245 = arith.constant 144 : index
    %swap3A_246 = tpu.vector_load %arg9[%swap3A_245] {strides = array<i32>} : memref<320xf32, #tpu.memory_space<vmem>>, vector<16xf32>,
    tpu.vector_store %arg9[%swap3A_245], %gather3A_244 {strides = array<i32>} : memref<320xf32, #tpu.memory_space<vmem>>, vector<16xf32>,
    %add3A_247 = arith.constant 3 : i32
    %add3A_248 = vector.broadcast %add3A_247 : i32 to vector<16xi32>
    %add3A_249 = arith.addi %add3A_231, %add3A_248 : vector<16xi32>
    %gather3A_250 = tpu.vector_load_idx %arg6[%add3A_249] : memref<1280xf32, #tpu.memory_space<vmem>>[vector<16xi32>], vector<16xf32>,
    %swap3A_251 = arith.constant 144 : index
    %swap3A_252 = tpu.vector_load %arg10[%swap3A_251] {strides = array<i32>} : memref<320xf32, #tpu.memory_space<vmem>>, vector<16xf32>,
    tpu.vector_store %arg10[%swap3A_251], %gather3A_250 {strides = array<i32>} : memref<320xf32, #tpu.memory_space<vmem>>, vector<16xf32>,
    %add3A_253 = arith.constant 640 : i32
    %add3A_254 = vector.broadcast %add3A_253 : i32 to vector<16xi32>
    %add3A_255 = arith.addi %add3A_254, %mul3A_3 : vector<16xi32>
    %gather3A_256 = tpu.vector_load_idx %arg6[%add3A_255] : memref<1280xf32, #tpu.memory_space<vmem>>[vector<16xi32>], vector<16xf32>,
    %swap3A_257 = arith.constant 160 : index
    %swap3A_258 = tpu.vector_load %arg7[%swap3A_257] {strides = array<i32>} : memref<320xf32, #tpu.memory_space<vmem>>, vector<16xf32>,
    tpu.vector_store %arg7[%swap3A_257], %gather3A_256 {strides = array<i32>} : memref<320xf32, #tpu.memory_space<vmem>>, vector<16xf32>,
    %add3A_259 = arith.constant 1 : i32
    %add3A_260 = vector.broadcast %add3A_259 : i32 to vector<16xi32>
    %add3A_261 = arith.addi %add3A_255, %add3A_260 : vector<16xi32>
    %gather3A_262 = tpu.vector_load_idx %arg6[%add3A_261] : memref<1280xf32, #tpu.memory_space<vmem>>[vector<16xi32>], vector<16xf32>,
    %swap3A_263 = arith.constant 160 : index
    %swap3A_264 = tpu.vector_load %arg8[%swap3A_263] {strides = array<i32>} : memref<320xf32, #tpu.memory_space<vmem>>, vector<16xf32>,
    tpu.vector_store %arg8[%swap3A_263], %gather3A_262 {strides = array<i32>} : memref<320xf32, #tpu.memory_space<vmem>>, vector<16xf32>,
    %add3A_265 = arith.constant 2 : i32
    %add3A_266 = vector.broadcast %add3A_265 : i32 to vector<16xi32>
    %add3A_267 = arith.addi %add3A_255, %add3A_266 : vector<16xi32>
    %gather3A_268 = tpu.vector_load_idx %arg6[%add3A_267] : memref<1280xf32, #tpu.memory_space<vmem>>[vector<16xi32>], vector<16xf32>,
    %swap3A_269 = arith.constant 160 : index
    %swap3A_270 = tpu.vector_load %arg9[%swap3A_269] {strides = array<i32>} : memref<320xf32, #tpu.memory_space<vmem>>, vector<16xf32>,
    tpu.vector_store %arg9[%swap3A_269], %gather3A_268 {strides = array<i32>} : memref<320xf32, #tpu.memory_space<vmem>>, vector<16xf32>,
    %add3A_271 = arith.constant 3 : i32
    %add3A_272 = vector.broadcast %add3A_271 : i32 to vector<16xi32>
    %add3A_273 = arith.addi %add3A_255, %add3A_272 : vector<16xi32>
    %gather3A_274 = tpu.vector_load_idx %arg6[%add3A_273] : memref<1280xf32, #tpu.memory_space<vmem>>[vector<16xi32>], vector<16xf32>,
    %swap3A_275 = arith.constant 160 : index
    %swap3A_276 = tpu.vector_load %arg10[%swap3A_275] {strides = array<i32>} : memref<320xf32, #tpu.memory_space<vmem>>, vector<16xf32>,
    tpu.vector_store %arg10[%swap3A_275], %gather3A_274 {strides = array<i32>} : memref<320xf32, #tpu.memory_space<vmem>>, vector<16xf32>,
    %add3A_277 = arith.constant 704 : i32
    %add3A_278 = vector.broadcast %add3A_277 : i32 to vector<16xi32>
    %add3A_279 = arith.addi %add3A_278, %mul3A_3 : vector<16xi32>
    %gather3A_280 = tpu.vector_load_idx %arg6[%add3A_279] : memref<1280xf32, #tpu.memory_space<vmem>>[vector<16xi32>], vector<16xf32>,
    %swap3A_281 = arith.constant 176 : index
    %swap3A_282 = tpu.vector_load %arg7[%swap3A_281] {strides = array<i32>} : memref<320xf32, #tpu.memory_space<vmem>>, vector<16xf32>,
    tpu.vector_store %arg7[%swap3A_281], %gather3A_280 {strides = array<i32>} : memref<320xf32, #tpu.memory_space<vmem>>, vector<16xf32>,
    %add3A_283 = arith.constant 1 : i32
    %add3A_284 = vector.broadcast %add3A_283 : i32 to vector<16xi32>
    %add3A_285 = arith.addi %add3A_279, %add3A_284 : vector<16xi32>
    %gather3A_286 = tpu.vector_load_idx %arg6[%add3A_285] : memref<1280xf32, #tpu.memory_space<vmem>>[vector<16xi32>], vector<16xf32>,
    %swap3A_287 = arith.constant 176 : index
    %swap3A_288 = tpu.vector_load %arg8[%swap3A_287] {strides = array<i32>} : memref<320xf32, #tpu.memory_space<vmem>>, vector<16xf32>,
    tpu.vector_store %arg8[%swap3A_287], %gather3A_286 {strides = array<i32>} : memref<320xf32, #tpu.memory_space<vmem>>, vector<16xf32>,
    %add3A_289 = arith.constant 2 : i32
    %add3A_290 = vector.broadcast %add3A_289 : i32 to vector<16xi32>
    %add3A_291 = arith.addi %add3A_279, %add3A_290 : vector<16xi32>
    %gather3A_292 = tpu.vector_load_idx %arg6[%add3A_291] : memref<1280xf32, #tpu.memory_space<vmem>>[vector<16xi32>], vector<16xf32>,
    %swap3A_293 = arith.constant 176 : index
    %swap3A_294 = tpu.vector_load %arg9[%swap3A_293] {strides = array<i32>} : memref<320xf32, #tpu.memory_space<vmem>>, vector<16xf32>,
    tpu.vector_store %arg9[%swap3A_293], %gather3A_292 {strides = array<i32>} : memref<320xf32, #tpu.memory_space<vmem>>, vector<16xf32>,
    %add3A_295 = arith.constant 3 : i32
    %add3A_296 = vector.broadcast %add3A_295 : i32 to vector<16xi32>
    %add3A_297 = arith.addi %add3A_279, %add3A_296 : vector<16xi32>
    %gather3A_298 = tpu.vector_load_idx %arg6[%add3A_297] : memref<1280xf32, #tpu.memory_space<vmem>>[vector<16xi32>], vector<16xf32>,
    %swap3A_299 = arith.constant 176 : index
    %swap3A_300 = tpu.vector_load %arg10[%swap3A_299] {strides = array<i32>} : memref<320xf32, #tpu.memory_space<vmem>>, vector<16xf32>,
    tpu.vector_store %arg10[%swap3A_299], %gather3A_298 {strides = array<i32>} : memref<320xf32, #tpu.memory_space<vmem>>, vector<16xf32>,
    %add3A_301 = arith.constant 768 : i32
    %add3A_302 = vector.broadcast %add3A_301 : i32 to vector<16xi32>
    %add3A_303 = arith.addi %add3A_302, %mul3A_3 : vector<16xi32>
    %gather3A_304 = tpu.vector_load_idx %arg6[%add3A_303] : memref<1280xf32, #tpu.memory_space<vmem>>[vector<16xi32>], vector<16xf32>,
    %swap3A_305 = arith.constant 192 : index
    %swap3A_306 = tpu.vector_load %arg7[%swap3A_305] {strides = array<i32>} : memref<320xf32, #tpu.memory_space<vmem>>, vector<16xf32>,
    tpu.vector_store %arg7[%swap3A_305], %gather3A_304 {strides = array<i32>} : memref<320xf32, #tpu.memory_space<vmem>>, vector<16xf32>,
    %add3A_307 = arith.constant 1 : i32
    %add3A_308 = vector.broadcast %add3A_307 : i32 to vector<16xi32>
    %add3A_309 = arith.addi %add3A_303, %add3A_308 : vector<16xi32>
    %gather3A_310 = tpu.vector_load_idx %arg6[%add3A_309] : memref<1280xf32, #tpu.memory_space<vmem>>[vector<16xi32>], vector<16xf32>,
    %swap3A_311 = arith.constant 192 : index
    %swap3A_312 = tpu.vector_load %arg8[%swap3A_311] {strides = array<i32>} : memref<320xf32, #tpu.memory_space<vmem>>, vector<16xf32>,
    tpu.vector_store %arg8[%swap3A_311], %gather3A_310 {strides = array<i32>} : memref<320xf32, #tpu.memory_space<vmem>>, vector<16xf32>,
    %add3A_313 = arith.constant 2 : i32
    %add3A_314 = vector.broadcast %add3A_313 : i32 to vector<16xi32>
    %add3A_315 = arith.addi %add3A_303, %add3A_314 : vector<16xi32>
    %gather3A_316 = tpu.vector_load_idx %arg6[%add3A_315] : memref<1280xf32, #tpu.memory_space<vmem>>[vector<16xi32>], vector<16xf32>,
    %swap3A_317 = arith.constant 192 : index
    %swap3A_318 = tpu.vector_load %arg9[%swap3A_317] {strides = array<i32>} : memref<320xf32, #tpu.memory_space<vmem>>, vector<16xf32>,
    tpu.vector_store %arg9[%swap3A_317], %gather3A_316 {strides = array<i32>} : memref<320xf32, #tpu.memory_space<vmem>>, vector<16xf32>,
    %add3A_319 = arith.constant 3 : i32
    %add3A_320 = vector.broadcast %add3A_319 : i32 to vector<16xi32>
    %add3A_321 = arith.addi %add3A_303, %add3A_320 : vector<16xi32>
    %gather3A_322 = tpu.vector_load_idx %arg6[%add3A_321] : memref<1280xf32, #tpu.memory_space<vmem>>[vector<16xi32>], vector<16xf32>,
    %swap3A_323 = arith.constant 192 : index
    %swap3A_324 = tpu.vector_load %arg10[%swap3A_323] {strides = array<i32>} : memref<320xf32, #tpu.memory_space<vmem>>, vector<16xf32>,
    tpu.vector_store %arg10[%swap3A_323], %gather3A_322 {strides = array<i32>} : memref<320xf32, #tpu.memory_space<vmem>>, vector<16xf32>,
    %add3A_325 = arith.constant 832 : i32
    %add3A_326 = vector.broadcast %add3A_325 : i32 to vector<16xi32>
    %add3A_327 = arith.addi %add3A_326, %mul3A_3 : vector<16xi32>
    %gather3A_328 = tpu.vector_load_idx %arg6[%add3A_327] : memref<1280xf32, #tpu.memory_space<vmem>>[vector<16xi32>], vector<16xf32>,
    %swap3A_329 = arith.constant 208 : index
    %swap3A_330 = tpu.vector_load %arg7[%swap3A_329] {strides = array<i32>} : memref<320xf32, #tpu.memory_space<vmem>>, vector<16xf32>,
    tpu.vector_store %arg7[%swap3A_329], %gather3A_328 {strides = array<i32>} : memref<320xf32, #tpu.memory_space<vmem>>, vector<16xf32>,
    %add3A_331 = arith.constant 1 : i32
    %add3A_332 = vector.broadcast %add3A_331 : i32 to vector<16xi32>
    %add3A_333 = arith.addi %add3A_327, %add3A_332 : vector<16xi32>
    %gather3A_334 = tpu.vector_load_idx %arg6[%add3A_333] : memref<1280xf32, #tpu.memory_space<vmem>>[vector<16xi32>], vector<16xf32>,
    %swap3A_335 = arith.constant 208 : index
    %swap3A_336 = tpu.vector_load %arg8[%swap3A_335] {strides = array<i32>} : memref<320xf32, #tpu.memory_space<vmem>>, vector<16xf32>,
    tpu.vector_store %arg8[%swap3A_335], %gather3A_334 {strides = array<i32>} : memref<320xf32, #tpu.memory_space<vmem>>, vector<16xf32>,
    %add3A_337 = arith.constant 2 : i32
    %add3A_338 = vector.broadcast %add3A_337 : i32 to vector<16xi32>
    %add3A_339 = arith.addi %add3A_327, %add3A_338 : vector<16xi32>
    %gather3A_340 = tpu.vector_load_idx %arg6[%add3A_339] : memref<1280xf32, #tpu.memory_space<vmem>>[vector<16xi32>], vector<16xf32>,
    %swap3A_341 = arith.constant 208 : index
    %swap3A_342 = tpu.vector_load %arg9[%swap3A_341] {strides = array<i32>} : memref<320xf32, #tpu.memory_space<vmem>>, vector<16xf32>,
    tpu.vector_store %arg9[%swap3A_341], %gather3A_340 {strides = array<i32>} : memref<320xf32, #tpu.memory_space<vmem>>, vector<16xf32>,
    %add3A_343 = arith.constant 3 : i32
    %add3A_344 = vector.broadcast %add3A_343 : i32 to vector<16xi32>
    %add3A_345 = arith.addi %add3A_327, %add3A_344 : vector<16xi32>
    %gather3A_346 = tpu.vector_load_idx %arg6[%add3A_345] : memref<1280xf32, #tpu.memory_space<vmem>>[vector<16xi32>], vector<16xf32>,
    %swap3A_347 = arith.constant 208 : index
    %swap3A_348 = tpu.vector_load %arg10[%swap3A_347] {strides = array<i32>} : memref<320xf32, #tpu.memory_space<vmem>>, vector<16xf32>,
    tpu.vector_store %arg10[%swap3A_347], %gather3A_346 {strides = array<i32>} : memref<320xf32, #tpu.memory_space<vmem>>, vector<16xf32>,
    %add3A_349 = arith.constant 896 : i32
    %add3A_350 = vector.broadcast %add3A_349 : i32 to vector<16xi32>
    %add3A_351 = arith.addi %add3A_350, %mul3A_3 : vector<16xi32>
    %gather3A_352 = tpu.vector_load_idx %arg6[%add3A_351] : memref<1280xf32, #tpu.memory_space<vmem>>[vector<16xi32>], vector<16xf32>,
    %swap3A_353 = arith.constant 224 : index
    %swap3A_354 = tpu.vector_load %arg7[%swap3A_353] {strides = array<i32>} : memref<320xf32, #tpu.memory_space<vmem>>, vector<16xf32>,
    tpu.vector_store %arg7[%swap3A_353], %gather3A_352 {strides = array<i32>} : memref<320xf32, #tpu.memory_space<vmem>>, vector<16xf32>,
    %add3A_355 = arith.constant 1 : i32
    %add3A_356 = vector.broadcast %add3A_355 : i32 to vector<16xi32>
    %add3A_357 = arith.addi %add3A_351, %add3A_356 : vector<16xi32>
    %gather3A_358 = tpu.vector_load_idx %arg6[%add3A_357] : memref<1280xf32, #tpu.memory_space<vmem>>[vector<16xi32>], vector<16xf32>,
    %swap3A_359 = arith.constant 224 : index
    %swap3A_360 = tpu.vector_load %arg8[%swap3A_359] {strides = array<i32>} : memref<320xf32, #tpu.memory_space<vmem>>, vector<16xf32>,
    tpu.vector_store %arg8[%swap3A_359], %gather3A_358 {strides = array<i32>} : memref<320xf32, #tpu.memory_space<vmem>>, vector<16xf32>,
    %add3A_361 = arith.constant 2 : i32
    %add3A_362 = vector.broadcast %add3A_361 : i32 to vector<16xi32>
    %add3A_363 = arith.addi %add3A_351, %add3A_362 : vector<16xi32>
    %gather3A_364 = tpu.vector_load_idx %arg6[%add3A_363] : memref<1280xf32, #tpu.memory_space<vmem>>[vector<16xi32>], vector<16xf32>,
    %swap3A_365 = arith.constant 224 : index
    %swap3A_366 = tpu.vector_load %arg9[%swap3A_365] {strides = array<i32>} : memref<320xf32, #tpu.memory_space<vmem>>, vector<16xf32>,
    tpu.vector_store %arg9[%swap3A_365], %gather3A_364 {strides = array<i32>} : memref<320xf32, #tpu.memory_space<vmem>>, vector<16xf32>,
    %add3A_367 = arith.constant 3 : i32
    %add3A_368 = vector.broadcast %add3A_367 : i32 to vector<16xi32>
    %add3A_369 = arith.addi %add3A_351, %add3A_368 : vector<16xi32>
    %gather3A_370 = tpu.vector_load_idx %arg6[%add3A_369] : memref<1280xf32, #tpu.memory_space<vmem>>[vector<16xi32>], vector<16xf32>,
    %swap3A_371 = arith.constant 224 : index
    %swap3A_372 = tpu.vector_load %arg10[%swap3A_371] {strides = array<i32>} : memref<320xf32, #tpu.memory_space<vmem>>, vector<16xf32>,
    tpu.vector_store %arg10[%swap3A_371], %gather3A_370 {strides = array<i32>} : memref<320xf32, #tpu.memory_space<vmem>>, vector<16xf32>,
    %add3A_373 = arith.constant 960 : i32
    %add3A_374 = vector.broadcast %add3A_373 : i32 to vector<16xi32>
    %add3A_375 = arith.addi %add3A_374, %mul3A_3 : vector<16xi32>
    %gather3A_376 = tpu.vector_load_idx %arg6[%add3A_375] : memref<1280xf32, #tpu.memory_space<vmem>>[vector<16xi32>], vector<16xf32>,
    %swap3A_377 = arith.constant 240 : index
    %swap3A_378 = tpu.vector_load %arg7[%swap3A_377] {strides = array<i32>} : memref<320xf32, #tpu.memory_space<vmem>>, vector<16xf32>,
    tpu.vector_store %arg7[%swap3A_377], %gather3A_376 {strides = array<i32>} : memref<320xf32, #tpu.memory_space<vmem>>, vector<16xf32>,
    %add3A_379 = arith.constant 1 : i32
    %add3A_380 = vector.broadcast %add3A_379 : i32 to vector<16xi32>
    %add3A_381 = arith.addi %add3A_375, %add3A_380 : vector<16xi32>
    %gather3A_382 = tpu.vector_load_idx %arg6[%add3A_381] : memref<1280xf32, #tpu.memory_space<vmem>>[vector<16xi32>], vector<16xf32>,
    %swap3A_383 = arith.constant 240 : index
    %swap3A_384 = tpu.vector_load %arg8[%swap3A_383] {strides = array<i32>} : memref<320xf32, #tpu.memory_space<vmem>>, vector<16xf32>,
    tpu.vector_store %arg8[%swap3A_383], %gather3A_382 {strides = array<i32>} : memref<320xf32, #tpu.memory_space<vmem>>, vector<16xf32>,
    %add3A_385 = arith.constant 2 : i32
    %add3A_386 = vector.broadcast %add3A_385 : i32 to vector<16xi32>
    %add3A_387 = arith.addi %add3A_375, %add3A_386 : vector<16xi32>
    %gather3A_388 = tpu.vector_load_idx %arg6[%add3A_387] : memref<1280xf32, #tpu.memory_space<vmem>>[vector<16xi32>], vector<16xf32>,
    %swap3A_389 = arith.constant 240 : index
    %swap3A_390 = tpu.vector_load %arg9[%swap3A_389] {strides = array<i32>} : memref<320xf32, #tpu.memory_space<vmem>>, vector<16xf32>,
    tpu.vector_store %arg9[%swap3A_389], %gather3A_388 {strides = array<i32>} : memref<320xf32, #tpu.memory_space<vmem>>, vector<16xf32>,
    %add3A_391 = arith.constant 3 : i32
    %add3A_392 = vector.broadcast %add3A_391 : i32 to vector<16xi32>
    %add3A_393 = arith.addi %add3A_375, %add3A_392 : vector<16xi32>
    %gather3A_394 = tpu.vector_load_idx %arg6[%add3A_393] : memref<1280xf32, #tpu.memory_space<vmem>>[vector<16xi32>], vector<16xf32>,
    %swap3A_395 = arith.constant 240 : index
    %swap3A_396 = tpu.vector_load %arg10[%swap3A_395] {strides = array<i32>} : memref<320xf32, #tpu.memory_space<vmem>>, vector<16xf32>,
    tpu.vector_store %arg10[%swap3A_395], %gather3A_394 {strides = array<i32>} : memref<320xf32, #tpu.memory_space<vmem>>, vector<16xf32>,
    %add3A_397 = arith.constant 1024 : i32
    %add3A_398 = vector.broadcast %add3A_397 : i32 to vector<16xi32>
    %add3A_399 = arith.addi %add3A_398, %mul3A_3 : vector<16xi32>
    %gather3A_400 = tpu.vector_load_idx %arg6[%add3A_399] : memref<1280xf32, #tpu.memory_space<vmem>>[vector<16xi32>], vector<16xf32>,
    %swap3A_401 = arith.constant 256 : index
    %swap3A_402 = tpu.vector_load %arg7[%swap3A_401] {strides = array<i32>} : memref<320xf32, #tpu.memory_space<vmem>>, vector<16xf32>,
    tpu.vector_store %arg7[%swap3A_401], %gather3A_400 {strides = array<i32>} : memref<320xf32, #tpu.memory_space<vmem>>, vector<16xf32>,
    %add3A_403 = arith.constant 1 : i32
    %add3A_404 = vector.broadcast %add3A_403 : i32 to vector<16xi32>
    %add3A_405 = arith.addi %add3A_399, %add3A_404 : vector<16xi32>
    %gather3A_406 = tpu.vector_load_idx %arg6[%add3A_405] : memref<1280xf32, #tpu.memory_space<vmem>>[vector<16xi32>], vector<16xf32>,
    %swap3A_407 = arith.constant 256 : index
    %swap3A_408 = tpu.vector_load %arg8[%swap3A_407] {strides = array<i32>} : memref<320xf32, #tpu.memory_space<vmem>>, vector<16xf32>,
    tpu.vector_store %arg8[%swap3A_407], %gather3A_406 {strides = array<i32>} : memref<320xf32, #tpu.memory_space<vmem>>, vector<16xf32>,
    %add3A_409 = arith.constant 2 : i32
    %add3A_410 = vector.broadcast %add3A_409 : i32 to vector<16xi32>
    %add3A_411 = arith.addi %add3A_399, %add3A_410 : vector<16xi32>
    %gather3A_412 = tpu.vector_load_idx %arg6[%add3A_411] : memref<1280xf32, #tpu.memory_space<vmem>>[vector<16xi32>], vector<16xf32>,
    %swap3A_413 = arith.constant 256 : index
    %swap3A_414 = tpu.vector_load %arg9[%swap3A_413] {strides = array<i32>} : memref<320xf32, #tpu.memory_space<vmem>>, vector<16xf32>,
    tpu.vector_store %arg9[%swap3A_413], %gather3A_412 {strides = array<i32>} : memref<320xf32, #tpu.memory_space<vmem>>, vector<16xf32>,
    %add3A_415 = arith.constant 3 : i32
    %add3A_416 = vector.broadcast %add3A_415 : i32 to vector<16xi32>
    %add3A_417 = arith.addi %add3A_399, %add3A_416 : vector<16xi32>
    %gather3A_418 = tpu.vector_load_idx %arg6[%add3A_417] : memref<1280xf32, #tpu.memory_space<vmem>>[vector<16xi32>], vector<16xf32>,
    %swap3A_419 = arith.constant 256 : index
    %swap3A_420 = tpu.vector_load %arg10[%swap3A_419] {strides = array<i32>} : memref<320xf32, #tpu.memory_space<vmem>>, vector<16xf32>,
    tpu.vector_store %arg10[%swap3A_419], %gather3A_418 {strides = array<i32>} : memref<320xf32, #tpu.memory_space<vmem>>, vector<16xf32>,
    %add3A_421 = arith.constant 1088 : i32
    %add3A_422 = vector.broadcast %add3A_421 : i32 to vector<16xi32>
    %add3A_423 = arith.addi %add3A_422, %mul3A_3 : vector<16xi32>
    %gather3A_424 = tpu.vector_load_idx %arg6[%add3A_423] : memref<1280xf32, #tpu.memory_space<vmem>>[vector<16xi32>], vector<16xf32>,
    %swap3A_425 = arith.constant 272 : index
    %swap3A_426 = tpu.vector_load %arg7[%swap3A_425] {strides = array<i32>} : memref<320xf32, #tpu.memory_space<vmem>>, vector<16xf32>,
    tpu.vector_store %arg7[%swap3A_425], %gather3A_424 {strides = array<i32>} : memref<320xf32, #tpu.memory_space<vmem>>, vector<16xf32>,
    %add3A_427 = arith.constant 1 : i32
    %add3A_428 = vector.broadcast %add3A_427 : i32 to vector<16xi32>
    %add3A_429 = arith.addi %add3A_423, %add3A_428 : vector<16xi32>
    %gather3A_430 = tpu.vector_load_idx %arg6[%add3A_429] : memref<1280xf32, #tpu.memory_space<vmem>>[vector<16xi32>], vector<16xf32>,
    %swap3A_431 = arith.constant 272 : index
    %swap3A_432 = tpu.vector_load %arg8[%swap3A_431] {strides = array<i32>} : memref<320xf32, #tpu.memory_space<vmem>>, vector<16xf32>,
    tpu.vector_store %arg8[%swap3A_431], %gather3A_430 {strides = array<i32>} : memref<320xf32, #tpu.memory_space<vmem>>, vector<16xf32>,
    %add3A_433 = arith.constant 2 : i32
    %add3A_434 = vector.broadcast %add3A_433 : i32 to vector<16xi32>
    %add3A_435 = arith.addi %add3A_423, %add3A_434 : vector<16xi32>
    %gather3A_436 = tpu.vector_load_idx %arg6[%add3A_435] : memref<1280xf32, #tpu.memory_space<vmem>>[vector<16xi32>], vector<16xf32>,
    %swap3A_437 = arith.constant 272 : index
    %swap3A_438 = tpu.vector_load %arg9[%swap3A_437] {strides = array<i32>} : memref<320xf32, #tpu.memory_space<vmem>>, vector<16xf32>,
    tpu.vector_store %arg9[%swap3A_437], %gather3A_436 {strides = array<i32>} : memref<320xf32, #tpu.memory_space<vmem>>, vector<16xf32>,
    %add3A_439 = arith.constant 3 : i32
    %add3A_440 = vector.broadcast %add3A_439 : i32 to vector<16xi32>
    %add3A_441 = arith.addi %add3A_423, %add3A_440 : vector<16xi32>
    %gather3A_442 = tpu.vector_load_idx %arg6[%add3A_441] : memref<1280xf32, #tpu.memory_space<vmem>>[vector<16xi32>], vector<16xf32>,
    %swap3A_443 = arith.constant 272 : index
    %swap3A_444 = tpu.vector_load %arg10[%swap3A_443] {strides = array<i32>} : memref<320xf32, #tpu.memory_space<vmem>>, vector<16xf32>,
    tpu.vector_store %arg10[%swap3A_443], %gather3A_442 {strides = array<i32>} : memref<320xf32, #tpu.memory_space<vmem>>, vector<16xf32>,
    %add3A_445 = arith.constant 1152 : i32
    %add3A_446 = vector.broadcast %add3A_445 : i32 to vector<16xi32>
    %add3A_447 = arith.addi %add3A_446, %mul3A_3 : vector<16xi32>
    %gather3A_448 = tpu.vector_load_idx %arg6[%add3A_447] : memref<1280xf32, #tpu.memory_space<vmem>>[vector<16xi32>], vector<16xf32>,
    %swap3A_449 = arith.constant 288 : index
    %swap3A_450 = tpu.vector_load %arg7[%swap3A_449] {strides = array<i32>} : memref<320xf32, #tpu.memory_space<vmem>>, vector<16xf32>,
    tpu.vector_store %arg7[%swap3A_449], %gather3A_448 {strides = array<i32>} : memref<320xf32, #tpu.memory_space<vmem>>, vector<16xf32>,
    %add3A_451 = arith.constant 1 : i32
    %add3A_452 = vector.broadcast %add3A_451 : i32 to vector<16xi32>
    %add3A_453 = arith.addi %add3A_447, %add3A_452 : vector<16xi32>
    %gather3A_454 = tpu.vector_load_idx %arg6[%add3A_453] : memref<1280xf32, #tpu.memory_space<vmem>>[vector<16xi32>], vector<16xf32>,
    %swap3A_455 = arith.constant 288 : index
    %swap3A_456 = tpu.vector_load %arg8[%swap3A_455] {strides = array<i32>} : memref<320xf32, #tpu.memory_space<vmem>>, vector<16xf32>,
    tpu.vector_store %arg8[%swap3A_455], %gather3A_454 {strides = array<i32>} : memref<320xf32, #tpu.memory_space<vmem>>, vector<16xf32>,
    %add3A_457 = arith.constant 2 : i32
    %add3A_458 = vector.broadcast %add3A_457 : i32 to vector<16xi32>
    %add3A_459 = arith.addi %add3A_447, %add3A_458 : vector<16xi32>
    %gather3A_460 = tpu.vector_load_idx %arg6[%add3A_459] : memref<1280xf32, #tpu.memory_space<vmem>>[vector<16xi32>], vector<16xf32>,
    %swap3A_461 = arith.constant 288 : index
    %swap3A_462 = tpu.vector_load %arg9[%swap3A_461] {strides = array<i32>} : memref<320xf32, #tpu.memory_space<vmem>>, vector<16xf32>,
    tpu.vector_store %arg9[%swap3A_461], %gather3A_460 {strides = array<i32>} : memref<320xf32, #tpu.memory_space<vmem>>, vector<16xf32>,
    %add3A_463 = arith.constant 3 : i32
    %add3A_464 = vector.broadcast %add3A_463 : i32 to vector<16xi32>
    %add3A_465 = arith.addi %add3A_447, %add3A_464 : vector<16xi32>
    %gather3A_466 = tpu.vector_load_idx %arg6[%add3A_465] : memref<1280xf32, #tpu.memory_space<vmem>>[vector<16xi32>], vector<16xf32>,
    %swap3A_467 = arith.constant 288 : index
    %swap3A_468 = tpu.vector_load %arg10[%swap3A_467] {strides = array<i32>} : memref<320xf32, #tpu.memory_space<vmem>>, vector<16xf32>,
    tpu.vector_store %arg10[%swap3A_467], %gather3A_466 {strides = array<i32>} : memref<320xf32, #tpu.memory_space<vmem>>, vector<16xf32>,
    %add3A_469 = arith.constant 1216 : i32
    %add3A_470 = vector.broadcast %add3A_469 : i32 to vector<16xi32>
    %add3A_471 = arith.addi %add3A_470, %mul3A_3 : vector<16xi32>
    %gather3A_472 = tpu.vector_load_idx %arg6[%add3A_471] : memref<1280xf32, #tpu.memory_space<vmem>>[vector<16xi32>], vector<16xf32>,
    %swap3A_473 = arith.constant 304 : index
    %swap3A_474 = tpu.vector_load %arg7[%swap3A_473] {strides = array<i32>} : memref<320xf32, #tpu.memory_space<vmem>>, vector<16xf32>,
    tpu.vector_store %arg7[%swap3A_473], %gather3A_472 {strides = array<i32>} : memref<320xf32, #tpu.memory_space<vmem>>, vector<16xf32>,
    %add3A_475 = arith.constant 1 : i32
    %add3A_476 = vector.broadcast %add3A_475 : i32 to vector<16xi32>
    %add3A_477 = arith.addi %add3A_471, %add3A_476 : vector<16xi32>
    %gather3A_478 = tpu.vector_load_idx %arg6[%add3A_477] : memref<1280xf32, #tpu.memory_space<vmem>>[vector<16xi32>], vector<16xf32>,
    %swap3A_479 = arith.constant 304 : index
    %swap3A_480 = tpu.vector_load %arg8[%swap3A_479] {strides = array<i32>} : memref<320xf32, #tpu.memory_space<vmem>>, vector<16xf32>,
    tpu.vector_store %arg8[%swap3A_479], %gather3A_478 {strides = array<i32>} : memref<320xf32, #tpu.memory_space<vmem>>, vector<16xf32>,
    %add3A_481 = arith.constant 2 : i32
    %add3A_482 = vector.broadcast %add3A_481 : i32 to vector<16xi32>
    %add3A_483 = arith.addi %add3A_471, %add3A_482 : vector<16xi32>
    %gather3A_484 = tpu.vector_load_idx %arg6[%add3A_483] : memref<1280xf32, #tpu.memory_space<vmem>>[vector<16xi32>], vector<16xf32>,
    %swap3A_485 = arith.constant 304 : index
    %swap3A_486 = tpu.vector_load %arg9[%swap3A_485] {strides = array<i32>} : memref<320xf32, #tpu.memory_space<vmem>>, vector<16xf32>,
    tpu.vector_store %arg9[%swap3A_485], %gather3A_484 {strides = array<i32>} : memref<320xf32, #tpu.memory_space<vmem>>, vector<16xf32>,
    %add3A_487 = arith.constant 3 : i32
    %add3A_488 = vector.broadcast %add3A_487 : i32 to vector<16xi32>
    %add3A_489 = arith.addi %add3A_471, %add3A_488 : vector<16xi32>
    %gather3A_490 = tpu.vector_load_idx %arg6[%add3A_489] : memref<1280xf32, #tpu.memory_space<vmem>>[vector<16xi32>], vector<16xf32>,
    %swap3A_491 = arith.constant 304 : index
    %swap3A_492 = tpu.vector_load %arg10[%swap3A_491] {strides = array<i32>} : memref<320xf32, #tpu.memory_space<vmem>>, vector<16xf32>,
    tpu.vector_store %arg10[%swap3A_491], %gather3A_490 {strides = array<i32>} : memref<320xf32, #tpu.memory_space<vmem>>, vector<16xf32>,
    %add3A_493 = arith.constant 0 : i32
    %add3A_494 = arith.addi %mul3A_0, %add3A_493 : i32
    %add3A_495 = vector.broadcast %add3A_494 : i32 to vector<16xi32>
    %add3A_496 = arith.addi %add3A_495, %iota3A : vector<16xi32>
    %lt3A = arith.constant 5000 : i32
    %lt3A_497 = vector.broadcast %lt3A : i32 to vector<16xi32>
    %lt3A_498 = arith.cmpi slt, %add3A_496, %lt3A_497 : vector<16xi32>
    %jit3A = arith.constant 1.000000e+00 : f32
    %jit3A_499 = arith.constant 0.000000e+00 : f32
    %broadcast_in_dim3A_500 = vector.broadcast %jit3A : f32 to vector<16xf32>
    %broadcast_in_dim3A_501 = vector.broadcast %jit3A_499 : f32 to vector<16xf32>
    %select_n3A = arith.select %lt3A_498, %broadcast_in_dim3A_500, %broadcast_in_dim3A_501 : vector<16xi1>, vector<16xf32>
    %swap3A_502 = arith.constant 0 : index
    %swap3A_503 = tpu.vector_load %arg13[%swap3A_502] {strides = array<i32>} : memref<320xf32, #tpu.memory_space<vmem>>, vector<16xf32>,
    tpu.vector_store %arg13[%swap3A_502], %select_n3A {strides = array<i32>} : memref<320xf32, #tpu.memory_space<vmem>>, vector<16xf32>,
    %add3A_504 = arith.constant 16 : i32
    %add3A_505 = arith.addi %mul3A_0, %add3A_504 : i32
    %add3A_506 = vector.broadcast %add3A_505 : i32 to vector<16xi32>
    %add3A_507 = arith.addi %add3A_506, %iota3A : vector<16xi32>
    %lt3A_508 = arith.constant 5000 : i32
    %lt3A_509 = vector.broadcast %lt3A_508 : i32 to vector<16xi32>
    %lt3A_510 = arith.cmpi slt, %add3A_507, %lt3A_509 : vector<16xi32>
    %jit3A_511 = arith.constant 1.000000e+00 : f32
    %jit3A_512 = arith.constant 0.000000e+00 : f32
    %broadcast_in_dim3A_513 = vector.broadcast %jit3A_511 : f32 to vector<16xf32>
    %broadcast_in_dim3A_514 = vector.broadcast %jit3A_512 : f32 to vector<16xf32>
    %select_n3A_515 = arith.select %lt3A_510, %broadcast_in_dim3A_513, %broadcast_in_dim3A_514 : vector<16xi1>, vector<16xf32>
    %swap3A_516 = arith.constant 16 : index
    %swap3A_517 = tpu.vector_load %arg13[%swap3A_516] {strides = array<i32>} : memref<320xf32, #tpu.memory_space<vmem>>, vector<16xf32>,
    tpu.vector_store %arg13[%swap3A_516], %select_n3A_515 {strides = array<i32>} : memref<320xf32, #tpu.memory_space<vmem>>, vector<16xf32>,
    %add3A_518 = arith.constant 32 : i32
    %add3A_519 = arith.addi %mul3A_0, %add3A_518 : i32
    %add3A_520 = vector.broadcast %add3A_519 : i32 to vector<16xi32>
    %add3A_521 = arith.addi %add3A_520, %iota3A : vector<16xi32>
    %lt3A_522 = arith.constant 5000 : i32
    %lt3A_523 = vector.broadcast %lt3A_522 : i32 to vector<16xi32>
    %lt3A_524 = arith.cmpi slt, %add3A_521, %lt3A_523 : vector<16xi32>
    %jit3A_525 = arith.constant 1.000000e+00 : f32
    %jit3A_526 = arith.constant 0.000000e+00 : f32
    %broadcast_in_dim3A_527 = vector.broadcast %jit3A_525 : f32 to vector<16xf32>
    %broadcast_in_dim3A_528 = vector.broadcast %jit3A_526 : f32 to vector<16xf32>
    %select_n3A_529 = arith.select %lt3A_524, %broadcast_in_dim3A_527, %broadcast_in_dim3A_528 : vector<16xi1>, vector<16xf32>
    %swap3A_530 = arith.constant 32 : index
    %swap3A_531 = tpu.vector_load %arg13[%swap3A_530] {strides = array<i32>} : memref<320xf32, #tpu.memory_space<vmem>>, vector<16xf32>,
    tpu.vector_store %arg13[%swap3A_530], %select_n3A_529 {strides = array<i32>} : memref<320xf32, #tpu.memory_space<vmem>>, vector<16xf32>,
    %add3A_532 = arith.constant 48 : i32
    %add3A_533 = arith.addi %mul3A_0, %add3A_532 : i32
    %add3A_534 = vector.broadcast %add3A_533 : i32 to vector<16xi32>
    %add3A_535 = arith.addi %add3A_534, %iota3A : vector<16xi32>
    %lt3A_536 = arith.constant 5000 : i32
    %lt3A_537 = vector.broadcast %lt3A_536 : i32 to vector<16xi32>
    %lt3A_538 = arith.cmpi slt, %add3A_535, %lt3A_537 : vector<16xi32>
    %jit3A_539 = arith.constant 1.000000e+00 : f32
    %jit3A_540 = arith.constant 0.000000e+00 : f32
    %broadcast_in_dim3A_541 = vector.broadcast %jit3A_539 : f32 to vector<16xf32>
    %broadcast_in_dim3A_542 = vector.broadcast %jit3A_540 : f32 to vector<16xf32>
    %select_n3A_543 = arith.select %lt3A_538, %broadcast_in_dim3A_541, %broadcast_in_dim3A_542 : vector<16xi1>, vector<16xf32>
    %swap3A_544 = arith.constant 48 : index
    %swap3A_545 = tpu.vector_load %arg13[%swap3A_544] {strides = array<i32>} : memref<320xf32, #tpu.memory_space<vmem>>, vector<16xf32>,
    tpu.vector_store %arg13[%swap3A_544], %select_n3A_543 {strides = array<i32>} : memref<320xf32, #tpu.memory_space<vmem>>, vector<16xf32>,
    %add3A_546 = arith.constant 64 : i32
    %add3A_547 = arith.addi %mul3A_0, %add3A_546 : i32
    %add3A_548 = vector.broadcast %add3A_547 : i32 to vector<16xi32>
    %add3A_549 = arith.addi %add3A_548, %iota3A : vector<16xi32>
    %lt3A_550 = arith.constant 5000 : i32
    %lt3A_551 = vector.broadcast %lt3A_550 : i32 to vector<16xi32>
    %lt3A_552 = arith.cmpi slt, %add3A_549, %lt3A_551 : vector<16xi32>
    %jit3A_553 = arith.constant 1.000000e+00 : f32
    %jit3A_554 = arith.constant 0.000000e+00 : f32
    %broadcast_in_dim3A_555 = vector.broadcast %jit3A_553 : f32 to vector<16xf32>
    %broadcast_in_dim3A_556 = vector.broadcast %jit3A_554 : f32 to vector<16xf32>
    %select_n3A_557 = arith.select %lt3A_552, %broadcast_in_dim3A_555, %broadcast_in_dim3A_556 : vector<16xi1>, vector<16xf32>
    %swap3A_558 = arith.constant 64 : index
    %swap3A_559 = tpu.vector_load %arg13[%swap3A_558] {strides = array<i32>} : memref<320xf32, #tpu.memory_space<vmem>>, vector<16xf32>,
    tpu.vector_store %arg13[%swap3A_558], %select_n3A_557 {strides = array<i32>} : memref<320xf32, #tpu.memory_space<vmem>>, vector<16xf32>,
    %add3A_560 = arith.constant 80 : i32
    %add3A_561 = arith.addi %mul3A_0, %add3A_560 : i32
    %add3A_562 = vector.broadcast %add3A_561 : i32 to vector<16xi32>
    %add3A_563 = arith.addi %add3A_562, %iota3A : vector<16xi32>
    %lt3A_564 = arith.constant 5000 : i32
    %lt3A_565 = vector.broadcast %lt3A_564 : i32 to vector<16xi32>
    %lt3A_566 = arith.cmpi slt, %add3A_563, %lt3A_565 : vector<16xi32>
    %jit3A_567 = arith.constant 1.000000e+00 : f32
    %jit3A_568 = arith.constant 0.000000e+00 : f32
    %broadcast_in_dim3A_569 = vector.broadcast %jit3A_567 : f32 to vector<16xf32>
    %broadcast_in_dim3A_570 = vector.broadcast %jit3A_568 : f32 to vector<16xf32>
    %select_n3A_571 = arith.select %lt3A_566, %broadcast_in_dim3A_569, %broadcast_in_dim3A_570 : vector<16xi1>, vector<16xf32>
    %swap3A_572 = arith.constant 80 : index
    %swap3A_573 = tpu.vector_load %arg13[%swap3A_572] {strides = array<i32>} : memref<320xf32, #tpu.memory_space<vmem>>, vector<16xf32>,
    tpu.vector_store %arg13[%swap3A_572], %select_n3A_571 {strides = array<i32>} : memref<320xf32, #tpu.memory_space<vmem>>, vector<16xf32>,
    %add3A_574 = arith.constant 96 : i32
    %add3A_575 = arith.addi %mul3A_0, %add3A_574 : i32
    %add3A_576 = vector.broadcast %add3A_575 : i32 to vector<16xi32>
    %add3A_577 = arith.addi %add3A_576, %iota3A : vector<16xi32>
    %lt3A_578 = arith.constant 5000 : i32
    %lt3A_579 = vector.broadcast %lt3A_578 : i32 to vector<16xi32>
    %lt3A_580 = arith.cmpi slt, %add3A_577, %lt3A_579 : vector<16xi32>
    %jit3A_581 = arith.constant 1.000000e+00 : f32
    %jit3A_582 = arith.constant 0.000000e+00 : f32
    %broadcast_in_dim3A_583 = vector.broadcast %jit3A_581 : f32 to vector<16xf32>
    %broadcast_in_dim3A_584 = vector.broadcast %jit3A_582 : f32 to vector<16xf32>
    %select_n3A_585 = arith.select %lt3A_580, %broadcast_in_dim3A_583, %broadcast_in_dim3A_584 : vector<16xi1>, vector<16xf32>
    %swap3A_586 = arith.constant 96 : index
    %swap3A_587 = tpu.vector_load %arg13[%swap3A_586] {strides = array<i32>} : memref<320xf32, #tpu.memory_space<vmem>>, vector<16xf32>,
    tpu.vector_store %arg13[%swap3A_586], %select_n3A_585 {strides = array<i32>} : memref<320xf32, #tpu.memory_space<vmem>>, vector<16xf32>,
    %add3A_588 = arith.constant 112 : i32
    %add3A_589 = arith.addi %mul3A_0, %add3A_588 : i32
    %add3A_590 = vector.broadcast %add3A_589 : i32 to vector<16xi32>
    %add3A_591 = arith.addi %add3A_590, %iota3A : vector<16xi32>
    %lt3A_592 = arith.constant 5000 : i32
    %lt3A_593 = vector.broadcast %lt3A_592 : i32 to vector<16xi32>
    %lt3A_594 = arith.cmpi slt, %add3A_591, %lt3A_593 : vector<16xi32>
    %jit3A_595 = arith.constant 1.000000e+00 : f32
    %jit3A_596 = arith.constant 0.000000e+00 : f32
    %broadcast_in_dim3A_597 = vector.broadcast %jit3A_595 : f32 to vector<16xf32>
    %broadcast_in_dim3A_598 = vector.broadcast %jit3A_596 : f32 to vector<16xf32>
    %select_n3A_599 = arith.select %lt3A_594, %broadcast_in_dim3A_597, %broadcast_in_dim3A_598 : vector<16xi1>, vector<16xf32>
    %swap3A_600 = arith.constant 112 : index
    %swap3A_601 = tpu.vector_load %arg13[%swap3A_600] {strides = array<i32>} : memref<320xf32, #tpu.memory_space<vmem>>, vector<16xf32>,
    tpu.vector_store %arg13[%swap3A_600], %select_n3A_599 {strides = array<i32>} : memref<320xf32, #tpu.memory_space<vmem>>, vector<16xf32>,
    %add3A_602 = arith.constant 128 : i32
    %add3A_603 = arith.addi %mul3A_0, %add3A_602 : i32
    %add3A_604 = vector.broadcast %add3A_603 : i32 to vector<16xi32>
    %add3A_605 = arith.addi %add3A_604, %iota3A : vector<16xi32>
    %lt3A_606 = arith.constant 5000 : i32
    %lt3A_607 = vector.broadcast %lt3A_606 : i32 to vector<16xi32>
    %lt3A_608 = arith.cmpi slt, %add3A_605, %lt3A_607 : vector<16xi32>
    %jit3A_609 = arith.constant 1.000000e+00 : f32
    %jit3A_610 = arith.constant 0.000000e+00 : f32
    %broadcast_in_dim3A_611 = vector.broadcast %jit3A_609 : f32 to vector<16xf32>
    %broadcast_in_dim3A_612 = vector.broadcast %jit3A_610 : f32 to vector<16xf32>
    %select_n3A_613 = arith.select %lt3A_608, %broadcast_in_dim3A_611, %broadcast_in_dim3A_612 : vector<16xi1>, vector<16xf32>
    %swap3A_614 = arith.constant 128 : index
    %swap3A_615 = tpu.vector_load %arg13[%swap3A_614] {strides = array<i32>} : memref<320xf32, #tpu.memory_space<vmem>>, vector<16xf32>,
    tpu.vector_store %arg13[%swap3A_614], %select_n3A_613 {strides = array<i32>} : memref<320xf32, #tpu.memory_space<vmem>>, vector<16xf32>,
    %add3A_616 = arith.constant 144 : i32
    %add3A_617 = arith.addi %mul3A_0, %add3A_616 : i32
    %add3A_618 = vector.broadcast %add3A_617 : i32 to vector<16xi32>
    %add3A_619 = arith.addi %add3A_618, %iota3A : vector<16xi32>
    %lt3A_620 = arith.constant 5000 : i32
    %lt3A_621 = vector.broadcast %lt3A_620 : i32 to vector<16xi32>
    %lt3A_622 = arith.cmpi slt, %add3A_619, %lt3A_621 : vector<16xi32>
    %jit3A_623 = arith.constant 1.000000e+00 : f32
    %jit3A_624 = arith.constant 0.000000e+00 : f32
    %broadcast_in_dim3A_625 = vector.broadcast %jit3A_623 : f32 to vector<16xf32>
    %broadcast_in_dim3A_626 = vector.broadcast %jit3A_624 : f32 to vector<16xf32>
    %select_n3A_627 = arith.select %lt3A_622, %broadcast_in_dim3A_625, %broadcast_in_dim3A_626 : vector<16xi1>, vector<16xf32>
    %swap3A_628 = arith.constant 144 : index
    %swap3A_629 = tpu.vector_load %arg13[%swap3A_628] {strides = array<i32>} : memref<320xf32, #tpu.memory_space<vmem>>, vector<16xf32>,
    tpu.vector_store %arg13[%swap3A_628], %select_n3A_627 {strides = array<i32>} : memref<320xf32, #tpu.memory_space<vmem>>, vector<16xf32>,
    %add3A_630 = arith.constant 160 : i32
    %add3A_631 = arith.addi %mul3A_0, %add3A_630 : i32
    %add3A_632 = vector.broadcast %add3A_631 : i32 to vector<16xi32>
    %add3A_633 = arith.addi %add3A_632, %iota3A : vector<16xi32>
    %lt3A_634 = arith.constant 5000 : i32
    %lt3A_635 = vector.broadcast %lt3A_634 : i32 to vector<16xi32>
    %lt3A_636 = arith.cmpi slt, %add3A_633, %lt3A_635 : vector<16xi32>
    %jit3A_637 = arith.constant 1.000000e+00 : f32
    %jit3A_638 = arith.constant 0.000000e+00 : f32
    %broadcast_in_dim3A_639 = vector.broadcast %jit3A_637 : f32 to vector<16xf32>
    %broadcast_in_dim3A_640 = vector.broadcast %jit3A_638 : f32 to vector<16xf32>
    %select_n3A_641 = arith.select %lt3A_636, %broadcast_in_dim3A_639, %broadcast_in_dim3A_640 : vector<16xi1>, vector<16xf32>
    %swap3A_642 = arith.constant 160 : index
    %swap3A_643 = tpu.vector_load %arg13[%swap3A_642] {strides = array<i32>} : memref<320xf32, #tpu.memory_space<vmem>>, vector<16xf32>,
    tpu.vector_store %arg13[%swap3A_642], %select_n3A_641 {strides = array<i32>} : memref<320xf32, #tpu.memory_space<vmem>>, vector<16xf32>,
    %add3A_644 = arith.constant 176 : i32
    %add3A_645 = arith.addi %mul3A_0, %add3A_644 : i32
    %add3A_646 = vector.broadcast %add3A_645 : i32 to vector<16xi32>
    %add3A_647 = arith.addi %add3A_646, %iota3A : vector<16xi32>
    %lt3A_648 = arith.constant 5000 : i32
    %lt3A_649 = vector.broadcast %lt3A_648 : i32 to vector<16xi32>
    %lt3A_650 = arith.cmpi slt, %add3A_647, %lt3A_649 : vector<16xi32>
    %jit3A_651 = arith.constant 1.000000e+00 : f32
    %jit3A_652 = arith.constant 0.000000e+00 : f32
    %broadcast_in_dim3A_653 = vector.broadcast %jit3A_651 : f32 to vector<16xf32>
    %broadcast_in_dim3A_654 = vector.broadcast %jit3A_652 : f32 to vector<16xf32>
    %select_n3A_655 = arith.select %lt3A_650, %broadcast_in_dim3A_653, %broadcast_in_dim3A_654 : vector<16xi1>, vector<16xf32>
    %swap3A_656 = arith.constant 176 : index
    %swap3A_657 = tpu.vector_load %arg13[%swap3A_656] {strides = array<i32>} : memref<320xf32, #tpu.memory_space<vmem>>, vector<16xf32>,
    tpu.vector_store %arg13[%swap3A_656], %select_n3A_655 {strides = array<i32>} : memref<320xf32, #tpu.memory_space<vmem>>, vector<16xf32>,
    %add3A_658 = arith.constant 192 : i32
    %add3A_659 = arith.addi %mul3A_0, %add3A_658 : i32
    %add3A_660 = vector.broadcast %add3A_659 : i32 to vector<16xi32>
    %add3A_661 = arith.addi %add3A_660, %iota3A : vector<16xi32>
    %lt3A_662 = arith.constant 5000 : i32
    %lt3A_663 = vector.broadcast %lt3A_662 : i32 to vector<16xi32>
    %lt3A_664 = arith.cmpi slt, %add3A_661, %lt3A_663 : vector<16xi32>
    %jit3A_665 = arith.constant 1.000000e+00 : f32
    %jit3A_666 = arith.constant 0.000000e+00 : f32
    %broadcast_in_dim3A_667 = vector.broadcast %jit3A_665 : f32 to vector<16xf32>
    %broadcast_in_dim3A_668 = vector.broadcast %jit3A_666 : f32 to vector<16xf32>
    %select_n3A_669 = arith.select %lt3A_664, %broadcast_in_dim3A_667, %broadcast_in_dim3A_668 : vector<16xi1>, vector<16xf32>
    %swap3A_670 = arith.constant 192 : index
    %swap3A_671 = tpu.vector_load %arg13[%swap3A_670] {strides = array<i32>} : memref<320xf32, #tpu.memory_space<vmem>>, vector<16xf32>,
    tpu.vector_store %arg13[%swap3A_670], %select_n3A_669 {strides = array<i32>} : memref<320xf32, #tpu.memory_space<vmem>>, vector<16xf32>,
    %add3A_672 = arith.constant 208 : i32
    %add3A_673 = arith.addi %mul3A_0, %add3A_672 : i32
    %add3A_674 = vector.broadcast %add3A_673 : i32 to vector<16xi32>
    %add3A_675 = arith.addi %add3A_674, %iota3A : vector<16xi32>
    %lt3A_676 = arith.constant 5000 : i32
    %lt3A_677 = vector.broadcast %lt3A_676 : i32 to vector<16xi32>
    %lt3A_678 = arith.cmpi slt, %add3A_675, %lt3A_677 : vector<16xi32>
    %jit3A_679 = arith.constant 1.000000e+00 : f32
    %jit3A_680 = arith.constant 0.000000e+00 : f32
    %broadcast_in_dim3A_681 = vector.broadcast %jit3A_679 : f32 to vector<16xf32>
    %broadcast_in_dim3A_682 = vector.broadcast %jit3A_680 : f32 to vector<16xf32>
    %select_n3A_683 = arith.select %lt3A_678, %broadcast_in_dim3A_681, %broadcast_in_dim3A_682 : vector<16xi1>, vector<16xf32>
    %swap3A_684 = arith.constant 208 : index
    %swap3A_685 = tpu.vector_load %arg13[%swap3A_684] {strides = array<i32>} : memref<320xf32, #tpu.memory_space<vmem>>, vector<16xf32>,
    tpu.vector_store %arg13[%swap3A_684], %select_n3A_683 {strides = array<i32>} : memref<320xf32, #tpu.memory_space<vmem>>, vector<16xf32>,
    %add3A_686 = arith.constant 224 : i32
    %add3A_687 = arith.addi %mul3A_0, %add3A_686 : i32
    %add3A_688 = vector.broadcast %add3A_687 : i32 to vector<16xi32>
    %add3A_689 = arith.addi %add3A_688, %iota3A : vector<16xi32>
    %lt3A_690 = arith.constant 5000 : i32
    %lt3A_691 = vector.broadcast %lt3A_690 : i32 to vector<16xi32>
    %lt3A_692 = arith.cmpi slt, %add3A_689, %lt3A_691 : vector<16xi32>
    %jit3A_693 = arith.constant 1.000000e+00 : f32
    %jit3A_694 = arith.constant 0.000000e+00 : f32
    %broadcast_in_dim3A_695 = vector.broadcast %jit3A_693 : f32 to vector<16xf32>
    %broadcast_in_dim3A_696 = vector.broadcast %jit3A_694 : f32 to vector<16xf32>
    %select_n3A_697 = arith.select %lt3A_692, %broadcast_in_dim3A_695, %broadcast_in_dim3A_696 : vector<16xi1>, vector<16xf32>
    %swap3A_698 = arith.constant 224 : index
    %swap3A_699 = tpu.vector_load %arg13[%swap3A_698] {strides = array<i32>} : memref<320xf32, #tpu.memory_space<vmem>>, vector<16xf32>,
    tpu.vector_store %arg13[%swap3A_698], %select_n3A_697 {strides = array<i32>} : memref<320xf32, #tpu.memory_space<vmem>>, vector<16xf32>,
    %add3A_700 = arith.constant 240 : i32
    %add3A_701 = arith.addi %mul3A_0, %add3A_700 : i32
    %add3A_702 = vector.broadcast %add3A_701 : i32 to vector<16xi32>
    %add3A_703 = arith.addi %add3A_702, %iota3A : vector<16xi32>
    %lt3A_704 = arith.constant 5000 : i32
    %lt3A_705 = vector.broadcast %lt3A_704 : i32 to vector<16xi32>
    %lt3A_706 = arith.cmpi slt, %add3A_703, %lt3A_705 : vector<16xi32>
    %jit3A_707 = arith.constant 1.000000e+00 : f32
    %jit3A_708 = arith.constant 0.000000e+00 : f32
    %broadcast_in_dim3A_709 = vector.broadcast %jit3A_707 : f32 to vector<16xf32>
    %broadcast_in_dim3A_710 = vector.broadcast %jit3A_708 : f32 to vector<16xf32>
    %select_n3A_711 = arith.select %lt3A_706, %broadcast_in_dim3A_709, %broadcast_in_dim3A_710 : vector<16xi1>, vector<16xf32>
    %swap3A_712 = arith.constant 240 : index
    %swap3A_713 = tpu.vector_load %arg13[%swap3A_712] {strides = array<i32>} : memref<320xf32, #tpu.memory_space<vmem>>, vector<16xf32>,
    tpu.vector_store %arg13[%swap3A_712], %select_n3A_711 {strides = array<i32>} : memref<320xf32, #tpu.memory_space<vmem>>, vector<16xf32>,
    %add3A_714 = arith.constant 256 : i32
    %add3A_715 = arith.addi %mul3A_0, %add3A_714 : i32
    %add3A_716 = vector.broadcast %add3A_715 : i32 to vector<16xi32>
    %add3A_717 = arith.addi %add3A_716, %iota3A : vector<16xi32>
    %lt3A_718 = arith.constant 5000 : i32
    %lt3A_719 = vector.broadcast %lt3A_718 : i32 to vector<16xi32>
    %lt3A_720 = arith.cmpi slt, %add3A_717, %lt3A_719 : vector<16xi32>
    %jit3A_721 = arith.constant 1.000000e+00 : f32
    %jit3A_722 = arith.constant 0.000000e+00 : f32
    %broadcast_in_dim3A_723 = vector.broadcast %jit3A_721 : f32 to vector<16xf32>
    %broadcast_in_dim3A_724 = vector.broadcast %jit3A_722 : f32 to vector<16xf32>
    %select_n3A_725 = arith.select %lt3A_720, %broadcast_in_dim3A_723, %broadcast_in_dim3A_724 : vector<16xi1>, vector<16xf32>
    %swap3A_726 = arith.constant 256 : index
    %swap3A_727 = tpu.vector_load %arg13[%swap3A_726] {strides = array<i32>} : memref<320xf32, #tpu.memory_space<vmem>>, vector<16xf32>,
    tpu.vector_store %arg13[%swap3A_726], %select_n3A_725 {strides = array<i32>} : memref<320xf32, #tpu.memory_space<vmem>>, vector<16xf32>,
    %add3A_728 = arith.constant 272 : i32
    %add3A_729 = arith.addi %mul3A_0, %add3A_728 : i32
    %add3A_730 = vector.broadcast %add3A_729 : i32 to vector<16xi32>
    %add3A_731 = arith.addi %add3A_730, %iota3A : vector<16xi32>
    %lt3A_732 = arith.constant 5000 : i32
    %lt3A_733 = vector.broadcast %lt3A_732 : i32 to vector<16xi32>
    %lt3A_734 = arith.cmpi slt, %add3A_731, %lt3A_733 : vector<16xi32>
    %jit3A_735 = arith.constant 1.000000e+00 : f32
    %jit3A_736 = arith.constant 0.000000e+00 : f32
    %broadcast_in_dim3A_737 = vector.broadcast %jit3A_735 : f32 to vector<16xf32>
    %broadcast_in_dim3A_738 = vector.broadcast %jit3A_736 : f32 to vector<16xf32>
    %select_n3A_739 = arith.select %lt3A_734, %broadcast_in_dim3A_737, %broadcast_in_dim3A_738 : vector<16xi1>, vector<16xf32>
    %swap3A_740 = arith.constant 272 : index
    %swap3A_741 = tpu.vector_load %arg13[%swap3A_740] {strides = array<i32>} : memref<320xf32, #tpu.memory_space<vmem>>, vector<16xf32>,
    tpu.vector_store %arg13[%swap3A_740], %select_n3A_739 {strides = array<i32>} : memref<320xf32, #tpu.memory_space<vmem>>, vector<16xf32>,
    %add3A_742 = arith.constant 288 : i32
    %add3A_743 = arith.addi %mul3A_0, %add3A_742 : i32
    %add3A_744 = vector.broadcast %add3A_743 : i32 to vector<16xi32>
    %add3A_745 = arith.addi %add3A_744, %iota3A : vector<16xi32>
    %lt3A_746 = arith.constant 5000 : i32
    %lt3A_747 = vector.broadcast %lt3A_746 : i32 to vector<16xi32>
    %lt3A_748 = arith.cmpi slt, %add3A_745, %lt3A_747 : vector<16xi32>
    %jit3A_749 = arith.constant 1.000000e+00 : f32
    %jit3A_750 = arith.constant 0.000000e+00 : f32
    %broadcast_in_dim3A_751 = vector.broadcast %jit3A_749 : f32 to vector<16xf32>
    %broadcast_in_dim3A_752 = vector.broadcast %jit3A_750 : f32 to vector<16xf32>
    %select_n3A_753 = arith.select %lt3A_748, %broadcast_in_dim3A_751, %broadcast_in_dim3A_752 : vector<16xi1>, vector<16xf32>
    %swap3A_754 = arith.constant 288 : index
    %swap3A_755 = tpu.vector_load %arg13[%swap3A_754] {strides = array<i32>} : memref<320xf32, #tpu.memory_space<vmem>>, vector<16xf32>,
    tpu.vector_store %arg13[%swap3A_754], %select_n3A_753 {strides = array<i32>} : memref<320xf32, #tpu.memory_space<vmem>>, vector<16xf32>,
    %add3A_756 = arith.constant 304 : i32
    %add3A_757 = arith.addi %mul3A_0, %add3A_756 : i32
    %add3A_758 = vector.broadcast %add3A_757 : i32 to vector<16xi32>
    %add3A_759 = arith.addi %add3A_758, %iota3A : vector<16xi32>
    %lt3A_760 = arith.constant 5000 : i32
    %lt3A_761 = vector.broadcast %lt3A_760 : i32 to vector<16xi32>
    %lt3A_762 = arith.cmpi slt, %add3A_759, %lt3A_761 : vector<16xi32>
    %jit3A_763 = arith.constant 1.000000e+00 : f32
    %jit3A_764 = arith.constant 0.000000e+00 : f32
    %broadcast_in_dim3A_765 = vector.broadcast %jit3A_763 : f32 to vector<16xf32>
    %broadcast_in_dim3A_766 = vector.broadcast %jit3A_764 : f32 to vector<16xf32>
    %select_n3A_767 = arith.select %lt3A_762, %broadcast_in_dim3A_765, %broadcast_in_dim3A_766 : vector<16xi1>, vector<16xf32>
    %swap3A_768 = arith.constant 304 : index
    %swap3A_769 = tpu.vector_load %arg13[%swap3A_768] {strides = array<i32>} : memref<320xf32, #tpu.memory_space<vmem>>, vector<16xf32>,
    tpu.vector_store %arg13[%swap3A_768], %select_n3A_767 {strides = array<i32>} : memref<320xf32, #tpu.memory_space<vmem>>, vector<16xf32>,
    %swap3A_770 = arith.constant 0 : index
    %swap3A_771 = tpu.vector_load %arg14[%swap3A_770] {strides = array<i32>} : memref<1600xf32, #tpu.memory_space<vmem>>, vector<16xf32>,
    tpu.vector_store %arg14[%swap3A_770], %broadcast_in_dim3A_4 {strides = array<i32>} : memref<1600xf32, #tpu.memory_space<vmem>>, vector<16xf32>,
    %swap3A_772 = arith.constant 16 : index
    %swap3A_773 = tpu.vector_load %arg14[%swap3A_772] {strides = array<i32>} : memref<1600xf32, #tpu.memory_space<vmem>>, vector<16xf32>,
    tpu.vector_store %arg14[%swap3A_772], %broadcast_in_dim3A_4 {strides = array<i32>} : memref<1600xf32, #tpu.memory_space<vmem>>, vector<16xf32>,
    %swap3A_774 = arith.constant 32 : index
    %swap3A_775 = tpu.vector_load %arg14[%swap3A_774] {strides = array<i32>} : memref<1600xf32, #tpu.memory_space<vmem>>, vector<16xf32>,
    tpu.vector_store %arg14[%swap3A_774], %broadcast_in_dim3A_4 {strides = array<i32>} : memref<1600xf32, #tpu.memory_space<vmem>>, vector<16xf32>,
    %swap3A_776 = arith.constant 48 : index
    %swap3A_777 = tpu.vector_load %arg14[%swap3A_776] {strides = array<i32>} : memref<1600xf32, #tpu.memory_space<vmem>>, vector<16xf32>,
    tpu.vector_store %arg14[%swap3A_776], %broadcast_in_dim3A_4 {strides = array<i32>} : memref<1600xf32, #tpu.memory_space<vmem>>, vector<16xf32>,
    %swap3A_778 = arith.constant 64 : index
    %swap3A_779 = tpu.vector_load %arg14[%swap3A_778] {strides = array<i32>} : memref<1600xf32, #tpu.memory_space<vmem>>, vector<16xf32>,
    tpu.vector_store %arg14[%swap3A_778], %broadcast_in_dim3A_4 {strides = array<i32>} : memref<1600xf32, #tpu.memory_space<vmem>>, vector<16xf32>,
    %swap3A_780 = arith.constant 80 : index
    %swap3A_781 = tpu.vector_load %arg14[%swap3A_780] {strides = array<i32>} : memref<1600xf32, #tpu.memory_space<vmem>>, vector<16xf32>,
    tpu.vector_store %arg14[%swap3A_780], %broadcast_in_dim3A_4 {strides = array<i32>} : memref<1600xf32, #tpu.memory_space<vmem>>, vector<16xf32>,
    %swap3A_782 = arith.constant 96 : index
    %swap3A_783 = tpu.vector_load %arg14[%swap3A_782] {strides = array<i32>} : memref<1600xf32, #tpu.memory_space<vmem>>, vector<16xf32>,
    tpu.vector_store %arg14[%swap3A_782], %broadcast_in_dim3A_4 {strides = array<i32>} : memref<1600xf32, #tpu.memory_space<vmem>>, vector<16xf32>,
    %swap3A_784 = arith.constant 112 : index
    %swap3A_785 = tpu.vector_load %arg14[%swap3A_784] {strides = array<i32>} : memref<1600xf32, #tpu.memory_space<vmem>>, vector<16xf32>,
    tpu.vector_store %arg14[%swap3A_784], %broadcast_in_dim3A_4 {strides = array<i32>} : memref<1600xf32, #tpu.memory_space<vmem>>, vector<16xf32>,
    %swap3A_786 = arith.constant 128 : index
    %swap3A_787 = tpu.vector_load %arg14[%swap3A_786] {strides = array<i32>} : memref<1600xf32, #tpu.memory_space<vmem>>, vector<16xf32>,
    tpu.vector_store %arg14[%swap3A_786], %broadcast_in_dim3A_4 {strides = array<i32>} : memref<1600xf32, #tpu.memory_space<vmem>>, vector<16xf32>,
    %swap3A_788 = arith.constant 144 : index
    %swap3A_789 = tpu.vector_load %arg14[%swap3A_788] {strides = array<i32>} : memref<1600xf32, #tpu.memory_space<vmem>>, vector<16xf32>,
    tpu.vector_store %arg14[%swap3A_788], %broadcast_in_dim3A_4 {strides = array<i32>} : memref<1600xf32, #tpu.memory_space<vmem>>, vector<16xf32>,
    %swap3A_790 = arith.constant 160 : index
    %swap3A_791 = tpu.vector_load %arg14[%swap3A_790] {strides = array<i32>} : memref<1600xf32, #tpu.memory_space<vmem>>, vector<16xf32>,
    tpu.vector_store %arg14[%swap3A_790], %broadcast_in_dim3A_4 {strides = array<i32>} : memref<1600xf32, #tpu.memory_space<vmem>>, vector<16xf32>,
    %swap3A_792 = arith.constant 176 : index
    %swap3A_793 = tpu.vector_load %arg14[%swap3A_792] {strides = array<i32>} : memref<1600xf32, #tpu.memory_space<vmem>>, vector<16xf32>,
    tpu.vector_store %arg14[%swap3A_792], %broadcast_in_dim3A_4 {strides = array<i32>} : memref<1600xf32, #tpu.memory_space<vmem>>, vector<16xf32>,
    %swap3A_794 = arith.constant 192 : index
    %swap3A_795 = tpu.vector_load %arg14[%swap3A_794] {strides = array<i32>} : memref<1600xf32, #tpu.memory_space<vmem>>, vector<16xf32>,
    tpu.vector_store %arg14[%swap3A_794], %broadcast_in_dim3A_4 {strides = array<i32>} : memref<1600xf32, #tpu.memory_space<vmem>>, vector<16xf32>,
    %swap3A_796 = arith.constant 208 : index
    %swap3A_797 = tpu.vector_load %arg14[%swap3A_796] {strides = array<i32>} : memref<1600xf32, #tpu.memory_space<vmem>>, vector<16xf32>,
    tpu.vector_store %arg14[%swap3A_796], %broadcast_in_dim3A_4 {strides = array<i32>} : memref<1600xf32, #tpu.memory_space<vmem>>, vector<16xf32>,
    %swap3A_798 = arith.constant 224 : index
    %swap3A_799 = tpu.vector_load %arg14[%swap3A_798] {strides = array<i32>} : memref<1600xf32, #tpu.memory_space<vmem>>, vector<16xf32>,
    tpu.vector_store %arg14[%swap3A_798], %broadcast_in_dim3A_4 {strides = array<i32>} : memref<1600xf32, #tpu.memory_space<vmem>>, vector<16xf32>,
    %swap3A_800 = arith.constant 240 : index
    %swap3A_801 = tpu.vector_load %arg14[%swap3A_800] {strides = array<i32>} : memref<1600xf32, #tpu.memory_space<vmem>>, vector<16xf32>,
    tpu.vector_store %arg14[%swap3A_800], %broadcast_in_dim3A_4 {strides = array<i32>} : memref<1600xf32, #tpu.memory_space<vmem>>, vector<16xf32>,
    %swap3A_802 = arith.constant 256 : index
    %swap3A_803 = tpu.vector_load %arg14[%swap3A_802] {strides = array<i32>} : memref<1600xf32, #tpu.memory_space<vmem>>, vector<16xf32>,
    tpu.vector_store %arg14[%swap3A_802], %broadcast_in_dim3A_4 {strides = array<i32>} : memref<1600xf32, #tpu.memory_space<vmem>>, vector<16xf32>,
    %swap3A_804 = arith.constant 272 : index
    %swap3A_805 = tpu.vector_load %arg14[%swap3A_804] {strides = array<i32>} : memref<1600xf32, #tpu.memory_space<vmem>>, vector<16xf32>,
    tpu.vector_store %arg14[%swap3A_804], %broadcast_in_dim3A_4 {strides = array<i32>} : memref<1600xf32, #tpu.memory_space<vmem>>, vector<16xf32>,
    %swap3A_806 = arith.constant 288 : index
    %swap3A_807 = tpu.vector_load %arg14[%swap3A_806] {strides = array<i32>} : memref<1600xf32, #tpu.memory_space<vmem>>, vector<16xf32>,
    tpu.vector_store %arg14[%swap3A_806], %broadcast_in_dim3A_4 {strides = array<i32>} : memref<1600xf32, #tpu.memory_space<vmem>>, vector<16xf32>,
    %swap3A_808 = arith.constant 304 : index
    %swap3A_809 = tpu.vector_load %arg14[%swap3A_808] {strides = array<i32>} : memref<1600xf32, #tpu.memory_space<vmem>>, vector<16xf32>,
    tpu.vector_store %arg14[%swap3A_808], %broadcast_in_dim3A_4 {strides = array<i32>} : memref<1600xf32, #tpu.memory_space<vmem>>, vector<16xf32>,
    %swap3A_810 = arith.constant 320 : index
    %swap3A_811 = tpu.vector_load %arg14[%swap3A_810] {strides = array<i32>} : memref<1600xf32, #tpu.memory_space<vmem>>, vector<16xf32>,
    tpu.vector_store %arg14[%swap3A_810], %broadcast_in_dim3A_4 {strides = array<i32>} : memref<1600xf32, #tpu.memory_space<vmem>>, vector<16xf32>,
    %swap3A_812 = arith.constant 336 : index
    %swap3A_813 = tpu.vector_load %arg14[%swap3A_812] {strides = array<i32>} : memref<1600xf32, #tpu.memory_space<vmem>>, vector<16xf32>,
    tpu.vector_store %arg14[%swap3A_812], %broadcast_in_dim3A_4 {strides = array<i32>} : memref<1600xf32, #tpu.memory_space<vmem>>, vector<16xf32>,
    %swap3A_814 = arith.constant 352 : index
    %swap3A_815 = tpu.vector_load %arg14[%swap3A_814] {strides = array<i32>} : memref<1600xf32, #tpu.memory_space<vmem>>, vector<16xf32>,
    tpu.vector_store %arg14[%swap3A_814], %broadcast_in_dim3A_4 {strides = array<i32>} : memref<1600xf32, #tpu.memory_space<vmem>>, vector<16xf32>,
    %swap3A_816 = arith.constant 368 : index
    %swap3A_817 = tpu.vector_load %arg14[%swap3A_816] {strides = array<i32>} : memref<1600xf32, #tpu.memory_space<vmem>>, vector<16xf32>,
    tpu.vector_store %arg14[%swap3A_816], %broadcast_in_dim3A_4 {strides = array<i32>} : memref<1600xf32, #tpu.memory_space<vmem>>, vector<16xf32>,
    %swap3A_818 = arith.constant 384 : index
    %swap3A_819 = tpu.vector_load %arg14[%swap3A_818] {strides = array<i32>} : memref<1600xf32, #tpu.memory_space<vmem>>, vector<16xf32>,
    tpu.vector_store %arg14[%swap3A_818], %broadcast_in_dim3A_4 {strides = array<i32>} : memref<1600xf32, #tpu.memory_space<vmem>>, vector<16xf32>,
    %swap3A_820 = arith.constant 400 : index
    %swap3A_821 = tpu.vector_load %arg14[%swap3A_820] {strides = array<i32>} : memref<1600xf32, #tpu.memory_space<vmem>>, vector<16xf32>,
    tpu.vector_store %arg14[%swap3A_820], %broadcast_in_dim3A_4 {strides = array<i32>} : memref<1600xf32, #tpu.memory_space<vmem>>, vector<16xf32>,
    %swap3A_822 = arith.constant 416 : index
    %swap3A_823 = tpu.vector_load %arg14[%swap3A_822] {strides = array<i32>} : memref<1600xf32, #tpu.memory_space<vmem>>, vector<16xf32>,
    tpu.vector_store %arg14[%swap3A_822], %broadcast_in_dim3A_4 {strides = array<i32>} : memref<1600xf32, #tpu.memory_space<vmem>>, vector<16xf32>,
    %swap3A_824 = arith.constant 432 : index
    %swap3A_825 = tpu.vector_load %arg14[%swap3A_824] {strides = array<i32>} : memref<1600xf32, #tpu.memory_space<vmem>>, vector<16xf32>,
    tpu.vector_store %arg14[%swap3A_824], %broadcast_in_dim3A_4 {strides = array<i32>} : memref<1600xf32, #tpu.memory_space<vmem>>, vector<16xf32>,
    %swap3A_826 = arith.constant 448 : index
    %swap3A_827 = tpu.vector_load %arg14[%swap3A_826] {strides = array<i32>} : memref<1600xf32, #tpu.memory_space<vmem>>, vector<16xf32>,
    tpu.vector_store %arg14[%swap3A_826], %broadcast_in_dim3A_4 {strides = array<i32>} : memref<1600xf32, #tpu.memory_space<vmem>>, vector<16xf32>,
    %swap3A_828 = arith.constant 464 : index
    %swap3A_829 = tpu.vector_load %arg14[%swap3A_828] {strides = array<i32>} : memref<1600xf32, #tpu.memory_space<vmem>>, vector<16xf32>,
    tpu.vector_store %arg14[%swap3A_828], %broadcast_in_dim3A_4 {strides = array<i32>} : memref<1600xf32, #tpu.memory_space<vmem>>, vector<16xf32>,
    %swap3A_830 = arith.constant 480 : index
    %swap3A_831 = tpu.vector_load %arg14[%swap3A_830] {strides = array<i32>} : memref<1600xf32, #tpu.memory_space<vmem>>, vector<16xf32>,
    tpu.vector_store %arg14[%swap3A_830], %broadcast_in_dim3A_4 {strides = array<i32>} : memref<1600xf32, #tpu.memory_space<vmem>>, vector<16xf32>,
    %swap3A_832 = arith.constant 496 : index
    %swap3A_833 = tpu.vector_load %arg14[%swap3A_832] {strides = array<i32>} : memref<1600xf32, #tpu.memory_space<vmem>>, vector<16xf32>,
    tpu.vector_store %arg14[%swap3A_832], %broadcast_in_dim3A_4 {strides = array<i32>} : memref<1600xf32, #tpu.memory_space<vmem>>, vector<16xf32>,
    %swap3A_834 = arith.constant 512 : index
    %swap3A_835 = tpu.vector_load %arg14[%swap3A_834] {strides = array<i32>} : memref<1600xf32, #tpu.memory_space<vmem>>, vector<16xf32>,
    tpu.vector_store %arg14[%swap3A_834], %broadcast_in_dim3A_4 {strides = array<i32>} : memref<1600xf32, #tpu.memory_space<vmem>>, vector<16xf32>,
    %swap3A_836 = arith.constant 528 : index
    %swap3A_837 = tpu.vector_load %arg14[%swap3A_836] {strides = array<i32>} : memref<1600xf32, #tpu.memory_space<vmem>>, vector<16xf32>,
    tpu.vector_store %arg14[%swap3A_836], %broadcast_in_dim3A_4 {strides = array<i32>} : memref<1600xf32, #tpu.memory_space<vmem>>, vector<16xf32>,
    %swap3A_838 = arith.constant 544 : index
    %swap3A_839 = tpu.vector_load %arg14[%swap3A_838] {strides = array<i32>} : memref<1600xf32, #tpu.memory_space<vmem>>, vector<16xf32>,
    tpu.vector_store %arg14[%swap3A_838], %broadcast_in_dim3A_4 {strides = array<i32>} : memref<1600xf32, #tpu.memory_space<vmem>>, vector<16xf32>,
    %swap3A_840 = arith.constant 560 : index
    %swap3A_841 = tpu.vector_load %arg14[%swap3A_840] {strides = array<i32>} : memref<1600xf32, #tpu.memory_space<vmem>>, vector<16xf32>,
    tpu.vector_store %arg14[%swap3A_840], %broadcast_in_dim3A_4 {strides = array<i32>} : memref<1600xf32, #tpu.memory_space<vmem>>, vector<16xf32>,
    %swap3A_842 = arith.constant 576 : index
    %swap3A_843 = tpu.vector_load %arg14[%swap3A_842] {strides = array<i32>} : memref<1600xf32, #tpu.memory_space<vmem>>, vector<16xf32>,
    tpu.vector_store %arg14[%swap3A_842], %broadcast_in_dim3A_4 {strides = array<i32>} : memref<1600xf32, #tpu.memory_space<vmem>>, vector<16xf32>,
    %swap3A_844 = arith.constant 592 : index
    %swap3A_845 = tpu.vector_load %arg14[%swap3A_844] {strides = array<i32>} : memref<1600xf32, #tpu.memory_space<vmem>>, vector<16xf32>,
    tpu.vector_store %arg14[%swap3A_844], %broadcast_in_dim3A_4 {strides = array<i32>} : memref<1600xf32, #tpu.memory_space<vmem>>, vector<16xf32>,
    %swap3A_846 = arith.constant 608 : index
    %swap3A_847 = tpu.vector_load %arg14[%swap3A_846] {strides = array<i32>} : memref<1600xf32, #tpu.memory_space<vmem>>, vector<16xf32>,
    tpu.vector_store %arg14[%swap3A_846], %broadcast_in_dim3A_4 {strides = array<i32>} : memref<1600xf32, #tpu.memory_space<vmem>>, vector<16xf32>,
    %swap3A_848 = arith.constant 624 : index
    %swap3A_849 = tpu.vector_load %arg14[%swap3A_848] {strides = array<i32>} : memref<1600xf32, #tpu.memory_space<vmem>>, vector<16xf32>,
    tpu.vector_store %arg14[%swap3A_848], %broadcast_in_dim3A_4 {strides = array<i32>} : memref<1600xf32, #tpu.memory_space<vmem>>, vector<16xf32>,
    %swap3A_850 = arith.constant 640 : index
    %swap3A_851 = tpu.vector_load %arg14[%swap3A_850] {strides = array<i32>} : memref<1600xf32, #tpu.memory_space<vmem>>, vector<16xf32>,
    tpu.vector_store %arg14[%swap3A_850], %broadcast_in_dim3A_4 {strides = array<i32>} : memref<1600xf32, #tpu.memory_space<vmem>>, vector<16xf32>,
    %swap3A_852 = arith.constant 656 : index
    %swap3A_853 = tpu.vector_load %arg14[%swap3A_852] {strides = array<i32>} : memref<1600xf32, #tpu.memory_space<vmem>>, vector<16xf32>,
    tpu.vector_store %arg14[%swap3A_852], %broadcast_in_dim3A_4 {strides = array<i32>} : memref<1600xf32, #tpu.memory_space<vmem>>, vector<16xf32>,
    %swap3A_854 = arith.constant 672 : index
    %swap3A_855 = tpu.vector_load %arg14[%swap3A_854] {strides = array<i32>} : memref<1600xf32, #tpu.memory_space<vmem>>, vector<16xf32>,
    tpu.vector_store %arg14[%swap3A_854], %broadcast_in_dim3A_4 {strides = array<i32>} : memref<1600xf32, #tpu.memory_space<vmem>>, vector<16xf32>,
    %swap3A_856 = arith.constant 688 : index
    %swap3A_857 = tpu.vector_load %arg14[%swap3A_856] {strides = array<i32>} : memref<1600xf32, #tpu.memory_space<vmem>>, vector<16xf32>,
    tpu.vector_store %arg14[%swap3A_856], %broadcast_in_dim3A_4 {strides = array<i32>} : memref<1600xf32, #tpu.memory_space<vmem>>, vector<16xf32>,
    %swap3A_858 = arith.constant 704 : index
    %swap3A_859 = tpu.vector_load %arg14[%swap3A_858] {strides = array<i32>} : memref<1600xf32, #tpu.memory_space<vmem>>, vector<16xf32>,
    tpu.vector_store %arg14[%swap3A_858], %broadcast_in_dim3A_4 {strides = array<i32>} : memref<1600xf32, #tpu.memory_space<vmem>>, vector<16xf32>,
    %swap3A_860 = arith.constant 720 : index
    %swap3A_861 = tpu.vector_load %arg14[%swap3A_860] {strides = array<i32>} : memref<1600xf32, #tpu.memory_space<vmem>>, vector<16xf32>,
    tpu.vector_store %arg14[%swap3A_860], %broadcast_in_dim3A_4 {strides = array<i32>} : memref<1600xf32, #tpu.memory_space<vmem>>, vector<16xf32>,
    %swap3A_862 = arith.constant 736 : index
    %swap3A_863 = tpu.vector_load %arg14[%swap3A_862] {strides = array<i32>} : memref<1600xf32, #tpu.memory_space<vmem>>, vector<16xf32>,
    tpu.vector_store %arg14[%swap3A_862], %broadcast_in_dim3A_4 {strides = array<i32>} : memref<1600xf32, #tpu.memory_space<vmem>>, vector<16xf32>,
    %swap3A_864 = arith.constant 752 : index
    %swap3A_865 = tpu.vector_load %arg14[%swap3A_864] {strides = array<i32>} : memref<1600xf32, #tpu.memory_space<vmem>>, vector<16xf32>,
    tpu.vector_store %arg14[%swap3A_864], %broadcast_in_dim3A_4 {strides = array<i32>} : memref<1600xf32, #tpu.memory_space<vmem>>, vector<16xf32>,
    %swap3A_866 = arith.constant 768 : index
    %swap3A_867 = tpu.vector_load %arg14[%swap3A_866] {strides = array<i32>} : memref<1600xf32, #tpu.memory_space<vmem>>, vector<16xf32>,
    tpu.vector_store %arg14[%swap3A_866], %broadcast_in_dim3A_4 {strides = array<i32>} : memref<1600xf32, #tpu.memory_space<vmem>>, vector<16xf32>,
    %swap3A_868 = arith.constant 784 : index
    %swap3A_869 = tpu.vector_load %arg14[%swap3A_868] {strides = array<i32>} : memref<1600xf32, #tpu.memory_space<vmem>>, vector<16xf32>,
    tpu.vector_store %arg14[%swap3A_868], %broadcast_in_dim3A_4 {strides = array<i32>} : memref<1600xf32, #tpu.memory_space<vmem>>, vector<16xf32>,
    %swap3A_870 = arith.constant 800 : index
    %swap3A_871 = tpu.vector_load %arg14[%swap3A_870] {strides = array<i32>} : memref<1600xf32, #tpu.memory_space<vmem>>, vector<16xf32>,
    tpu.vector_store %arg14[%swap3A_870], %broadcast_in_dim3A_4 {strides = array<i32>} : memref<1600xf32, #tpu.memory_space<vmem>>, vector<16xf32>,
    %swap3A_872 = arith.constant 816 : index
    %swap3A_873 = tpu.vector_load %arg14[%swap3A_872] {strides = array<i32>} : memref<1600xf32, #tpu.memory_space<vmem>>, vector<16xf32>,
    tpu.vector_store %arg14[%swap3A_872], %broadcast_in_dim3A_4 {strides = array<i32>} : memref<1600xf32, #tpu.memory_space<vmem>>, vector<16xf32>,
    %swap3A_874 = arith.constant 832 : index
    %swap3A_875 = tpu.vector_load %arg14[%swap3A_874] {strides = array<i32>} : memref<1600xf32, #tpu.memory_space<vmem>>, vector<16xf32>,
    tpu.vector_store %arg14[%swap3A_874], %broadcast_in_dim3A_4 {strides = array<i32>} : memref<1600xf32, #tpu.memory_space<vmem>>, vector<16xf32>,
    %swap3A_876 = arith.constant 848 : index
    %swap3A_877 = tpu.vector_load %arg14[%swap3A_876] {strides = array<i32>} : memref<1600xf32, #tpu.memory_space<vmem>>, vector<16xf32>,
    tpu.vector_store %arg14[%swap3A_876], %broadcast_in_dim3A_4 {strides = array<i32>} : memref<1600xf32, #tpu.memory_space<vmem>>, vector<16xf32>,
    %swap3A_878 = arith.constant 864 : index
    %swap3A_879 = tpu.vector_load %arg14[%swap3A_878] {strides = array<i32>} : memref<1600xf32, #tpu.memory_space<vmem>>, vector<16xf32>,
    tpu.vector_store %arg14[%swap3A_878], %broadcast_in_dim3A_4 {strides = array<i32>} : memref<1600xf32, #tpu.memory_space<vmem>>, vector<16xf32>,
    %swap3A_880 = arith.constant 880 : index
    %swap3A_881 = tpu.vector_load %arg14[%swap3A_880] {strides = array<i32>} : memref<1600xf32, #tpu.memory_space<vmem>>, vector<16xf32>,
    tpu.vector_store %arg14[%swap3A_880], %broadcast_in_dim3A_4 {strides = array<i32>} : memref<1600xf32, #tpu.memory_space<vmem>>, vector<16xf32>,
    %swap3A_882 = arith.constant 896 : index
    %swap3A_883 = tpu.vector_load %arg14[%swap3A_882] {strides = array<i32>} : memref<1600xf32, #tpu.memory_space<vmem>>, vector<16xf32>,
    tpu.vector_store %arg14[%swap3A_882], %broadcast_in_dim3A_4 {strides = array<i32>} : memref<1600xf32, #tpu.memory_space<vmem>>, vector<16xf32>,
    %swap3A_884 = arith.constant 912 : index
    %swap3A_885 = tpu.vector_load %arg14[%swap3A_884] {strides = array<i32>} : memref<1600xf32, #tpu.memory_space<vmem>>, vector<16xf32>,
    tpu.vector_store %arg14[%swap3A_884], %broadcast_in_dim3A_4 {strides = array<i32>} : memref<1600xf32, #tpu.memory_space<vmem>>, vector<16xf32>,
    %swap3A_886 = arith.constant 928 : index
    %swap3A_887 = tpu.vector_load %arg14[%swap3A_886] {strides = array<i32>} : memref<1600xf32, #tpu.memory_space<vmem>>, vector<16xf32>,
    tpu.vector_store %arg14[%swap3A_886], %broadcast_in_dim3A_4 {strides = array<i32>} : memref<1600xf32, #tpu.memory_space<vmem>>, vector<16xf32>,
    %swap3A_888 = arith.constant 944 : index
    %swap3A_889 = tpu.vector_load %arg14[%swap3A_888] {strides = array<i32>} : memref<1600xf32, #tpu.memory_space<vmem>>, vector<16xf32>,
    tpu.vector_store %arg14[%swap3A_888], %broadcast_in_dim3A_4 {strides = array<i32>} : memref<1600xf32, #tpu.memory_space<vmem>>, vector<16xf32>,
    %swap3A_890 = arith.constant 960 : index
    %swap3A_891 = tpu.vector_load %arg14[%swap3A_890] {strides = array<i32>} : memref<1600xf32, #tpu.memory_space<vmem>>, vector<16xf32>,
    tpu.vector_store %arg14[%swap3A_890], %broadcast_in_dim3A_4 {strides = array<i32>} : memref<1600xf32, #tpu.memory_space<vmem>>, vector<16xf32>,
    %swap3A_892 = arith.constant 976 : index
    %swap3A_893 = tpu.vector_load %arg14[%swap3A_892] {strides = array<i32>} : memref<1600xf32, #tpu.memory_space<vmem>>, vector<16xf32>,
    tpu.vector_store %arg14[%swap3A_892], %broadcast_in_dim3A_4 {strides = array<i32>} : memref<1600xf32, #tpu.memory_space<vmem>>, vector<16xf32>,
    %swap3A_894 = arith.constant 992 : index
    %swap3A_895 = tpu.vector_load %arg14[%swap3A_894] {strides = array<i32>} : memref<1600xf32, #tpu.memory_space<vmem>>, vector<16xf32>,
    tpu.vector_store %arg14[%swap3A_894], %broadcast_in_dim3A_4 {strides = array<i32>} : memref<1600xf32, #tpu.memory_space<vmem>>, vector<16xf32>,
    %swap3A_896 = arith.constant 1008 : index
    %swap3A_897 = tpu.vector_load %arg14[%swap3A_896] {strides = array<i32>} : memref<1600xf32, #tpu.memory_space<vmem>>, vector<16xf32>,
    tpu.vector_store %arg14[%swap3A_896], %broadcast_in_dim3A_4 {strides = array<i32>} : memref<1600xf32, #tpu.memory_space<vmem>>, vector<16xf32>,
    %swap3A_898 = arith.constant 1024 : index
    %swap3A_899 = tpu.vector_load %arg14[%swap3A_898] {strides = array<i32>} : memref<1600xf32, #tpu.memory_space<vmem>>, vector<16xf32>,
    tpu.vector_store %arg14[%swap3A_898], %broadcast_in_dim3A_4 {strides = array<i32>} : memref<1600xf32, #tpu.memory_space<vmem>>, vector<16xf32>,
    %swap3A_900 = arith.constant 1040 : index
    %swap3A_901 = tpu.vector_load %arg14[%swap3A_900] {strides = array<i32>} : memref<1600xf32, #tpu.memory_space<vmem>>, vector<16xf32>,
    tpu.vector_store %arg14[%swap3A_900], %broadcast_in_dim3A_4 {strides = array<i32>} : memref<1600xf32, #tpu.memory_space<vmem>>, vector<16xf32>,
    %swap3A_902 = arith.constant 1056 : index
    %swap3A_903 = tpu.vector_load %arg14[%swap3A_902] {strides = array<i32>} : memref<1600xf32, #tpu.memory_space<vmem>>, vector<16xf32>,
    tpu.vector_store %arg14[%swap3A_902], %broadcast_in_dim3A_4 {strides = array<i32>} : memref<1600xf32, #tpu.memory_space<vmem>>, vector<16xf32>,
    %swap3A_904 = arith.constant 1072 : index
    %swap3A_905 = tpu.vector_load %arg14[%swap3A_904] {strides = array<i32>} : memref<1600xf32, #tpu.memory_space<vmem>>, vector<16xf32>,
    tpu.vector_store %arg14[%swap3A_904], %broadcast_in_dim3A_4 {strides = array<i32>} : memref<1600xf32, #tpu.memory_space<vmem>>, vector<16xf32>,
    %swap3A_906 = arith.constant 1088 : index
    %swap3A_907 = tpu.vector_load %arg14[%swap3A_906] {strides = array<i32>} : memref<1600xf32, #tpu.memory_space<vmem>>, vector<16xf32>,
    tpu.vector_store %arg14[%swap3A_906], %broadcast_in_dim3A_4 {strides = array<i32>} : memref<1600xf32, #tpu.memory_space<vmem>>, vector<16xf32>,
    %swap3A_908 = arith.constant 1104 : index
    %swap3A_909 = tpu.vector_load %arg14[%swap3A_908] {strides = array<i32>} : memref<1600xf32, #tpu.memory_space<vmem>>, vector<16xf32>,
    tpu.vector_store %arg14[%swap3A_908], %broadcast_in_dim3A_4 {strides = array<i32>} : memref<1600xf32, #tpu.memory_space<vmem>>, vector<16xf32>,
    %swap3A_910 = arith.constant 1120 : index
    %swap3A_911 = tpu.vector_load %arg14[%swap3A_910] {strides = array<i32>} : memref<1600xf32, #tpu.memory_space<vmem>>, vector<16xf32>,
    tpu.vector_store %arg14[%swap3A_910], %broadcast_in_dim3A_4 {strides = array<i32>} : memref<1600xf32, #tpu.memory_space<vmem>>, vector<16xf32>,
    %swap3A_912 = arith.constant 1136 : index
    %swap3A_913 = tpu.vector_load %arg14[%swap3A_912] {strides = array<i32>} : memref<1600xf32, #tpu.memory_space<vmem>>, vector<16xf32>,
    tpu.vector_store %arg14[%swap3A_912], %broadcast_in_dim3A_4 {strides = array<i32>} : memref<1600xf32, #tpu.memory_space<vmem>>, vector<16xf32>,
    %swap3A_914 = arith.constant 1152 : index
    %swap3A_915 = tpu.vector_load %arg14[%swap3A_914] {strides = array<i32>} : memref<1600xf32, #tpu.memory_space<vmem>>, vector<16xf32>,
    tpu.vector_store %arg14[%swap3A_914], %broadcast_in_dim3A_4 {strides = array<i32>} : memref<1600xf32, #tpu.memory_space<vmem>>, vector<16xf32>,
    %swap3A_916 = arith.constant 1168 : index
    %swap3A_917 = tpu.vector_load %arg14[%swap3A_916] {strides = array<i32>} : memref<1600xf32, #tpu.memory_space<vmem>>, vector<16xf32>,
    tpu.vector_store %arg14[%swap3A_916], %broadcast_in_dim3A_4 {strides = array<i32>} : memref<1600xf32, #tpu.memory_space<vmem>>, vector<16xf32>,
    %swap3A_918 = arith.constant 1184 : index
    %swap3A_919 = tpu.vector_load %arg14[%swap3A_918] {strides = array<i32>} : memref<1600xf32, #tpu.memory_space<vmem>>, vector<16xf32>,
    tpu.vector_store %arg14[%swap3A_918], %broadcast_in_dim3A_4 {strides = array<i32>} : memref<1600xf32, #tpu.memory_space<vmem>>, vector<16xf32>,
    %swap3A_920 = arith.constant 1200 : index
    %swap3A_921 = tpu.vector_load %arg14[%swap3A_920] {strides = array<i32>} : memref<1600xf32, #tpu.memory_space<vmem>>, vector<16xf32>,
    tpu.vector_store %arg14[%swap3A_920], %broadcast_in_dim3A_4 {strides = array<i32>} : memref<1600xf32, #tpu.memory_space<vmem>>, vector<16xf32>,
    %swap3A_922 = arith.constant 1216 : index
    %swap3A_923 = tpu.vector_load %arg14[%swap3A_922] {strides = array<i32>} : memref<1600xf32, #tpu.memory_space<vmem>>, vector<16xf32>,
    tpu.vector_store %arg14[%swap3A_922], %broadcast_in_dim3A_4 {strides = array<i32>} : memref<1600xf32, #tpu.memory_space<vmem>>, vector<16xf32>,
    %swap3A_924 = arith.constant 1232 : index
    %swap3A_925 = tpu.vector_load %arg14[%swap3A_924] {strides = array<i32>} : memref<1600xf32, #tpu.memory_space<vmem>>, vector<16xf32>,
    tpu.vector_store %arg14[%swap3A_924], %broadcast_in_dim3A_4 {strides = array<i32>} : memref<1600xf32, #tpu.memory_space<vmem>>, vector<16xf32>,
    %swap3A_926 = arith.constant 1248 : index
    %swap3A_927 = tpu.vector_load %arg14[%swap3A_926] {strides = array<i32>} : memref<1600xf32, #tpu.memory_space<vmem>>, vector<16xf32>,
    tpu.vector_store %arg14[%swap3A_926], %broadcast_in_dim3A_4 {strides = array<i32>} : memref<1600xf32, #tpu.memory_space<vmem>>, vector<16xf32>,
    %swap3A_928 = arith.constant 1264 : index
    %swap3A_929 = tpu.vector_load %arg14[%swap3A_928] {strides = array<i32>} : memref<1600xf32, #tpu.memory_space<vmem>>, vector<16xf32>,
    tpu.vector_store %arg14[%swap3A_928], %broadcast_in_dim3A_4 {strides = array<i32>} : memref<1600xf32, #tpu.memory_space<vmem>>, vector<16xf32>,
    %swap3A_930 = arith.constant 1280 : index
    %swap3A_931 = tpu.vector_load %arg14[%swap3A_930] {strides = array<i32>} : memref<1600xf32, #tpu.memory_space<vmem>>, vector<16xf32>,
    tpu.vector_store %arg14[%swap3A_930], %broadcast_in_dim3A_4 {strides = array<i32>} : memref<1600xf32, #tpu.memory_space<vmem>>, vector<16xf32>,
    %swap3A_932 = arith.constant 1296 : index
    %swap3A_933 = tpu.vector_load %arg14[%swap3A_932] {strides = array<i32>} : memref<1600xf32, #tpu.memory_space<vmem>>, vector<16xf32>,
    tpu.vector_store %arg14[%swap3A_932], %broadcast_in_dim3A_4 {strides = array<i32>} : memref<1600xf32, #tpu.memory_space<vmem>>, vector<16xf32>,
    %swap3A_934 = arith.constant 1312 : index
    %swap3A_935 = tpu.vector_load %arg14[%swap3A_934] {strides = array<i32>} : memref<1600xf32, #tpu.memory_space<vmem>>, vector<16xf32>,
    tpu.vector_store %arg14[%swap3A_934], %broadcast_in_dim3A_4 {strides = array<i32>} : memref<1600xf32, #tpu.memory_space<vmem>>, vector<16xf32>,
    %swap3A_936 = arith.constant 1328 : index
    %swap3A_937 = tpu.vector_load %arg14[%swap3A_936] {strides = array<i32>} : memref<1600xf32, #tpu.memory_space<vmem>>, vector<16xf32>,
    tpu.vector_store %arg14[%swap3A_936], %broadcast_in_dim3A_4 {strides = array<i32>} : memref<1600xf32, #tpu.memory_space<vmem>>, vector<16xf32>,
    %swap3A_938 = arith.constant 1344 : index
    %swap3A_939 = tpu.vector_load %arg14[%swap3A_938] {strides = array<i32>} : memref<1600xf32, #tpu.memory_space<vmem>>, vector<16xf32>,
    tpu.vector_store %arg14[%swap3A_938], %broadcast_in_dim3A_4 {strides = array<i32>} : memref<1600xf32, #tpu.memory_space<vmem>>, vector<16xf32>,
    %swap3A_940 = arith.constant 1360 : index
    %swap3A_941 = tpu.vector_load %arg14[%swap3A_940] {strides = array<i32>} : memref<1600xf32, #tpu.memory_space<vmem>>, vector<16xf32>,
    tpu.vector_store %arg14[%swap3A_940], %broadcast_in_dim3A_4 {strides = array<i32>} : memref<1600xf32, #tpu.memory_space<vmem>>, vector<16xf32>,
    %swap3A_942 = arith.constant 1376 : index
    %swap3A_943 = tpu.vector_load %arg14[%swap3A_942] {strides = array<i32>} : memref<1600xf32, #tpu.memory_space<vmem>>, vector<16xf32>,
    tpu.vector_store %arg14[%swap3A_942], %broadcast_in_dim3A_4 {strides = array<i32>} : memref<1600xf32, #tpu.memory_space<vmem>>, vector<16xf32>,
    %swap3A_944 = arith.constant 1392 : index
    %swap3A_945 = tpu.vector_load %arg14[%swap3A_944] {strides = array<i32>} : memref<1600xf32, #tpu.memory_space<vmem>>, vector<16xf32>,
    tpu.vector_store %arg14[%swap3A_944], %broadcast_in_dim3A_4 {strides = array<i32>} : memref<1600xf32, #tpu.memory_space<vmem>>, vector<16xf32>,
    %swap3A_946 = arith.constant 1408 : index
    %swap3A_947 = tpu.vector_load %arg14[%swap3A_946] {strides = array<i32>} : memref<1600xf32, #tpu.memory_space<vmem>>, vector<16xf32>,
    tpu.vector_store %arg14[%swap3A_946], %broadcast_in_dim3A_4 {strides = array<i32>} : memref<1600xf32, #tpu.memory_space<vmem>>, vector<16xf32>,
    %swap3A_948 = arith.constant 1424 : index
    %swap3A_949 = tpu.vector_load %arg14[%swap3A_948] {strides = array<i32>} : memref<1600xf32, #tpu.memory_space<vmem>>, vector<16xf32>,
    tpu.vector_store %arg14[%swap3A_948], %broadcast_in_dim3A_4 {strides = array<i32>} : memref<1600xf32, #tpu.memory_space<vmem>>, vector<16xf32>,
    %swap3A_950 = arith.constant 1440 : index
    %swap3A_951 = tpu.vector_load %arg14[%swap3A_950] {strides = array<i32>} : memref<1600xf32, #tpu.memory_space<vmem>>, vector<16xf32>,
    tpu.vector_store %arg14[%swap3A_950], %broadcast_in_dim3A_4 {strides = array<i32>} : memref<1600xf32, #tpu.memory_space<vmem>>, vector<16xf32>,
    %swap3A_952 = arith.constant 1456 : index
    %swap3A_953 = tpu.vector_load %arg14[%swap3A_952] {strides = array<i32>} : memref<1600xf32, #tpu.memory_space<vmem>>, vector<16xf32>,
    tpu.vector_store %arg14[%swap3A_952], %broadcast_in_dim3A_4 {strides = array<i32>} : memref<1600xf32, #tpu.memory_space<vmem>>, vector<16xf32>,
    %swap3A_954 = arith.constant 1472 : index
    %swap3A_955 = tpu.vector_load %arg14[%swap3A_954] {strides = array<i32>} : memref<1600xf32, #tpu.memory_space<vmem>>, vector<16xf32>,
    tpu.vector_store %arg14[%swap3A_954], %broadcast_in_dim3A_4 {strides = array<i32>} : memref<1600xf32, #tpu.memory_space<vmem>>, vector<16xf32>,
    %swap3A_956 = arith.constant 1488 : index
    %swap3A_957 = tpu.vector_load %arg14[%swap3A_956] {strides = array<i32>} : memref<1600xf32, #tpu.memory_space<vmem>>, vector<16xf32>,
    tpu.vector_store %arg14[%swap3A_956], %broadcast_in_dim3A_4 {strides = array<i32>} : memref<1600xf32, #tpu.memory_space<vmem>>, vector<16xf32>,
    %swap3A_958 = arith.constant 1504 : index
    %swap3A_959 = tpu.vector_load %arg14[%swap3A_958] {strides = array<i32>} : memref<1600xf32, #tpu.memory_space<vmem>>, vector<16xf32>,
    tpu.vector_store %arg14[%swap3A_958], %broadcast_in_dim3A_4 {strides = array<i32>} : memref<1600xf32, #tpu.memory_space<vmem>>, vector<16xf32>,
    %swap3A_960 = arith.constant 1520 : index
    %swap3A_961 = tpu.vector_load %arg14[%swap3A_960] {strides = array<i32>} : memref<1600xf32, #tpu.memory_space<vmem>>, vector<16xf32>,
    tpu.vector_store %arg14[%swap3A_960], %broadcast_in_dim3A_4 {strides = array<i32>} : memref<1600xf32, #tpu.memory_space<vmem>>, vector<16xf32>,
    %swap3A_962 = arith.constant 1536 : index
    %swap3A_963 = tpu.vector_load %arg14[%swap3A_962] {strides = array<i32>} : memref<1600xf32, #tpu.memory_space<vmem>>, vector<16xf32>,
    tpu.vector_store %arg14[%swap3A_962], %broadcast_in_dim3A_4 {strides = array<i32>} : memref<1600xf32, #tpu.memory_space<vmem>>, vector<16xf32>,
    %swap3A_964 = arith.constant 1552 : index
    %swap3A_965 = tpu.vector_load %arg14[%swap3A_964] {strides = array<i32>} : memref<1600xf32, #tpu.memory_space<vmem>>, vector<16xf32>,
    tpu.vector_store %arg14[%swap3A_964], %broadcast_in_dim3A_4 {strides = array<i32>} : memref<1600xf32, #tpu.memory_space<vmem>>, vector<16xf32>,
    %swap3A_966 = arith.constant 1568 : index
    %swap3A_967 = tpu.vector_load %arg14[%swap3A_966] {strides = array<i32>} : memref<1600xf32, #tpu.memory_space<vmem>>, vector<16xf32>,
    tpu.vector_store %arg14[%swap3A_966], %broadcast_in_dim3A_4 {strides = array<i32>} : memref<1600xf32, #tpu.memory_space<vmem>>, vector<16xf32>,
    %swap3A_968 = arith.constant 1584 : index
    %swap3A_969 = tpu.vector_load %arg14[%swap3A_968] {strides = array<i32>} : memref<1600xf32, #tpu.memory_space<vmem>>, vector<16xf32>,
    tpu.vector_store %arg14[%swap3A_968], %broadcast_in_dim3A_4 {strides = array<i32>} : memref<1600xf32, #tpu.memory_space<vmem>>, vector<16xf32>,
    %broadcast_in_dim3A_970 = arith.constant 3.000000e+38 : f32
    %broadcast_in_dim3A_971 = vector.broadcast %broadcast_in_dim3A_970 : f32 to vector<16xf32>
    %broadcast_in_dim3A_972 = arith.constant 1073741824 : i32
    %broadcast_in_dim3A_973 = vector.broadcast %broadcast_in_dim3A_972 : i32 to vector<16xi32>
    %while3A = arith.constant 0 : i32
    %while3A_974 = arith.constant 0 : i32
    %while3A_975 = arith.constant 0 : i32
    %while3A_976 = arith.constant 1.000000e+09 : f32
    %while3A_977 = arith.constant 1.000000e+09 : f32
    %while3A_978:19 = scf.while (%while3A_987 = %while3A, %while3A_988 = %while3A_974, %while3A_989 = %while3A_975, %while3A_990 = %while3A_976, %while3A_991 = %while3A_977, %while3A_992 = %broadcast_in_dim3A_973, %while3A_993 = %broadcast_in_dim3A_4, %while3A_994 = %broadcast_in_dim3A_4, %while3A_995 = %broadcast_in_dim3A_4, %while3A_996 = %broadcast_in_dim3A_4, %while3A_997 = %broadcast_in_dim3A_971, %while3A_998 = %broadcast_in_dim3A_4, %while3A_999 = %broadcast_in_dim3A_973, %while3A_1000 = %broadcast_in_dim3A_4, %while3A_1001 = %broadcast_in_dim3A_4, %while3A_1002 = %broadcast_in_dim3A_4, %while3A_1003 = %broadcast_in_dim3A_4, %while3A_1004 = %broadcast_in_dim3A_971, %while3A_1005 = %broadcast_in_dim3A_4) : (i32, i32, i32, f32, f32, vector<16xi32>, vector<16xf32>, vector<16xf32>, vector<16xf32>, vector<16xf32>, vector<16xf32>, vector<16xf32>, vector<16xi32>, vector<16xf32>, vector<16xf32>, vector<16xf32>, vector<16xf32>, vector<16xf32>, vector<16xf32>) -> (i32, i32, i32, f32, f32, vector<16xi32>, vector<16xf32>, vector<16xf32>, vector<16xf32>, vector<16xf32>, vector<16xf32>, vector<16xf32>, vector<16xi32>, vector<16xf32>, vector<16xf32>, vector<16xf32>, vector<16xf32>, vector<16xf32>, vector<16xf32>) {
      %lt3A_1006 = arith.constant 5.000000e+03 : f32
      %lt3A_1007 = arith.cmpf olt, %while3A_990, %lt3A_1006 : f32
      %lt3A_1008 = arith.constant 5.000000e+03 : f32
      %lt3A_1009 = arith.cmpf olt, %while3A_991, %lt3A_1008 : f32
      %or3A = arith.ori %lt3A_1007, %lt3A_1009 : i1
      %lt3A_1010 = arith.cmpi slt, %while3A_988, %convert_element_type3A_15 : i32
      %le3A = arith.constant 100 : i32
      %le3A_1011 = arith.cmpi sle, %while3A_987, %le3A : i32
      %and3A = arith.andi %lt3A_1010, %le3A_1011 : i1
      %eq3A_1012 = arith.constant 0 : i32
      %eq3A_1013 = arith.cmpi eq, %while3A_989, %eq3A_1012 : i32
      %and3A_1014 = arith.andi %and3A, %eq3A_1013 : i1
      %or3A_1015 = arith.ori %or3A, %and3A_1014 : i1
      scf.condition(%or3A_1015) %while3A_987, %while3A_988, %while3A_989, %while3A_990, %while3A_991, %while3A_992, %while3A_993, %while3A_994, %while3A_995, %while3A_996, %while3A_997, %while3A_998, %while3A_999, %while3A_1000, %while3A_1001, %while3A_1002, %while3A_1003, %while3A_1004, %while3A_1005 : i32, i32, i32, f32, f32, vector<16xi32>, vector<16xf32>, vector<16xf32>, vector<16xf32>, vector<16xf32>, vector<16xf32>, vector<16xf32>, vector<16xi32>, vector<16xf32>, vector<16xf32>, vector<16xf32>, vector<16xf32>, vector<16xf32>, vector<16xf32>
    } do {
    ^bb0(%while3A_987: i32, %while3A_988: i32, %while3A_989: i32, %while3A_990: f32, %while3A_991: f32, %while3A_992: vector<16xi32>, %while3A_993: vector<16xf32>, %while3A_994: vector<16xf32>, %while3A_995: vector<16xf32>, %while3A_996: vector<16xf32>, %while3A_997: vector<16xf32>, %while3A_998: vector<16xf32>, %while3A_999: vector<16xi32>, %while3A_1000: vector<16xf32>, %while3A_1001: vector<16xf32>, %while3A_1002: vector<16xf32>, %while3A_1003: vector<16xf32>, %while3A_1004: vector<16xf32>, %while3A_1005: vector<16xf32>):
      %lt3A_1006 = arith.constant 5000 : i32
      %lt3A_1007 = vector.broadcast %lt3A_1006 : i32 to vector<16xi32>
      %lt3A_1008 = arith.cmpi slt, %while3A_992, %lt3A_1007 : vector<16xi32>
      %lt3A_1009 = arith.constant 5000 : i32
      %lt3A_1010 = vector.broadcast %lt3A_1009 : i32 to vector<16xi32>
      %lt3A_1011 = arith.cmpi slt, %while3A_999, %lt3A_1010 : vector<16xi32>
      %broadcast_in_dim3A_1012 = arith.constant -1.000000e+30 : f32
      %broadcast_in_dim3A_1013 = vector.broadcast %broadcast_in_dim3A_1012 : f32 to vector<16xf32>
      %broadcast_in_dim3A_1014 = arith.constant 1.000000e+09 : f32
      %broadcast_in_dim3A_1015 = vector.broadcast %broadcast_in_dim3A_1014 : f32 to vector<16xf32>
      %broadcast_in_dim3A_1016 = arith.constant -1.000000e+30 : f32
      %broadcast_in_dim3A_1017 = vector.broadcast %broadcast_in_dim3A_1016 : f32 to vector<16xf32>
      %broadcast_in_dim3A_1018 = arith.constant 1.000000e+09 : f32
      %broadcast_in_dim3A_1019 = vector.broadcast %broadcast_in_dim3A_1018 : f32 to vector<16xf32>
      %add3A_1020 = arith.constant 0 : i32
      %add3A_1021 = arith.addi %mul3A_0, %add3A_1020 : i32
      %add3A_1022 = vector.broadcast %add3A_1021 : i32 to vector<16xi32>
      %add3A_1023 = arith.addi %add3A_1022, %iota3A : vector<16xi32>
      %get3A_1024 = arith.constant 0 : index
      %get3A_1025 = tpu.vector_load %arg13[%get3A_1024] {strides = array<i32>} : memref<320xf32, #tpu.memory_space<vmem>>, vector<16xf32>,
      %get3A_1026 = arith.constant 0 : index
      %get3A_1027 = tpu.vector_load %arg7[%get3A_1026] {strides = array<i32>} : memref<320xf32, #tpu.memory_space<vmem>>, vector<16xf32>,
      %get3A_1028 = arith.constant 0 : index
      %get3A_1029 = tpu.vector_load %arg8[%get3A_1028] {strides = array<i32>} : memref<320xf32, #tpu.memory_space<vmem>>, vector<16xf32>,
      %get3A_1030 = arith.constant 0 : index
      %get3A_1031 = tpu.vector_load %arg9[%get3A_1030] {strides = array<i32>} : memref<320xf32, #tpu.memory_space<vmem>>, vector<16xf32>,
      %get3A_1032 = arith.constant 0 : index
      %get3A_1033 = tpu.vector_load %arg10[%get3A_1032] {strides = array<i32>} : memref<320xf32, #tpu.memory_space<vmem>>, vector<16xf32>,
      %get3A_1034 = arith.constant 0 : index
      %get3A_1035 = tpu.vector_load %arg11[%get3A_1034] {strides = array<i32>} : memref<320xf32, #tpu.memory_space<vmem>>, vector<16xf32>,
      %sub3A = arith.subf %get3A_1031, %get3A_1027 : vector<16xf32>
      %sub3A_1036 = arith.subf %get3A_1033, %get3A_1029 : vector<16xf32>
      %mul3A_1037 = arith.mulf %sub3A, %sub3A_1036 : vector<16xf32>
      %min3A = arith.minimumf %get3A_1031, %while3A_995 : vector<16xf32>
      %max3A = arith.maximumf %get3A_1027, %while3A_993 : vector<16xf32>
      %sub3A_1038 = arith.subf %min3A, %max3A : vector<16xf32>
      %max3A_1039 = arith.constant 0.000000e+00 : f32
      %max3A_1040 = vector.broadcast %max3A_1039 : f32 to vector<16xf32>
      %max3A_1041 = arith.maximumf %sub3A_1038, %max3A_1040 : vector<16xf32>
      %min3A_1042 = arith.minimumf %get3A_1033, %while3A_996 : vector<16xf32>
      %max3A_1043 = arith.maximumf %get3A_1029, %while3A_994 : vector<16xf32>
      %sub3A_1044 = arith.subf %min3A_1042, %max3A_1043 : vector<16xf32>
      %max3A_1045 = arith.constant 0.000000e+00 : f32
      %max3A_1046 = vector.broadcast %max3A_1045 : f32 to vector<16xf32>
      %max3A_1047 = arith.maximumf %sub3A_1044, %max3A_1046 : vector<16xf32>
      %mul3A_1048 = arith.mulf %max3A_1041, %max3A_1047 : vector<16xf32>
      %add3A_1049 = arith.addf %mul3A_1037, %while3A_998 : vector<16xf32>
      %sub3A_1050 = arith.subf %add3A_1049, %mul3A_1048 : vector<16xf32>
      %max3A_1051 = arith.constant 9.99999971E-10 : f32
      %max3A_1052 = vector.broadcast %max3A_1051 : f32 to vector<16xf32>
      %max3A_1053 = arith.maximumf %sub3A_1050, %max3A_1052 : vector<16xf32>
      %mul3A_1054 = arith.constant 5.000000e-01 : f32
      %mul3A_1055 = vector.broadcast %mul3A_1054 : f32 to vector<16xf32>
      %mul3A_1056 = arith.mulf %mul3A_1055, %max3A_1053 : vector<16xf32>
      %gt3A = arith.cmpf ogt, %mul3A_1048, %mul3A_1056 : vector<16xf32>
      %and3A = arith.andi %gt3A, %lt3A_1008 : vector<16xi1>
      %min3A_1057 = arith.minimumf %get3A_1031, %while3A_1002 : vector<16xf32>
      %max3A_1058 = arith.maximumf %get3A_1027, %while3A_1000 : vector<16xf32>
      %sub3A_1059 = arith.subf %min3A_1057, %max3A_1058 : vector<16xf32>
      %max3A_1060 = arith.constant 0.000000e+00 : f32
      %max3A_1061 = vector.broadcast %max3A_1060 : f32 to vector<16xf32>
      %max3A_1062 = arith.maximumf %sub3A_1059, %max3A_1061 : vector<16xf32>
      %min3A_1063 = arith.minimumf %get3A_1033, %while3A_1003 : vector<16xf32>
      %max3A_1064 = arith.maximumf %get3A_1029, %while3A_1001 : vector<16xf32>
      %sub3A_1065 = arith.subf %min3A_1063, %max3A_1064 : vector<16xf32>
      %max3A_1066 = arith.constant 0.000000e+00 : f32
      %max3A_1067 = vector.broadcast %max3A_1066 : f32 to vector<16xf32>
      %max3A_1068 = arith.maximumf %sub3A_1065, %max3A_1067 : vector<16xf32>
      %mul3A_1069 = arith.mulf %max3A_1062, %max3A_1068 : vector<16xf32>
      %add3A_1070 = arith.addf %mul3A_1037, %while3A_1005 : vector<16xf32>
      %sub3A_1071 = arith.subf %add3A_1070, %mul3A_1069 : vector<16xf32>
      %max3A_1072 = arith.constant 9.99999971E-10 : f32
      %max3A_1073 = vector.broadcast %max3A_1072 : f32 to vector<16xf32>
      %max3A_1074 = arith.maximumf %sub3A_1071, %max3A_1073 : vector<16xf32>
      %mul3A_1075 = arith.constant 5.000000e-01 : f32
      %mul3A_1076 = vector.broadcast %mul3A_1075 : f32 to vector<16xf32>
      %mul3A_1077 = arith.mulf %mul3A_1076, %max3A_1074 : vector<16xf32>
      %gt3A_1078 = arith.cmpf ogt, %mul3A_1069, %mul3A_1077 : vector<16xf32>
      %and3A_1079 = arith.andi %gt3A_1078, %lt3A_1011 : vector<16xi1>
      %ne3A = arith.cmpi ne, %add3A_1023, %while3A_992 : vector<16xi32>
      %ne3A_1080 = arith.cmpi ne, %add3A_1023, %while3A_999 : vector<16xi32>
      %and3A_1081 = arith.andi %ne3A, %ne3A_1080 : vector<16xi1>
      %not3A = arith.constant dense<true> : vector<16xi1>
      %not3A_1082 = arith.xori %and3A, %not3A : vector<16xi1>
      %and3A_1083 = arith.andi %and3A_1081, %not3A_1082 : vector<16xi1>
      %not3A_1084 = arith.constant dense<true> : vector<16xi1>
      %not3A_1085 = arith.xori %and3A_1079, %not3A_1084 : vector<16xi1>
      %and3A_1086 = arith.andi %and3A_1083, %not3A_1085 : vector<16xi1>
      %gt3A_1087 = arith.constant 5.000000e-01 : f32
      %gt3A_1088 = vector.broadcast %gt3A_1087 : f32 to vector<16xf32>
      %gt3A_1089 = arith.cmpf ogt, %get3A_1025, %gt3A_1088 : vector<16xf32>
      %and3A_1090 = arith.andi %and3A_1086, %gt3A_1089 : vector<16xi1>
      %jit3A_1091 = arith.constant 1.000000e+00 : f32
      %jit3A_1092 = arith.constant 0.000000e+00 : f32
      %broadcast_in_dim3A_1093 = vector.broadcast %jit3A_1091 : f32 to vector<16xf32>
      %broadcast_in_dim3A_1094 = vector.broadcast %jit3A_1092 : f32 to vector<16xf32>
      %select_n3A_1095 = arith.select %and3A_1090, %broadcast_in_dim3A_1093, %broadcast_in_dim3A_1094 : vector<16xi1>, vector<16xf32>
      %swap3A_1096 = arith.constant 0 : index
      %swap3A_1097 = tpu.vector_load %arg13[%swap3A_1096] {strides = array<i32>} : memref<320xf32, #tpu.memory_space<vmem>>, vector<16xf32>,
      tpu.vector_store %arg13[%swap3A_1096], %select_n3A_1095 {strides = array<i32>} : memref<320xf32, #tpu.memory_space<vmem>>, vector<16xf32>,
      %gt3A_1098 = arith.cmpf ogt, %get3A_1035, %while3A_997 : vector<16xf32>
      %eq3A_1099 = arith.cmpf oeq, %get3A_1035, %while3A_997 : vector<16xf32>
      %lt3A_1100 = arith.cmpi slt, %add3A_1023, %while3A_992 : vector<16xi32>
      %and3A_1101 = arith.andi %eq3A_1099, %lt3A_1100 : vector<16xi1>
      %or3A = arith.ori %gt3A_1098, %and3A_1101 : vector<16xi1>
      %jit3A_1102 = arith.constant 1.000000e+00 : f32
      %jit3A_1103 = arith.constant 0.000000e+00 : f32
      %broadcast_in_dim3A_1104 = vector.broadcast %jit3A_1102 : f32 to vector<16xf32>
      %broadcast_in_dim3A_1105 = vector.broadcast %jit3A_1103 : f32 to vector<16xf32>
      %select_n3A_1106 = arith.select %or3A, %broadcast_in_dim3A_1104, %broadcast_in_dim3A_1105 : vector<16xi1>, vector<16xf32>
      %add3A_1107 = arith.addf %broadcast_in_dim3A_4, %select_n3A_1106 : vector<16xf32>
      %gt3A_1108 = arith.cmpf ogt, %get3A_1035, %while3A_1004 : vector<16xf32>
      %eq3A_1109 = arith.cmpf oeq, %get3A_1035, %while3A_1004 : vector<16xf32>
      %lt3A_1110 = arith.cmpi slt, %add3A_1023, %while3A_999 : vector<16xi32>
      %and3A_1111 = arith.andi %eq3A_1109, %lt3A_1110 : vector<16xi1>
      %or3A_1112 = arith.ori %gt3A_1108, %and3A_1111 : vector<16xi1>
      %jit3A_1113 = arith.constant 1.000000e+00 : f32
      %jit3A_1114 = arith.constant 0.000000e+00 : f32
      %broadcast_in_dim3A_1115 = vector.broadcast %jit3A_1113 : f32 to vector<16xf32>
      %broadcast_in_dim3A_1116 = vector.broadcast %jit3A_1114 : f32 to vector<16xf32>
      %select_n3A_1117 = arith.select %or3A_1112, %broadcast_in_dim3A_1115, %broadcast_in_dim3A_1116 : vector<16xi1>, vector<16xf32>
      %add3A_1118 = arith.addf %broadcast_in_dim3A_4, %select_n3A_1117 : vector<16xf32>
      %gt3A_1119 = arith.constant 5.000000e-01 : f32
      %gt3A_1120 = vector.broadcast %gt3A_1119 : f32 to vector<16xf32>
      %gt3A_1121 = arith.cmpf ogt, %select_n3A_1095, %gt3A_1120 : vector<16xf32>
      %jit3A_1122 = arith.constant -1.000000e+30 : f32
      %broadcast_in_dim3A_1123 = vector.broadcast %jit3A_1122 : f32 to vector<16xf32>
      %select_n3A_1124 = arith.select %gt3A_1121, %get3A_1035, %broadcast_in_dim3A_1123 : vector<16xi1>, vector<16xf32>
      %convert_element_type3A_1125 = arith.sitofp %add3A_1023 : vector<16xi32> to vector<16xf32>
      %gt3A_1126 = arith.cmpf ogt, %select_n3A_1124, %broadcast_in_dim3A_1013 : vector<16xf32>
      %gt3A_1127 = arith.cmpf ogt, %select_n3A_1124, %broadcast_in_dim3A_1017 : vector<16xf32>
      %select_n3A_1128 = arith.select %gt3A_1127, %select_n3A_1124, %broadcast_in_dim3A_1017 : vector<16xi1>, vector<16xf32>
      %select_n3A_1129 = arith.select %gt3A_1126, %broadcast_in_dim3A_1013, %select_n3A_1128 : vector<16xi1>, vector<16xf32>
      %select_n3A_1130 = arith.select %gt3A_1127, %convert_element_type3A_1125, %broadcast_in_dim3A_1019 : vector<16xi1>, vector<16xf32>
      %select_n3A_1131 = arith.select %gt3A_1126, %broadcast_in_dim3A_1015, %select_n3A_1130 : vector<16xi1>, vector<16xf32>
      %select_n3A_1132 = arith.select %gt3A_1126, %select_n3A_1124, %broadcast_in_dim3A_1013 : vector<16xi1>, vector<16xf32>
      %select_n3A_1133 = arith.select %gt3A_1126, %convert_element_type3A_1125, %broadcast_in_dim3A_1015 : vector<16xi1>, vector<16xf32>
      %add3A_1134 = arith.constant 16 : i32
      %add3A_1135 = arith.addi %mul3A_0, %add3A_1134 : i32
      %add3A_1136 = vector.broadcast %add3A_1135 : i32 to vector<16xi32>
      %add3A_1137 = arith.addi %add3A_1136, %iota3A : vector<16xi32>
      %get3A_1138 = arith.constant 16 : index
      %get3A_1139 = tpu.vector_load %arg13[%get3A_1138] {strides = array<i32>} : memref<320xf32, #tpu.memory_space<vmem>>, vector<16xf32>,
      %get3A_1140 = arith.constant 16 : index
      %get3A_1141 = tpu.vector_load %arg7[%get3A_1140] {strides = array<i32>} : memref<320xf32, #tpu.memory_space<vmem>>, vector<16xf32>,
      %get3A_1142 = arith.constant 16 : index
      %get3A_1143 = tpu.vector_load %arg8[%get3A_1142] {strides = array<i32>} : memref<320xf32, #tpu.memory_space<vmem>>, vector<16xf32>,
      %get3A_1144 = arith.constant 16 : index
      %get3A_1145 = tpu.vector_load %arg9[%get3A_1144] {strides = array<i32>} : memref<320xf32, #tpu.memory_space<vmem>>, vector<16xf32>,
      %get3A_1146 = arith.constant 16 : index
      %get3A_1147 = tpu.vector_load %arg10[%get3A_1146] {strides = array<i32>} : memref<320xf32, #tpu.memory_space<vmem>>, vector<16xf32>,
      %get3A_1148 = arith.constant 16 : index
      %get3A_1149 = tpu.vector_load %arg11[%get3A_1148] {strides = array<i32>} : memref<320xf32, #tpu.memory_space<vmem>>, vector<16xf32>,
      %sub3A_1150 = arith.subf %get3A_1145, %get3A_1141 : vector<16xf32>
      %sub3A_1151 = arith.subf %get3A_1147, %get3A_1143 : vector<16xf32>
      %mul3A_1152 = arith.mulf %sub3A_1150, %sub3A_1151 : vector<16xf32>
      %min3A_1153 = arith.minimumf %get3A_1145, %while3A_995 : vector<16xf32>
      %max3A_1154 = arith.maximumf %get3A_1141, %while3A_993 : vector<16xf32>
      %sub3A_1155 = arith.subf %min3A_1153, %max3A_1154 : vector<16xf32>
      %max3A_1156 = arith.constant 0.000000e+00 : f32
      %max3A_1157 = vector.broadcast %max3A_1156 : f32 to vector<16xf32>
      %max3A_1158 = arith.maximumf %sub3A_1155, %max3A_1157 : vector<16xf32>
      %min3A_1159 = arith.minimumf %get3A_1147, %while3A_996 : vector<16xf32>
      %max3A_1160 = arith.maximumf %get3A_1143, %while3A_994 : vector<16xf32>
      %sub3A_1161 = arith.subf %min3A_1159, %max3A_1160 : vector<16xf32>
      %max3A_1162 = arith.constant 0.000000e+00 : f32
      %max3A_1163 = vector.broadcast %max3A_1162 : f32 to vector<16xf32>
      %max3A_1164 = arith.maximumf %sub3A_1161, %max3A_1163 : vector<16xf32>
      %mul3A_1165 = arith.mulf %max3A_1158, %max3A_1164 : vector<16xf32>
      %add3A_1166 = arith.addf %mul3A_1152, %while3A_998 : vector<16xf32>
      %sub3A_1167 = arith.subf %add3A_1166, %mul3A_1165 : vector<16xf32>
      %max3A_1168 = arith.constant 9.99999971E-10 : f32
      %max3A_1169 = vector.broadcast %max3A_1168 : f32 to vector<16xf32>
      %max3A_1170 = arith.maximumf %sub3A_1167, %max3A_1169 : vector<16xf32>
      %mul3A_1171 = arith.constant 5.000000e-01 : f32
      %mul3A_1172 = vector.broadcast %mul3A_1171 : f32 to vector<16xf32>
      %mul3A_1173 = arith.mulf %mul3A_1172, %max3A_1170 : vector<16xf32>
      %gt3A_1174 = arith.cmpf ogt, %mul3A_1165, %mul3A_1173 : vector<16xf32>
      %and3A_1175 = arith.andi %gt3A_1174, %lt3A_1008 : vector<16xi1>
      %min3A_1176 = arith.minimumf %get3A_1145, %while3A_1002 : vector<16xf32>
      %max3A_1177 = arith.maximumf %get3A_1141, %while3A_1000 : vector<16xf32>
      %sub3A_1178 = arith.subf %min3A_1176, %max3A_1177 : vector<16xf32>
      %max3A_1179 = arith.constant 0.000000e+00 : f32
      %max3A_1180 = vector.broadcast %max3A_1179 : f32 to vector<16xf32>
      %max3A_1181 = arith.maximumf %sub3A_1178, %max3A_1180 : vector<16xf32>
      %min3A_1182 = arith.minimumf %get3A_1147, %while3A_1003 : vector<16xf32>
      %max3A_1183 = arith.maximumf %get3A_1143, %while3A_1001 : vector<16xf32>
      %sub3A_1184 = arith.subf %min3A_1182, %max3A_1183 : vector<16xf32>
      %max3A_1185 = arith.constant 0.000000e+00 : f32
      %max3A_1186 = vector.broadcast %max3A_1185 : f32 to vector<16xf32>
      %max3A_1187 = arith.maximumf %sub3A_1184, %max3A_1186 : vector<16xf32>
      %mul3A_1188 = arith.mulf %max3A_1181, %max3A_1187 : vector<16xf32>
      %add3A_1189 = arith.addf %mul3A_1152, %while3A_1005 : vector<16xf32>
      %sub3A_1190 = arith.subf %add3A_1189, %mul3A_1188 : vector<16xf32>
      %max3A_1191 = arith.constant 9.99999971E-10 : f32
      %max3A_1192 = vector.broadcast %max3A_1191 : f32 to vector<16xf32>
      %max3A_1193 = arith.maximumf %sub3A_1190, %max3A_1192 : vector<16xf32>
      %mul3A_1194 = arith.constant 5.000000e-01 : f32
      %mul3A_1195 = vector.broadcast %mul3A_1194 : f32 to vector<16xf32>
      %mul3A_1196 = arith.mulf %mul3A_1195, %max3A_1193 : vector<16xf32>
      %gt3A_1197 = arith.cmpf ogt, %mul3A_1188, %mul3A_1196 : vector<16xf32>
      %and3A_1198 = arith.andi %gt3A_1197, %lt3A_1011 : vector<16xi1>
      %ne3A_1199 = arith.cmpi ne, %add3A_1137, %while3A_992 : vector<16xi32>
      %ne3A_1200 = arith.cmpi ne, %add3A_1137, %while3A_999 : vector<16xi32>
      %and3A_1201 = arith.andi %ne3A_1199, %ne3A_1200 : vector<16xi1>
      %not3A_1202 = arith.constant dense<true> : vector<16xi1>
      %not3A_1203 = arith.xori %and3A_1175, %not3A_1202 : vector<16xi1>
      %and3A_1204 = arith.andi %and3A_1201, %not3A_1203 : vector<16xi1>
      %not3A_1205 = arith.constant dense<true> : vector<16xi1>
      %not3A_1206 = arith.xori %and3A_1198, %not3A_1205 : vector<16xi1>
      %and3A_1207 = arith.andi %and3A_1204, %not3A_1206 : vector<16xi1>
      %gt3A_1208 = arith.constant 5.000000e-01 : f32
      %gt3A_1209 = vector.broadcast %gt3A_1208 : f32 to vector<16xf32>
      %gt3A_1210 = arith.cmpf ogt, %get3A_1139, %gt3A_1209 : vector<16xf32>
      %and3A_1211 = arith.andi %and3A_1207, %gt3A_1210 : vector<16xi1>
      %jit3A_1212 = arith.constant 1.000000e+00 : f32
      %jit3A_1213 = arith.constant 0.000000e+00 : f32
      %broadcast_in_dim3A_1214 = vector.broadcast %jit3A_1212 : f32 to vector<16xf32>
      %broadcast_in_dim3A_1215 = vector.broadcast %jit3A_1213 : f32 to vector<16xf32>
      %select_n3A_1216 = arith.select %and3A_1211, %broadcast_in_dim3A_1214, %broadcast_in_dim3A_1215 : vector<16xi1>, vector<16xf32>
      %swap3A_1217 = arith.constant 16 : index
      %swap3A_1218 = tpu.vector_load %arg13[%swap3A_1217] {strides = array<i32>} : memref<320xf32, #tpu.memory_space<vmem>>, vector<16xf32>,
      tpu.vector_store %arg13[%swap3A_1217], %select_n3A_1216 {strides = array<i32>} : memref<320xf32, #tpu.memory_space<vmem>>, vector<16xf32>,
      %gt3A_1219 = arith.cmpf ogt, %get3A_1149, %while3A_997 : vector<16xf32>
      %eq3A_1220 = arith.cmpf oeq, %get3A_1149, %while3A_997 : vector<16xf32>
      %lt3A_1221 = arith.cmpi slt, %add3A_1137, %while3A_992 : vector<16xi32>
      %and3A_1222 = arith.andi %eq3A_1220, %lt3A_1221 : vector<16xi1>
      %or3A_1223 = arith.ori %gt3A_1219, %and3A_1222 : vector<16xi1>
      %jit3A_1224 = arith.constant 1.000000e+00 : f32
      %jit3A_1225 = arith.constant 0.000000e+00 : f32
      %broadcast_in_dim3A_1226 = vector.broadcast %jit3A_1224 : f32 to vector<16xf32>
      %broadcast_in_dim3A_1227 = vector.broadcast %jit3A_1225 : f32 to vector<16xf32>
      %select_n3A_1228 = arith.select %or3A_1223, %broadcast_in_dim3A_1226, %broadcast_in_dim3A_1227 : vector<16xi1>, vector<16xf32>
      %add3A_1229 = arith.addf %add3A_1107, %select_n3A_1228 : vector<16xf32>
      %gt3A_1230 = arith.cmpf ogt, %get3A_1149, %while3A_1004 : vector<16xf32>
      %eq3A_1231 = arith.cmpf oeq, %get3A_1149, %while3A_1004 : vector<16xf32>
      %lt3A_1232 = arith.cmpi slt, %add3A_1137, %while3A_999 : vector<16xi32>
      %and3A_1233 = arith.andi %eq3A_1231, %lt3A_1232 : vector<16xi1>
      %or3A_1234 = arith.ori %gt3A_1230, %and3A_1233 : vector<16xi1>
      %jit3A_1235 = arith.constant 1.000000e+00 : f32
      %jit3A_1236 = arith.constant 0.000000e+00 : f32
      %broadcast_in_dim3A_1237 = vector.broadcast %jit3A_1235 : f32 to vector<16xf32>
      %broadcast_in_dim3A_1238 = vector.broadcast %jit3A_1236 : f32 to vector<16xf32>
      %select_n3A_1239 = arith.select %or3A_1234, %broadcast_in_dim3A_1237, %broadcast_in_dim3A_1238 : vector<16xi1>, vector<16xf32>
      %add3A_1240 = arith.addf %add3A_1118, %select_n3A_1239 : vector<16xf32>
      %gt3A_1241 = arith.constant 5.000000e-01 : f32
      %gt3A_1242 = vector.broadcast %gt3A_1241 : f32 to vector<16xf32>
      %gt3A_1243 = arith.cmpf ogt, %select_n3A_1216, %gt3A_1242 : vector<16xf32>
      %jit3A_1244 = arith.constant -1.000000e+30 : f32
      %broadcast_in_dim3A_1245 = vector.broadcast %jit3A_1244 : f32 to vector<16xf32>
      %select_n3A_1246 = arith.select %gt3A_1243, %get3A_1149, %broadcast_in_dim3A_1245 : vector<16xi1>, vector<16xf32>
      %convert_element_type3A_1247 = arith.sitofp %add3A_1137 : vector<16xi32> to vector<16xf32>
      %gt3A_1248 = arith.cmpf ogt, %select_n3A_1246, %select_n3A_1132 : vector<16xf32>
      %gt3A_1249 = arith.cmpf ogt, %select_n3A_1246, %select_n3A_1129 : vector<16xf32>
      %select_n3A_1250 = arith.select %gt3A_1249, %select_n3A_1246, %select_n3A_1129 : vector<16xi1>, vector<16xf32>
      %select_n3A_1251 = arith.select %gt3A_1248, %select_n3A_1132, %select_n3A_1250 : vector<16xi1>, vector<16xf32>
      %select_n3A_1252 = arith.select %gt3A_1249, %convert_element_type3A_1247, %select_n3A_1131 : vector<16xi1>, vector<16xf32>
      %select_n3A_1253 = arith.select %gt3A_1248, %select_n3A_1133, %select_n3A_1252 : vector<16xi1>, vector<16xf32>
      %select_n3A_1254 = arith.select %gt3A_1248, %select_n3A_1246, %select_n3A_1132 : vector<16xi1>, vector<16xf32>
      %select_n3A_1255 = arith.select %gt3A_1248, %convert_element_type3A_1247, %select_n3A_1133 : vector<16xi1>, vector<16xf32>
      %add3A_1256 = arith.constant 32 : i32
      %add3A_1257 = arith.addi %mul3A_0, %add3A_1256 : i32
      %add3A_1258 = vector.broadcast %add3A_1257 : i32 to vector<16xi32>
      %add3A_1259 = arith.addi %add3A_1258, %iota3A : vector<16xi32>
      %get3A_1260 = arith.constant 32 : index
      %get3A_1261 = tpu.vector_load %arg13[%get3A_1260] {strides = array<i32>} : memref<320xf32, #tpu.memory_space<vmem>>, vector<16xf32>,
      %get3A_1262 = arith.constant 32 : index
      %get3A_1263 = tpu.vector_load %arg7[%get3A_1262] {strides = array<i32>} : memref<320xf32, #tpu.memory_space<vmem>>, vector<16xf32>,
      %get3A_1264 = arith.constant 32 : index
      %get3A_1265 = tpu.vector_load %arg8[%get3A_1264] {strides = array<i32>} : memref<320xf32, #tpu.memory_space<vmem>>, vector<16xf32>,
      %get3A_1266 = arith.constant 32 : index
      %get3A_1267 = tpu.vector_load %arg9[%get3A_1266] {strides = array<i32>} : memref<320xf32, #tpu.memory_space<vmem>>, vector<16xf32>,
      %get3A_1268 = arith.constant 32 : index
      %get3A_1269 = tpu.vector_load %arg10[%get3A_1268] {strides = array<i32>} : memref<320xf32, #tpu.memory_space<vmem>>, vector<16xf32>,
      %get3A_1270 = arith.constant 32 : index
      %get3A_1271 = tpu.vector_load %arg11[%get3A_1270] {strides = array<i32>} : memref<320xf32, #tpu.memory_space<vmem>>, vector<16xf32>,
      %sub3A_1272 = arith.subf %get3A_1267, %get3A_1263 : vector<16xf32>
      %sub3A_1273 = arith.subf %get3A_1269, %get3A_1265 : vector<16xf32>
      %mul3A_1274 = arith.mulf %sub3A_1272, %sub3A_1273 : vector<16xf32>
      %min3A_1275 = arith.minimumf %get3A_1267, %while3A_995 : vector<16xf32>
      %max3A_1276 = arith.maximumf %get3A_1263, %while3A_993 : vector<16xf32>
      %sub3A_1277 = arith.subf %min3A_1275, %max3A_1276 : vector<16xf32>
      %max3A_1278 = arith.constant 0.000000e+00 : f32
      %max3A_1279 = vector.broadcast %max3A_1278 : f32 to vector<16xf32>
      %max3A_1280 = arith.maximumf %sub3A_1277, %max3A_1279 : vector<16xf32>
      %min3A_1281 = arith.minimumf %get3A_1269, %while3A_996 : vector<16xf32>
      %max3A_1282 = arith.maximumf %get3A_1265, %while3A_994 : vector<16xf32>
      %sub3A_1283 = arith.subf %min3A_1281, %max3A_1282 : vector<16xf32>
      %max3A_1284 = arith.constant 0.000000e+00 : f32
      %max3A_1285 = vector.broadcast %max3A_1284 : f32 to vector<16xf32>
      %max3A_1286 = arith.maximumf %sub3A_1283, %max3A_1285 : vector<16xf32>
      %mul3A_1287 = arith.mulf %max3A_1280, %max3A_1286 : vector<16xf32>
      %add3A_1288 = arith.addf %mul3A_1274, %while3A_998 : vector<16xf32>
      %sub3A_1289 = arith.subf %add3A_1288, %mul3A_1287 : vector<16xf32>
      %max3A_1290 = arith.constant 9.99999971E-10 : f32
      %max3A_1291 = vector.broadcast %max3A_1290 : f32 to vector<16xf32>
      %max3A_1292 = arith.maximumf %sub3A_1289, %max3A_1291 : vector<16xf32>
      %mul3A_1293 = arith.constant 5.000000e-01 : f32
      %mul3A_1294 = vector.broadcast %mul3A_1293 : f32 to vector<16xf32>
      %mul3A_1295 = arith.mulf %mul3A_1294, %max3A_1292 : vector<16xf32>
      %gt3A_1296 = arith.cmpf ogt, %mul3A_1287, %mul3A_1295 : vector<16xf32>
      %and3A_1297 = arith.andi %gt3A_1296, %lt3A_1008 : vector<16xi1>
      %min3A_1298 = arith.minimumf %get3A_1267, %while3A_1002 : vector<16xf32>
      %max3A_1299 = arith.maximumf %get3A_1263, %while3A_1000 : vector<16xf32>
      %sub3A_1300 = arith.subf %min3A_1298, %max3A_1299 : vector<16xf32>
      %max3A_1301 = arith.constant 0.000000e+00 : f32
      %max3A_1302 = vector.broadcast %max3A_1301 : f32 to vector<16xf32>
      %max3A_1303 = arith.maximumf %sub3A_1300, %max3A_1302 : vector<16xf32>
      %min3A_1304 = arith.minimumf %get3A_1269, %while3A_1003 : vector<16xf32>
      %max3A_1305 = arith.maximumf %get3A_1265, %while3A_1001 : vector<16xf32>
      %sub3A_1306 = arith.subf %min3A_1304, %max3A_1305 : vector<16xf32>
      %max3A_1307 = arith.constant 0.000000e+00 : f32
      %max3A_1308 = vector.broadcast %max3A_1307 : f32 to vector<16xf32>
      %max3A_1309 = arith.maximumf %sub3A_1306, %max3A_1308 : vector<16xf32>
      %mul3A_1310 = arith.mulf %max3A_1303, %max3A_1309 : vector<16xf32>
      %add3A_1311 = arith.addf %mul3A_1274, %while3A_1005 : vector<16xf32>
      %sub3A_1312 = arith.subf %add3A_1311, %mul3A_1310 : vector<16xf32>
      %max3A_1313 = arith.constant 9.99999971E-10 : f32
      %max3A_1314 = vector.broadcast %max3A_1313 : f32 to vector<16xf32>
      %max3A_1315 = arith.maximumf %sub3A_1312, %max3A_1314 : vector<16xf32>
      %mul3A_1316 = arith.constant 5.000000e-01 : f32
      %mul3A_1317 = vector.broadcast %mul3A_1316 : f32 to vector<16xf32>
      %mul3A_1318 = arith.mulf %mul3A_1317, %max3A_1315 : vector<16xf32>
      %gt3A_1319 = arith.cmpf ogt, %mul3A_1310, %mul3A_1318 : vector<16xf32>
      %and3A_1320 = arith.andi %gt3A_1319, %lt3A_1011 : vector<16xi1>
      %ne3A_1321 = arith.cmpi ne, %add3A_1259, %while3A_992 : vector<16xi32>
      %ne3A_1322 = arith.cmpi ne, %add3A_1259, %while3A_999 : vector<16xi32>
      %and3A_1323 = arith.andi %ne3A_1321, %ne3A_1322 : vector<16xi1>
      %not3A_1324 = arith.constant dense<true> : vector<16xi1>
      %not3A_1325 = arith.xori %and3A_1297, %not3A_1324 : vector<16xi1>
      %and3A_1326 = arith.andi %and3A_1323, %not3A_1325 : vector<16xi1>
      %not3A_1327 = arith.constant dense<true> : vector<16xi1>
      %not3A_1328 = arith.xori %and3A_1320, %not3A_1327 : vector<16xi1>
      %and3A_1329 = arith.andi %and3A_1326, %not3A_1328 : vector<16xi1>
      %gt3A_1330 = arith.constant 5.000000e-01 : f32
      %gt3A_1331 = vector.broadcast %gt3A_1330 : f32 to vector<16xf32>
      %gt3A_1332 = arith.cmpf ogt, %get3A_1261, %gt3A_1331 : vector<16xf32>
      %and3A_1333 = arith.andi %and3A_1329, %gt3A_1332 : vector<16xi1>
      %jit3A_1334 = arith.constant 1.000000e+00 : f32
      %jit3A_1335 = arith.constant 0.000000e+00 : f32
      %broadcast_in_dim3A_1336 = vector.broadcast %jit3A_1334 : f32 to vector<16xf32>
      %broadcast_in_dim3A_1337 = vector.broadcast %jit3A_1335 : f32 to vector<16xf32>
      %select_n3A_1338 = arith.select %and3A_1333, %broadcast_in_dim3A_1336, %broadcast_in_dim3A_1337 : vector<16xi1>, vector<16xf32>
      %swap3A_1339 = arith.constant 32 : index
      %swap3A_1340 = tpu.vector_load %arg13[%swap3A_1339] {strides = array<i32>} : memref<320xf32, #tpu.memory_space<vmem>>, vector<16xf32>,
      tpu.vector_store %arg13[%swap3A_1339], %select_n3A_1338 {strides = array<i32>} : memref<320xf32, #tpu.memory_space<vmem>>, vector<16xf32>,
      %gt3A_1341 = arith.cmpf ogt, %get3A_1271, %while3A_997 : vector<16xf32>
      %eq3A_1342 = arith.cmpf oeq, %get3A_1271, %while3A_997 : vector<16xf32>
      %lt3A_1343 = arith.cmpi slt, %add3A_1259, %while3A_992 : vector<16xi32>
      %and3A_1344 = arith.andi %eq3A_1342, %lt3A_1343 : vector<16xi1>
      %or3A_1345 = arith.ori %gt3A_1341, %and3A_1344 : vector<16xi1>
      %jit3A_1346 = arith.constant 1.000000e+00 : f32
      %jit3A_1347 = arith.constant 0.000000e+00 : f32
      %broadcast_in_dim3A_1348 = vector.broadcast %jit3A_1346 : f32 to vector<16xf32>
      %broadcast_in_dim3A_1349 = vector.broadcast %jit3A_1347 : f32 to vector<16xf32>
      %select_n3A_1350 = arith.select %or3A_1345, %broadcast_in_dim3A_1348, %broadcast_in_dim3A_1349 : vector<16xi1>, vector<16xf32>
      %add3A_1351 = arith.addf %add3A_1229, %select_n3A_1350 : vector<16xf32>
      %gt3A_1352 = arith.cmpf ogt, %get3A_1271, %while3A_1004 : vector<16xf32>
      %eq3A_1353 = arith.cmpf oeq, %get3A_1271, %while3A_1004 : vector<16xf32>
      %lt3A_1354 = arith.cmpi slt, %add3A_1259, %while3A_999 : vector<16xi32>
      %and3A_1355 = arith.andi %eq3A_1353, %lt3A_1354 : vector<16xi1>
      %or3A_1356 = arith.ori %gt3A_1352, %and3A_1355 : vector<16xi1>
      %jit3A_1357 = arith.constant 1.000000e+00 : f32
      %jit3A_1358 = arith.constant 0.000000e+00 : f32
      %broadcast_in_dim3A_1359 = vector.broadcast %jit3A_1357 : f32 to vector<16xf32>
      %broadcast_in_dim3A_1360 = vector.broadcast %jit3A_1358 : f32 to vector<16xf32>
      %select_n3A_1361 = arith.select %or3A_1356, %broadcast_in_dim3A_1359, %broadcast_in_dim3A_1360 : vector<16xi1>, vector<16xf32>
      %add3A_1362 = arith.addf %add3A_1240, %select_n3A_1361 : vector<16xf32>
      %gt3A_1363 = arith.constant 5.000000e-01 : f32
      %gt3A_1364 = vector.broadcast %gt3A_1363 : f32 to vector<16xf32>
      %gt3A_1365 = arith.cmpf ogt, %select_n3A_1338, %gt3A_1364 : vector<16xf32>
      %jit3A_1366 = arith.constant -1.000000e+30 : f32
      %broadcast_in_dim3A_1367 = vector.broadcast %jit3A_1366 : f32 to vector<16xf32>
      %select_n3A_1368 = arith.select %gt3A_1365, %get3A_1271, %broadcast_in_dim3A_1367 : vector<16xi1>, vector<16xf32>
      %convert_element_type3A_1369 = arith.sitofp %add3A_1259 : vector<16xi32> to vector<16xf32>
      %gt3A_1370 = arith.cmpf ogt, %select_n3A_1368, %select_n3A_1254 : vector<16xf32>
      %gt3A_1371 = arith.cmpf ogt, %select_n3A_1368, %select_n3A_1251 : vector<16xf32>
      %select_n3A_1372 = arith.select %gt3A_1371, %select_n3A_1368, %select_n3A_1251 : vector<16xi1>, vector<16xf32>
      %select_n3A_1373 = arith.select %gt3A_1370, %select_n3A_1254, %select_n3A_1372 : vector<16xi1>, vector<16xf32>
      %select_n3A_1374 = arith.select %gt3A_1371, %convert_element_type3A_1369, %select_n3A_1253 : vector<16xi1>, vector<16xf32>
      %select_n3A_1375 = arith.select %gt3A_1370, %select_n3A_1255, %select_n3A_1374 : vector<16xi1>, vector<16xf32>
      %select_n3A_1376 = arith.select %gt3A_1370, %select_n3A_1368, %select_n3A_1254 : vector<16xi1>, vector<16xf32>
      %select_n3A_1377 = arith.select %gt3A_1370, %convert_element_type3A_1369, %select_n3A_1255 : vector<16xi1>, vector<16xf32>
      %add3A_1378 = arith.constant 48 : i32
      %add3A_1379 = arith.addi %mul3A_0, %add3A_1378 : i32
      %add3A_1380 = vector.broadcast %add3A_1379 : i32 to vector<16xi32>
      %add3A_1381 = arith.addi %add3A_1380, %iota3A : vector<16xi32>
      %get3A_1382 = arith.constant 48 : index
      %get3A_1383 = tpu.vector_load %arg13[%get3A_1382] {strides = array<i32>} : memref<320xf32, #tpu.memory_space<vmem>>, vector<16xf32>,
      %get3A_1384 = arith.constant 48 : index
      %get3A_1385 = tpu.vector_load %arg7[%get3A_1384] {strides = array<i32>} : memref<320xf32, #tpu.memory_space<vmem>>, vector<16xf32>,
      %get3A_1386 = arith.constant 48 : index
      %get3A_1387 = tpu.vector_load %arg8[%get3A_1386] {strides = array<i32>} : memref<320xf32, #tpu.memory_space<vmem>>, vector<16xf32>,
      %get3A_1388 = arith.constant 48 : index
      %get3A_1389 = tpu.vector_load %arg9[%get3A_1388] {strides = array<i32>} : memref<320xf32, #tpu.memory_space<vmem>>, vector<16xf32>,
      %get3A_1390 = arith.constant 48 : index
      %get3A_1391 = tpu.vector_load %arg10[%get3A_1390] {strides = array<i32>} : memref<320xf32, #tpu.memory_space<vmem>>, vector<16xf32>,
      %get3A_1392 = arith.constant 48 : index
      %get3A_1393 = tpu.vector_load %arg11[%get3A_1392] {strides = array<i32>} : memref<320xf32, #tpu.memory_space<vmem>>, vector<16xf32>,
      %sub3A_1394 = arith.subf %get3A_1389, %get3A_1385 : vector<16xf32>
      %sub3A_1395 = arith.subf %get3A_1391, %get3A_1387 : vector<16xf32>
      %mul3A_1396 = arith.mulf %sub3A_1394, %sub3A_1395 : vector<16xf32>
      %min3A_1397 = arith.minimumf %get3A_1389, %while3A_995 : vector<16xf32>
      %max3A_1398 = arith.maximumf %get3A_1385, %while3A_993 : vector<16xf32>
      %sub3A_1399 = arith.subf %min3A_1397, %max3A_1398 : vector<16xf32>
      %max3A_1400 = arith.constant 0.000000e+00 : f32
      %max3A_1401 = vector.broadcast %max3A_1400 : f32 to vector<16xf32>
      %max3A_1402 = arith.maximumf %sub3A_1399, %max3A_1401 : vector<16xf32>
      %min3A_1403 = arith.minimumf %get3A_1391, %while3A_996 : vector<16xf32>
      %max3A_1404 = arith.maximumf %get3A_1387, %while3A_994 : vector<16xf32>
      %sub3A_1405 = arith.subf %min3A_1403, %max3A_1404 : vector<16xf32>
      %max3A_1406 = arith.constant 0.000000e+00 : f32
      %max3A_1407 = vector.broadcast %max3A_1406 : f32 to vector<16xf32>
      %max3A_1408 = arith.maximumf %sub3A_1405, %max3A_1407 : vector<16xf32>
      %mul3A_1409 = arith.mulf %max3A_1402, %max3A_1408 : vector<16xf32>
      %add3A_1410 = arith.addf %mul3A_1396, %while3A_998 : vector<16xf32>
      %sub3A_1411 = arith.subf %add3A_1410, %mul3A_1409 : vector<16xf32>
      %max3A_1412 = arith.constant 9.99999971E-10 : f32
      %max3A_1413 = vector.broadcast %max3A_1412 : f32 to vector<16xf32>
      %max3A_1414 = arith.maximumf %sub3A_1411, %max3A_1413 : vector<16xf32>
      %mul3A_1415 = arith.constant 5.000000e-01 : f32
      %mul3A_1416 = vector.broadcast %mul3A_1415 : f32 to vector<16xf32>
      %mul3A_1417 = arith.mulf %mul3A_1416, %max3A_1414 : vector<16xf32>
      %gt3A_1418 = arith.cmpf ogt, %mul3A_1409, %mul3A_1417 : vector<16xf32>
      %and3A_1419 = arith.andi %gt3A_1418, %lt3A_1008 : vector<16xi1>
      %min3A_1420 = arith.minimumf %get3A_1389, %while3A_1002 : vector<16xf32>
      %max3A_1421 = arith.maximumf %get3A_1385, %while3A_1000 : vector<16xf32>
      %sub3A_1422 = arith.subf %min3A_1420, %max3A_1421 : vector<16xf32>
      %max3A_1423 = arith.constant 0.000000e+00 : f32
      %max3A_1424 = vector.broadcast %max3A_1423 : f32 to vector<16xf32>
      %max3A_1425 = arith.maximumf %sub3A_1422, %max3A_1424 : vector<16xf32>
      %min3A_1426 = arith.minimumf %get3A_1391, %while3A_1003 : vector<16xf32>
      %max3A_1427 = arith.maximumf %get3A_1387, %while3A_1001 : vector<16xf32>
      %sub3A_1428 = arith.subf %min3A_1426, %max3A_1427 : vector<16xf32>
      %max3A_1429 = arith.constant 0.000000e+00 : f32
      %max3A_1430 = vector.broadcast %max3A_1429 : f32 to vector<16xf32>
      %max3A_1431 = arith.maximumf %sub3A_1428, %max3A_1430 : vector<16xf32>
      %mul3A_1432 = arith.mulf %max3A_1425, %max3A_1431 : vector<16xf32>
      %add3A_1433 = arith.addf %mul3A_1396, %while3A_1005 : vector<16xf32>
      %sub3A_1434 = arith.subf %add3A_1433, %mul3A_1432 : vector<16xf32>
      %max3A_1435 = arith.constant 9.99999971E-10 : f32
      %max3A_1436 = vector.broadcast %max3A_1435 : f32 to vector<16xf32>
      %max3A_1437 = arith.maximumf %sub3A_1434, %max3A_1436 : vector<16xf32>
      %mul3A_1438 = arith.constant 5.000000e-01 : f32
      %mul3A_1439 = vector.broadcast %mul3A_1438 : f32 to vector<16xf32>
      %mul3A_1440 = arith.mulf %mul3A_1439, %max3A_1437 : vector<16xf32>
      %gt3A_1441 = arith.cmpf ogt, %mul3A_1432, %mul3A_1440 : vector<16xf32>
      %and3A_1442 = arith.andi %gt3A_1441, %lt3A_1011 : vector<16xi1>
      %ne3A_1443 = arith.cmpi ne, %add3A_1381, %while3A_992 : vector<16xi32>
      %ne3A_1444 = arith.cmpi ne, %add3A_1381, %while3A_999 : vector<16xi32>
      %and3A_1445 = arith.andi %ne3A_1443, %ne3A_1444 : vector<16xi1>
      %not3A_1446 = arith.constant dense<true> : vector<16xi1>
      %not3A_1447 = arith.xori %and3A_1419, %not3A_1446 : vector<16xi1>
      %and3A_1448 = arith.andi %and3A_1445, %not3A_1447 : vector<16xi1>
      %not3A_1449 = arith.constant dense<true> : vector<16xi1>
      %not3A_1450 = arith.xori %and3A_1442, %not3A_1449 : vector<16xi1>
      %and3A_1451 = arith.andi %and3A_1448, %not3A_1450 : vector<16xi1>
      %gt3A_1452 = arith.constant 5.000000e-01 : f32
      %gt3A_1453 = vector.broadcast %gt3A_1452 : f32 to vector<16xf32>
      %gt3A_1454 = arith.cmpf ogt, %get3A_1383, %gt3A_1453 : vector<16xf32>
      %and3A_1455 = arith.andi %and3A_1451, %gt3A_1454 : vector<16xi1>
      %jit3A_1456 = arith.constant 1.000000e+00 : f32
      %jit3A_1457 = arith.constant 0.000000e+00 : f32
      %broadcast_in_dim3A_1458 = vector.broadcast %jit3A_1456 : f32 to vector<16xf32>
      %broadcast_in_dim3A_1459 = vector.broadcast %jit3A_1457 : f32 to vector<16xf32>
      %select_n3A_1460 = arith.select %and3A_1455, %broadcast_in_dim3A_1458, %broadcast_in_dim3A_1459 : vector<16xi1>, vector<16xf32>
      %swap3A_1461 = arith.constant 48 : index
      %swap3A_1462 = tpu.vector_load %arg13[%swap3A_1461] {strides = array<i32>} : memref<320xf32, #tpu.memory_space<vmem>>, vector<16xf32>,
      tpu.vector_store %arg13[%swap3A_1461], %select_n3A_1460 {strides = array<i32>} : memref<320xf32, #tpu.memory_space<vmem>>, vector<16xf32>,
      %gt3A_1463 = arith.cmpf ogt, %get3A_1393, %while3A_997 : vector<16xf32>
      %eq3A_1464 = arith.cmpf oeq, %get3A_1393, %while3A_997 : vector<16xf32>
      %lt3A_1465 = arith.cmpi slt, %add3A_1381, %while3A_992 : vector<16xi32>
      %and3A_1466 = arith.andi %eq3A_1464, %lt3A_1465 : vector<16xi1>
      %or3A_1467 = arith.ori %gt3A_1463, %and3A_1466 : vector<16xi1>
      %jit3A_1468 = arith.constant 1.000000e+00 : f32
      %jit3A_1469 = arith.constant 0.000000e+00 : f32
      %broadcast_in_dim3A_1470 = vector.broadcast %jit3A_1468 : f32 to vector<16xf32>
      %broadcast_in_dim3A_1471 = vector.broadcast %jit3A_1469 : f32 to vector<16xf32>
      %select_n3A_1472 = arith.select %or3A_1467, %broadcast_in_dim3A_1470, %broadcast_in_dim3A_1471 : vector<16xi1>, vector<16xf32>
      %add3A_1473 = arith.addf %add3A_1351, %select_n3A_1472 : vector<16xf32>
      %gt3A_1474 = arith.cmpf ogt, %get3A_1393, %while3A_1004 : vector<16xf32>
      %eq3A_1475 = arith.cmpf oeq, %get3A_1393, %while3A_1004 : vector<16xf32>
      %lt3A_1476 = arith.cmpi slt, %add3A_1381, %while3A_999 : vector<16xi32>
      %and3A_1477 = arith.andi %eq3A_1475, %lt3A_1476 : vector<16xi1>
      %or3A_1478 = arith.ori %gt3A_1474, %and3A_1477 : vector<16xi1>
      %jit3A_1479 = arith.constant 1.000000e+00 : f32
      %jit3A_1480 = arith.constant 0.000000e+00 : f32
      %broadcast_in_dim3A_1481 = vector.broadcast %jit3A_1479 : f32 to vector<16xf32>
      %broadcast_in_dim3A_1482 = vector.broadcast %jit3A_1480 : f32 to vector<16xf32>
      %select_n3A_1483 = arith.select %or3A_1478, %broadcast_in_dim3A_1481, %broadcast_in_dim3A_1482 : vector<16xi1>, vector<16xf32>
      %add3A_1484 = arith.addf %add3A_1362, %select_n3A_1483 : vector<16xf32>
      %gt3A_1485 = arith.constant 5.000000e-01 : f32
      %gt3A_1486 = vector.broadcast %gt3A_1485 : f32 to vector<16xf32>
      %gt3A_1487 = arith.cmpf ogt, %select_n3A_1460, %gt3A_1486 : vector<16xf32>
      %jit3A_1488 = arith.constant -1.000000e+30 : f32
      %broadcast_in_dim3A_1489 = vector.broadcast %jit3A_1488 : f32 to vector<16xf32>
      %select_n3A_1490 = arith.select %gt3A_1487, %get3A_1393, %broadcast_in_dim3A_1489 : vector<16xi1>, vector<16xf32>
      %convert_element_type3A_1491 = arith.sitofp %add3A_1381 : vector<16xi32> to vector<16xf32>
      %gt3A_1492 = arith.cmpf ogt, %select_n3A_1490, %select_n3A_1376 : vector<16xf32>
      %gt3A_1493 = arith.cmpf ogt, %select_n3A_1490, %select_n3A_1373 : vector<16xf32>
      %select_n3A_1494 = arith.select %gt3A_1493, %select_n3A_1490, %select_n3A_1373 : vector<16xi1>, vector<16xf32>
      %select_n3A_1495 = arith.select %gt3A_1492, %select_n3A_1376, %select_n3A_1494 : vector<16xi1>, vector<16xf32>
      %select_n3A_1496 = arith.select %gt3A_1493, %convert_element_type3A_1491, %select_n3A_1375 : vector<16xi1>, vector<16xf32>
      %select_n3A_1497 = arith.select %gt3A_1492, %select_n3A_1377, %select_n3A_1496 : vector<16xi1>, vector<16xf32>
      %select_n3A_1498 = arith.select %gt3A_1492, %select_n3A_1490, %select_n3A_1376 : vector<16xi1>, vector<16xf32>
      %select_n3A_1499 = arith.select %gt3A_1492, %convert_element_type3A_1491, %select_n3A_1377 : vector<16xi1>, vector<16xf32>
      %add3A_1500 = arith.constant 64 : i32
      %add3A_1501 = arith.addi %mul3A_0, %add3A_1500 : i32
      %add3A_1502 = vector.broadcast %add3A_1501 : i32 to vector<16xi32>
      %add3A_1503 = arith.addi %add3A_1502, %iota3A : vector<16xi32>
      %get3A_1504 = arith.constant 64 : index
      %get3A_1505 = tpu.vector_load %arg13[%get3A_1504] {strides = array<i32>} : memref<320xf32, #tpu.memory_space<vmem>>, vector<16xf32>,
      %get3A_1506 = arith.constant 64 : index
      %get3A_1507 = tpu.vector_load %arg7[%get3A_1506] {strides = array<i32>} : memref<320xf32, #tpu.memory_space<vmem>>, vector<16xf32>,
      %get3A_1508 = arith.constant 64 : index
      %get3A_1509 = tpu.vector_load %arg8[%get3A_1508] {strides = array<i32>} : memref<320xf32, #tpu.memory_space<vmem>>, vector<16xf32>,
      %get3A_1510 = arith.constant 64 : index
      %get3A_1511 = tpu.vector_load %arg9[%get3A_1510] {strides = array<i32>} : memref<320xf32, #tpu.memory_space<vmem>>, vector<16xf32>,
      %get3A_1512 = arith.constant 64 : index
      %get3A_1513 = tpu.vector_load %arg10[%get3A_1512] {strides = array<i32>} : memref<320xf32, #tpu.memory_space<vmem>>, vector<16xf32>,
      %get3A_1514 = arith.constant 64 : index
      %get3A_1515 = tpu.vector_load %arg11[%get3A_1514] {strides = array<i32>} : memref<320xf32, #tpu.memory_space<vmem>>, vector<16xf32>,
      %sub3A_1516 = arith.subf %get3A_1511, %get3A_1507 : vector<16xf32>
      %sub3A_1517 = arith.subf %get3A_1513, %get3A_1509 : vector<16xf32>
      %mul3A_1518 = arith.mulf %sub3A_1516, %sub3A_1517 : vector<16xf32>
      %min3A_1519 = arith.minimumf %get3A_1511, %while3A_995 : vector<16xf32>
      %max3A_1520 = arith.maximumf %get3A_1507, %while3A_993 : vector<16xf32>
      %sub3A_1521 = arith.subf %min3A_1519, %max3A_1520 : vector<16xf32>
      %max3A_1522 = arith.constant 0.000000e+00 : f32
      %max3A_1523 = vector.broadcast %max3A_1522 : f32 to vector<16xf32>
      %max3A_1524 = arith.maximumf %sub3A_1521, %max3A_1523 : vector<16xf32>
      %min3A_1525 = arith.minimumf %get3A_1513, %while3A_996 : vector<16xf32>
      %max3A_1526 = arith.maximumf %get3A_1509, %while3A_994 : vector<16xf32>
      %sub3A_1527 = arith.subf %min3A_1525, %max3A_1526 : vector<16xf32>
      %max3A_1528 = arith.constant 0.000000e+00 : f32
      %max3A_1529 = vector.broadcast %max3A_1528 : f32 to vector<16xf32>
      %max3A_1530 = arith.maximumf %sub3A_1527, %max3A_1529 : vector<16xf32>
      %mul3A_1531 = arith.mulf %max3A_1524, %max3A_1530 : vector<16xf32>
      %add3A_1532 = arith.addf %mul3A_1518, %while3A_998 : vector<16xf32>
      %sub3A_1533 = arith.subf %add3A_1532, %mul3A_1531 : vector<16xf32>
      %max3A_1534 = arith.constant 9.99999971E-10 : f32
      %max3A_1535 = vector.broadcast %max3A_1534 : f32 to vector<16xf32>
      %max3A_1536 = arith.maximumf %sub3A_1533, %max3A_1535 : vector<16xf32>
      %mul3A_1537 = arith.constant 5.000000e-01 : f32
      %mul3A_1538 = vector.broadcast %mul3A_1537 : f32 to vector<16xf32>
      %mul3A_1539 = arith.mulf %mul3A_1538, %max3A_1536 : vector<16xf32>
      %gt3A_1540 = arith.cmpf ogt, %mul3A_1531, %mul3A_1539 : vector<16xf32>
      %and3A_1541 = arith.andi %gt3A_1540, %lt3A_1008 : vector<16xi1>
      %min3A_1542 = arith.minimumf %get3A_1511, %while3A_1002 : vector<16xf32>
      %max3A_1543 = arith.maximumf %get3A_1507, %while3A_1000 : vector<16xf32>
      %sub3A_1544 = arith.subf %min3A_1542, %max3A_1543 : vector<16xf32>
      %max3A_1545 = arith.constant 0.000000e+00 : f32
      %max3A_1546 = vector.broadcast %max3A_1545 : f32 to vector<16xf32>
      %max3A_1547 = arith.maximumf %sub3A_1544, %max3A_1546 : vector<16xf32>
      %min3A_1548 = arith.minimumf %get3A_1513, %while3A_1003 : vector<16xf32>
      %max3A_1549 = arith.maximumf %get3A_1509, %while3A_1001 : vector<16xf32>
      %sub3A_1550 = arith.subf %min3A_1548, %max3A_1549 : vector<16xf32>
      %max3A_1551 = arith.constant 0.000000e+00 : f32
      %max3A_1552 = vector.broadcast %max3A_1551 : f32 to vector<16xf32>
      %max3A_1553 = arith.maximumf %sub3A_1550, %max3A_1552 : vector<16xf32>
      %mul3A_1554 = arith.mulf %max3A_1547, %max3A_1553 : vector<16xf32>
      %add3A_1555 = arith.addf %mul3A_1518, %while3A_1005 : vector<16xf32>
      %sub3A_1556 = arith.subf %add3A_1555, %mul3A_1554 : vector<16xf32>
      %max3A_1557 = arith.constant 9.99999971E-10 : f32
      %max3A_1558 = vector.broadcast %max3A_1557 : f32 to vector<16xf32>
      %max3A_1559 = arith.maximumf %sub3A_1556, %max3A_1558 : vector<16xf32>
      %mul3A_1560 = arith.constant 5.000000e-01 : f32
      %mul3A_1561 = vector.broadcast %mul3A_1560 : f32 to vector<16xf32>
      %mul3A_1562 = arith.mulf %mul3A_1561, %max3A_1559 : vector<16xf32>
      %gt3A_1563 = arith.cmpf ogt, %mul3A_1554, %mul3A_1562 : vector<16xf32>
      %and3A_1564 = arith.andi %gt3A_1563, %lt3A_1011 : vector<16xi1>
      %ne3A_1565 = arith.cmpi ne, %add3A_1503, %while3A_992 : vector<16xi32>
      %ne3A_1566 = arith.cmpi ne, %add3A_1503, %while3A_999 : vector<16xi32>
      %and3A_1567 = arith.andi %ne3A_1565, %ne3A_1566 : vector<16xi1>
      %not3A_1568 = arith.constant dense<true> : vector<16xi1>
      %not3A_1569 = arith.xori %and3A_1541, %not3A_1568 : vector<16xi1>
      %and3A_1570 = arith.andi %and3A_1567, %not3A_1569 : vector<16xi1>
      %not3A_1571 = arith.constant dense<true> : vector<16xi1>
      %not3A_1572 = arith.xori %and3A_1564, %not3A_1571 : vector<16xi1>
      %and3A_1573 = arith.andi %and3A_1570, %not3A_1572 : vector<16xi1>
      %gt3A_1574 = arith.constant 5.000000e-01 : f32
      %gt3A_1575 = vector.broadcast %gt3A_1574 : f32 to vector<16xf32>
      %gt3A_1576 = arith.cmpf ogt, %get3A_1505, %gt3A_1575 : vector<16xf32>
      %and3A_1577 = arith.andi %and3A_1573, %gt3A_1576 : vector<16xi1>
      %jit3A_1578 = arith.constant 1.000000e+00 : f32
      %jit3A_1579 = arith.constant 0.000000e+00 : f32
      %broadcast_in_dim3A_1580 = vector.broadcast %jit3A_1578 : f32 to vector<16xf32>
      %broadcast_in_dim3A_1581 = vector.broadcast %jit3A_1579 : f32 to vector<16xf32>
      %select_n3A_1582 = arith.select %and3A_1577, %broadcast_in_dim3A_1580, %broadcast_in_dim3A_1581 : vector<16xi1>, vector<16xf32>
      %swap3A_1583 = arith.constant 64 : index
      %swap3A_1584 = tpu.vector_load %arg13[%swap3A_1583] {strides = array<i32>} : memref<320xf32, #tpu.memory_space<vmem>>, vector<16xf32>,
      tpu.vector_store %arg13[%swap3A_1583], %select_n3A_1582 {strides = array<i32>} : memref<320xf32, #tpu.memory_space<vmem>>, vector<16xf32>,
      %gt3A_1585 = arith.cmpf ogt, %get3A_1515, %while3A_997 : vector<16xf32>
      %eq3A_1586 = arith.cmpf oeq, %get3A_1515, %while3A_997 : vector<16xf32>
      %lt3A_1587 = arith.cmpi slt, %add3A_1503, %while3A_992 : vector<16xi32>
      %and3A_1588 = arith.andi %eq3A_1586, %lt3A_1587 : vector<16xi1>
      %or3A_1589 = arith.ori %gt3A_1585, %and3A_1588 : vector<16xi1>
      %jit3A_1590 = arith.constant 1.000000e+00 : f32
      %jit3A_1591 = arith.constant 0.000000e+00 : f32
      %broadcast_in_dim3A_1592 = vector.broadcast %jit3A_1590 : f32 to vector<16xf32>
      %broadcast_in_dim3A_1593 = vector.broadcast %jit3A_1591 : f32 to vector<16xf32>
      %select_n3A_1594 = arith.select %or3A_1589, %broadcast_in_dim3A_1592, %broadcast_in_dim3A_1593 : vector<16xi1>, vector<16xf32>
      %add3A_1595 = arith.addf %add3A_1473, %select_n3A_1594 : vector<16xf32>
      %gt3A_1596 = arith.cmpf ogt, %get3A_1515, %while3A_1004 : vector<16xf32>
      %eq3A_1597 = arith.cmpf oeq, %get3A_1515, %while3A_1004 : vector<16xf32>
      %lt3A_1598 = arith.cmpi slt, %add3A_1503, %while3A_999 : vector<16xi32>
      %and3A_1599 = arith.andi %eq3A_1597, %lt3A_1598 : vector<16xi1>
      %or3A_1600 = arith.ori %gt3A_1596, %and3A_1599 : vector<16xi1>
      %jit3A_1601 = arith.constant 1.000000e+00 : f32
      %jit3A_1602 = arith.constant 0.000000e+00 : f32
      %broadcast_in_dim3A_1603 = vector.broadcast %jit3A_1601 : f32 to vector<16xf32>
      %broadcast_in_dim3A_1604 = vector.broadcast %jit3A_1602 : f32 to vector<16xf32>
      %select_n3A_1605 = arith.select %or3A_1600, %broadcast_in_dim3A_1603, %broadcast_in_dim3A_1604 : vector<16xi1>, vector<16xf32>
      %add3A_1606 = arith.addf %add3A_1484, %select_n3A_1605 : vector<16xf32>
      %gt3A_1607 = arith.constant 5.000000e-01 : f32
      %gt3A_1608 = vector.broadcast %gt3A_1607 : f32 to vector<16xf32>
      %gt3A_1609 = arith.cmpf ogt, %select_n3A_1582, %gt3A_1608 : vector<16xf32>
      %jit3A_1610 = arith.constant -1.000000e+30 : f32
      %broadcast_in_dim3A_1611 = vector.broadcast %jit3A_1610 : f32 to vector<16xf32>
      %select_n3A_1612 = arith.select %gt3A_1609, %get3A_1515, %broadcast_in_dim3A_1611 : vector<16xi1>, vector<16xf32>
      %convert_element_type3A_1613 = arith.sitofp %add3A_1503 : vector<16xi32> to vector<16xf32>
      %gt3A_1614 = arith.cmpf ogt, %select_n3A_1612, %select_n3A_1498 : vector<16xf32>
      %gt3A_1615 = arith.cmpf ogt, %select_n3A_1612, %select_n3A_1495 : vector<16xf32>
      %select_n3A_1616 = arith.select %gt3A_1615, %select_n3A_1612, %select_n3A_1495 : vector<16xi1>, vector<16xf32>
      %select_n3A_1617 = arith.select %gt3A_1614, %select_n3A_1498, %select_n3A_1616 : vector<16xi1>, vector<16xf32>
      %select_n3A_1618 = arith.select %gt3A_1615, %convert_element_type3A_1613, %select_n3A_1497 : vector<16xi1>, vector<16xf32>
      %select_n3A_1619 = arith.select %gt3A_1614, %select_n3A_1499, %select_n3A_1618 : vector<16xi1>, vector<16xf32>
      %select_n3A_1620 = arith.select %gt3A_1614, %select_n3A_1612, %select_n3A_1498 : vector<16xi1>, vector<16xf32>
      %select_n3A_1621 = arith.select %gt3A_1614, %convert_element_type3A_1613, %select_n3A_1499 : vector<16xi1>, vector<16xf32>
      %add3A_1622 = arith.constant 80 : i32
      %add3A_1623 = arith.addi %mul3A_0, %add3A_1622 : i32
      %add3A_1624 = vector.broadcast %add3A_1623 : i32 to vector<16xi32>
      %add3A_1625 = arith.addi %add3A_1624, %iota3A : vector<16xi32>
      %get3A_1626 = arith.constant 80 : index
      %get3A_1627 = tpu.vector_load %arg13[%get3A_1626] {strides = array<i32>} : memref<320xf32, #tpu.memory_space<vmem>>, vector<16xf32>,
      %get3A_1628 = arith.constant 80 : index
      %get3A_1629 = tpu.vector_load %arg7[%get3A_1628] {strides = array<i32>} : memref<320xf32, #tpu.memory_space<vmem>>, vector<16xf32>,
      %get3A_1630 = arith.constant 80 : index
      %get3A_1631 = tpu.vector_load %arg8[%get3A_1630] {strides = array<i32>} : memref<320xf32, #tpu.memory_space<vmem>>, vector<16xf32>,
      %get3A_1632 = arith.constant 80 : index
      %get3A_1633 = tpu.vector_load %arg9[%get3A_1632] {strides = array<i32>} : memref<320xf32, #tpu.memory_space<vmem>>, vector<16xf32>,
      %get3A_1634 = arith.constant 80 : index
      %get3A_1635 = tpu.vector_load %arg10[%get3A_1634] {strides = array<i32>} : memref<320xf32, #tpu.memory_space<vmem>>, vector<16xf32>,
      %get3A_1636 = arith.constant 80 : index
      %get3A_1637 = tpu.vector_load %arg11[%get3A_1636] {strides = array<i32>} : memref<320xf32, #tpu.memory_space<vmem>>, vector<16xf32>,
      %sub3A_1638 = arith.subf %get3A_1633, %get3A_1629 : vector<16xf32>
      %sub3A_1639 = arith.subf %get3A_1635, %get3A_1631 : vector<16xf32>
      %mul3A_1640 = arith.mulf %sub3A_1638, %sub3A_1639 : vector<16xf32>
      %min3A_1641 = arith.minimumf %get3A_1633, %while3A_995 : vector<16xf32>
      %max3A_1642 = arith.maximumf %get3A_1629, %while3A_993 : vector<16xf32>
      %sub3A_1643 = arith.subf %min3A_1641, %max3A_1642 : vector<16xf32>
      %max3A_1644 = arith.constant 0.000000e+00 : f32
      %max3A_1645 = vector.broadcast %max3A_1644 : f32 to vector<16xf32>
      %max3A_1646 = arith.maximumf %sub3A_1643, %max3A_1645 : vector<16xf32>
      %min3A_1647 = arith.minimumf %get3A_1635, %while3A_996 : vector<16xf32>
      %max3A_1648 = arith.maximumf %get3A_1631, %while3A_994 : vector<16xf32>
      %sub3A_1649 = arith.subf %min3A_1647, %max3A_1648 : vector<16xf32>
      %max3A_1650 = arith.constant 0.000000e+00 : f32
      %max3A_1651 = vector.broadcast %max3A_1650 : f32 to vector<16xf32>
      %max3A_1652 = arith.maximumf %sub3A_1649, %max3A_1651 : vector<16xf32>
      %mul3A_1653 = arith.mulf %max3A_1646, %max3A_1652 : vector<16xf32>
      %add3A_1654 = arith.addf %mul3A_1640, %while3A_998 : vector<16xf32>
      %sub3A_1655 = arith.subf %add3A_1654, %mul3A_1653 : vector<16xf32>
      %max3A_1656 = arith.constant 9.99999971E-10 : f32
      %max3A_1657 = vector.broadcast %max3A_1656 : f32 to vector<16xf32>
      %max3A_1658 = arith.maximumf %sub3A_1655, %max3A_1657 : vector<16xf32>
      %mul3A_1659 = arith.constant 5.000000e-01 : f32
      %mul3A_1660 = vector.broadcast %mul3A_1659 : f32 to vector<16xf32>
      %mul3A_1661 = arith.mulf %mul3A_1660, %max3A_1658 : vector<16xf32>
      %gt3A_1662 = arith.cmpf ogt, %mul3A_1653, %mul3A_1661 : vector<16xf32>
      %and3A_1663 = arith.andi %gt3A_1662, %lt3A_1008 : vector<16xi1>
      %min3A_1664 = arith.minimumf %get3A_1633, %while3A_1002 : vector<16xf32>
      %max3A_1665 = arith.maximumf %get3A_1629, %while3A_1000 : vector<16xf32>
      %sub3A_1666 = arith.subf %min3A_1664, %max3A_1665 : vector<16xf32>
      %max3A_1667 = arith.constant 0.000000e+00 : f32
      %max3A_1668 = vector.broadcast %max3A_1667 : f32 to vector<16xf32>
      %max3A_1669 = arith.maximumf %sub3A_1666, %max3A_1668 : vector<16xf32>
      %min3A_1670 = arith.minimumf %get3A_1635, %while3A_1003 : vector<16xf32>
      %max3A_1671 = arith.maximumf %get3A_1631, %while3A_1001 : vector<16xf32>
      %sub3A_1672 = arith.subf %min3A_1670, %max3A_1671 : vector<16xf32>
      %max3A_1673 = arith.constant 0.000000e+00 : f32
      %max3A_1674 = vector.broadcast %max3A_1673 : f32 to vector<16xf32>
      %max3A_1675 = arith.maximumf %sub3A_1672, %max3A_1674 : vector<16xf32>
      %mul3A_1676 = arith.mulf %max3A_1669, %max3A_1675 : vector<16xf32>
      %add3A_1677 = arith.addf %mul3A_1640, %while3A_1005 : vector<16xf32>
      %sub3A_1678 = arith.subf %add3A_1677, %mul3A_1676 : vector<16xf32>
      %max3A_1679 = arith.constant 9.99999971E-10 : f32
      %max3A_1680 = vector.broadcast %max3A_1679 : f32 to vector<16xf32>
      %max3A_1681 = arith.maximumf %sub3A_1678, %max3A_1680 : vector<16xf32>
      %mul3A_1682 = arith.constant 5.000000e-01 : f32
      %mul3A_1683 = vector.broadcast %mul3A_1682 : f32 to vector<16xf32>
      %mul3A_1684 = arith.mulf %mul3A_1683, %max3A_1681 : vector<16xf32>
      %gt3A_1685 = arith.cmpf ogt, %mul3A_1676, %mul3A_1684 : vector<16xf32>
      %and3A_1686 = arith.andi %gt3A_1685, %lt3A_1011 : vector<16xi1>
      %ne3A_1687 = arith.cmpi ne, %add3A_1625, %while3A_992 : vector<16xi32>
      %ne3A_1688 = arith.cmpi ne, %add3A_1625, %while3A_999 : vector<16xi32>
      %and3A_1689 = arith.andi %ne3A_1687, %ne3A_1688 : vector<16xi1>
      %not3A_1690 = arith.constant dense<true> : vector<16xi1>
      %not3A_1691 = arith.xori %and3A_1663, %not3A_1690 : vector<16xi1>
      %and3A_1692 = arith.andi %and3A_1689, %not3A_1691 : vector<16xi1>
      %not3A_1693 = arith.constant dense<true> : vector<16xi1>
      %not3A_1694 = arith.xori %and3A_1686, %not3A_1693 : vector<16xi1>
      %and3A_1695 = arith.andi %and3A_1692, %not3A_1694 : vector<16xi1>
      %gt3A_1696 = arith.constant 5.000000e-01 : f32
      %gt3A_1697 = vector.broadcast %gt3A_1696 : f32 to vector<16xf32>
      %gt3A_1698 = arith.cmpf ogt, %get3A_1627, %gt3A_1697 : vector<16xf32>
      %and3A_1699 = arith.andi %and3A_1695, %gt3A_1698 : vector<16xi1>
      %jit3A_1700 = arith.constant 1.000000e+00 : f32
      %jit3A_1701 = arith.constant 0.000000e+00 : f32
      %broadcast_in_dim3A_1702 = vector.broadcast %jit3A_1700 : f32 to vector<16xf32>
      %broadcast_in_dim3A_1703 = vector.broadcast %jit3A_1701 : f32 to vector<16xf32>
      %select_n3A_1704 = arith.select %and3A_1699, %broadcast_in_dim3A_1702, %broadcast_in_dim3A_1703 : vector<16xi1>, vector<16xf32>
      %swap3A_1705 = arith.constant 80 : index
      %swap3A_1706 = tpu.vector_load %arg13[%swap3A_1705] {strides = array<i32>} : memref<320xf32, #tpu.memory_space<vmem>>, vector<16xf32>,
      tpu.vector_store %arg13[%swap3A_1705], %select_n3A_1704 {strides = array<i32>} : memref<320xf32, #tpu.memory_space<vmem>>, vector<16xf32>,
      %gt3A_1707 = arith.cmpf ogt, %get3A_1637, %while3A_997 : vector<16xf32>
      %eq3A_1708 = arith.cmpf oeq, %get3A_1637, %while3A_997 : vector<16xf32>
      %lt3A_1709 = arith.cmpi slt, %add3A_1625, %while3A_992 : vector<16xi32>
      %and3A_1710 = arith.andi %eq3A_1708, %lt3A_1709 : vector<16xi1>
      %or3A_1711 = arith.ori %gt3A_1707, %and3A_1710 : vector<16xi1>
      %jit3A_1712 = arith.constant 1.000000e+00 : f32
      %jit3A_1713 = arith.constant 0.000000e+00 : f32
      %broadcast_in_dim3A_1714 = vector.broadcast %jit3A_1712 : f32 to vector<16xf32>
      %broadcast_in_dim3A_1715 = vector.broadcast %jit3A_1713 : f32 to vector<16xf32>
      %select_n3A_1716 = arith.select %or3A_1711, %broadcast_in_dim3A_1714, %broadcast_in_dim3A_1715 : vector<16xi1>, vector<16xf32>
      %add3A_1717 = arith.addf %add3A_1595, %select_n3A_1716 : vector<16xf32>
      %gt3A_1718 = arith.cmpf ogt, %get3A_1637, %while3A_1004 : vector<16xf32>
      %eq3A_1719 = arith.cmpf oeq, %get3A_1637, %while3A_1004 : vector<16xf32>
      %lt3A_1720 = arith.cmpi slt, %add3A_1625, %while3A_999 : vector<16xi32>
      %and3A_1721 = arith.andi %eq3A_1719, %lt3A_1720 : vector<16xi1>
      %or3A_1722 = arith.ori %gt3A_1718, %and3A_1721 : vector<16xi1>
      %jit3A_1723 = arith.constant 1.000000e+00 : f32
      %jit3A_1724 = arith.constant 0.000000e+00 : f32
      %broadcast_in_dim3A_1725 = vector.broadcast %jit3A_1723 : f32 to vector<16xf32>
      %broadcast_in_dim3A_1726 = vector.broadcast %jit3A_1724 : f32 to vector<16xf32>
      %select_n3A_1727 = arith.select %or3A_1722, %broadcast_in_dim3A_1725, %broadcast_in_dim3A_1726 : vector<16xi1>, vector<16xf32>
      %add3A_1728 = arith.addf %add3A_1606, %select_n3A_1727 : vector<16xf32>
      %gt3A_1729 = arith.constant 5.000000e-01 : f32
      %gt3A_1730 = vector.broadcast %gt3A_1729 : f32 to vector<16xf32>
      %gt3A_1731 = arith.cmpf ogt, %select_n3A_1704, %gt3A_1730 : vector<16xf32>
      %jit3A_1732 = arith.constant -1.000000e+30 : f32
      %broadcast_in_dim3A_1733 = vector.broadcast %jit3A_1732 : f32 to vector<16xf32>
      %select_n3A_1734 = arith.select %gt3A_1731, %get3A_1637, %broadcast_in_dim3A_1733 : vector<16xi1>, vector<16xf32>
      %convert_element_type3A_1735 = arith.sitofp %add3A_1625 : vector<16xi32> to vector<16xf32>
      %gt3A_1736 = arith.cmpf ogt, %select_n3A_1734, %select_n3A_1620 : vector<16xf32>
      %gt3A_1737 = arith.cmpf ogt, %select_n3A_1734, %select_n3A_1617 : vector<16xf32>
      %select_n3A_1738 = arith.select %gt3A_1737, %select_n3A_1734, %select_n3A_1617 : vector<16xi1>, vector<16xf32>
      %select_n3A_1739 = arith.select %gt3A_1736, %select_n3A_1620, %select_n3A_1738 : vector<16xi1>, vector<16xf32>
      %select_n3A_1740 = arith.select %gt3A_1737, %convert_element_type3A_1735, %select_n3A_1619 : vector<16xi1>, vector<16xf32>
      %select_n3A_1741 = arith.select %gt3A_1736, %select_n3A_1621, %select_n3A_1740 : vector<16xi1>, vector<16xf32>
      %select_n3A_1742 = arith.select %gt3A_1736, %select_n3A_1734, %select_n3A_1620 : vector<16xi1>, vector<16xf32>
      %select_n3A_1743 = arith.select %gt3A_1736, %convert_element_type3A_1735, %select_n3A_1621 : vector<16xi1>, vector<16xf32>
      %add3A_1744 = arith.constant 96 : i32
      %add3A_1745 = arith.addi %mul3A_0, %add3A_1744 : i32
      %add3A_1746 = vector.broadcast %add3A_1745 : i32 to vector<16xi32>
      %add3A_1747 = arith.addi %add3A_1746, %iota3A : vector<16xi32>
      %get3A_1748 = arith.constant 96 : index
      %get3A_1749 = tpu.vector_load %arg13[%get3A_1748] {strides = array<i32>} : memref<320xf32, #tpu.memory_space<vmem>>, vector<16xf32>,
      %get3A_1750 = arith.constant 96 : index
      %get3A_1751 = tpu.vector_load %arg7[%get3A_1750] {strides = array<i32>} : memref<320xf32, #tpu.memory_space<vmem>>, vector<16xf32>,
      %get3A_1752 = arith.constant 96 : index
      %get3A_1753 = tpu.vector_load %arg8[%get3A_1752] {strides = array<i32>} : memref<320xf32, #tpu.memory_space<vmem>>, vector<16xf32>,
      %get3A_1754 = arith.constant 96 : index
      %get3A_1755 = tpu.vector_load %arg9[%get3A_1754] {strides = array<i32>} : memref<320xf32, #tpu.memory_space<vmem>>, vector<16xf32>,
      %get3A_1756 = arith.constant 96 : index
      %get3A_1757 = tpu.vector_load %arg10[%get3A_1756] {strides = array<i32>} : memref<320xf32, #tpu.memory_space<vmem>>, vector<16xf32>,
      %get3A_1758 = arith.constant 96 : index
      %get3A_1759 = tpu.vector_load %arg11[%get3A_1758] {strides = array<i32>} : memref<320xf32, #tpu.memory_space<vmem>>, vector<16xf32>,
      %sub3A_1760 = arith.subf %get3A_1755, %get3A_1751 : vector<16xf32>
      %sub3A_1761 = arith.subf %get3A_1757, %get3A_1753 : vector<16xf32>
      %mul3A_1762 = arith.mulf %sub3A_1760, %sub3A_1761 : vector<16xf32>
      %min3A_1763 = arith.minimumf %get3A_1755, %while3A_995 : vector<16xf32>
      %max3A_1764 = arith.maximumf %get3A_1751, %while3A_993 : vector<16xf32>
      %sub3A_1765 = arith.subf %min3A_1763, %max3A_1764 : vector<16xf32>
      %max3A_1766 = arith.constant 0.000000e+00 : f32
      %max3A_1767 = vector.broadcast %max3A_1766 : f32 to vector<16xf32>
      %max3A_1768 = arith.maximumf %sub3A_1765, %max3A_1767 : vector<16xf32>
      %min3A_1769 = arith.minimumf %get3A_1757, %while3A_996 : vector<16xf32>
      %max3A_1770 = arith.maximumf %get3A_1753, %while3A_994 : vector<16xf32>
      %sub3A_1771 = arith.subf %min3A_1769, %max3A_1770 : vector<16xf32>
      %max3A_1772 = arith.constant 0.000000e+00 : f32
      %max3A_1773 = vector.broadcast %max3A_1772 : f32 to vector<16xf32>
      %max3A_1774 = arith.maximumf %sub3A_1771, %max3A_1773 : vector<16xf32>
      %mul3A_1775 = arith.mulf %max3A_1768, %max3A_1774 : vector<16xf32>
      %add3A_1776 = arith.addf %mul3A_1762, %while3A_998 : vector<16xf32>
      %sub3A_1777 = arith.subf %add3A_1776, %mul3A_1775 : vector<16xf32>
      %max3A_1778 = arith.constant 9.99999971E-10 : f32
      %max3A_1779 = vector.broadcast %max3A_1778 : f32 to vector<16xf32>
      %max3A_1780 = arith.maximumf %sub3A_1777, %max3A_1779 : vector<16xf32>
      %mul3A_1781 = arith.constant 5.000000e-01 : f32
      %mul3A_1782 = vector.broadcast %mul3A_1781 : f32 to vector<16xf32>
      %mul3A_1783 = arith.mulf %mul3A_1782, %max3A_1780 : vector<16xf32>
      %gt3A_1784 = arith.cmpf ogt, %mul3A_1775, %mul3A_1783 : vector<16xf32>
      %and3A_1785 = arith.andi %gt3A_1784, %lt3A_1008 : vector<16xi1>
      %min3A_1786 = arith.minimumf %get3A_1755, %while3A_1002 : vector<16xf32>
      %max3A_1787 = arith.maximumf %get3A_1751, %while3A_1000 : vector<16xf32>
      %sub3A_1788 = arith.subf %min3A_1786, %max3A_1787 : vector<16xf32>
      %max3A_1789 = arith.constant 0.000000e+00 : f32
      %max3A_1790 = vector.broadcast %max3A_1789 : f32 to vector<16xf32>
      %max3A_1791 = arith.maximumf %sub3A_1788, %max3A_1790 : vector<16xf32>
      %min3A_1792 = arith.minimumf %get3A_1757, %while3A_1003 : vector<16xf32>
      %max3A_1793 = arith.maximumf %get3A_1753, %while3A_1001 : vector<16xf32>
      %sub3A_1794 = arith.subf %min3A_1792, %max3A_1793 : vector<16xf32>
      %max3A_1795 = arith.constant 0.000000e+00 : f32
      %max3A_1796 = vector.broadcast %max3A_1795 : f32 to vector<16xf32>
      %max3A_1797 = arith.maximumf %sub3A_1794, %max3A_1796 : vector<16xf32>
      %mul3A_1798 = arith.mulf %max3A_1791, %max3A_1797 : vector<16xf32>
      %add3A_1799 = arith.addf %mul3A_1762, %while3A_1005 : vector<16xf32>
      %sub3A_1800 = arith.subf %add3A_1799, %mul3A_1798 : vector<16xf32>
      %max3A_1801 = arith.constant 9.99999971E-10 : f32
      %max3A_1802 = vector.broadcast %max3A_1801 : f32 to vector<16xf32>
      %max3A_1803 = arith.maximumf %sub3A_1800, %max3A_1802 : vector<16xf32>
      %mul3A_1804 = arith.constant 5.000000e-01 : f32
      %mul3A_1805 = vector.broadcast %mul3A_1804 : f32 to vector<16xf32>
      %mul3A_1806 = arith.mulf %mul3A_1805, %max3A_1803 : vector<16xf32>
      %gt3A_1807 = arith.cmpf ogt, %mul3A_1798, %mul3A_1806 : vector<16xf32>
      %and3A_1808 = arith.andi %gt3A_1807, %lt3A_1011 : vector<16xi1>
      %ne3A_1809 = arith.cmpi ne, %add3A_1747, %while3A_992 : vector<16xi32>
      %ne3A_1810 = arith.cmpi ne, %add3A_1747, %while3A_999 : vector<16xi32>
      %and3A_1811 = arith.andi %ne3A_1809, %ne3A_1810 : vector<16xi1>
      %not3A_1812 = arith.constant dense<true> : vector<16xi1>
      %not3A_1813 = arith.xori %and3A_1785, %not3A_1812 : vector<16xi1>
      %and3A_1814 = arith.andi %and3A_1811, %not3A_1813 : vector<16xi1>
      %not3A_1815 = arith.constant dense<true> : vector<16xi1>
      %not3A_1816 = arith.xori %and3A_1808, %not3A_1815 : vector<16xi1>
      %and3A_1817 = arith.andi %and3A_1814, %not3A_1816 : vector<16xi1>
      %gt3A_1818 = arith.constant 5.000000e-01 : f32
      %gt3A_1819 = vector.broadcast %gt3A_1818 : f32 to vector<16xf32>
      %gt3A_1820 = arith.cmpf ogt, %get3A_1749, %gt3A_1819 : vector<16xf32>
      %and3A_1821 = arith.andi %and3A_1817, %gt3A_1820 : vector<16xi1>
      %jit3A_1822 = arith.constant 1.000000e+00 : f32
      %jit3A_1823 = arith.constant 0.000000e+00 : f32
      %broadcast_in_dim3A_1824 = vector.broadcast %jit3A_1822 : f32 to vector<16xf32>
      %broadcast_in_dim3A_1825 = vector.broadcast %jit3A_1823 : f32 to vector<16xf32>
      %select_n3A_1826 = arith.select %and3A_1821, %broadcast_in_dim3A_1824, %broadcast_in_dim3A_1825 : vector<16xi1>, vector<16xf32>
      %swap3A_1827 = arith.constant 96 : index
      %swap3A_1828 = tpu.vector_load %arg13[%swap3A_1827] {strides = array<i32>} : memref<320xf32, #tpu.memory_space<vmem>>, vector<16xf32>,
      tpu.vector_store %arg13[%swap3A_1827], %select_n3A_1826 {strides = array<i32>} : memref<320xf32, #tpu.memory_space<vmem>>, vector<16xf32>,
      %gt3A_1829 = arith.cmpf ogt, %get3A_1759, %while3A_997 : vector<16xf32>
      %eq3A_1830 = arith.cmpf oeq, %get3A_1759, %while3A_997 : vector<16xf32>
      %lt3A_1831 = arith.cmpi slt, %add3A_1747, %while3A_992 : vector<16xi32>
      %and3A_1832 = arith.andi %eq3A_1830, %lt3A_1831 : vector<16xi1>
      %or3A_1833 = arith.ori %gt3A_1829, %and3A_1832 : vector<16xi1>
      %jit3A_1834 = arith.constant 1.000000e+00 : f32
      %jit3A_1835 = arith.constant 0.000000e+00 : f32
      %broadcast_in_dim3A_1836 = vector.broadcast %jit3A_1834 : f32 to vector<16xf32>
      %broadcast_in_dim3A_1837 = vector.broadcast %jit3A_1835 : f32 to vector<16xf32>
      %select_n3A_1838 = arith.select %or3A_1833, %broadcast_in_dim3A_1836, %broadcast_in_dim3A_1837 : vector<16xi1>, vector<16xf32>
      %add3A_1839 = arith.addf %add3A_1717, %select_n3A_1838 : vector<16xf32>
      %gt3A_1840 = arith.cmpf ogt, %get3A_1759, %while3A_1004 : vector<16xf32>
      %eq3A_1841 = arith.cmpf oeq, %get3A_1759, %while3A_1004 : vector<16xf32>
      %lt3A_1842 = arith.cmpi slt, %add3A_1747, %while3A_999 : vector<16xi32>
      %and3A_1843 = arith.andi %eq3A_1841, %lt3A_1842 : vector<16xi1>
      %or3A_1844 = arith.ori %gt3A_1840, %and3A_1843 : vector<16xi1>
      %jit3A_1845 = arith.constant 1.000000e+00 : f32
      %jit3A_1846 = arith.constant 0.000000e+00 : f32
      %broadcast_in_dim3A_1847 = vector.broadcast %jit3A_1845 : f32 to vector<16xf32>
      %broadcast_in_dim3A_1848 = vector.broadcast %jit3A_1846 : f32 to vector<16xf32>
      %select_n3A_1849 = arith.select %or3A_1844, %broadcast_in_dim3A_1847, %broadcast_in_dim3A_1848 : vector<16xi1>, vector<16xf32>
      %add3A_1850 = arith.addf %add3A_1728, %select_n3A_1849 : vector<16xf32>
      %gt3A_1851 = arith.constant 5.000000e-01 : f32
      %gt3A_1852 = vector.broadcast %gt3A_1851 : f32 to vector<16xf32>
      %gt3A_1853 = arith.cmpf ogt, %select_n3A_1826, %gt3A_1852 : vector<16xf32>
      %jit3A_1854 = arith.constant -1.000000e+30 : f32
      %broadcast_in_dim3A_1855 = vector.broadcast %jit3A_1854 : f32 to vector<16xf32>
      %select_n3A_1856 = arith.select %gt3A_1853, %get3A_1759, %broadcast_in_dim3A_1855 : vector<16xi1>, vector<16xf32>
      %convert_element_type3A_1857 = arith.sitofp %add3A_1747 : vector<16xi32> to vector<16xf32>
      %gt3A_1858 = arith.cmpf ogt, %select_n3A_1856, %select_n3A_1742 : vector<16xf32>
      %gt3A_1859 = arith.cmpf ogt, %select_n3A_1856, %select_n3A_1739 : vector<16xf32>
      %select_n3A_1860 = arith.select %gt3A_1859, %select_n3A_1856, %select_n3A_1739 : vector<16xi1>, vector<16xf32>
      %select_n3A_1861 = arith.select %gt3A_1858, %select_n3A_1742, %select_n3A_1860 : vector<16xi1>, vector<16xf32>
      %select_n3A_1862 = arith.select %gt3A_1859, %convert_element_type3A_1857, %select_n3A_1741 : vector<16xi1>, vector<16xf32>
      %select_n3A_1863 = arith.select %gt3A_1858, %select_n3A_1743, %select_n3A_1862 : vector<16xi1>, vector<16xf32>
      %select_n3A_1864 = arith.select %gt3A_1858, %select_n3A_1856, %select_n3A_1742 : vector<16xi1>, vector<16xf32>
      %select_n3A_1865 = arith.select %gt3A_1858, %convert_element_type3A_1857, %select_n3A_1743 : vector<16xi1>, vector<16xf32>
      %add3A_1866 = arith.constant 112 : i32
      %add3A_1867 = arith.addi %mul3A_0, %add3A_1866 : i32
      %add3A_1868 = vector.broadcast %add3A_1867 : i32 to vector<16xi32>
      %add3A_1869 = arith.addi %add3A_1868, %iota3A : vector<16xi32>
      %get3A_1870 = arith.constant 112 : index
      %get3A_1871 = tpu.vector_load %arg13[%get3A_1870] {strides = array<i32>} : memref<320xf32, #tpu.memory_space<vmem>>, vector<16xf32>,
      %get3A_1872 = arith.constant 112 : index
      %get3A_1873 = tpu.vector_load %arg7[%get3A_1872] {strides = array<i32>} : memref<320xf32, #tpu.memory_space<vmem>>, vector<16xf32>,
      %get3A_1874 = arith.constant 112 : index
      %get3A_1875 = tpu.vector_load %arg8[%get3A_1874] {strides = array<i32>} : memref<320xf32, #tpu.memory_space<vmem>>, vector<16xf32>,
      %get3A_1876 = arith.constant 112 : index
      %get3A_1877 = tpu.vector_load %arg9[%get3A_1876] {strides = array<i32>} : memref<320xf32, #tpu.memory_space<vmem>>, vector<16xf32>,
      %get3A_1878 = arith.constant 112 : index
      %get3A_1879 = tpu.vector_load %arg10[%get3A_1878] {strides = array<i32>} : memref<320xf32, #tpu.memory_space<vmem>>, vector<16xf32>,
      %get3A_1880 = arith.constant 112 : index
      %get3A_1881 = tpu.vector_load %arg11[%get3A_1880] {strides = array<i32>} : memref<320xf32, #tpu.memory_space<vmem>>, vector<16xf32>,
      %sub3A_1882 = arith.subf %get3A_1877, %get3A_1873 : vector<16xf32>
      %sub3A_1883 = arith.subf %get3A_1879, %get3A_1875 : vector<16xf32>
      %mul3A_1884 = arith.mulf %sub3A_1882, %sub3A_1883 : vector<16xf32>
      %min3A_1885 = arith.minimumf %get3A_1877, %while3A_995 : vector<16xf32>
      %max3A_1886 = arith.maximumf %get3A_1873, %while3A_993 : vector<16xf32>
      %sub3A_1887 = arith.subf %min3A_1885, %max3A_1886 : vector<16xf32>
      %max3A_1888 = arith.constant 0.000000e+00 : f32
      %max3A_1889 = vector.broadcast %max3A_1888 : f32 to vector<16xf32>
      %max3A_1890 = arith.maximumf %sub3A_1887, %max3A_1889 : vector<16xf32>
      %min3A_1891 = arith.minimumf %get3A_1879, %while3A_996 : vector<16xf32>
      %max3A_1892 = arith.maximumf %get3A_1875, %while3A_994 : vector<16xf32>
      %sub3A_1893 = arith.subf %min3A_1891, %max3A_1892 : vector<16xf32>
      %max3A_1894 = arith.constant 0.000000e+00 : f32
      %max3A_1895 = vector.broadcast %max3A_1894 : f32 to vector<16xf32>
      %max3A_1896 = arith.maximumf %sub3A_1893, %max3A_1895 : vector<16xf32>
      %mul3A_1897 = arith.mulf %max3A_1890, %max3A_1896 : vector<16xf32>
      %add3A_1898 = arith.addf %mul3A_1884, %while3A_998 : vector<16xf32>
      %sub3A_1899 = arith.subf %add3A_1898, %mul3A_1897 : vector<16xf32>
      %max3A_1900 = arith.constant 9.99999971E-10 : f32
      %max3A_1901 = vector.broadcast %max3A_1900 : f32 to vector<16xf32>
      %max3A_1902 = arith.maximumf %sub3A_1899, %max3A_1901 : vector<16xf32>
      %mul3A_1903 = arith.constant 5.000000e-01 : f32
      %mul3A_1904 = vector.broadcast %mul3A_1903 : f32 to vector<16xf32>
      %mul3A_1905 = arith.mulf %mul3A_1904, %max3A_1902 : vector<16xf32>
      %gt3A_1906 = arith.cmpf ogt, %mul3A_1897, %mul3A_1905 : vector<16xf32>
      %and3A_1907 = arith.andi %gt3A_1906, %lt3A_1008 : vector<16xi1>
      %min3A_1908 = arith.minimumf %get3A_1877, %while3A_1002 : vector<16xf32>
      %max3A_1909 = arith.maximumf %get3A_1873, %while3A_1000 : vector<16xf32>
      %sub3A_1910 = arith.subf %min3A_1908, %max3A_1909 : vector<16xf32>
      %max3A_1911 = arith.constant 0.000000e+00 : f32
      %max3A_1912 = vector.broadcast %max3A_1911 : f32 to vector<16xf32>
      %max3A_1913 = arith.maximumf %sub3A_1910, %max3A_1912 : vector<16xf32>
      %min3A_1914 = arith.minimumf %get3A_1879, %while3A_1003 : vector<16xf32>
      %max3A_1915 = arith.maximumf %get3A_1875, %while3A_1001 : vector<16xf32>
      %sub3A_1916 = arith.subf %min3A_1914, %max3A_1915 : vector<16xf32>
      %max3A_1917 = arith.constant 0.000000e+00 : f32
      %max3A_1918 = vector.broadcast %max3A_1917 : f32 to vector<16xf32>
      %max3A_1919 = arith.maximumf %sub3A_1916, %max3A_1918 : vector<16xf32>
      %mul3A_1920 = arith.mulf %max3A_1913, %max3A_1919 : vector<16xf32>
      %add3A_1921 = arith.addf %mul3A_1884, %while3A_1005 : vector<16xf32>
      %sub3A_1922 = arith.subf %add3A_1921, %mul3A_1920 : vector<16xf32>
      %max3A_1923 = arith.constant 9.99999971E-10 : f32
      %max3A_1924 = vector.broadcast %max3A_1923 : f32 to vector<16xf32>
      %max3A_1925 = arith.maximumf %sub3A_1922, %max3A_1924 : vector<16xf32>
      %mul3A_1926 = arith.constant 5.000000e-01 : f32
      %mul3A_1927 = vector.broadcast %mul3A_1926 : f32 to vector<16xf32>
      %mul3A_1928 = arith.mulf %mul3A_1927, %max3A_1925 : vector<16xf32>
      %gt3A_1929 = arith.cmpf ogt, %mul3A_1920, %mul3A_1928 : vector<16xf32>
      %and3A_1930 = arith.andi %gt3A_1929, %lt3A_1011 : vector<16xi1>
      %ne3A_1931 = arith.cmpi ne, %add3A_1869, %while3A_992 : vector<16xi32>
      %ne3A_1932 = arith.cmpi ne, %add3A_1869, %while3A_999 : vector<16xi32>
      %and3A_1933 = arith.andi %ne3A_1931, %ne3A_1932 : vector<16xi1>
      %not3A_1934 = arith.constant dense<true> : vector<16xi1>
      %not3A_1935 = arith.xori %and3A_1907, %not3A_1934 : vector<16xi1>
      %and3A_1936 = arith.andi %and3A_1933, %not3A_1935 : vector<16xi1>
      %not3A_1937 = arith.constant dense<true> : vector<16xi1>
      %not3A_1938 = arith.xori %and3A_1930, %not3A_1937 : vector<16xi1>
      %and3A_1939 = arith.andi %and3A_1936, %not3A_1938 : vector<16xi1>
      %gt3A_1940 = arith.constant 5.000000e-01 : f32
      %gt3A_1941 = vector.broadcast %gt3A_1940 : f32 to vector<16xf32>
      %gt3A_1942 = arith.cmpf ogt, %get3A_1871, %gt3A_1941 : vector<16xf32>
      %and3A_1943 = arith.andi %and3A_1939, %gt3A_1942 : vector<16xi1>
      %jit3A_1944 = arith.constant 1.000000e+00 : f32
      %jit3A_1945 = arith.constant 0.000000e+00 : f32
      %broadcast_in_dim3A_1946 = vector.broadcast %jit3A_1944 : f32 to vector<16xf32>
      %broadcast_in_dim3A_1947 = vector.broadcast %jit3A_1945 : f32 to vector<16xf32>
      %select_n3A_1948 = arith.select %and3A_1943, %broadcast_in_dim3A_1946, %broadcast_in_dim3A_1947 : vector<16xi1>, vector<16xf32>
      %swap3A_1949 = arith.constant 112 : index
      %swap3A_1950 = tpu.vector_load %arg13[%swap3A_1949] {strides = array<i32>} : memref<320xf32, #tpu.memory_space<vmem>>, vector<16xf32>,
      tpu.vector_store %arg13[%swap3A_1949], %select_n3A_1948 {strides = array<i32>} : memref<320xf32, #tpu.memory_space<vmem>>, vector<16xf32>,
      %gt3A_1951 = arith.cmpf ogt, %get3A_1881, %while3A_997 : vector<16xf32>
      %eq3A_1952 = arith.cmpf oeq, %get3A_1881, %while3A_997 : vector<16xf32>
      %lt3A_1953 = arith.cmpi slt, %add3A_1869, %while3A_992 : vector<16xi32>
      %and3A_1954 = arith.andi %eq3A_1952, %lt3A_1953 : vector<16xi1>
      %or3A_1955 = arith.ori %gt3A_1951, %and3A_1954 : vector<16xi1>
      %jit3A_1956 = arith.constant 1.000000e+00 : f32
      %jit3A_1957 = arith.constant 0.000000e+00 : f32
      %broadcast_in_dim3A_1958 = vector.broadcast %jit3A_1956 : f32 to vector<16xf32>
      %broadcast_in_dim3A_1959 = vector.broadcast %jit3A_1957 : f32 to vector<16xf32>
      %select_n3A_1960 = arith.select %or3A_1955, %broadcast_in_dim3A_1958, %broadcast_in_dim3A_1959 : vector<16xi1>, vector<16xf32>
      %add3A_1961 = arith.addf %add3A_1839, %select_n3A_1960 : vector<16xf32>
      %gt3A_1962 = arith.cmpf ogt, %get3A_1881, %while3A_1004 : vector<16xf32>
      %eq3A_1963 = arith.cmpf oeq, %get3A_1881, %while3A_1004 : vector<16xf32>
      %lt3A_1964 = arith.cmpi slt, %add3A_1869, %while3A_999 : vector<16xi32>
      %and3A_1965 = arith.andi %eq3A_1963, %lt3A_1964 : vector<16xi1>
      %or3A_1966 = arith.ori %gt3A_1962, %and3A_1965 : vector<16xi1>
      %jit3A_1967 = arith.constant 1.000000e+00 : f32
      %jit3A_1968 = arith.constant 0.000000e+00 : f32
      %broadcast_in_dim3A_1969 = vector.broadcast %jit3A_1967 : f32 to vector<16xf32>
      %broadcast_in_dim3A_1970 = vector.broadcast %jit3A_1968 : f32 to vector<16xf32>
      %select_n3A_1971 = arith.select %or3A_1966, %broadcast_in_dim3A_1969, %broadcast_in_dim3A_1970 : vector<16xi1>, vector<16xf32>
      %add3A_1972 = arith.addf %add3A_1850, %select_n3A_1971 : vector<16xf32>
      %gt3A_1973 = arith.constant 5.000000e-01 : f32
      %gt3A_1974 = vector.broadcast %gt3A_1973 : f32 to vector<16xf32>
      %gt3A_1975 = arith.cmpf ogt, %select_n3A_1948, %gt3A_1974 : vector<16xf32>
      %jit3A_1976 = arith.constant -1.000000e+30 : f32
      %broadcast_in_dim3A_1977 = vector.broadcast %jit3A_1976 : f32 to vector<16xf32>
      %select_n3A_1978 = arith.select %gt3A_1975, %get3A_1881, %broadcast_in_dim3A_1977 : vector<16xi1>, vector<16xf32>
      %convert_element_type3A_1979 = arith.sitofp %add3A_1869 : vector<16xi32> to vector<16xf32>
      %gt3A_1980 = arith.cmpf ogt, %select_n3A_1978, %select_n3A_1864 : vector<16xf32>
      %gt3A_1981 = arith.cmpf ogt, %select_n3A_1978, %select_n3A_1861 : vector<16xf32>
      %select_n3A_1982 = arith.select %gt3A_1981, %select_n3A_1978, %select_n3A_1861 : vector<16xi1>, vector<16xf32>
      %select_n3A_1983 = arith.select %gt3A_1980, %select_n3A_1864, %select_n3A_1982 : vector<16xi1>, vector<16xf32>
      %select_n3A_1984 = arith.select %gt3A_1981, %convert_element_type3A_1979, %select_n3A_1863 : vector<16xi1>, vector<16xf32>
      %select_n3A_1985 = arith.select %gt3A_1980, %select_n3A_1865, %select_n3A_1984 : vector<16xi1>, vector<16xf32>
      %select_n3A_1986 = arith.select %gt3A_1980, %select_n3A_1978, %select_n3A_1864 : vector<16xi1>, vector<16xf32>
      %select_n3A_1987 = arith.select %gt3A_1980, %convert_element_type3A_1979, %select_n3A_1865 : vector<16xi1>, vector<16xf32>
      %add3A_1988 = arith.constant 128 : i32
      %add3A_1989 = arith.addi %mul3A_0, %add3A_1988 : i32
      %add3A_1990 = vector.broadcast %add3A_1989 : i32 to vector<16xi32>
      %add3A_1991 = arith.addi %add3A_1990, %iota3A : vector<16xi32>
      %get3A_1992 = arith.constant 128 : index
      %get3A_1993 = tpu.vector_load %arg13[%get3A_1992] {strides = array<i32>} : memref<320xf32, #tpu.memory_space<vmem>>, vector<16xf32>,
      %get3A_1994 = arith.constant 128 : index
      %get3A_1995 = tpu.vector_load %arg7[%get3A_1994] {strides = array<i32>} : memref<320xf32, #tpu.memory_space<vmem>>, vector<16xf32>,
      %get3A_1996 = arith.constant 128 : index
      %get3A_1997 = tpu.vector_load %arg8[%get3A_1996] {strides = array<i32>} : memref<320xf32, #tpu.memory_space<vmem>>, vector<16xf32>,
      %get3A_1998 = arith.constant 128 : index
      %get3A_1999 = tpu.vector_load %arg9[%get3A_1998] {strides = array<i32>} : memref<320xf32, #tpu.memory_space<vmem>>, vector<16xf32>,
      %get3A_2000 = arith.constant 128 : index
      %get3A_2001 = tpu.vector_load %arg10[%get3A_2000] {strides = array<i32>} : memref<320xf32, #tpu.memory_space<vmem>>, vector<16xf32>,
      %get3A_2002 = arith.constant 128 : index
      %get3A_2003 = tpu.vector_load %arg11[%get3A_2002] {strides = array<i32>} : memref<320xf32, #tpu.memory_space<vmem>>, vector<16xf32>,
      %sub3A_2004 = arith.subf %get3A_1999, %get3A_1995 : vector<16xf32>
      %sub3A_2005 = arith.subf %get3A_2001, %get3A_1997 : vector<16xf32>
      %mul3A_2006 = arith.mulf %sub3A_2004, %sub3A_2005 : vector<16xf32>
      %min3A_2007 = arith.minimumf %get3A_1999, %while3A_995 : vector<16xf32>
      %max3A_2008 = arith.maximumf %get3A_1995, %while3A_993 : vector<16xf32>
      %sub3A_2009 = arith.subf %min3A_2007, %max3A_2008 : vector<16xf32>
      %max3A_2010 = arith.constant 0.000000e+00 : f32
      %max3A_2011 = vector.broadcast %max3A_2010 : f32 to vector<16xf32>
      %max3A_2012 = arith.maximumf %sub3A_2009, %max3A_2011 : vector<16xf32>
      %min3A_2013 = arith.minimumf %get3A_2001, %while3A_996 : vector<16xf32>
      %max3A_2014 = arith.maximumf %get3A_1997, %while3A_994 : vector<16xf32>
      %sub3A_2015 = arith.subf %min3A_2013, %max3A_2014 : vector<16xf32>
      %max3A_2016 = arith.constant 0.000000e+00 : f32
      %max3A_2017 = vector.broadcast %max3A_2016 : f32 to vector<16xf32>
      %max3A_2018 = arith.maximumf %sub3A_2015, %max3A_2017 : vector<16xf32>
      %mul3A_2019 = arith.mulf %max3A_2012, %max3A_2018 : vector<16xf32>
      %add3A_2020 = arith.addf %mul3A_2006, %while3A_998 : vector<16xf32>
      %sub3A_2021 = arith.subf %add3A_2020, %mul3A_2019 : vector<16xf32>
      %max3A_2022 = arith.constant 9.99999971E-10 : f32
      %max3A_2023 = vector.broadcast %max3A_2022 : f32 to vector<16xf32>
      %max3A_2024 = arith.maximumf %sub3A_2021, %max3A_2023 : vector<16xf32>
      %mul3A_2025 = arith.constant 5.000000e-01 : f32
      %mul3A_2026 = vector.broadcast %mul3A_2025 : f32 to vector<16xf32>
      %mul3A_2027 = arith.mulf %mul3A_2026, %max3A_2024 : vector<16xf32>
      %gt3A_2028 = arith.cmpf ogt, %mul3A_2019, %mul3A_2027 : vector<16xf32>
      %and3A_2029 = arith.andi %gt3A_2028, %lt3A_1008 : vector<16xi1>
      %min3A_2030 = arith.minimumf %get3A_1999, %while3A_1002 : vector<16xf32>
      %max3A_2031 = arith.maximumf %get3A_1995, %while3A_1000 : vector<16xf32>
      %sub3A_2032 = arith.subf %min3A_2030, %max3A_2031 : vector<16xf32>
      %max3A_2033 = arith.constant 0.000000e+00 : f32
      %max3A_2034 = vector.broadcast %max3A_2033 : f32 to vector<16xf32>
      %max3A_2035 = arith.maximumf %sub3A_2032, %max3A_2034 : vector<16xf32>
      %min3A_2036 = arith.minimumf %get3A_2001, %while3A_1003 : vector<16xf32>
      %max3A_2037 = arith.maximumf %get3A_1997, %while3A_1001 : vector<16xf32>
      %sub3A_2038 = arith.subf %min3A_2036, %max3A_2037 : vector<16xf32>
      %max3A_2039 = arith.constant 0.000000e+00 : f32
      %max3A_2040 = vector.broadcast %max3A_2039 : f32 to vector<16xf32>
      %max3A_2041 = arith.maximumf %sub3A_2038, %max3A_2040 : vector<16xf32>
      %mul3A_2042 = arith.mulf %max3A_2035, %max3A_2041 : vector<16xf32>
      %add3A_2043 = arith.addf %mul3A_2006, %while3A_1005 : vector<16xf32>
      %sub3A_2044 = arith.subf %add3A_2043, %mul3A_2042 : vector<16xf32>
      %max3A_2045 = arith.constant 9.99999971E-10 : f32
      %max3A_2046 = vector.broadcast %max3A_2045 : f32 to vector<16xf32>
      %max3A_2047 = arith.maximumf %sub3A_2044, %max3A_2046 : vector<16xf32>
      %mul3A_2048 = arith.constant 5.000000e-01 : f32
      %mul3A_2049 = vector.broadcast %mul3A_2048 : f32 to vector<16xf32>
      %mul3A_2050 = arith.mulf %mul3A_2049, %max3A_2047 : vector<16xf32>
      %gt3A_2051 = arith.cmpf ogt, %mul3A_2042, %mul3A_2050 : vector<16xf32>
      %and3A_2052 = arith.andi %gt3A_2051, %lt3A_1011 : vector<16xi1>
      %ne3A_2053 = arith.cmpi ne, %add3A_1991, %while3A_992 : vector<16xi32>
      %ne3A_2054 = arith.cmpi ne, %add3A_1991, %while3A_999 : vector<16xi32>
      %and3A_2055 = arith.andi %ne3A_2053, %ne3A_2054 : vector<16xi1>
      %not3A_2056 = arith.constant dense<true> : vector<16xi1>
      %not3A_2057 = arith.xori %and3A_2029, %not3A_2056 : vector<16xi1>
      %and3A_2058 = arith.andi %and3A_2055, %not3A_2057 : vector<16xi1>
      %not3A_2059 = arith.constant dense<true> : vector<16xi1>
      %not3A_2060 = arith.xori %and3A_2052, %not3A_2059 : vector<16xi1>
      %and3A_2061 = arith.andi %and3A_2058, %not3A_2060 : vector<16xi1>
      %gt3A_2062 = arith.constant 5.000000e-01 : f32
      %gt3A_2063 = vector.broadcast %gt3A_2062 : f32 to vector<16xf32>
      %gt3A_2064 = arith.cmpf ogt, %get3A_1993, %gt3A_2063 : vector<16xf32>
      %and3A_2065 = arith.andi %and3A_2061, %gt3A_2064 : vector<16xi1>
      %jit3A_2066 = arith.constant 1.000000e+00 : f32
      %jit3A_2067 = arith.constant 0.000000e+00 : f32
      %broadcast_in_dim3A_2068 = vector.broadcast %jit3A_2066 : f32 to vector<16xf32>
      %broadcast_in_dim3A_2069 = vector.broadcast %jit3A_2067 : f32 to vector<16xf32>
      %select_n3A_2070 = arith.select %and3A_2065, %broadcast_in_dim3A_2068, %broadcast_in_dim3A_2069 : vector<16xi1>, vector<16xf32>
      %swap3A_2071 = arith.constant 128 : index
      %swap3A_2072 = tpu.vector_load %arg13[%swap3A_2071] {strides = array<i32>} : memref<320xf32, #tpu.memory_space<vmem>>, vector<16xf32>,
      tpu.vector_store %arg13[%swap3A_2071], %select_n3A_2070 {strides = array<i32>} : memref<320xf32, #tpu.memory_space<vmem>>, vector<16xf32>,
      %gt3A_2073 = arith.cmpf ogt, %get3A_2003, %while3A_997 : vector<16xf32>
      %eq3A_2074 = arith.cmpf oeq, %get3A_2003, %while3A_997 : vector<16xf32>
      %lt3A_2075 = arith.cmpi slt, %add3A_1991, %while3A_992 : vector<16xi32>
      %and3A_2076 = arith.andi %eq3A_2074, %lt3A_2075 : vector<16xi1>
      %or3A_2077 = arith.ori %gt3A_2073, %and3A_2076 : vector<16xi1>
      %jit3A_2078 = arith.constant 1.000000e+00 : f32
      %jit3A_2079 = arith.constant 0.000000e+00 : f32
      %broadcast_in_dim3A_2080 = vector.broadcast %jit3A_2078 : f32 to vector<16xf32>
      %broadcast_in_dim3A_2081 = vector.broadcast %jit3A_2079 : f32 to vector<16xf32>
      %select_n3A_2082 = arith.select %or3A_2077, %broadcast_in_dim3A_2080, %broadcast_in_dim3A_2081 : vector<16xi1>, vector<16xf32>
      %add3A_2083 = arith.addf %add3A_1961, %select_n3A_2082 : vector<16xf32>
      %gt3A_2084 = arith.cmpf ogt, %get3A_2003, %while3A_1004 : vector<16xf32>
      %eq3A_2085 = arith.cmpf oeq, %get3A_2003, %while3A_1004 : vector<16xf32>
      %lt3A_2086 = arith.cmpi slt, %add3A_1991, %while3A_999 : vector<16xi32>
      %and3A_2087 = arith.andi %eq3A_2085, %lt3A_2086 : vector<16xi1>
      %or3A_2088 = arith.ori %gt3A_2084, %and3A_2087 : vector<16xi1>
      %jit3A_2089 = arith.constant 1.000000e+00 : f32
      %jit3A_2090 = arith.constant 0.000000e+00 : f32
      %broadcast_in_dim3A_2091 = vector.broadcast %jit3A_2089 : f32 to vector<16xf32>
      %broadcast_in_dim3A_2092 = vector.broadcast %jit3A_2090 : f32 to vector<16xf32>
      %select_n3A_2093 = arith.select %or3A_2088, %broadcast_in_dim3A_2091, %broadcast_in_dim3A_2092 : vector<16xi1>, vector<16xf32>
      %add3A_2094 = arith.addf %add3A_1972, %select_n3A_2093 : vector<16xf32>
      %gt3A_2095 = arith.constant 5.000000e-01 : f32
      %gt3A_2096 = vector.broadcast %gt3A_2095 : f32 to vector<16xf32>
      %gt3A_2097 = arith.cmpf ogt, %select_n3A_2070, %gt3A_2096 : vector<16xf32>
      %jit3A_2098 = arith.constant -1.000000e+30 : f32
      %broadcast_in_dim3A_2099 = vector.broadcast %jit3A_2098 : f32 to vector<16xf32>
      %select_n3A_2100 = arith.select %gt3A_2097, %get3A_2003, %broadcast_in_dim3A_2099 : vector<16xi1>, vector<16xf32>
      %convert_element_type3A_2101 = arith.sitofp %add3A_1991 : vector<16xi32> to vector<16xf32>
      %gt3A_2102 = arith.cmpf ogt, %select_n3A_2100, %select_n3A_1986 : vector<16xf32>
      %gt3A_2103 = arith.cmpf ogt, %select_n3A_2100, %select_n3A_1983 : vector<16xf32>
      %select_n3A_2104 = arith.select %gt3A_2103, %select_n3A_2100, %select_n3A_1983 : vector<16xi1>, vector<16xf32>
      %select_n3A_2105 = arith.select %gt3A_2102, %select_n3A_1986, %select_n3A_2104 : vector<16xi1>, vector<16xf32>
      %select_n3A_2106 = arith.select %gt3A_2103, %convert_element_type3A_2101, %select_n3A_1985 : vector<16xi1>, vector<16xf32>
      %select_n3A_2107 = arith.select %gt3A_2102, %select_n3A_1987, %select_n3A_2106 : vector<16xi1>, vector<16xf32>
      %select_n3A_2108 = arith.select %gt3A_2102, %select_n3A_2100, %select_n3A_1986 : vector<16xi1>, vector<16xf32>
      %select_n3A_2109 = arith.select %gt3A_2102, %convert_element_type3A_2101, %select_n3A_1987 : vector<16xi1>, vector<16xf32>
      %add3A_2110 = arith.constant 144 : i32
      %add3A_2111 = arith.addi %mul3A_0, %add3A_2110 : i32
      %add3A_2112 = vector.broadcast %add3A_2111 : i32 to vector<16xi32>
      %add3A_2113 = arith.addi %add3A_2112, %iota3A : vector<16xi32>
      %get3A_2114 = arith.constant 144 : index
      %get3A_2115 = tpu.vector_load %arg13[%get3A_2114] {strides = array<i32>} : memref<320xf32, #tpu.memory_space<vmem>>, vector<16xf32>,
      %get3A_2116 = arith.constant 144 : index
      %get3A_2117 = tpu.vector_load %arg7[%get3A_2116] {strides = array<i32>} : memref<320xf32, #tpu.memory_space<vmem>>, vector<16xf32>,
      %get3A_2118 = arith.constant 144 : index
      %get3A_2119 = tpu.vector_load %arg8[%get3A_2118] {strides = array<i32>} : memref<320xf32, #tpu.memory_space<vmem>>, vector<16xf32>,
      %get3A_2120 = arith.constant 144 : index
      %get3A_2121 = tpu.vector_load %arg9[%get3A_2120] {strides = array<i32>} : memref<320xf32, #tpu.memory_space<vmem>>, vector<16xf32>,
      %get3A_2122 = arith.constant 144 : index
      %get3A_2123 = tpu.vector_load %arg10[%get3A_2122] {strides = array<i32>} : memref<320xf32, #tpu.memory_space<vmem>>, vector<16xf32>,
      %get3A_2124 = arith.constant 144 : index
      %get3A_2125 = tpu.vector_load %arg11[%get3A_2124] {strides = array<i32>} : memref<320xf32, #tpu.memory_space<vmem>>, vector<16xf32>,
      %sub3A_2126 = arith.subf %get3A_2121, %get3A_2117 : vector<16xf32>
      %sub3A_2127 = arith.subf %get3A_2123, %get3A_2119 : vector<16xf32>
      %mul3A_2128 = arith.mulf %sub3A_2126, %sub3A_2127 : vector<16xf32>
      %min3A_2129 = arith.minimumf %get3A_2121, %while3A_995 : vector<16xf32>
      %max3A_2130 = arith.maximumf %get3A_2117, %while3A_993 : vector<16xf32>
      %sub3A_2131 = arith.subf %min3A_2129, %max3A_2130 : vector<16xf32>
      %max3A_2132 = arith.constant 0.000000e+00 : f32
      %max3A_2133 = vector.broadcast %max3A_2132 : f32 to vector<16xf32>
      %max3A_2134 = arith.maximumf %sub3A_2131, %max3A_2133 : vector<16xf32>
      %min3A_2135 = arith.minimumf %get3A_2123, %while3A_996 : vector<16xf32>
      %max3A_2136 = arith.maximumf %get3A_2119, %while3A_994 : vector<16xf32>
      %sub3A_2137 = arith.subf %min3A_2135, %max3A_2136 : vector<16xf32>
      %max3A_2138 = arith.constant 0.000000e+00 : f32
      %max3A_2139 = vector.broadcast %max3A_2138 : f32 to vector<16xf32>
      %max3A_2140 = arith.maximumf %sub3A_2137, %max3A_2139 : vector<16xf32>
      %mul3A_2141 = arith.mulf %max3A_2134, %max3A_2140 : vector<16xf32>
      %add3A_2142 = arith.addf %mul3A_2128, %while3A_998 : vector<16xf32>
      %sub3A_2143 = arith.subf %add3A_2142, %mul3A_2141 : vector<16xf32>
      %max3A_2144 = arith.constant 9.99999971E-10 : f32
      %max3A_2145 = vector.broadcast %max3A_2144 : f32 to vector<16xf32>
      %max3A_2146 = arith.maximumf %sub3A_2143, %max3A_2145 : vector<16xf32>
      %mul3A_2147 = arith.constant 5.000000e-01 : f32
      %mul3A_2148 = vector.broadcast %mul3A_2147 : f32 to vector<16xf32>
      %mul3A_2149 = arith.mulf %mul3A_2148, %max3A_2146 : vector<16xf32>
      %gt3A_2150 = arith.cmpf ogt, %mul3A_2141, %mul3A_2149 : vector<16xf32>
      %and3A_2151 = arith.andi %gt3A_2150, %lt3A_1008 : vector<16xi1>
      %min3A_2152 = arith.minimumf %get3A_2121, %while3A_1002 : vector<16xf32>
      %max3A_2153 = arith.maximumf %get3A_2117, %while3A_1000 : vector<16xf32>
      %sub3A_2154 = arith.subf %min3A_2152, %max3A_2153 : vector<16xf32>
      %max3A_2155 = arith.constant 0.000000e+00 : f32
      %max3A_2156 = vector.broadcast %max3A_2155 : f32 to vector<16xf32>
      %max3A_2157 = arith.maximumf %sub3A_2154, %max3A_2156 : vector<16xf32>
      %min3A_2158 = arith.minimumf %get3A_2123, %while3A_1003 : vector<16xf32>
      %max3A_2159 = arith.maximumf %get3A_2119, %while3A_1001 : vector<16xf32>
      %sub3A_2160 = arith.subf %min3A_2158, %max3A_2159 : vector<16xf32>
      %max3A_2161 = arith.constant 0.000000e+00 : f32
      %max3A_2162 = vector.broadcast %max3A_2161 : f32 to vector<16xf32>
      %max3A_2163 = arith.maximumf %sub3A_2160, %max3A_2162 : vector<16xf32>
      %mul3A_2164 = arith.mulf %max3A_2157, %max3A_2163 : vector<16xf32>
      %add3A_2165 = arith.addf %mul3A_2128, %while3A_1005 : vector<16xf32>
      %sub3A_2166 = arith.subf %add3A_2165, %mul3A_2164 : vector<16xf32>
      %max3A_2167 = arith.constant 9.99999971E-10 : f32
      %max3A_2168 = vector.broadcast %max3A_2167 : f32 to vector<16xf32>
      %max3A_2169 = arith.maximumf %sub3A_2166, %max3A_2168 : vector<16xf32>
      %mul3A_2170 = arith.constant 5.000000e-01 : f32
      %mul3A_2171 = vector.broadcast %mul3A_2170 : f32 to vector<16xf32>
      %mul3A_2172 = arith.mulf %mul3A_2171, %max3A_2169 : vector<16xf32>
      %gt3A_2173 = arith.cmpf ogt, %mul3A_2164, %mul3A_2172 : vector<16xf32>
      %and3A_2174 = arith.andi %gt3A_2173, %lt3A_1011 : vector<16xi1>
      %ne3A_2175 = arith.cmpi ne, %add3A_2113, %while3A_992 : vector<16xi32>
      %ne3A_2176 = arith.cmpi ne, %add3A_2113, %while3A_999 : vector<16xi32>
      %and3A_2177 = arith.andi %ne3A_2175, %ne3A_2176 : vector<16xi1>
      %not3A_2178 = arith.constant dense<true> : vector<16xi1>
      %not3A_2179 = arith.xori %and3A_2151, %not3A_2178 : vector<16xi1>
      %and3A_2180 = arith.andi %and3A_2177, %not3A_2179 : vector<16xi1>
      %not3A_2181 = arith.constant dense<true> : vector<16xi1>
      %not3A_2182 = arith.xori %and3A_2174, %not3A_2181 : vector<16xi1>
      %and3A_2183 = arith.andi %and3A_2180, %not3A_2182 : vector<16xi1>
      %gt3A_2184 = arith.constant 5.000000e-01 : f32
      %gt3A_2185 = vector.broadcast %gt3A_2184 : f32 to vector<16xf32>
      %gt3A_2186 = arith.cmpf ogt, %get3A_2115, %gt3A_2185 : vector<16xf32>
      %and3A_2187 = arith.andi %and3A_2183, %gt3A_2186 : vector<16xi1>
      %jit3A_2188 = arith.constant 1.000000e+00 : f32
      %jit3A_2189 = arith.constant 0.000000e+00 : f32
      %broadcast_in_dim3A_2190 = vector.broadcast %jit3A_2188 : f32 to vector<16xf32>
      %broadcast_in_dim3A_2191 = vector.broadcast %jit3A_2189 : f32 to vector<16xf32>
      %select_n3A_2192 = arith.select %and3A_2187, %broadcast_in_dim3A_2190, %broadcast_in_dim3A_2191 : vector<16xi1>, vector<16xf32>
      %swap3A_2193 = arith.constant 144 : index
      %swap3A_2194 = tpu.vector_load %arg13[%swap3A_2193] {strides = array<i32>} : memref<320xf32, #tpu.memory_space<vmem>>, vector<16xf32>,
      tpu.vector_store %arg13[%swap3A_2193], %select_n3A_2192 {strides = array<i32>} : memref<320xf32, #tpu.memory_space<vmem>>, vector<16xf32>,
      %gt3A_2195 = arith.cmpf ogt, %get3A_2125, %while3A_997 : vector<16xf32>
      %eq3A_2196 = arith.cmpf oeq, %get3A_2125, %while3A_997 : vector<16xf32>
      %lt3A_2197 = arith.cmpi slt, %add3A_2113, %while3A_992 : vector<16xi32>
      %and3A_2198 = arith.andi %eq3A_2196, %lt3A_2197 : vector<16xi1>
      %or3A_2199 = arith.ori %gt3A_2195, %and3A_2198 : vector<16xi1>
      %jit3A_2200 = arith.constant 1.000000e+00 : f32
      %jit3A_2201 = arith.constant 0.000000e+00 : f32
      %broadcast_in_dim3A_2202 = vector.broadcast %jit3A_2200 : f32 to vector<16xf32>
      %broadcast_in_dim3A_2203 = vector.broadcast %jit3A_2201 : f32 to vector<16xf32>
      %select_n3A_2204 = arith.select %or3A_2199, %broadcast_in_dim3A_2202, %broadcast_in_dim3A_2203 : vector<16xi1>, vector<16xf32>
      %add3A_2205 = arith.addf %add3A_2083, %select_n3A_2204 : vector<16xf32>
      %gt3A_2206 = arith.cmpf ogt, %get3A_2125, %while3A_1004 : vector<16xf32>
      %eq3A_2207 = arith.cmpf oeq, %get3A_2125, %while3A_1004 : vector<16xf32>
      %lt3A_2208 = arith.cmpi slt, %add3A_2113, %while3A_999 : vector<16xi32>
      %and3A_2209 = arith.andi %eq3A_2207, %lt3A_2208 : vector<16xi1>
      %or3A_2210 = arith.ori %gt3A_2206, %and3A_2209 : vector<16xi1>
      %jit3A_2211 = arith.constant 1.000000e+00 : f32
      %jit3A_2212 = arith.constant 0.000000e+00 : f32
      %broadcast_in_dim3A_2213 = vector.broadcast %jit3A_2211 : f32 to vector<16xf32>
      %broadcast_in_dim3A_2214 = vector.broadcast %jit3A_2212 : f32 to vector<16xf32>
      %select_n3A_2215 = arith.select %or3A_2210, %broadcast_in_dim3A_2213, %broadcast_in_dim3A_2214 : vector<16xi1>, vector<16xf32>
      %add3A_2216 = arith.addf %add3A_2094, %select_n3A_2215 : vector<16xf32>
      %gt3A_2217 = arith.constant 5.000000e-01 : f32
      %gt3A_2218 = vector.broadcast %gt3A_2217 : f32 to vector<16xf32>
      %gt3A_2219 = arith.cmpf ogt, %select_n3A_2192, %gt3A_2218 : vector<16xf32>
      %jit3A_2220 = arith.constant -1.000000e+30 : f32
      %broadcast_in_dim3A_2221 = vector.broadcast %jit3A_2220 : f32 to vector<16xf32>
      %select_n3A_2222 = arith.select %gt3A_2219, %get3A_2125, %broadcast_in_dim3A_2221 : vector<16xi1>, vector<16xf32>
      %convert_element_type3A_2223 = arith.sitofp %add3A_2113 : vector<16xi32> to vector<16xf32>
      %gt3A_2224 = arith.cmpf ogt, %select_n3A_2222, %select_n3A_2108 : vector<16xf32>
      %gt3A_2225 = arith.cmpf ogt, %select_n3A_2222, %select_n3A_2105 : vector<16xf32>
      %select_n3A_2226 = arith.select %gt3A_2225, %select_n3A_2222, %select_n3A_2105 : vector<16xi1>, vector<16xf32>
      %select_n3A_2227 = arith.select %gt3A_2224, %select_n3A_2108, %select_n3A_2226 : vector<16xi1>, vector<16xf32>
      %select_n3A_2228 = arith.select %gt3A_2225, %convert_element_type3A_2223, %select_n3A_2107 : vector<16xi1>, vector<16xf32>
      %select_n3A_2229 = arith.select %gt3A_2224, %select_n3A_2109, %select_n3A_2228 : vector<16xi1>, vector<16xf32>
      %select_n3A_2230 = arith.select %gt3A_2224, %select_n3A_2222, %select_n3A_2108 : vector<16xi1>, vector<16xf32>
      %select_n3A_2231 = arith.select %gt3A_2224, %convert_element_type3A_2223, %select_n3A_2109 : vector<16xi1>, vector<16xf32>
      %add3A_2232 = arith.constant 160 : i32
      %add3A_2233 = arith.addi %mul3A_0, %add3A_2232 : i32
      %add3A_2234 = vector.broadcast %add3A_2233 : i32 to vector<16xi32>
      %add3A_2235 = arith.addi %add3A_2234, %iota3A : vector<16xi32>
      %get3A_2236 = arith.constant 160 : index
      %get3A_2237 = tpu.vector_load %arg13[%get3A_2236] {strides = array<i32>} : memref<320xf32, #tpu.memory_space<vmem>>, vector<16xf32>,
      %get3A_2238 = arith.constant 160 : index
      %get3A_2239 = tpu.vector_load %arg7[%get3A_2238] {strides = array<i32>} : memref<320xf32, #tpu.memory_space<vmem>>, vector<16xf32>,
      %get3A_2240 = arith.constant 160 : index
      %get3A_2241 = tpu.vector_load %arg8[%get3A_2240] {strides = array<i32>} : memref<320xf32, #tpu.memory_space<vmem>>, vector<16xf32>,
      %get3A_2242 = arith.constant 160 : index
      %get3A_2243 = tpu.vector_load %arg9[%get3A_2242] {strides = array<i32>} : memref<320xf32, #tpu.memory_space<vmem>>, vector<16xf32>,
      %get3A_2244 = arith.constant 160 : index
      %get3A_2245 = tpu.vector_load %arg10[%get3A_2244] {strides = array<i32>} : memref<320xf32, #tpu.memory_space<vmem>>, vector<16xf32>,
      %get3A_2246 = arith.constant 160 : index
      %get3A_2247 = tpu.vector_load %arg11[%get3A_2246] {strides = array<i32>} : memref<320xf32, #tpu.memory_space<vmem>>, vector<16xf32>,
      %sub3A_2248 = arith.subf %get3A_2243, %get3A_2239 : vector<16xf32>
      %sub3A_2249 = arith.subf %get3A_2245, %get3A_2241 : vector<16xf32>
      %mul3A_2250 = arith.mulf %sub3A_2248, %sub3A_2249 : vector<16xf32>
      %min3A_2251 = arith.minimumf %get3A_2243, %while3A_995 : vector<16xf32>
      %max3A_2252 = arith.maximumf %get3A_2239, %while3A_993 : vector<16xf32>
      %sub3A_2253 = arith.subf %min3A_2251, %max3A_2252 : vector<16xf32>
      %max3A_2254 = arith.constant 0.000000e+00 : f32
      %max3A_2255 = vector.broadcast %max3A_2254 : f32 to vector<16xf32>
      %max3A_2256 = arith.maximumf %sub3A_2253, %max3A_2255 : vector<16xf32>
      %min3A_2257 = arith.minimumf %get3A_2245, %while3A_996 : vector<16xf32>
      %max3A_2258 = arith.maximumf %get3A_2241, %while3A_994 : vector<16xf32>
      %sub3A_2259 = arith.subf %min3A_2257, %max3A_2258 : vector<16xf32>
      %max3A_2260 = arith.constant 0.000000e+00 : f32
      %max3A_2261 = vector.broadcast %max3A_2260 : f32 to vector<16xf32>
      %max3A_2262 = arith.maximumf %sub3A_2259, %max3A_2261 : vector<16xf32>
      %mul3A_2263 = arith.mulf %max3A_2256, %max3A_2262 : vector<16xf32>
      %add3A_2264 = arith.addf %mul3A_2250, %while3A_998 : vector<16xf32>
      %sub3A_2265 = arith.subf %add3A_2264, %mul3A_2263 : vector<16xf32>
      %max3A_2266 = arith.constant 9.99999971E-10 : f32
      %max3A_2267 = vector.broadcast %max3A_2266 : f32 to vector<16xf32>
      %max3A_2268 = arith.maximumf %sub3A_2265, %max3A_2267 : vector<16xf32>
      %mul3A_2269 = arith.constant 5.000000e-01 : f32
      %mul3A_2270 = vector.broadcast %mul3A_2269 : f32 to vector<16xf32>
      %mul3A_2271 = arith.mulf %mul3A_2270, %max3A_2268 : vector<16xf32>
      %gt3A_2272 = arith.cmpf ogt, %mul3A_2263, %mul3A_2271 : vector<16xf32>
      %and3A_2273 = arith.andi %gt3A_2272, %lt3A_1008 : vector<16xi1>
      %min3A_2274 = arith.minimumf %get3A_2243, %while3A_1002 : vector<16xf32>
      %max3A_2275 = arith.maximumf %get3A_2239, %while3A_1000 : vector<16xf32>
      %sub3A_2276 = arith.subf %min3A_2274, %max3A_2275 : vector<16xf32>
      %max3A_2277 = arith.constant 0.000000e+00 : f32
      %max3A_2278 = vector.broadcast %max3A_2277 : f32 to vector<16xf32>
      %max3A_2279 = arith.maximumf %sub3A_2276, %max3A_2278 : vector<16xf32>
      %min3A_2280 = arith.minimumf %get3A_2245, %while3A_1003 : vector<16xf32>
      %max3A_2281 = arith.maximumf %get3A_2241, %while3A_1001 : vector<16xf32>
      %sub3A_2282 = arith.subf %min3A_2280, %max3A_2281 : vector<16xf32>
      %max3A_2283 = arith.constant 0.000000e+00 : f32
      %max3A_2284 = vector.broadcast %max3A_2283 : f32 to vector<16xf32>
      %max3A_2285 = arith.maximumf %sub3A_2282, %max3A_2284 : vector<16xf32>
      %mul3A_2286 = arith.mulf %max3A_2279, %max3A_2285 : vector<16xf32>
      %add3A_2287 = arith.addf %mul3A_2250, %while3A_1005 : vector<16xf32>
      %sub3A_2288 = arith.subf %add3A_2287, %mul3A_2286 : vector<16xf32>
      %max3A_2289 = arith.constant 9.99999971E-10 : f32
      %max3A_2290 = vector.broadcast %max3A_2289 : f32 to vector<16xf32>
      %max3A_2291 = arith.maximumf %sub3A_2288, %max3A_2290 : vector<16xf32>
      %mul3A_2292 = arith.constant 5.000000e-01 : f32
      %mul3A_2293 = vector.broadcast %mul3A_2292 : f32 to vector<16xf32>
      %mul3A_2294 = arith.mulf %mul3A_2293, %max3A_2291 : vector<16xf32>
      %gt3A_2295 = arith.cmpf ogt, %mul3A_2286, %mul3A_2294 : vector<16xf32>
      %and3A_2296 = arith.andi %gt3A_2295, %lt3A_1011 : vector<16xi1>
      %ne3A_2297 = arith.cmpi ne, %add3A_2235, %while3A_992 : vector<16xi32>
      %ne3A_2298 = arith.cmpi ne, %add3A_2235, %while3A_999 : vector<16xi32>
      %and3A_2299 = arith.andi %ne3A_2297, %ne3A_2298 : vector<16xi1>
      %not3A_2300 = arith.constant dense<true> : vector<16xi1>
      %not3A_2301 = arith.xori %and3A_2273, %not3A_2300 : vector<16xi1>
      %and3A_2302 = arith.andi %and3A_2299, %not3A_2301 : vector<16xi1>
      %not3A_2303 = arith.constant dense<true> : vector<16xi1>
      %not3A_2304 = arith.xori %and3A_2296, %not3A_2303 : vector<16xi1>
      %and3A_2305 = arith.andi %and3A_2302, %not3A_2304 : vector<16xi1>
      %gt3A_2306 = arith.constant 5.000000e-01 : f32
      %gt3A_2307 = vector.broadcast %gt3A_2306 : f32 to vector<16xf32>
      %gt3A_2308 = arith.cmpf ogt, %get3A_2237, %gt3A_2307 : vector<16xf32>
      %and3A_2309 = arith.andi %and3A_2305, %gt3A_2308 : vector<16xi1>
      %jit3A_2310 = arith.constant 1.000000e+00 : f32
      %jit3A_2311 = arith.constant 0.000000e+00 : f32
      %broadcast_in_dim3A_2312 = vector.broadcast %jit3A_2310 : f32 to vector<16xf32>
      %broadcast_in_dim3A_2313 = vector.broadcast %jit3A_2311 : f32 to vector<16xf32>
      %select_n3A_2314 = arith.select %and3A_2309, %broadcast_in_dim3A_2312, %broadcast_in_dim3A_2313 : vector<16xi1>, vector<16xf32>
      %swap3A_2315 = arith.constant 160 : index
      %swap3A_2316 = tpu.vector_load %arg13[%swap3A_2315] {strides = array<i32>} : memref<320xf32, #tpu.memory_space<vmem>>, vector<16xf32>,
      tpu.vector_store %arg13[%swap3A_2315], %select_n3A_2314 {strides = array<i32>} : memref<320xf32, #tpu.memory_space<vmem>>, vector<16xf32>,
      %gt3A_2317 = arith.cmpf ogt, %get3A_2247, %while3A_997 : vector<16xf32>
      %eq3A_2318 = arith.cmpf oeq, %get3A_2247, %while3A_997 : vector<16xf32>
      %lt3A_2319 = arith.cmpi slt, %add3A_2235, %while3A_992 : vector<16xi32>
      %and3A_2320 = arith.andi %eq3A_2318, %lt3A_2319 : vector<16xi1>
      %or3A_2321 = arith.ori %gt3A_2317, %and3A_2320 : vector<16xi1>
      %jit3A_2322 = arith.constant 1.000000e+00 : f32
      %jit3A_2323 = arith.constant 0.000000e+00 : f32
      %broadcast_in_dim3A_2324 = vector.broadcast %jit3A_2322 : f32 to vector<16xf32>
      %broadcast_in_dim3A_2325 = vector.broadcast %jit3A_2323 : f32 to vector<16xf32>
      %select_n3A_2326 = arith.select %or3A_2321, %broadcast_in_dim3A_2324, %broadcast_in_dim3A_2325 : vector<16xi1>, vector<16xf32>
      %add3A_2327 = arith.addf %add3A_2205, %select_n3A_2326 : vector<16xf32>
      %gt3A_2328 = arith.cmpf ogt, %get3A_2247, %while3A_1004 : vector<16xf32>
      %eq3A_2329 = arith.cmpf oeq, %get3A_2247, %while3A_1004 : vector<16xf32>
      %lt3A_2330 = arith.cmpi slt, %add3A_2235, %while3A_999 : vector<16xi32>
      %and3A_2331 = arith.andi %eq3A_2329, %lt3A_2330 : vector<16xi1>
      %or3A_2332 = arith.ori %gt3A_2328, %and3A_2331 : vector<16xi1>
      %jit3A_2333 = arith.constant 1.000000e+00 : f32
      %jit3A_2334 = arith.constant 0.000000e+00 : f32
      %broadcast_in_dim3A_2335 = vector.broadcast %jit3A_2333 : f32 to vector<16xf32>
      %broadcast_in_dim3A_2336 = vector.broadcast %jit3A_2334 : f32 to vector<16xf32>
      %select_n3A_2337 = arith.select %or3A_2332, %broadcast_in_dim3A_2335, %broadcast_in_dim3A_2336 : vector<16xi1>, vector<16xf32>
      %add3A_2338 = arith.addf %add3A_2216, %select_n3A_2337 : vector<16xf32>
      %gt3A_2339 = arith.constant 5.000000e-01 : f32
      %gt3A_2340 = vector.broadcast %gt3A_2339 : f32 to vector<16xf32>
      %gt3A_2341 = arith.cmpf ogt, %select_n3A_2314, %gt3A_2340 : vector<16xf32>
      %jit3A_2342 = arith.constant -1.000000e+30 : f32
      %broadcast_in_dim3A_2343 = vector.broadcast %jit3A_2342 : f32 to vector<16xf32>
      %select_n3A_2344 = arith.select %gt3A_2341, %get3A_2247, %broadcast_in_dim3A_2343 : vector<16xi1>, vector<16xf32>
      %convert_element_type3A_2345 = arith.sitofp %add3A_2235 : vector<16xi32> to vector<16xf32>
      %gt3A_2346 = arith.cmpf ogt, %select_n3A_2344, %select_n3A_2230 : vector<16xf32>
      %gt3A_2347 = arith.cmpf ogt, %select_n3A_2344, %select_n3A_2227 : vector<16xf32>
      %select_n3A_2348 = arith.select %gt3A_2347, %select_n3A_2344, %select_n3A_2227 : vector<16xi1>, vector<16xf32>
      %select_n3A_2349 = arith.select %gt3A_2346, %select_n3A_2230, %select_n3A_2348 : vector<16xi1>, vector<16xf32>
      %select_n3A_2350 = arith.select %gt3A_2347, %convert_element_type3A_2345, %select_n3A_2229 : vector<16xi1>, vector<16xf32>
      %select_n3A_2351 = arith.select %gt3A_2346, %select_n3A_2231, %select_n3A_2350 : vector<16xi1>, vector<16xf32>
      %select_n3A_2352 = arith.select %gt3A_2346, %select_n3A_2344, %select_n3A_2230 : vector<16xi1>, vector<16xf32>
      %select_n3A_2353 = arith.select %gt3A_2346, %convert_element_type3A_2345, %select_n3A_2231 : vector<16xi1>, vector<16xf32>
      %add3A_2354 = arith.constant 176 : i32
      %add3A_2355 = arith.addi %mul3A_0, %add3A_2354 : i32
      %add3A_2356 = vector.broadcast %add3A_2355 : i32 to vector<16xi32>
      %add3A_2357 = arith.addi %add3A_2356, %iota3A : vector<16xi32>
      %get3A_2358 = arith.constant 176 : index
      %get3A_2359 = tpu.vector_load %arg13[%get3A_2358] {strides = array<i32>} : memref<320xf32, #tpu.memory_space<vmem>>, vector<16xf32>,
      %get3A_2360 = arith.constant 176 : index
      %get3A_2361 = tpu.vector_load %arg7[%get3A_2360] {strides = array<i32>} : memref<320xf32, #tpu.memory_space<vmem>>, vector<16xf32>,
      %get3A_2362 = arith.constant 176 : index
      %get3A_2363 = tpu.vector_load %arg8[%get3A_2362] {strides = array<i32>} : memref<320xf32, #tpu.memory_space<vmem>>, vector<16xf32>,
      %get3A_2364 = arith.constant 176 : index
      %get3A_2365 = tpu.vector_load %arg9[%get3A_2364] {strides = array<i32>} : memref<320xf32, #tpu.memory_space<vmem>>, vector<16xf32>,
      %get3A_2366 = arith.constant 176 : index
      %get3A_2367 = tpu.vector_load %arg10[%get3A_2366] {strides = array<i32>} : memref<320xf32, #tpu.memory_space<vmem>>, vector<16xf32>,
      %get3A_2368 = arith.constant 176 : index
      %get3A_2369 = tpu.vector_load %arg11[%get3A_2368] {strides = array<i32>} : memref<320xf32, #tpu.memory_space<vmem>>, vector<16xf32>,
      %sub3A_2370 = arith.subf %get3A_2365, %get3A_2361 : vector<16xf32>
      %sub3A_2371 = arith.subf %get3A_2367, %get3A_2363 : vector<16xf32>
      %mul3A_2372 = arith.mulf %sub3A_2370, %sub3A_2371 : vector<16xf32>
      %min3A_2373 = arith.minimumf %get3A_2365, %while3A_995 : vector<16xf32>
      %max3A_2374 = arith.maximumf %get3A_2361, %while3A_993 : vector<16xf32>
      %sub3A_2375 = arith.subf %min3A_2373, %max3A_2374 : vector<16xf32>
      %max3A_2376 = arith.constant 0.000000e+00 : f32
      %max3A_2377 = vector.broadcast %max3A_2376 : f32 to vector<16xf32>
      %max3A_2378 = arith.maximumf %sub3A_2375, %max3A_2377 : vector<16xf32>
      %min3A_2379 = arith.minimumf %get3A_2367, %while3A_996 : vector<16xf32>
      %max3A_2380 = arith.maximumf %get3A_2363, %while3A_994 : vector<16xf32>
      %sub3A_2381 = arith.subf %min3A_2379, %max3A_2380 : vector<16xf32>
      %max3A_2382 = arith.constant 0.000000e+00 : f32
      %max3A_2383 = vector.broadcast %max3A_2382 : f32 to vector<16xf32>
      %max3A_2384 = arith.maximumf %sub3A_2381, %max3A_2383 : vector<16xf32>
      %mul3A_2385 = arith.mulf %max3A_2378, %max3A_2384 : vector<16xf32>
      %add3A_2386 = arith.addf %mul3A_2372, %while3A_998 : vector<16xf32>
      %sub3A_2387 = arith.subf %add3A_2386, %mul3A_2385 : vector<16xf32>
      %max3A_2388 = arith.constant 9.99999971E-10 : f32
      %max3A_2389 = vector.broadcast %max3A_2388 : f32 to vector<16xf32>
      %max3A_2390 = arith.maximumf %sub3A_2387, %max3A_2389 : vector<16xf32>
      %mul3A_2391 = arith.constant 5.000000e-01 : f32
      %mul3A_2392 = vector.broadcast %mul3A_2391 : f32 to vector<16xf32>
      %mul3A_2393 = arith.mulf %mul3A_2392, %max3A_2390 : vector<16xf32>
      %gt3A_2394 = arith.cmpf ogt, %mul3A_2385, %mul3A_2393 : vector<16xf32>
      %and3A_2395 = arith.andi %gt3A_2394, %lt3A_1008 : vector<16xi1>
      %min3A_2396 = arith.minimumf %get3A_2365, %while3A_1002 : vector<16xf32>
      %max3A_2397 = arith.maximumf %get3A_2361, %while3A_1000 : vector<16xf32>
      %sub3A_2398 = arith.subf %min3A_2396, %max3A_2397 : vector<16xf32>
      %max3A_2399 = arith.constant 0.000000e+00 : f32
      %max3A_2400 = vector.broadcast %max3A_2399 : f32 to vector<16xf32>
      %max3A_2401 = arith.maximumf %sub3A_2398, %max3A_2400 : vector<16xf32>
      %min3A_2402 = arith.minimumf %get3A_2367, %while3A_1003 : vector<16xf32>
      %max3A_2403 = arith.maximumf %get3A_2363, %while3A_1001 : vector<16xf32>
      %sub3A_2404 = arith.subf %min3A_2402, %max3A_2403 : vector<16xf32>
      %max3A_2405 = arith.constant 0.000000e+00 : f32
      %max3A_2406 = vector.broadcast %max3A_2405 : f32 to vector<16xf32>
      %max3A_2407 = arith.maximumf %sub3A_2404, %max3A_2406 : vector<16xf32>
      %mul3A_2408 = arith.mulf %max3A_2401, %max3A_2407 : vector<16xf32>
      %add3A_2409 = arith.addf %mul3A_2372, %while3A_1005 : vector<16xf32>
      %sub3A_2410 = arith.subf %add3A_2409, %mul3A_2408 : vector<16xf32>
      %max3A_2411 = arith.constant 9.99999971E-10 : f32
      %max3A_2412 = vector.broadcast %max3A_2411 : f32 to vector<16xf32>
      %max3A_2413 = arith.maximumf %sub3A_2410, %max3A_2412 : vector<16xf32>
      %mul3A_2414 = arith.constant 5.000000e-01 : f32
      %mul3A_2415 = vector.broadcast %mul3A_2414 : f32 to vector<16xf32>
      %mul3A_2416 = arith.mulf %mul3A_2415, %max3A_2413 : vector<16xf32>
      %gt3A_2417 = arith.cmpf ogt, %mul3A_2408, %mul3A_2416 : vector<16xf32>
      %and3A_2418 = arith.andi %gt3A_2417, %lt3A_1011 : vector<16xi1>
      %ne3A_2419 = arith.cmpi ne, %add3A_2357, %while3A_992 : vector<16xi32>
      %ne3A_2420 = arith.cmpi ne, %add3A_2357, %while3A_999 : vector<16xi32>
      %and3A_2421 = arith.andi %ne3A_2419, %ne3A_2420 : vector<16xi1>
      %not3A_2422 = arith.constant dense<true> : vector<16xi1>
      %not3A_2423 = arith.xori %and3A_2395, %not3A_2422 : vector<16xi1>
      %and3A_2424 = arith.andi %and3A_2421, %not3A_2423 : vector<16xi1>
      %not3A_2425 = arith.constant dense<true> : vector<16xi1>
      %not3A_2426 = arith.xori %and3A_2418, %not3A_2425 : vector<16xi1>
      %and3A_2427 = arith.andi %and3A_2424, %not3A_2426 : vector<16xi1>
      %gt3A_2428 = arith.constant 5.000000e-01 : f32
      %gt3A_2429 = vector.broadcast %gt3A_2428 : f32 to vector<16xf32>
      %gt3A_2430 = arith.cmpf ogt, %get3A_2359, %gt3A_2429 : vector<16xf32>
      %and3A_2431 = arith.andi %and3A_2427, %gt3A_2430 : vector<16xi1>
      %jit3A_2432 = arith.constant 1.000000e+00 : f32
      %jit3A_2433 = arith.constant 0.000000e+00 : f32
      %broadcast_in_dim3A_2434 = vector.broadcast %jit3A_2432 : f32 to vector<16xf32>
      %broadcast_in_dim3A_2435 = vector.broadcast %jit3A_2433 : f32 to vector<16xf32>
      %select_n3A_2436 = arith.select %and3A_2431, %broadcast_in_dim3A_2434, %broadcast_in_dim3A_2435 : vector<16xi1>, vector<16xf32>
      %swap3A_2437 = arith.constant 176 : index
      %swap3A_2438 = tpu.vector_load %arg13[%swap3A_2437] {strides = array<i32>} : memref<320xf32, #tpu.memory_space<vmem>>, vector<16xf32>,
      tpu.vector_store %arg13[%swap3A_2437], %select_n3A_2436 {strides = array<i32>} : memref<320xf32, #tpu.memory_space<vmem>>, vector<16xf32>,
      %gt3A_2439 = arith.cmpf ogt, %get3A_2369, %while3A_997 : vector<16xf32>
      %eq3A_2440 = arith.cmpf oeq, %get3A_2369, %while3A_997 : vector<16xf32>
      %lt3A_2441 = arith.cmpi slt, %add3A_2357, %while3A_992 : vector<16xi32>
      %and3A_2442 = arith.andi %eq3A_2440, %lt3A_2441 : vector<16xi1>
      %or3A_2443 = arith.ori %gt3A_2439, %and3A_2442 : vector<16xi1>
      %jit3A_2444 = arith.constant 1.000000e+00 : f32
      %jit3A_2445 = arith.constant 0.000000e+00 : f32
      %broadcast_in_dim3A_2446 = vector.broadcast %jit3A_2444 : f32 to vector<16xf32>
      %broadcast_in_dim3A_2447 = vector.broadcast %jit3A_2445 : f32 to vector<16xf32>
      %select_n3A_2448 = arith.select %or3A_2443, %broadcast_in_dim3A_2446, %broadcast_in_dim3A_2447 : vector<16xi1>, vector<16xf32>
      %add3A_2449 = arith.addf %add3A_2327, %select_n3A_2448 : vector<16xf32>
      %gt3A_2450 = arith.cmpf ogt, %get3A_2369, %while3A_1004 : vector<16xf32>
      %eq3A_2451 = arith.cmpf oeq, %get3A_2369, %while3A_1004 : vector<16xf32>
      %lt3A_2452 = arith.cmpi slt, %add3A_2357, %while3A_999 : vector<16xi32>
      %and3A_2453 = arith.andi %eq3A_2451, %lt3A_2452 : vector<16xi1>
      %or3A_2454 = arith.ori %gt3A_2450, %and3A_2453 : vector<16xi1>
      %jit3A_2455 = arith.constant 1.000000e+00 : f32
      %jit3A_2456 = arith.constant 0.000000e+00 : f32
      %broadcast_in_dim3A_2457 = vector.broadcast %jit3A_2455 : f32 to vector<16xf32>
      %broadcast_in_dim3A_2458 = vector.broadcast %jit3A_2456 : f32 to vector<16xf32>
      %select_n3A_2459 = arith.select %or3A_2454, %broadcast_in_dim3A_2457, %broadcast_in_dim3A_2458 : vector<16xi1>, vector<16xf32>
      %add3A_2460 = arith.addf %add3A_2338, %select_n3A_2459 : vector<16xf32>
      %gt3A_2461 = arith.constant 5.000000e-01 : f32
      %gt3A_2462 = vector.broadcast %gt3A_2461 : f32 to vector<16xf32>
      %gt3A_2463 = arith.cmpf ogt, %select_n3A_2436, %gt3A_2462 : vector<16xf32>
      %jit3A_2464 = arith.constant -1.000000e+30 : f32
      %broadcast_in_dim3A_2465 = vector.broadcast %jit3A_2464 : f32 to vector<16xf32>
      %select_n3A_2466 = arith.select %gt3A_2463, %get3A_2369, %broadcast_in_dim3A_2465 : vector<16xi1>, vector<16xf32>
      %convert_element_type3A_2467 = arith.sitofp %add3A_2357 : vector<16xi32> to vector<16xf32>
      %gt3A_2468 = arith.cmpf ogt, %select_n3A_2466, %select_n3A_2352 : vector<16xf32>
      %gt3A_2469 = arith.cmpf ogt, %select_n3A_2466, %select_n3A_2349 : vector<16xf32>
      %select_n3A_2470 = arith.select %gt3A_2469, %select_n3A_2466, %select_n3A_2349 : vector<16xi1>, vector<16xf32>
      %select_n3A_2471 = arith.select %gt3A_2468, %select_n3A_2352, %select_n3A_2470 : vector<16xi1>, vector<16xf32>
      %select_n3A_2472 = arith.select %gt3A_2469, %convert_element_type3A_2467, %select_n3A_2351 : vector<16xi1>, vector<16xf32>
      %select_n3A_2473 = arith.select %gt3A_2468, %select_n3A_2353, %select_n3A_2472 : vector<16xi1>, vector<16xf32>
      %select_n3A_2474 = arith.select %gt3A_2468, %select_n3A_2466, %select_n3A_2352 : vector<16xi1>, vector<16xf32>
      %select_n3A_2475 = arith.select %gt3A_2468, %convert_element_type3A_2467, %select_n3A_2353 : vector<16xi1>, vector<16xf32>
      %add3A_2476 = arith.constant 192 : i32
      %add3A_2477 = arith.addi %mul3A_0, %add3A_2476 : i32
      %add3A_2478 = vector.broadcast %add3A_2477 : i32 to vector<16xi32>
      %add3A_2479 = arith.addi %add3A_2478, %iota3A : vector<16xi32>
      %get3A_2480 = arith.constant 192 : index
      %get3A_2481 = tpu.vector_load %arg13[%get3A_2480] {strides = array<i32>} : memref<320xf32, #tpu.memory_space<vmem>>, vector<16xf32>,
      %get3A_2482 = arith.constant 192 : index
      %get3A_2483 = tpu.vector_load %arg7[%get3A_2482] {strides = array<i32>} : memref<320xf32, #tpu.memory_space<vmem>>, vector<16xf32>,
      %get3A_2484 = arith.constant 192 : index
      %get3A_2485 = tpu.vector_load %arg8[%get3A_2484] {strides = array<i32>} : memref<320xf32, #tpu.memory_space<vmem>>, vector<16xf32>,
      %get3A_2486 = arith.constant 192 : index
      %get3A_2487 = tpu.vector_load %arg9[%get3A_2486] {strides = array<i32>} : memref<320xf32, #tpu.memory_space<vmem>>, vector<16xf32>,
      %get3A_2488 = arith.constant 192 : index
      %get3A_2489 = tpu.vector_load %arg10[%get3A_2488] {strides = array<i32>} : memref<320xf32, #tpu.memory_space<vmem>>, vector<16xf32>,
      %get3A_2490 = arith.constant 192 : index
      %get3A_2491 = tpu.vector_load %arg11[%get3A_2490] {strides = array<i32>} : memref<320xf32, #tpu.memory_space<vmem>>, vector<16xf32>,
      %sub3A_2492 = arith.subf %get3A_2487, %get3A_2483 : vector<16xf32>
      %sub3A_2493 = arith.subf %get3A_2489, %get3A_2485 : vector<16xf32>
      %mul3A_2494 = arith.mulf %sub3A_2492, %sub3A_2493 : vector<16xf32>
      %min3A_2495 = arith.minimumf %get3A_2487, %while3A_995 : vector<16xf32>
      %max3A_2496 = arith.maximumf %get3A_2483, %while3A_993 : vector<16xf32>
      %sub3A_2497 = arith.subf %min3A_2495, %max3A_2496 : vector<16xf32>
      %max3A_2498 = arith.constant 0.000000e+00 : f32
      %max3A_2499 = vector.broadcast %max3A_2498 : f32 to vector<16xf32>
      %max3A_2500 = arith.maximumf %sub3A_2497, %max3A_2499 : vector<16xf32>
      %min3A_2501 = arith.minimumf %get3A_2489, %while3A_996 : vector<16xf32>
      %max3A_2502 = arith.maximumf %get3A_2485, %while3A_994 : vector<16xf32>
      %sub3A_2503 = arith.subf %min3A_2501, %max3A_2502 : vector<16xf32>
      %max3A_2504 = arith.constant 0.000000e+00 : f32
      %max3A_2505 = vector.broadcast %max3A_2504 : f32 to vector<16xf32>
      %max3A_2506 = arith.maximumf %sub3A_2503, %max3A_2505 : vector<16xf32>
      %mul3A_2507 = arith.mulf %max3A_2500, %max3A_2506 : vector<16xf32>
      %add3A_2508 = arith.addf %mul3A_2494, %while3A_998 : vector<16xf32>
      %sub3A_2509 = arith.subf %add3A_2508, %mul3A_2507 : vector<16xf32>
      %max3A_2510 = arith.constant 9.99999971E-10 : f32
      %max3A_2511 = vector.broadcast %max3A_2510 : f32 to vector<16xf32>
      %max3A_2512 = arith.maximumf %sub3A_2509, %max3A_2511 : vector<16xf32>
      %mul3A_2513 = arith.constant 5.000000e-01 : f32
      %mul3A_2514 = vector.broadcast %mul3A_2513 : f32 to vector<16xf32>
      %mul3A_2515 = arith.mulf %mul3A_2514, %max3A_2512 : vector<16xf32>
      %gt3A_2516 = arith.cmpf ogt, %mul3A_2507, %mul3A_2515 : vector<16xf32>
      %and3A_2517 = arith.andi %gt3A_2516, %lt3A_1008 : vector<16xi1>
      %min3A_2518 = arith.minimumf %get3A_2487, %while3A_1002 : vector<16xf32>
      %max3A_2519 = arith.maximumf %get3A_2483, %while3A_1000 : vector<16xf32>
      %sub3A_2520 = arith.subf %min3A_2518, %max3A_2519 : vector<16xf32>
      %max3A_2521 = arith.constant 0.000000e+00 : f32
      %max3A_2522 = vector.broadcast %max3A_2521 : f32 to vector<16xf32>
      %max3A_2523 = arith.maximumf %sub3A_2520, %max3A_2522 : vector<16xf32>
      %min3A_2524 = arith.minimumf %get3A_2489, %while3A_1003 : vector<16xf32>
      %max3A_2525 = arith.maximumf %get3A_2485, %while3A_1001 : vector<16xf32>
      %sub3A_2526 = arith.subf %min3A_2524, %max3A_2525 : vector<16xf32>
      %max3A_2527 = arith.constant 0.000000e+00 : f32
      %max3A_2528 = vector.broadcast %max3A_2527 : f32 to vector<16xf32>
      %max3A_2529 = arith.maximumf %sub3A_2526, %max3A_2528 : vector<16xf32>
      %mul3A_2530 = arith.mulf %max3A_2523, %max3A_2529 : vector<16xf32>
      %add3A_2531 = arith.addf %mul3A_2494, %while3A_1005 : vector<16xf32>
      %sub3A_2532 = arith.subf %add3A_2531, %mul3A_2530 : vector<16xf32>
      %max3A_2533 = arith.constant 9.99999971E-10 : f32
      %max3A_2534 = vector.broadcast %max3A_2533 : f32 to vector<16xf32>
      %max3A_2535 = arith.maximumf %sub3A_2532, %max3A_2534 : vector<16xf32>
      %mul3A_2536 = arith.constant 5.000000e-01 : f32
      %mul3A_2537 = vector.broadcast %mul3A_2536 : f32 to vector<16xf32>
      %mul3A_2538 = arith.mulf %mul3A_2537, %max3A_2535 : vector<16xf32>
      %gt3A_2539 = arith.cmpf ogt, %mul3A_2530, %mul3A_2538 : vector<16xf32>
      %and3A_2540 = arith.andi %gt3A_2539, %lt3A_1011 : vector<16xi1>
      %ne3A_2541 = arith.cmpi ne, %add3A_2479, %while3A_992 : vector<16xi32>
      %ne3A_2542 = arith.cmpi ne, %add3A_2479, %while3A_999 : vector<16xi32>
      %and3A_2543 = arith.andi %ne3A_2541, %ne3A_2542 : vector<16xi1>
      %not3A_2544 = arith.constant dense<true> : vector<16xi1>
      %not3A_2545 = arith.xori %and3A_2517, %not3A_2544 : vector<16xi1>
      %and3A_2546 = arith.andi %and3A_2543, %not3A_2545 : vector<16xi1>
      %not3A_2547 = arith.constant dense<true> : vector<16xi1>
      %not3A_2548 = arith.xori %and3A_2540, %not3A_2547 : vector<16xi1>
      %and3A_2549 = arith.andi %and3A_2546, %not3A_2548 : vector<16xi1>
      %gt3A_2550 = arith.constant 5.000000e-01 : f32
      %gt3A_2551 = vector.broadcast %gt3A_2550 : f32 to vector<16xf32>
      %gt3A_2552 = arith.cmpf ogt, %get3A_2481, %gt3A_2551 : vector<16xf32>
      %and3A_2553 = arith.andi %and3A_2549, %gt3A_2552 : vector<16xi1>
      %jit3A_2554 = arith.constant 1.000000e+00 : f32
      %jit3A_2555 = arith.constant 0.000000e+00 : f32
      %broadcast_in_dim3A_2556 = vector.broadcast %jit3A_2554 : f32 to vector<16xf32>
      %broadcast_in_dim3A_2557 = vector.broadcast %jit3A_2555 : f32 to vector<16xf32>
      %select_n3A_2558 = arith.select %and3A_2553, %broadcast_in_dim3A_2556, %broadcast_in_dim3A_2557 : vector<16xi1>, vector<16xf32>
      %swap3A_2559 = arith.constant 192 : index
      %swap3A_2560 = tpu.vector_load %arg13[%swap3A_2559] {strides = array<i32>} : memref<320xf32, #tpu.memory_space<vmem>>, vector<16xf32>,
      tpu.vector_store %arg13[%swap3A_2559], %select_n3A_2558 {strides = array<i32>} : memref<320xf32, #tpu.memory_space<vmem>>, vector<16xf32>,
      %gt3A_2561 = arith.cmpf ogt, %get3A_2491, %while3A_997 : vector<16xf32>
      %eq3A_2562 = arith.cmpf oeq, %get3A_2491, %while3A_997 : vector<16xf32>
      %lt3A_2563 = arith.cmpi slt, %add3A_2479, %while3A_992 : vector<16xi32>
      %and3A_2564 = arith.andi %eq3A_2562, %lt3A_2563 : vector<16xi1>
      %or3A_2565 = arith.ori %gt3A_2561, %and3A_2564 : vector<16xi1>
      %jit3A_2566 = arith.constant 1.000000e+00 : f32
      %jit3A_2567 = arith.constant 0.000000e+00 : f32
      %broadcast_in_dim3A_2568 = vector.broadcast %jit3A_2566 : f32 to vector<16xf32>
      %broadcast_in_dim3A_2569 = vector.broadcast %jit3A_2567 : f32 to vector<16xf32>
      %select_n3A_2570 = arith.select %or3A_2565, %broadcast_in_dim3A_2568, %broadcast_in_dim3A_2569 : vector<16xi1>, vector<16xf32>
      %add3A_2571 = arith.addf %add3A_2449, %select_n3A_2570 : vector<16xf32>
      %gt3A_2572 = arith.cmpf ogt, %get3A_2491, %while3A_1004 : vector<16xf32>
      %eq3A_2573 = arith.cmpf oeq, %get3A_2491, %while3A_1004 : vector<16xf32>
      %lt3A_2574 = arith.cmpi slt, %add3A_2479, %while3A_999 : vector<16xi32>
      %and3A_2575 = arith.andi %eq3A_2573, %lt3A_2574 : vector<16xi1>
      %or3A_2576 = arith.ori %gt3A_2572, %and3A_2575 : vector<16xi1>
      %jit3A_2577 = arith.constant 1.000000e+00 : f32
      %jit3A_2578 = arith.constant 0.000000e+00 : f32
      %broadcast_in_dim3A_2579 = vector.broadcast %jit3A_2577 : f32 to vector<16xf32>
      %broadcast_in_dim3A_2580 = vector.broadcast %jit3A_2578 : f32 to vector<16xf32>
      %select_n3A_2581 = arith.select %or3A_2576, %broadcast_in_dim3A_2579, %broadcast_in_dim3A_2580 : vector<16xi1>, vector<16xf32>
      %add3A_2582 = arith.addf %add3A_2460, %select_n3A_2581 : vector<16xf32>
      %gt3A_2583 = arith.constant 5.000000e-01 : f32
      %gt3A_2584 = vector.broadcast %gt3A_2583 : f32 to vector<16xf32>
      %gt3A_2585 = arith.cmpf ogt, %select_n3A_2558, %gt3A_2584 : vector<16xf32>
      %jit3A_2586 = arith.constant -1.000000e+30 : f32
      %broadcast_in_dim3A_2587 = vector.broadcast %jit3A_2586 : f32 to vector<16xf32>
      %select_n3A_2588 = arith.select %gt3A_2585, %get3A_2491, %broadcast_in_dim3A_2587 : vector<16xi1>, vector<16xf32>
      %convert_element_type3A_2589 = arith.sitofp %add3A_2479 : vector<16xi32> to vector<16xf32>
      %gt3A_2590 = arith.cmpf ogt, %select_n3A_2588, %select_n3A_2474 : vector<16xf32>
      %gt3A_2591 = arith.cmpf ogt, %select_n3A_2588, %select_n3A_2471 : vector<16xf32>
      %select_n3A_2592 = arith.select %gt3A_2591, %select_n3A_2588, %select_n3A_2471 : vector<16xi1>, vector<16xf32>
      %select_n3A_2593 = arith.select %gt3A_2590, %select_n3A_2474, %select_n3A_2592 : vector<16xi1>, vector<16xf32>
      %select_n3A_2594 = arith.select %gt3A_2591, %convert_element_type3A_2589, %select_n3A_2473 : vector<16xi1>, vector<16xf32>
      %select_n3A_2595 = arith.select %gt3A_2590, %select_n3A_2475, %select_n3A_2594 : vector<16xi1>, vector<16xf32>
      %select_n3A_2596 = arith.select %gt3A_2590, %select_n3A_2588, %select_n3A_2474 : vector<16xi1>, vector<16xf32>
      %select_n3A_2597 = arith.select %gt3A_2590, %convert_element_type3A_2589, %select_n3A_2475 : vector<16xi1>, vector<16xf32>
      %add3A_2598 = arith.constant 208 : i32
      %add3A_2599 = arith.addi %mul3A_0, %add3A_2598 : i32
      %add3A_2600 = vector.broadcast %add3A_2599 : i32 to vector<16xi32>
      %add3A_2601 = arith.addi %add3A_2600, %iota3A : vector<16xi32>
      %get3A_2602 = arith.constant 208 : index
      %get3A_2603 = tpu.vector_load %arg13[%get3A_2602] {strides = array<i32>} : memref<320xf32, #tpu.memory_space<vmem>>, vector<16xf32>,
      %get3A_2604 = arith.constant 208 : index
      %get3A_2605 = tpu.vector_load %arg7[%get3A_2604] {strides = array<i32>} : memref<320xf32, #tpu.memory_space<vmem>>, vector<16xf32>,
      %get3A_2606 = arith.constant 208 : index
      %get3A_2607 = tpu.vector_load %arg8[%get3A_2606] {strides = array<i32>} : memref<320xf32, #tpu.memory_space<vmem>>, vector<16xf32>,
      %get3A_2608 = arith.constant 208 : index
      %get3A_2609 = tpu.vector_load %arg9[%get3A_2608] {strides = array<i32>} : memref<320xf32, #tpu.memory_space<vmem>>, vector<16xf32>,
      %get3A_2610 = arith.constant 208 : index
      %get3A_2611 = tpu.vector_load %arg10[%get3A_2610] {strides = array<i32>} : memref<320xf32, #tpu.memory_space<vmem>>, vector<16xf32>,
      %get3A_2612 = arith.constant 208 : index
      %get3A_2613 = tpu.vector_load %arg11[%get3A_2612] {strides = array<i32>} : memref<320xf32, #tpu.memory_space<vmem>>, vector<16xf32>,
      %sub3A_2614 = arith.subf %get3A_2609, %get3A_2605 : vector<16xf32>
      %sub3A_2615 = arith.subf %get3A_2611, %get3A_2607 : vector<16xf32>
      %mul3A_2616 = arith.mulf %sub3A_2614, %sub3A_2615 : vector<16xf32>
      %min3A_2617 = arith.minimumf %get3A_2609, %while3A_995 : vector<16xf32>
      %max3A_2618 = arith.maximumf %get3A_2605, %while3A_993 : vector<16xf32>
      %sub3A_2619 = arith.subf %min3A_2617, %max3A_2618 : vector<16xf32>
      %max3A_2620 = arith.constant 0.000000e+00 : f32
      %max3A_2621 = vector.broadcast %max3A_2620 : f32 to vector<16xf32>
      %max3A_2622 = arith.maximumf %sub3A_2619, %max3A_2621 : vector<16xf32>
      %min3A_2623 = arith.minimumf %get3A_2611, %while3A_996 : vector<16xf32>
      %max3A_2624 = arith.maximumf %get3A_2607, %while3A_994 : vector<16xf32>
      %sub3A_2625 = arith.subf %min3A_2623, %max3A_2624 : vector<16xf32>
      %max3A_2626 = arith.constant 0.000000e+00 : f32
      %max3A_2627 = vector.broadcast %max3A_2626 : f32 to vector<16xf32>
      %max3A_2628 = arith.maximumf %sub3A_2625, %max3A_2627 : vector<16xf32>
      %mul3A_2629 = arith.mulf %max3A_2622, %max3A_2628 : vector<16xf32>
      %add3A_2630 = arith.addf %mul3A_2616, %while3A_998 : vector<16xf32>
      %sub3A_2631 = arith.subf %add3A_2630, %mul3A_2629 : vector<16xf32>
      %max3A_2632 = arith.constant 9.99999971E-10 : f32
      %max3A_2633 = vector.broadcast %max3A_2632 : f32 to vector<16xf32>
      %max3A_2634 = arith.maximumf %sub3A_2631, %max3A_2633 : vector<16xf32>
      %mul3A_2635 = arith.constant 5.000000e-01 : f32
      %mul3A_2636 = vector.broadcast %mul3A_2635 : f32 to vector<16xf32>
      %mul3A_2637 = arith.mulf %mul3A_2636, %max3A_2634 : vector<16xf32>
      %gt3A_2638 = arith.cmpf ogt, %mul3A_2629, %mul3A_2637 : vector<16xf32>
      %and3A_2639 = arith.andi %gt3A_2638, %lt3A_1008 : vector<16xi1>
      %min3A_2640 = arith.minimumf %get3A_2609, %while3A_1002 : vector<16xf32>
      %max3A_2641 = arith.maximumf %get3A_2605, %while3A_1000 : vector<16xf32>
      %sub3A_2642 = arith.subf %min3A_2640, %max3A_2641 : vector<16xf32>
      %max3A_2643 = arith.constant 0.000000e+00 : f32
      %max3A_2644 = vector.broadcast %max3A_2643 : f32 to vector<16xf32>
      %max3A_2645 = arith.maximumf %sub3A_2642, %max3A_2644 : vector<16xf32>
      %min3A_2646 = arith.minimumf %get3A_2611, %while3A_1003 : vector<16xf32>
      %max3A_2647 = arith.maximumf %get3A_2607, %while3A_1001 : vector<16xf32>
      %sub3A_2648 = arith.subf %min3A_2646, %max3A_2647 : vector<16xf32>
      %max3A_2649 = arith.constant 0.000000e+00 : f32
      %max3A_2650 = vector.broadcast %max3A_2649 : f32 to vector<16xf32>
      %max3A_2651 = arith.maximumf %sub3A_2648, %max3A_2650 : vector<16xf32>
      %mul3A_2652 = arith.mulf %max3A_2645, %max3A_2651 : vector<16xf32>
      %add3A_2653 = arith.addf %mul3A_2616, %while3A_1005 : vector<16xf32>
      %sub3A_2654 = arith.subf %add3A_2653, %mul3A_2652 : vector<16xf32>
      %max3A_2655 = arith.constant 9.99999971E-10 : f32
      %max3A_2656 = vector.broadcast %max3A_2655 : f32 to vector<16xf32>
      %max3A_2657 = arith.maximumf %sub3A_2654, %max3A_2656 : vector<16xf32>
      %mul3A_2658 = arith.constant 5.000000e-01 : f32
      %mul3A_2659 = vector.broadcast %mul3A_2658 : f32 to vector<16xf32>
      %mul3A_2660 = arith.mulf %mul3A_2659, %max3A_2657 : vector<16xf32>
      %gt3A_2661 = arith.cmpf ogt, %mul3A_2652, %mul3A_2660 : vector<16xf32>
      %and3A_2662 = arith.andi %gt3A_2661, %lt3A_1011 : vector<16xi1>
      %ne3A_2663 = arith.cmpi ne, %add3A_2601, %while3A_992 : vector<16xi32>
      %ne3A_2664 = arith.cmpi ne, %add3A_2601, %while3A_999 : vector<16xi32>
      %and3A_2665 = arith.andi %ne3A_2663, %ne3A_2664 : vector<16xi1>
      %not3A_2666 = arith.constant dense<true> : vector<16xi1>
      %not3A_2667 = arith.xori %and3A_2639, %not3A_2666 : vector<16xi1>
      %and3A_2668 = arith.andi %and3A_2665, %not3A_2667 : vector<16xi1>
      %not3A_2669 = arith.constant dense<true> : vector<16xi1>
      %not3A_2670 = arith.xori %and3A_2662, %not3A_2669 : vector<16xi1>
      %and3A_2671 = arith.andi %and3A_2668, %not3A_2670 : vector<16xi1>
      %gt3A_2672 = arith.constant 5.000000e-01 : f32
      %gt3A_2673 = vector.broadcast %gt3A_2672 : f32 to vector<16xf32>
      %gt3A_2674 = arith.cmpf ogt, %get3A_2603, %gt3A_2673 : vector<16xf32>
      %and3A_2675 = arith.andi %and3A_2671, %gt3A_2674 : vector<16xi1>
      %jit3A_2676 = arith.constant 1.000000e+00 : f32
      %jit3A_2677 = arith.constant 0.000000e+00 : f32
      %broadcast_in_dim3A_2678 = vector.broadcast %jit3A_2676 : f32 to vector<16xf32>
      %broadcast_in_dim3A_2679 = vector.broadcast %jit3A_2677 : f32 to vector<16xf32>
      %select_n3A_2680 = arith.select %and3A_2675, %broadcast_in_dim3A_2678, %broadcast_in_dim3A_2679 : vector<16xi1>, vector<16xf32>
      %swap3A_2681 = arith.constant 208 : index
      %swap3A_2682 = tpu.vector_load %arg13[%swap3A_2681] {strides = array<i32>} : memref<320xf32, #tpu.memory_space<vmem>>, vector<16xf32>,
      tpu.vector_store %arg13[%swap3A_2681], %select_n3A_2680 {strides = array<i32>} : memref<320xf32, #tpu.memory_space<vmem>>, vector<16xf32>,
      %gt3A_2683 = arith.cmpf ogt, %get3A_2613, %while3A_997 : vector<16xf32>
      %eq3A_2684 = arith.cmpf oeq, %get3A_2613, %while3A_997 : vector<16xf32>
      %lt3A_2685 = arith.cmpi slt, %add3A_2601, %while3A_992 : vector<16xi32>
      %and3A_2686 = arith.andi %eq3A_2684, %lt3A_2685 : vector<16xi1>
      %or3A_2687 = arith.ori %gt3A_2683, %and3A_2686 : vector<16xi1>
      %jit3A_2688 = arith.constant 1.000000e+00 : f32
      %jit3A_2689 = arith.constant 0.000000e+00 : f32
      %broadcast_in_dim3A_2690 = vector.broadcast %jit3A_2688 : f32 to vector<16xf32>
      %broadcast_in_dim3A_2691 = vector.broadcast %jit3A_2689 : f32 to vector<16xf32>
      %select_n3A_2692 = arith.select %or3A_2687, %broadcast_in_dim3A_2690, %broadcast_in_dim3A_2691 : vector<16xi1>, vector<16xf32>
      %add3A_2693 = arith.addf %add3A_2571, %select_n3A_2692 : vector<16xf32>
      %gt3A_2694 = arith.cmpf ogt, %get3A_2613, %while3A_1004 : vector<16xf32>
      %eq3A_2695 = arith.cmpf oeq, %get3A_2613, %while3A_1004 : vector<16xf32>
      %lt3A_2696 = arith.cmpi slt, %add3A_2601, %while3A_999 : vector<16xi32>
      %and3A_2697 = arith.andi %eq3A_2695, %lt3A_2696 : vector<16xi1>
      %or3A_2698 = arith.ori %gt3A_2694, %and3A_2697 : vector<16xi1>
      %jit3A_2699 = arith.constant 1.000000e+00 : f32
      %jit3A_2700 = arith.constant 0.000000e+00 : f32
      %broadcast_in_dim3A_2701 = vector.broadcast %jit3A_2699 : f32 to vector<16xf32>
      %broadcast_in_dim3A_2702 = vector.broadcast %jit3A_2700 : f32 to vector<16xf32>
      %select_n3A_2703 = arith.select %or3A_2698, %broadcast_in_dim3A_2701, %broadcast_in_dim3A_2702 : vector<16xi1>, vector<16xf32>
      %add3A_2704 = arith.addf %add3A_2582, %select_n3A_2703 : vector<16xf32>
      %gt3A_2705 = arith.constant 5.000000e-01 : f32
      %gt3A_2706 = vector.broadcast %gt3A_2705 : f32 to vector<16xf32>
      %gt3A_2707 = arith.cmpf ogt, %select_n3A_2680, %gt3A_2706 : vector<16xf32>
      %jit3A_2708 = arith.constant -1.000000e+30 : f32
      %broadcast_in_dim3A_2709 = vector.broadcast %jit3A_2708 : f32 to vector<16xf32>
      %select_n3A_2710 = arith.select %gt3A_2707, %get3A_2613, %broadcast_in_dim3A_2709 : vector<16xi1>, vector<16xf32>
      %convert_element_type3A_2711 = arith.sitofp %add3A_2601 : vector<16xi32> to vector<16xf32>
      %gt3A_2712 = arith.cmpf ogt, %select_n3A_2710, %select_n3A_2596 : vector<16xf32>
      %gt3A_2713 = arith.cmpf ogt, %select_n3A_2710, %select_n3A_2593 : vector<16xf32>
      %select_n3A_2714 = arith.select %gt3A_2713, %select_n3A_2710, %select_n3A_2593 : vector<16xi1>, vector<16xf32>
      %select_n3A_2715 = arith.select %gt3A_2712, %select_n3A_2596, %select_n3A_2714 : vector<16xi1>, vector<16xf32>
      %select_n3A_2716 = arith.select %gt3A_2713, %convert_element_type3A_2711, %select_n3A_2595 : vector<16xi1>, vector<16xf32>
      %select_n3A_2717 = arith.select %gt3A_2712, %select_n3A_2597, %select_n3A_2716 : vector<16xi1>, vector<16xf32>
      %select_n3A_2718 = arith.select %gt3A_2712, %select_n3A_2710, %select_n3A_2596 : vector<16xi1>, vector<16xf32>
      %select_n3A_2719 = arith.select %gt3A_2712, %convert_element_type3A_2711, %select_n3A_2597 : vector<16xi1>, vector<16xf32>
      %add3A_2720 = arith.constant 224 : i32
      %add3A_2721 = arith.addi %mul3A_0, %add3A_2720 : i32
      %add3A_2722 = vector.broadcast %add3A_2721 : i32 to vector<16xi32>
      %add3A_2723 = arith.addi %add3A_2722, %iota3A : vector<16xi32>
      %get3A_2724 = arith.constant 224 : index
      %get3A_2725 = tpu.vector_load %arg13[%get3A_2724] {strides = array<i32>} : memref<320xf32, #tpu.memory_space<vmem>>, vector<16xf32>,
      %get3A_2726 = arith.constant 224 : index
      %get3A_2727 = tpu.vector_load %arg7[%get3A_2726] {strides = array<i32>} : memref<320xf32, #tpu.memory_space<vmem>>, vector<16xf32>,
      %get3A_2728 = arith.constant 224 : index
      %get3A_2729 = tpu.vector_load %arg8[%get3A_2728] {strides = array<i32>} : memref<320xf32, #tpu.memory_space<vmem>>, vector<16xf32>,
      %get3A_2730 = arith.constant 224 : index
      %get3A_2731 = tpu.vector_load %arg9[%get3A_2730] {strides = array<i32>} : memref<320xf32, #tpu.memory_space<vmem>>, vector<16xf32>,
      %get3A_2732 = arith.constant 224 : index
      %get3A_2733 = tpu.vector_load %arg10[%get3A_2732] {strides = array<i32>} : memref<320xf32, #tpu.memory_space<vmem>>, vector<16xf32>,
      %get3A_2734 = arith.constant 224 : index
      %get3A_2735 = tpu.vector_load %arg11[%get3A_2734] {strides = array<i32>} : memref<320xf32, #tpu.memory_space<vmem>>, vector<16xf32>,
      %sub3A_2736 = arith.subf %get3A_2731, %get3A_2727 : vector<16xf32>
      %sub3A_2737 = arith.subf %get3A_2733, %get3A_2729 : vector<16xf32>
      %mul3A_2738 = arith.mulf %sub3A_2736, %sub3A_2737 : vector<16xf32>
      %min3A_2739 = arith.minimumf %get3A_2731, %while3A_995 : vector<16xf32>
      %max3A_2740 = arith.maximumf %get3A_2727, %while3A_993 : vector<16xf32>
      %sub3A_2741 = arith.subf %min3A_2739, %max3A_2740 : vector<16xf32>
      %max3A_2742 = arith.constant 0.000000e+00 : f32
      %max3A_2743 = vector.broadcast %max3A_2742 : f32 to vector<16xf32>
      %max3A_2744 = arith.maximumf %sub3A_2741, %max3A_2743 : vector<16xf32>
      %min3A_2745 = arith.minimumf %get3A_2733, %while3A_996 : vector<16xf32>
      %max3A_2746 = arith.maximumf %get3A_2729, %while3A_994 : vector<16xf32>
      %sub3A_2747 = arith.subf %min3A_2745, %max3A_2746 : vector<16xf32>
      %max3A_2748 = arith.constant 0.000000e+00 : f32
      %max3A_2749 = vector.broadcast %max3A_2748 : f32 to vector<16xf32>
      %max3A_2750 = arith.maximumf %sub3A_2747, %max3A_2749 : vector<16xf32>
      %mul3A_2751 = arith.mulf %max3A_2744, %max3A_2750 : vector<16xf32>
      %add3A_2752 = arith.addf %mul3A_2738, %while3A_998 : vector<16xf32>
      %sub3A_2753 = arith.subf %add3A_2752, %mul3A_2751 : vector<16xf32>
      %max3A_2754 = arith.constant 9.99999971E-10 : f32
      %max3A_2755 = vector.broadcast %max3A_2754 : f32 to vector<16xf32>
      %max3A_2756 = arith.maximumf %sub3A_2753, %max3A_2755 : vector<16xf32>
      %mul3A_2757 = arith.constant 5.000000e-01 : f32
      %mul3A_2758 = vector.broadcast %mul3A_2757 : f32 to vector<16xf32>
      %mul3A_2759 = arith.mulf %mul3A_2758, %max3A_2756 : vector<16xf32>
      %gt3A_2760 = arith.cmpf ogt, %mul3A_2751, %mul3A_2759 : vector<16xf32>
      %and3A_2761 = arith.andi %gt3A_2760, %lt3A_1008 : vector<16xi1>
      %min3A_2762 = arith.minimumf %get3A_2731, %while3A_1002 : vector<16xf32>
      %max3A_2763 = arith.maximumf %get3A_2727, %while3A_1000 : vector<16xf32>
      %sub3A_2764 = arith.subf %min3A_2762, %max3A_2763 : vector<16xf32>
      %max3A_2765 = arith.constant 0.000000e+00 : f32
      %max3A_2766 = vector.broadcast %max3A_2765 : f32 to vector<16xf32>
      %max3A_2767 = arith.maximumf %sub3A_2764, %max3A_2766 : vector<16xf32>
      %min3A_2768 = arith.minimumf %get3A_2733, %while3A_1003 : vector<16xf32>
      %max3A_2769 = arith.maximumf %get3A_2729, %while3A_1001 : vector<16xf32>
      %sub3A_2770 = arith.subf %min3A_2768, %max3A_2769 : vector<16xf32>
      %max3A_2771 = arith.constant 0.000000e+00 : f32
      %max3A_2772 = vector.broadcast %max3A_2771 : f32 to vector<16xf32>
      %max3A_2773 = arith.maximumf %sub3A_2770, %max3A_2772 : vector<16xf32>
      %mul3A_2774 = arith.mulf %max3A_2767, %max3A_2773 : vector<16xf32>
      %add3A_2775 = arith.addf %mul3A_2738, %while3A_1005 : vector<16xf32>
      %sub3A_2776 = arith.subf %add3A_2775, %mul3A_2774 : vector<16xf32>
      %max3A_2777 = arith.constant 9.99999971E-10 : f32
      %max3A_2778 = vector.broadcast %max3A_2777 : f32 to vector<16xf32>
      %max3A_2779 = arith.maximumf %sub3A_2776, %max3A_2778 : vector<16xf32>
      %mul3A_2780 = arith.constant 5.000000e-01 : f32
      %mul3A_2781 = vector.broadcast %mul3A_2780 : f32 to vector<16xf32>
      %mul3A_2782 = arith.mulf %mul3A_2781, %max3A_2779 : vector<16xf32>
      %gt3A_2783 = arith.cmpf ogt, %mul3A_2774, %mul3A_2782 : vector<16xf32>
      %and3A_2784 = arith.andi %gt3A_2783, %lt3A_1011 : vector<16xi1>
      %ne3A_2785 = arith.cmpi ne, %add3A_2723, %while3A_992 : vector<16xi32>
      %ne3A_2786 = arith.cmpi ne, %add3A_2723, %while3A_999 : vector<16xi32>
      %and3A_2787 = arith.andi %ne3A_2785, %ne3A_2786 : vector<16xi1>
      %not3A_2788 = arith.constant dense<true> : vector<16xi1>
      %not3A_2789 = arith.xori %and3A_2761, %not3A_2788 : vector<16xi1>
      %and3A_2790 = arith.andi %and3A_2787, %not3A_2789 : vector<16xi1>
      %not3A_2791 = arith.constant dense<true> : vector<16xi1>
      %not3A_2792 = arith.xori %and3A_2784, %not3A_2791 : vector<16xi1>
      %and3A_2793 = arith.andi %and3A_2790, %not3A_2792 : vector<16xi1>
      %gt3A_2794 = arith.constant 5.000000e-01 : f32
      %gt3A_2795 = vector.broadcast %gt3A_2794 : f32 to vector<16xf32>
      %gt3A_2796 = arith.cmpf ogt, %get3A_2725, %gt3A_2795 : vector<16xf32>
      %and3A_2797 = arith.andi %and3A_2793, %gt3A_2796 : vector<16xi1>
      %jit3A_2798 = arith.constant 1.000000e+00 : f32
      %jit3A_2799 = arith.constant 0.000000e+00 : f32
      %broadcast_in_dim3A_2800 = vector.broadcast %jit3A_2798 : f32 to vector<16xf32>
      %broadcast_in_dim3A_2801 = vector.broadcast %jit3A_2799 : f32 to vector<16xf32>
      %select_n3A_2802 = arith.select %and3A_2797, %broadcast_in_dim3A_2800, %broadcast_in_dim3A_2801 : vector<16xi1>, vector<16xf32>
      %swap3A_2803 = arith.constant 224 : index
      %swap3A_2804 = tpu.vector_load %arg13[%swap3A_2803] {strides = array<i32>} : memref<320xf32, #tpu.memory_space<vmem>>, vector<16xf32>,
      tpu.vector_store %arg13[%swap3A_2803], %select_n3A_2802 {strides = array<i32>} : memref<320xf32, #tpu.memory_space<vmem>>, vector<16xf32>,
      %gt3A_2805 = arith.cmpf ogt, %get3A_2735, %while3A_997 : vector<16xf32>
      %eq3A_2806 = arith.cmpf oeq, %get3A_2735, %while3A_997 : vector<16xf32>
      %lt3A_2807 = arith.cmpi slt, %add3A_2723, %while3A_992 : vector<16xi32>
      %and3A_2808 = arith.andi %eq3A_2806, %lt3A_2807 : vector<16xi1>
      %or3A_2809 = arith.ori %gt3A_2805, %and3A_2808 : vector<16xi1>
      %jit3A_2810 = arith.constant 1.000000e+00 : f32
      %jit3A_2811 = arith.constant 0.000000e+00 : f32
      %broadcast_in_dim3A_2812 = vector.broadcast %jit3A_2810 : f32 to vector<16xf32>
      %broadcast_in_dim3A_2813 = vector.broadcast %jit3A_2811 : f32 to vector<16xf32>
      %select_n3A_2814 = arith.select %or3A_2809, %broadcast_in_dim3A_2812, %broadcast_in_dim3A_2813 : vector<16xi1>, vector<16xf32>
      %add3A_2815 = arith.addf %add3A_2693, %select_n3A_2814 : vector<16xf32>
      %gt3A_2816 = arith.cmpf ogt, %get3A_2735, %while3A_1004 : vector<16xf32>
      %eq3A_2817 = arith.cmpf oeq, %get3A_2735, %while3A_1004 : vector<16xf32>
      %lt3A_2818 = arith.cmpi slt, %add3A_2723, %while3A_999 : vector<16xi32>
      %and3A_2819 = arith.andi %eq3A_2817, %lt3A_2818 : vector<16xi1>
      %or3A_2820 = arith.ori %gt3A_2816, %and3A_2819 : vector<16xi1>
      %jit3A_2821 = arith.constant 1.000000e+00 : f32
      %jit3A_2822 = arith.constant 0.000000e+00 : f32
      %broadcast_in_dim3A_2823 = vector.broadcast %jit3A_2821 : f32 to vector<16xf32>
      %broadcast_in_dim3A_2824 = vector.broadcast %jit3A_2822 : f32 to vector<16xf32>
      %select_n3A_2825 = arith.select %or3A_2820, %broadcast_in_dim3A_2823, %broadcast_in_dim3A_2824 : vector<16xi1>, vector<16xf32>
      %add3A_2826 = arith.addf %add3A_2704, %select_n3A_2825 : vector<16xf32>
      %gt3A_2827 = arith.constant 5.000000e-01 : f32
      %gt3A_2828 = vector.broadcast %gt3A_2827 : f32 to vector<16xf32>
      %gt3A_2829 = arith.cmpf ogt, %select_n3A_2802, %gt3A_2828 : vector<16xf32>
      %jit3A_2830 = arith.constant -1.000000e+30 : f32
      %broadcast_in_dim3A_2831 = vector.broadcast %jit3A_2830 : f32 to vector<16xf32>
      %select_n3A_2832 = arith.select %gt3A_2829, %get3A_2735, %broadcast_in_dim3A_2831 : vector<16xi1>, vector<16xf32>
      %convert_element_type3A_2833 = arith.sitofp %add3A_2723 : vector<16xi32> to vector<16xf32>
      %gt3A_2834 = arith.cmpf ogt, %select_n3A_2832, %select_n3A_2718 : vector<16xf32>
      %gt3A_2835 = arith.cmpf ogt, %select_n3A_2832, %select_n3A_2715 : vector<16xf32>
      %select_n3A_2836 = arith.select %gt3A_2835, %select_n3A_2832, %select_n3A_2715 : vector<16xi1>, vector<16xf32>
      %select_n3A_2837 = arith.select %gt3A_2834, %select_n3A_2718, %select_n3A_2836 : vector<16xi1>, vector<16xf32>
      %select_n3A_2838 = arith.select %gt3A_2835, %convert_element_type3A_2833, %select_n3A_2717 : vector<16xi1>, vector<16xf32>
      %select_n3A_2839 = arith.select %gt3A_2834, %select_n3A_2719, %select_n3A_2838 : vector<16xi1>, vector<16xf32>
      %select_n3A_2840 = arith.select %gt3A_2834, %select_n3A_2832, %select_n3A_2718 : vector<16xi1>, vector<16xf32>
      %select_n3A_2841 = arith.select %gt3A_2834, %convert_element_type3A_2833, %select_n3A_2719 : vector<16xi1>, vector<16xf32>
      %add3A_2842 = arith.constant 240 : i32
      %add3A_2843 = arith.addi %mul3A_0, %add3A_2842 : i32
      %add3A_2844 = vector.broadcast %add3A_2843 : i32 to vector<16xi32>
      %add3A_2845 = arith.addi %add3A_2844, %iota3A : vector<16xi32>
      %get3A_2846 = arith.constant 240 : index
      %get3A_2847 = tpu.vector_load %arg13[%get3A_2846] {strides = array<i32>} : memref<320xf32, #tpu.memory_space<vmem>>, vector<16xf32>,
      %get3A_2848 = arith.constant 240 : index
      %get3A_2849 = tpu.vector_load %arg7[%get3A_2848] {strides = array<i32>} : memref<320xf32, #tpu.memory_space<vmem>>, vector<16xf32>,
      %get3A_2850 = arith.constant 240 : index
      %get3A_2851 = tpu.vector_load %arg8[%get3A_2850] {strides = array<i32>} : memref<320xf32, #tpu.memory_space<vmem>>, vector<16xf32>,
      %get3A_2852 = arith.constant 240 : index
      %get3A_2853 = tpu.vector_load %arg9[%get3A_2852] {strides = array<i32>} : memref<320xf32, #tpu.memory_space<vmem>>, vector<16xf32>,
      %get3A_2854 = arith.constant 240 : index
      %get3A_2855 = tpu.vector_load %arg10[%get3A_2854] {strides = array<i32>} : memref<320xf32, #tpu.memory_space<vmem>>, vector<16xf32>,
      %get3A_2856 = arith.constant 240 : index
      %get3A_2857 = tpu.vector_load %arg11[%get3A_2856] {strides = array<i32>} : memref<320xf32, #tpu.memory_space<vmem>>, vector<16xf32>,
      %sub3A_2858 = arith.subf %get3A_2853, %get3A_2849 : vector<16xf32>
      %sub3A_2859 = arith.subf %get3A_2855, %get3A_2851 : vector<16xf32>
      %mul3A_2860 = arith.mulf %sub3A_2858, %sub3A_2859 : vector<16xf32>
      %min3A_2861 = arith.minimumf %get3A_2853, %while3A_995 : vector<16xf32>
      %max3A_2862 = arith.maximumf %get3A_2849, %while3A_993 : vector<16xf32>
      %sub3A_2863 = arith.subf %min3A_2861, %max3A_2862 : vector<16xf32>
      %max3A_2864 = arith.constant 0.000000e+00 : f32
      %max3A_2865 = vector.broadcast %max3A_2864 : f32 to vector<16xf32>
      %max3A_2866 = arith.maximumf %sub3A_2863, %max3A_2865 : vector<16xf32>
      %min3A_2867 = arith.minimumf %get3A_2855, %while3A_996 : vector<16xf32>
      %max3A_2868 = arith.maximumf %get3A_2851, %while3A_994 : vector<16xf32>
      %sub3A_2869 = arith.subf %min3A_2867, %max3A_2868 : vector<16xf32>
      %max3A_2870 = arith.constant 0.000000e+00 : f32
      %max3A_2871 = vector.broadcast %max3A_2870 : f32 to vector<16xf32>
      %max3A_2872 = arith.maximumf %sub3A_2869, %max3A_2871 : vector<16xf32>
      %mul3A_2873 = arith.mulf %max3A_2866, %max3A_2872 : vector<16xf32>
      %add3A_2874 = arith.addf %mul3A_2860, %while3A_998 : vector<16xf32>
      %sub3A_2875 = arith.subf %add3A_2874, %mul3A_2873 : vector<16xf32>
      %max3A_2876 = arith.constant 9.99999971E-10 : f32
      %max3A_2877 = vector.broadcast %max3A_2876 : f32 to vector<16xf32>
      %max3A_2878 = arith.maximumf %sub3A_2875, %max3A_2877 : vector<16xf32>
      %mul3A_2879 = arith.constant 5.000000e-01 : f32
      %mul3A_2880 = vector.broadcast %mul3A_2879 : f32 to vector<16xf32>
      %mul3A_2881 = arith.mulf %mul3A_2880, %max3A_2878 : vector<16xf32>
      %gt3A_2882 = arith.cmpf ogt, %mul3A_2873, %mul3A_2881 : vector<16xf32>
      %and3A_2883 = arith.andi %gt3A_2882, %lt3A_1008 : vector<16xi1>
      %min3A_2884 = arith.minimumf %get3A_2853, %while3A_1002 : vector<16xf32>
      %max3A_2885 = arith.maximumf %get3A_2849, %while3A_1000 : vector<16xf32>
      %sub3A_2886 = arith.subf %min3A_2884, %max3A_2885 : vector<16xf32>
      %max3A_2887 = arith.constant 0.000000e+00 : f32
      %max3A_2888 = vector.broadcast %max3A_2887 : f32 to vector<16xf32>
      %max3A_2889 = arith.maximumf %sub3A_2886, %max3A_2888 : vector<16xf32>
      %min3A_2890 = arith.minimumf %get3A_2855, %while3A_1003 : vector<16xf32>
      %max3A_2891 = arith.maximumf %get3A_2851, %while3A_1001 : vector<16xf32>
      %sub3A_2892 = arith.subf %min3A_2890, %max3A_2891 : vector<16xf32>
      %max3A_2893 = arith.constant 0.000000e+00 : f32
      %max3A_2894 = vector.broadcast %max3A_2893 : f32 to vector<16xf32>
      %max3A_2895 = arith.maximumf %sub3A_2892, %max3A_2894 : vector<16xf32>
      %mul3A_2896 = arith.mulf %max3A_2889, %max3A_2895 : vector<16xf32>
      %add3A_2897 = arith.addf %mul3A_2860, %while3A_1005 : vector<16xf32>
      %sub3A_2898 = arith.subf %add3A_2897, %mul3A_2896 : vector<16xf32>
      %max3A_2899 = arith.constant 9.99999971E-10 : f32
      %max3A_2900 = vector.broadcast %max3A_2899 : f32 to vector<16xf32>
      %max3A_2901 = arith.maximumf %sub3A_2898, %max3A_2900 : vector<16xf32>
      %mul3A_2902 = arith.constant 5.000000e-01 : f32
      %mul3A_2903 = vector.broadcast %mul3A_2902 : f32 to vector<16xf32>
      %mul3A_2904 = arith.mulf %mul3A_2903, %max3A_2901 : vector<16xf32>
      %gt3A_2905 = arith.cmpf ogt, %mul3A_2896, %mul3A_2904 : vector<16xf32>
      %and3A_2906 = arith.andi %gt3A_2905, %lt3A_1011 : vector<16xi1>
      %ne3A_2907 = arith.cmpi ne, %add3A_2845, %while3A_992 : vector<16xi32>
      %ne3A_2908 = arith.cmpi ne, %add3A_2845, %while3A_999 : vector<16xi32>
      %and3A_2909 = arith.andi %ne3A_2907, %ne3A_2908 : vector<16xi1>
      %not3A_2910 = arith.constant dense<true> : vector<16xi1>
      %not3A_2911 = arith.xori %and3A_2883, %not3A_2910 : vector<16xi1>
      %and3A_2912 = arith.andi %and3A_2909, %not3A_2911 : vector<16xi1>
      %not3A_2913 = arith.constant dense<true> : vector<16xi1>
      %not3A_2914 = arith.xori %and3A_2906, %not3A_2913 : vector<16xi1>
      %and3A_2915 = arith.andi %and3A_2912, %not3A_2914 : vector<16xi1>
      %gt3A_2916 = arith.constant 5.000000e-01 : f32
      %gt3A_2917 = vector.broadcast %gt3A_2916 : f32 to vector<16xf32>
      %gt3A_2918 = arith.cmpf ogt, %get3A_2847, %gt3A_2917 : vector<16xf32>
      %and3A_2919 = arith.andi %and3A_2915, %gt3A_2918 : vector<16xi1>
      %jit3A_2920 = arith.constant 1.000000e+00 : f32
      %jit3A_2921 = arith.constant 0.000000e+00 : f32
      %broadcast_in_dim3A_2922 = vector.broadcast %jit3A_2920 : f32 to vector<16xf32>
      %broadcast_in_dim3A_2923 = vector.broadcast %jit3A_2921 : f32 to vector<16xf32>
      %select_n3A_2924 = arith.select %and3A_2919, %broadcast_in_dim3A_2922, %broadcast_in_dim3A_2923 : vector<16xi1>, vector<16xf32>
      %swap3A_2925 = arith.constant 240 : index
      %swap3A_2926 = tpu.vector_load %arg13[%swap3A_2925] {strides = array<i32>} : memref<320xf32, #tpu.memory_space<vmem>>, vector<16xf32>,
      tpu.vector_store %arg13[%swap3A_2925], %select_n3A_2924 {strides = array<i32>} : memref<320xf32, #tpu.memory_space<vmem>>, vector<16xf32>,
      %gt3A_2927 = arith.cmpf ogt, %get3A_2857, %while3A_997 : vector<16xf32>
      %eq3A_2928 = arith.cmpf oeq, %get3A_2857, %while3A_997 : vector<16xf32>
      %lt3A_2929 = arith.cmpi slt, %add3A_2845, %while3A_992 : vector<16xi32>
      %and3A_2930 = arith.andi %eq3A_2928, %lt3A_2929 : vector<16xi1>
      %or3A_2931 = arith.ori %gt3A_2927, %and3A_2930 : vector<16xi1>
      %jit3A_2932 = arith.constant 1.000000e+00 : f32
      %jit3A_2933 = arith.constant 0.000000e+00 : f32
      %broadcast_in_dim3A_2934 = vector.broadcast %jit3A_2932 : f32 to vector<16xf32>
      %broadcast_in_dim3A_2935 = vector.broadcast %jit3A_2933 : f32 to vector<16xf32>
      %select_n3A_2936 = arith.select %or3A_2931, %broadcast_in_dim3A_2934, %broadcast_in_dim3A_2935 : vector<16xi1>, vector<16xf32>
      %add3A_2937 = arith.addf %add3A_2815, %select_n3A_2936 : vector<16xf32>
      %gt3A_2938 = arith.cmpf ogt, %get3A_2857, %while3A_1004 : vector<16xf32>
      %eq3A_2939 = arith.cmpf oeq, %get3A_2857, %while3A_1004 : vector<16xf32>
      %lt3A_2940 = arith.cmpi slt, %add3A_2845, %while3A_999 : vector<16xi32>
      %and3A_2941 = arith.andi %eq3A_2939, %lt3A_2940 : vector<16xi1>
      %or3A_2942 = arith.ori %gt3A_2938, %and3A_2941 : vector<16xi1>
      %jit3A_2943 = arith.constant 1.000000e+00 : f32
      %jit3A_2944 = arith.constant 0.000000e+00 : f32
      %broadcast_in_dim3A_2945 = vector.broadcast %jit3A_2943 : f32 to vector<16xf32>
      %broadcast_in_dim3A_2946 = vector.broadcast %jit3A_2944 : f32 to vector<16xf32>
      %select_n3A_2947 = arith.select %or3A_2942, %broadcast_in_dim3A_2945, %broadcast_in_dim3A_2946 : vector<16xi1>, vector<16xf32>
      %add3A_2948 = arith.addf %add3A_2826, %select_n3A_2947 : vector<16xf32>
      %gt3A_2949 = arith.constant 5.000000e-01 : f32
      %gt3A_2950 = vector.broadcast %gt3A_2949 : f32 to vector<16xf32>
      %gt3A_2951 = arith.cmpf ogt, %select_n3A_2924, %gt3A_2950 : vector<16xf32>
      %jit3A_2952 = arith.constant -1.000000e+30 : f32
      %broadcast_in_dim3A_2953 = vector.broadcast %jit3A_2952 : f32 to vector<16xf32>
      %select_n3A_2954 = arith.select %gt3A_2951, %get3A_2857, %broadcast_in_dim3A_2953 : vector<16xi1>, vector<16xf32>
      %convert_element_type3A_2955 = arith.sitofp %add3A_2845 : vector<16xi32> to vector<16xf32>
      %gt3A_2956 = arith.cmpf ogt, %select_n3A_2954, %select_n3A_2840 : vector<16xf32>
      %gt3A_2957 = arith.cmpf ogt, %select_n3A_2954, %select_n3A_2837 : vector<16xf32>
      %select_n3A_2958 = arith.select %gt3A_2957, %select_n3A_2954, %select_n3A_2837 : vector<16xi1>, vector<16xf32>
      %select_n3A_2959 = arith.select %gt3A_2956, %select_n3A_2840, %select_n3A_2958 : vector<16xi1>, vector<16xf32>
      %select_n3A_2960 = arith.select %gt3A_2957, %convert_element_type3A_2955, %select_n3A_2839 : vector<16xi1>, vector<16xf32>
      %select_n3A_2961 = arith.select %gt3A_2956, %select_n3A_2841, %select_n3A_2960 : vector<16xi1>, vector<16xf32>
      %select_n3A_2962 = arith.select %gt3A_2956, %select_n3A_2954, %select_n3A_2840 : vector<16xi1>, vector<16xf32>
      %select_n3A_2963 = arith.select %gt3A_2956, %convert_element_type3A_2955, %select_n3A_2841 : vector<16xi1>, vector<16xf32>
      %add3A_2964 = arith.constant 256 : i32
      %add3A_2965 = arith.addi %mul3A_0, %add3A_2964 : i32
      %add3A_2966 = vector.broadcast %add3A_2965 : i32 to vector<16xi32>
      %add3A_2967 = arith.addi %add3A_2966, %iota3A : vector<16xi32>
      %get3A_2968 = arith.constant 256 : index
      %get3A_2969 = tpu.vector_load %arg13[%get3A_2968] {strides = array<i32>} : memref<320xf32, #tpu.memory_space<vmem>>, vector<16xf32>,
      %get3A_2970 = arith.constant 256 : index
      %get3A_2971 = tpu.vector_load %arg7[%get3A_2970] {strides = array<i32>} : memref<320xf32, #tpu.memory_space<vmem>>, vector<16xf32>,
      %get3A_2972 = arith.constant 256 : index
      %get3A_2973 = tpu.vector_load %arg8[%get3A_2972] {strides = array<i32>} : memref<320xf32, #tpu.memory_space<vmem>>, vector<16xf32>,
      %get3A_2974 = arith.constant 256 : index
      %get3A_2975 = tpu.vector_load %arg9[%get3A_2974] {strides = array<i32>} : memref<320xf32, #tpu.memory_space<vmem>>, vector<16xf32>,
      %get3A_2976 = arith.constant 256 : index
      %get3A_2977 = tpu.vector_load %arg10[%get3A_2976] {strides = array<i32>} : memref<320xf32, #tpu.memory_space<vmem>>, vector<16xf32>,
      %get3A_2978 = arith.constant 256 : index
      %get3A_2979 = tpu.vector_load %arg11[%get3A_2978] {strides = array<i32>} : memref<320xf32, #tpu.memory_space<vmem>>, vector<16xf32>,
      %sub3A_2980 = arith.subf %get3A_2975, %get3A_2971 : vector<16xf32>
      %sub3A_2981 = arith.subf %get3A_2977, %get3A_2973 : vector<16xf32>
      %mul3A_2982 = arith.mulf %sub3A_2980, %sub3A_2981 : vector<16xf32>
      %min3A_2983 = arith.minimumf %get3A_2975, %while3A_995 : vector<16xf32>
      %max3A_2984 = arith.maximumf %get3A_2971, %while3A_993 : vector<16xf32>
      %sub3A_2985 = arith.subf %min3A_2983, %max3A_2984 : vector<16xf32>
      %max3A_2986 = arith.constant 0.000000e+00 : f32
      %max3A_2987 = vector.broadcast %max3A_2986 : f32 to vector<16xf32>
      %max3A_2988 = arith.maximumf %sub3A_2985, %max3A_2987 : vector<16xf32>
      %min3A_2989 = arith.minimumf %get3A_2977, %while3A_996 : vector<16xf32>
      %max3A_2990 = arith.maximumf %get3A_2973, %while3A_994 : vector<16xf32>
      %sub3A_2991 = arith.subf %min3A_2989, %max3A_2990 : vector<16xf32>
      %max3A_2992 = arith.constant 0.000000e+00 : f32
      %max3A_2993 = vector.broadcast %max3A_2992 : f32 to vector<16xf32>
      %max3A_2994 = arith.maximumf %sub3A_2991, %max3A_2993 : vector<16xf32>
      %mul3A_2995 = arith.mulf %max3A_2988, %max3A_2994 : vector<16xf32>
      %add3A_2996 = arith.addf %mul3A_2982, %while3A_998 : vector<16xf32>
      %sub3A_2997 = arith.subf %add3A_2996, %mul3A_2995 : vector<16xf32>
      %max3A_2998 = arith.constant 9.99999971E-10 : f32
      %max3A_2999 = vector.broadcast %max3A_2998 : f32 to vector<16xf32>
      %max3A_3000 = arith.maximumf %sub3A_2997, %max3A_2999 : vector<16xf32>
      %mul3A_3001 = arith.constant 5.000000e-01 : f32
      %mul3A_3002 = vector.broadcast %mul3A_3001 : f32 to vector<16xf32>
      %mul3A_3003 = arith.mulf %mul3A_3002, %max3A_3000 : vector<16xf32>
      %gt3A_3004 = arith.cmpf ogt, %mul3A_2995, %mul3A_3003 : vector<16xf32>
      %and3A_3005 = arith.andi %gt3A_3004, %lt3A_1008 : vector<16xi1>
      %min3A_3006 = arith.minimumf %get3A_2975, %while3A_1002 : vector<16xf32>
      %max3A_3007 = arith.maximumf %get3A_2971, %while3A_1000 : vector<16xf32>
      %sub3A_3008 = arith.subf %min3A_3006, %max3A_3007 : vector<16xf32>
      %max3A_3009 = arith.constant 0.000000e+00 : f32
      %max3A_3010 = vector.broadcast %max3A_3009 : f32 to vector<16xf32>
      %max3A_3011 = arith.maximumf %sub3A_3008, %max3A_3010 : vector<16xf32>
      %min3A_3012 = arith.minimumf %get3A_2977, %while3A_1003 : vector<16xf32>
      %max3A_3013 = arith.maximumf %get3A_2973, %while3A_1001 : vector<16xf32>
      %sub3A_3014 = arith.subf %min3A_3012, %max3A_3013 : vector<16xf32>
      %max3A_3015 = arith.constant 0.000000e+00 : f32
      %max3A_3016 = vector.broadcast %max3A_3015 : f32 to vector<16xf32>
      %max3A_3017 = arith.maximumf %sub3A_3014, %max3A_3016 : vector<16xf32>
      %mul3A_3018 = arith.mulf %max3A_3011, %max3A_3017 : vector<16xf32>
      %add3A_3019 = arith.addf %mul3A_2982, %while3A_1005 : vector<16xf32>
      %sub3A_3020 = arith.subf %add3A_3019, %mul3A_3018 : vector<16xf32>
      %max3A_3021 = arith.constant 9.99999971E-10 : f32
      %max3A_3022 = vector.broadcast %max3A_3021 : f32 to vector<16xf32>
      %max3A_3023 = arith.maximumf %sub3A_3020, %max3A_3022 : vector<16xf32>
      %mul3A_3024 = arith.constant 5.000000e-01 : f32
      %mul3A_3025 = vector.broadcast %mul3A_3024 : f32 to vector<16xf32>
      %mul3A_3026 = arith.mulf %mul3A_3025, %max3A_3023 : vector<16xf32>
      %gt3A_3027 = arith.cmpf ogt, %mul3A_3018, %mul3A_3026 : vector<16xf32>
      %and3A_3028 = arith.andi %gt3A_3027, %lt3A_1011 : vector<16xi1>
      %ne3A_3029 = arith.cmpi ne, %add3A_2967, %while3A_992 : vector<16xi32>
      %ne3A_3030 = arith.cmpi ne, %add3A_2967, %while3A_999 : vector<16xi32>
      %and3A_3031 = arith.andi %ne3A_3029, %ne3A_3030 : vector<16xi1>
      %not3A_3032 = arith.constant dense<true> : vector<16xi1>
      %not3A_3033 = arith.xori %and3A_3005, %not3A_3032 : vector<16xi1>
      %and3A_3034 = arith.andi %and3A_3031, %not3A_3033 : vector<16xi1>
      %not3A_3035 = arith.constant dense<true> : vector<16xi1>
      %not3A_3036 = arith.xori %and3A_3028, %not3A_3035 : vector<16xi1>
      %and3A_3037 = arith.andi %and3A_3034, %not3A_3036 : vector<16xi1>
      %gt3A_3038 = arith.constant 5.000000e-01 : f32
      %gt3A_3039 = vector.broadcast %gt3A_3038 : f32 to vector<16xf32>
      %gt3A_3040 = arith.cmpf ogt, %get3A_2969, %gt3A_3039 : vector<16xf32>
      %and3A_3041 = arith.andi %and3A_3037, %gt3A_3040 : vector<16xi1>
      %jit3A_3042 = arith.constant 1.000000e+00 : f32
      %jit3A_3043 = arith.constant 0.000000e+00 : f32
      %broadcast_in_dim3A_3044 = vector.broadcast %jit3A_3042 : f32 to vector<16xf32>
      %broadcast_in_dim3A_3045 = vector.broadcast %jit3A_3043 : f32 to vector<16xf32>
      %select_n3A_3046 = arith.select %and3A_3041, %broadcast_in_dim3A_3044, %broadcast_in_dim3A_3045 : vector<16xi1>, vector<16xf32>
      %swap3A_3047 = arith.constant 256 : index
      %swap3A_3048 = tpu.vector_load %arg13[%swap3A_3047] {strides = array<i32>} : memref<320xf32, #tpu.memory_space<vmem>>, vector<16xf32>,
      tpu.vector_store %arg13[%swap3A_3047], %select_n3A_3046 {strides = array<i32>} : memref<320xf32, #tpu.memory_space<vmem>>, vector<16xf32>,
      %gt3A_3049 = arith.cmpf ogt, %get3A_2979, %while3A_997 : vector<16xf32>
      %eq3A_3050 = arith.cmpf oeq, %get3A_2979, %while3A_997 : vector<16xf32>
      %lt3A_3051 = arith.cmpi slt, %add3A_2967, %while3A_992 : vector<16xi32>
      %and3A_3052 = arith.andi %eq3A_3050, %lt3A_3051 : vector<16xi1>
      %or3A_3053 = arith.ori %gt3A_3049, %and3A_3052 : vector<16xi1>
      %jit3A_3054 = arith.constant 1.000000e+00 : f32
      %jit3A_3055 = arith.constant 0.000000e+00 : f32
      %broadcast_in_dim3A_3056 = vector.broadcast %jit3A_3054 : f32 to vector<16xf32>
      %broadcast_in_dim3A_3057 = vector.broadcast %jit3A_3055 : f32 to vector<16xf32>
      %select_n3A_3058 = arith.select %or3A_3053, %broadcast_in_dim3A_3056, %broadcast_in_dim3A_3057 : vector<16xi1>, vector<16xf32>
      %add3A_3059 = arith.addf %add3A_2937, %select_n3A_3058 : vector<16xf32>
      %gt3A_3060 = arith.cmpf ogt, %get3A_2979, %while3A_1004 : vector<16xf32>
      %eq3A_3061 = arith.cmpf oeq, %get3A_2979, %while3A_1004 : vector<16xf32>
      %lt3A_3062 = arith.cmpi slt, %add3A_2967, %while3A_999 : vector<16xi32>
      %and3A_3063 = arith.andi %eq3A_3061, %lt3A_3062 : vector<16xi1>
      %or3A_3064 = arith.ori %gt3A_3060, %and3A_3063 : vector<16xi1>
      %jit3A_3065 = arith.constant 1.000000e+00 : f32
      %jit3A_3066 = arith.constant 0.000000e+00 : f32
      %broadcast_in_dim3A_3067 = vector.broadcast %jit3A_3065 : f32 to vector<16xf32>
      %broadcast_in_dim3A_3068 = vector.broadcast %jit3A_3066 : f32 to vector<16xf32>
      %select_n3A_3069 = arith.select %or3A_3064, %broadcast_in_dim3A_3067, %broadcast_in_dim3A_3068 : vector<16xi1>, vector<16xf32>
      %add3A_3070 = arith.addf %add3A_2948, %select_n3A_3069 : vector<16xf32>
      %gt3A_3071 = arith.constant 5.000000e-01 : f32
      %gt3A_3072 = vector.broadcast %gt3A_3071 : f32 to vector<16xf32>
      %gt3A_3073 = arith.cmpf ogt, %select_n3A_3046, %gt3A_3072 : vector<16xf32>
      %jit3A_3074 = arith.constant -1.000000e+30 : f32
      %broadcast_in_dim3A_3075 = vector.broadcast %jit3A_3074 : f32 to vector<16xf32>
      %select_n3A_3076 = arith.select %gt3A_3073, %get3A_2979, %broadcast_in_dim3A_3075 : vector<16xi1>, vector<16xf32>
      %convert_element_type3A_3077 = arith.sitofp %add3A_2967 : vector<16xi32> to vector<16xf32>
      %gt3A_3078 = arith.cmpf ogt, %select_n3A_3076, %select_n3A_2962 : vector<16xf32>
      %gt3A_3079 = arith.cmpf ogt, %select_n3A_3076, %select_n3A_2959 : vector<16xf32>
      %select_n3A_3080 = arith.select %gt3A_3079, %select_n3A_3076, %select_n3A_2959 : vector<16xi1>, vector<16xf32>
      %select_n3A_3081 = arith.select %gt3A_3078, %select_n3A_2962, %select_n3A_3080 : vector<16xi1>, vector<16xf32>
      %select_n3A_3082 = arith.select %gt3A_3079, %convert_element_type3A_3077, %select_n3A_2961 : vector<16xi1>, vector<16xf32>
      %select_n3A_3083 = arith.select %gt3A_3078, %select_n3A_2963, %select_n3A_3082 : vector<16xi1>, vector<16xf32>
      %select_n3A_3084 = arith.select %gt3A_3078, %select_n3A_3076, %select_n3A_2962 : vector<16xi1>, vector<16xf32>
      %select_n3A_3085 = arith.select %gt3A_3078, %convert_element_type3A_3077, %select_n3A_2963 : vector<16xi1>, vector<16xf32>
      %add3A_3086 = arith.constant 272 : i32
      %add3A_3087 = arith.addi %mul3A_0, %add3A_3086 : i32
      %add3A_3088 = vector.broadcast %add3A_3087 : i32 to vector<16xi32>
      %add3A_3089 = arith.addi %add3A_3088, %iota3A : vector<16xi32>
      %get3A_3090 = arith.constant 272 : index
      %get3A_3091 = tpu.vector_load %arg13[%get3A_3090] {strides = array<i32>} : memref<320xf32, #tpu.memory_space<vmem>>, vector<16xf32>,
      %get3A_3092 = arith.constant 272 : index
      %get3A_3093 = tpu.vector_load %arg7[%get3A_3092] {strides = array<i32>} : memref<320xf32, #tpu.memory_space<vmem>>, vector<16xf32>,
      %get3A_3094 = arith.constant 272 : index
      %get3A_3095 = tpu.vector_load %arg8[%get3A_3094] {strides = array<i32>} : memref<320xf32, #tpu.memory_space<vmem>>, vector<16xf32>,
      %get3A_3096 = arith.constant 272 : index
      %get3A_3097 = tpu.vector_load %arg9[%get3A_3096] {strides = array<i32>} : memref<320xf32, #tpu.memory_space<vmem>>, vector<16xf32>,
      %get3A_3098 = arith.constant 272 : index
      %get3A_3099 = tpu.vector_load %arg10[%get3A_3098] {strides = array<i32>} : memref<320xf32, #tpu.memory_space<vmem>>, vector<16xf32>,
      %get3A_3100 = arith.constant 272 : index
      %get3A_3101 = tpu.vector_load %arg11[%get3A_3100] {strides = array<i32>} : memref<320xf32, #tpu.memory_space<vmem>>, vector<16xf32>,
      %sub3A_3102 = arith.subf %get3A_3097, %get3A_3093 : vector<16xf32>
      %sub3A_3103 = arith.subf %get3A_3099, %get3A_3095 : vector<16xf32>
      %mul3A_3104 = arith.mulf %sub3A_3102, %sub3A_3103 : vector<16xf32>
      %min3A_3105 = arith.minimumf %get3A_3097, %while3A_995 : vector<16xf32>
      %max3A_3106 = arith.maximumf %get3A_3093, %while3A_993 : vector<16xf32>
      %sub3A_3107 = arith.subf %min3A_3105, %max3A_3106 : vector<16xf32>
      %max3A_3108 = arith.constant 0.000000e+00 : f32
      %max3A_3109 = vector.broadcast %max3A_3108 : f32 to vector<16xf32>
      %max3A_3110 = arith.maximumf %sub3A_3107, %max3A_3109 : vector<16xf32>
      %min3A_3111 = arith.minimumf %get3A_3099, %while3A_996 : vector<16xf32>
      %max3A_3112 = arith.maximumf %get3A_3095, %while3A_994 : vector<16xf32>
      %sub3A_3113 = arith.subf %min3A_3111, %max3A_3112 : vector<16xf32>
      %max3A_3114 = arith.constant 0.000000e+00 : f32
      %max3A_3115 = vector.broadcast %max3A_3114 : f32 to vector<16xf32>
      %max3A_3116 = arith.maximumf %sub3A_3113, %max3A_3115 : vector<16xf32>
      %mul3A_3117 = arith.mulf %max3A_3110, %max3A_3116 : vector<16xf32>
      %add3A_3118 = arith.addf %mul3A_3104, %while3A_998 : vector<16xf32>
      %sub3A_3119 = arith.subf %add3A_3118, %mul3A_3117 : vector<16xf32>
      %max3A_3120 = arith.constant 9.99999971E-10 : f32
      %max3A_3121 = vector.broadcast %max3A_3120 : f32 to vector<16xf32>
      %max3A_3122 = arith.maximumf %sub3A_3119, %max3A_3121 : vector<16xf32>
      %mul3A_3123 = arith.constant 5.000000e-01 : f32
      %mul3A_3124 = vector.broadcast %mul3A_3123 : f32 to vector<16xf32>
      %mul3A_3125 = arith.mulf %mul3A_3124, %max3A_3122 : vector<16xf32>
      %gt3A_3126 = arith.cmpf ogt, %mul3A_3117, %mul3A_3125 : vector<16xf32>
      %and3A_3127 = arith.andi %gt3A_3126, %lt3A_1008 : vector<16xi1>
      %min3A_3128 = arith.minimumf %get3A_3097, %while3A_1002 : vector<16xf32>
      %max3A_3129 = arith.maximumf %get3A_3093, %while3A_1000 : vector<16xf32>
      %sub3A_3130 = arith.subf %min3A_3128, %max3A_3129 : vector<16xf32>
      %max3A_3131 = arith.constant 0.000000e+00 : f32
      %max3A_3132 = vector.broadcast %max3A_3131 : f32 to vector<16xf32>
      %max3A_3133 = arith.maximumf %sub3A_3130, %max3A_3132 : vector<16xf32>
      %min3A_3134 = arith.minimumf %get3A_3099, %while3A_1003 : vector<16xf32>
      %max3A_3135 = arith.maximumf %get3A_3095, %while3A_1001 : vector<16xf32>
      %sub3A_3136 = arith.subf %min3A_3134, %max3A_3135 : vector<16xf32>
      %max3A_3137 = arith.constant 0.000000e+00 : f32
      %max3A_3138 = vector.broadcast %max3A_3137 : f32 to vector<16xf32>
      %max3A_3139 = arith.maximumf %sub3A_3136, %max3A_3138 : vector<16xf32>
      %mul3A_3140 = arith.mulf %max3A_3133, %max3A_3139 : vector<16xf32>
      %add3A_3141 = arith.addf %mul3A_3104, %while3A_1005 : vector<16xf32>
      %sub3A_3142 = arith.subf %add3A_3141, %mul3A_3140 : vector<16xf32>
      %max3A_3143 = arith.constant 9.99999971E-10 : f32
      %max3A_3144 = vector.broadcast %max3A_3143 : f32 to vector<16xf32>
      %max3A_3145 = arith.maximumf %sub3A_3142, %max3A_3144 : vector<16xf32>
      %mul3A_3146 = arith.constant 5.000000e-01 : f32
      %mul3A_3147 = vector.broadcast %mul3A_3146 : f32 to vector<16xf32>
      %mul3A_3148 = arith.mulf %mul3A_3147, %max3A_3145 : vector<16xf32>
      %gt3A_3149 = arith.cmpf ogt, %mul3A_3140, %mul3A_3148 : vector<16xf32>
      %and3A_3150 = arith.andi %gt3A_3149, %lt3A_1011 : vector<16xi1>
      %ne3A_3151 = arith.cmpi ne, %add3A_3089, %while3A_992 : vector<16xi32>
      %ne3A_3152 = arith.cmpi ne, %add3A_3089, %while3A_999 : vector<16xi32>
      %and3A_3153 = arith.andi %ne3A_3151, %ne3A_3152 : vector<16xi1>
      %not3A_3154 = arith.constant dense<true> : vector<16xi1>
      %not3A_3155 = arith.xori %and3A_3127, %not3A_3154 : vector<16xi1>
      %and3A_3156 = arith.andi %and3A_3153, %not3A_3155 : vector<16xi1>
      %not3A_3157 = arith.constant dense<true> : vector<16xi1>
      %not3A_3158 = arith.xori %and3A_3150, %not3A_3157 : vector<16xi1>
      %and3A_3159 = arith.andi %and3A_3156, %not3A_3158 : vector<16xi1>
      %gt3A_3160 = arith.constant 5.000000e-01 : f32
      %gt3A_3161 = vector.broadcast %gt3A_3160 : f32 to vector<16xf32>
      %gt3A_3162 = arith.cmpf ogt, %get3A_3091, %gt3A_3161 : vector<16xf32>
      %and3A_3163 = arith.andi %and3A_3159, %gt3A_3162 : vector<16xi1>
      %jit3A_3164 = arith.constant 1.000000e+00 : f32
      %jit3A_3165 = arith.constant 0.000000e+00 : f32
      %broadcast_in_dim3A_3166 = vector.broadcast %jit3A_3164 : f32 to vector<16xf32>
      %broadcast_in_dim3A_3167 = vector.broadcast %jit3A_3165 : f32 to vector<16xf32>
      %select_n3A_3168 = arith.select %and3A_3163, %broadcast_in_dim3A_3166, %broadcast_in_dim3A_3167 : vector<16xi1>, vector<16xf32>
      %swap3A_3169 = arith.constant 272 : index
      %swap3A_3170 = tpu.vector_load %arg13[%swap3A_3169] {strides = array<i32>} : memref<320xf32, #tpu.memory_space<vmem>>, vector<16xf32>,
      tpu.vector_store %arg13[%swap3A_3169], %select_n3A_3168 {strides = array<i32>} : memref<320xf32, #tpu.memory_space<vmem>>, vector<16xf32>,
      %gt3A_3171 = arith.cmpf ogt, %get3A_3101, %while3A_997 : vector<16xf32>
      %eq3A_3172 = arith.cmpf oeq, %get3A_3101, %while3A_997 : vector<16xf32>
      %lt3A_3173 = arith.cmpi slt, %add3A_3089, %while3A_992 : vector<16xi32>
      %and3A_3174 = arith.andi %eq3A_3172, %lt3A_3173 : vector<16xi1>
      %or3A_3175 = arith.ori %gt3A_3171, %and3A_3174 : vector<16xi1>
      %jit3A_3176 = arith.constant 1.000000e+00 : f32
      %jit3A_3177 = arith.constant 0.000000e+00 : f32
      %broadcast_in_dim3A_3178 = vector.broadcast %jit3A_3176 : f32 to vector<16xf32>
      %broadcast_in_dim3A_3179 = vector.broadcast %jit3A_3177 : f32 to vector<16xf32>
      %select_n3A_3180 = arith.select %or3A_3175, %broadcast_in_dim3A_3178, %broadcast_in_dim3A_3179 : vector<16xi1>, vector<16xf32>
      %add3A_3181 = arith.addf %add3A_3059, %select_n3A_3180 : vector<16xf32>
      %gt3A_3182 = arith.cmpf ogt, %get3A_3101, %while3A_1004 : vector<16xf32>
      %eq3A_3183 = arith.cmpf oeq, %get3A_3101, %while3A_1004 : vector<16xf32>
      %lt3A_3184 = arith.cmpi slt, %add3A_3089, %while3A_999 : vector<16xi32>
      %and3A_3185 = arith.andi %eq3A_3183, %lt3A_3184 : vector<16xi1>
      %or3A_3186 = arith.ori %gt3A_3182, %and3A_3185 : vector<16xi1>
      %jit3A_3187 = arith.constant 1.000000e+00 : f32
      %jit3A_3188 = arith.constant 0.000000e+00 : f32
      %broadcast_in_dim3A_3189 = vector.broadcast %jit3A_3187 : f32 to vector<16xf32>
      %broadcast_in_dim3A_3190 = vector.broadcast %jit3A_3188 : f32 to vector<16xf32>
      %select_n3A_3191 = arith.select %or3A_3186, %broadcast_in_dim3A_3189, %broadcast_in_dim3A_3190 : vector<16xi1>, vector<16xf32>
      %add3A_3192 = arith.addf %add3A_3070, %select_n3A_3191 : vector<16xf32>
      %gt3A_3193 = arith.constant 5.000000e-01 : f32
      %gt3A_3194 = vector.broadcast %gt3A_3193 : f32 to vector<16xf32>
      %gt3A_3195 = arith.cmpf ogt, %select_n3A_3168, %gt3A_3194 : vector<16xf32>
      %jit3A_3196 = arith.constant -1.000000e+30 : f32
      %broadcast_in_dim3A_3197 = vector.broadcast %jit3A_3196 : f32 to vector<16xf32>
      %select_n3A_3198 = arith.select %gt3A_3195, %get3A_3101, %broadcast_in_dim3A_3197 : vector<16xi1>, vector<16xf32>
      %convert_element_type3A_3199 = arith.sitofp %add3A_3089 : vector<16xi32> to vector<16xf32>
      %gt3A_3200 = arith.cmpf ogt, %select_n3A_3198, %select_n3A_3084 : vector<16xf32>
      %gt3A_3201 = arith.cmpf ogt, %select_n3A_3198, %select_n3A_3081 : vector<16xf32>
      %select_n3A_3202 = arith.select %gt3A_3201, %select_n3A_3198, %select_n3A_3081 : vector<16xi1>, vector<16xf32>
      %select_n3A_3203 = arith.select %gt3A_3200, %select_n3A_3084, %select_n3A_3202 : vector<16xi1>, vector<16xf32>
      %select_n3A_3204 = arith.select %gt3A_3201, %convert_element_type3A_3199, %select_n3A_3083 : vector<16xi1>, vector<16xf32>
      %select_n3A_3205 = arith.select %gt3A_3200, %select_n3A_3085, %select_n3A_3204 : vector<16xi1>, vector<16xf32>
      %select_n3A_3206 = arith.select %gt3A_3200, %select_n3A_3198, %select_n3A_3084 : vector<16xi1>, vector<16xf32>
      %select_n3A_3207 = arith.select %gt3A_3200, %convert_element_type3A_3199, %select_n3A_3085 : vector<16xi1>, vector<16xf32>
      %add3A_3208 = arith.constant 288 : i32
      %add3A_3209 = arith.addi %mul3A_0, %add3A_3208 : i32
      %add3A_3210 = vector.broadcast %add3A_3209 : i32 to vector<16xi32>
      %add3A_3211 = arith.addi %add3A_3210, %iota3A : vector<16xi32>
      %get3A_3212 = arith.constant 288 : index
      %get3A_3213 = tpu.vector_load %arg13[%get3A_3212] {strides = array<i32>} : memref<320xf32, #tpu.memory_space<vmem>>, vector<16xf32>,
      %get3A_3214 = arith.constant 288 : index
      %get3A_3215 = tpu.vector_load %arg7[%get3A_3214] {strides = array<i32>} : memref<320xf32, #tpu.memory_space<vmem>>, vector<16xf32>,
      %get3A_3216 = arith.constant 288 : index
      %get3A_3217 = tpu.vector_load %arg8[%get3A_3216] {strides = array<i32>} : memref<320xf32, #tpu.memory_space<vmem>>, vector<16xf32>,
      %get3A_3218 = arith.constant 288 : index
      %get3A_3219 = tpu.vector_load %arg9[%get3A_3218] {strides = array<i32>} : memref<320xf32, #tpu.memory_space<vmem>>, vector<16xf32>,
      %get3A_3220 = arith.constant 288 : index
      %get3A_3221 = tpu.vector_load %arg10[%get3A_3220] {strides = array<i32>} : memref<320xf32, #tpu.memory_space<vmem>>, vector<16xf32>,
      %get3A_3222 = arith.constant 288 : index
      %get3A_3223 = tpu.vector_load %arg11[%get3A_3222] {strides = array<i32>} : memref<320xf32, #tpu.memory_space<vmem>>, vector<16xf32>,
      %sub3A_3224 = arith.subf %get3A_3219, %get3A_3215 : vector<16xf32>
      %sub3A_3225 = arith.subf %get3A_3221, %get3A_3217 : vector<16xf32>
      %mul3A_3226 = arith.mulf %sub3A_3224, %sub3A_3225 : vector<16xf32>
      %min3A_3227 = arith.minimumf %get3A_3219, %while3A_995 : vector<16xf32>
      %max3A_3228 = arith.maximumf %get3A_3215, %while3A_993 : vector<16xf32>
      %sub3A_3229 = arith.subf %min3A_3227, %max3A_3228 : vector<16xf32>
      %max3A_3230 = arith.constant 0.000000e+00 : f32
      %max3A_3231 = vector.broadcast %max3A_3230 : f32 to vector<16xf32>
      %max3A_3232 = arith.maximumf %sub3A_3229, %max3A_3231 : vector<16xf32>
      %min3A_3233 = arith.minimumf %get3A_3221, %while3A_996 : vector<16xf32>
      %max3A_3234 = arith.maximumf %get3A_3217, %while3A_994 : vector<16xf32>
      %sub3A_3235 = arith.subf %min3A_3233, %max3A_3234 : vector<16xf32>
      %max3A_3236 = arith.constant 0.000000e+00 : f32
      %max3A_3237 = vector.broadcast %max3A_3236 : f32 to vector<16xf32>
      %max3A_3238 = arith.maximumf %sub3A_3235, %max3A_3237 : vector<16xf32>
      %mul3A_3239 = arith.mulf %max3A_3232, %max3A_3238 : vector<16xf32>
      %add3A_3240 = arith.addf %mul3A_3226, %while3A_998 : vector<16xf32>
      %sub3A_3241 = arith.subf %add3A_3240, %mul3A_3239 : vector<16xf32>
      %max3A_3242 = arith.constant 9.99999971E-10 : f32
      %max3A_3243 = vector.broadcast %max3A_3242 : f32 to vector<16xf32>
      %max3A_3244 = arith.maximumf %sub3A_3241, %max3A_3243 : vector<16xf32>
      %mul3A_3245 = arith.constant 5.000000e-01 : f32
      %mul3A_3246 = vector.broadcast %mul3A_3245 : f32 to vector<16xf32>
      %mul3A_3247 = arith.mulf %mul3A_3246, %max3A_3244 : vector<16xf32>
      %gt3A_3248 = arith.cmpf ogt, %mul3A_3239, %mul3A_3247 : vector<16xf32>
      %and3A_3249 = arith.andi %gt3A_3248, %lt3A_1008 : vector<16xi1>
      %min3A_3250 = arith.minimumf %get3A_3219, %while3A_1002 : vector<16xf32>
      %max3A_3251 = arith.maximumf %get3A_3215, %while3A_1000 : vector<16xf32>
      %sub3A_3252 = arith.subf %min3A_3250, %max3A_3251 : vector<16xf32>
      %max3A_3253 = arith.constant 0.000000e+00 : f32
      %max3A_3254 = vector.broadcast %max3A_3253 : f32 to vector<16xf32>
      %max3A_3255 = arith.maximumf %sub3A_3252, %max3A_3254 : vector<16xf32>
      %min3A_3256 = arith.minimumf %get3A_3221, %while3A_1003 : vector<16xf32>
      %max3A_3257 = arith.maximumf %get3A_3217, %while3A_1001 : vector<16xf32>
      %sub3A_3258 = arith.subf %min3A_3256, %max3A_3257 : vector<16xf32>
      %max3A_3259 = arith.constant 0.000000e+00 : f32
      %max3A_3260 = vector.broadcast %max3A_3259 : f32 to vector<16xf32>
      %max3A_3261 = arith.maximumf %sub3A_3258, %max3A_3260 : vector<16xf32>
      %mul3A_3262 = arith.mulf %max3A_3255, %max3A_3261 : vector<16xf32>
      %add3A_3263 = arith.addf %mul3A_3226, %while3A_1005 : vector<16xf32>
      %sub3A_3264 = arith.subf %add3A_3263, %mul3A_3262 : vector<16xf32>
      %max3A_3265 = arith.constant 9.99999971E-10 : f32
      %max3A_3266 = vector.broadcast %max3A_3265 : f32 to vector<16xf32>
      %max3A_3267 = arith.maximumf %sub3A_3264, %max3A_3266 : vector<16xf32>
      %mul3A_3268 = arith.constant 5.000000e-01 : f32
      %mul3A_3269 = vector.broadcast %mul3A_3268 : f32 to vector<16xf32>
      %mul3A_3270 = arith.mulf %mul3A_3269, %max3A_3267 : vector<16xf32>
      %gt3A_3271 = arith.cmpf ogt, %mul3A_3262, %mul3A_3270 : vector<16xf32>
      %and3A_3272 = arith.andi %gt3A_3271, %lt3A_1011 : vector<16xi1>
      %ne3A_3273 = arith.cmpi ne, %add3A_3211, %while3A_992 : vector<16xi32>
      %ne3A_3274 = arith.cmpi ne, %add3A_3211, %while3A_999 : vector<16xi32>
      %and3A_3275 = arith.andi %ne3A_3273, %ne3A_3274 : vector<16xi1>
      %not3A_3276 = arith.constant dense<true> : vector<16xi1>
      %not3A_3277 = arith.xori %and3A_3249, %not3A_3276 : vector<16xi1>
      %and3A_3278 = arith.andi %and3A_3275, %not3A_3277 : vector<16xi1>
      %not3A_3279 = arith.constant dense<true> : vector<16xi1>
      %not3A_3280 = arith.xori %and3A_3272, %not3A_3279 : vector<16xi1>
      %and3A_3281 = arith.andi %and3A_3278, %not3A_3280 : vector<16xi1>
      %gt3A_3282 = arith.constant 5.000000e-01 : f32
      %gt3A_3283 = vector.broadcast %gt3A_3282 : f32 to vector<16xf32>
      %gt3A_3284 = arith.cmpf ogt, %get3A_3213, %gt3A_3283 : vector<16xf32>
      %and3A_3285 = arith.andi %and3A_3281, %gt3A_3284 : vector<16xi1>
      %jit3A_3286 = arith.constant 1.000000e+00 : f32
      %jit3A_3287 = arith.constant 0.000000e+00 : f32
      %broadcast_in_dim3A_3288 = vector.broadcast %jit3A_3286 : f32 to vector<16xf32>
      %broadcast_in_dim3A_3289 = vector.broadcast %jit3A_3287 : f32 to vector<16xf32>
      %select_n3A_3290 = arith.select %and3A_3285, %broadcast_in_dim3A_3288, %broadcast_in_dim3A_3289 : vector<16xi1>, vector<16xf32>
      %swap3A_3291 = arith.constant 288 : index
      %swap3A_3292 = tpu.vector_load %arg13[%swap3A_3291] {strides = array<i32>} : memref<320xf32, #tpu.memory_space<vmem>>, vector<16xf32>,
      tpu.vector_store %arg13[%swap3A_3291], %select_n3A_3290 {strides = array<i32>} : memref<320xf32, #tpu.memory_space<vmem>>, vector<16xf32>,
      %gt3A_3293 = arith.cmpf ogt, %get3A_3223, %while3A_997 : vector<16xf32>
      %eq3A_3294 = arith.cmpf oeq, %get3A_3223, %while3A_997 : vector<16xf32>
      %lt3A_3295 = arith.cmpi slt, %add3A_3211, %while3A_992 : vector<16xi32>
      %and3A_3296 = arith.andi %eq3A_3294, %lt3A_3295 : vector<16xi1>
      %or3A_3297 = arith.ori %gt3A_3293, %and3A_3296 : vector<16xi1>
      %jit3A_3298 = arith.constant 1.000000e+00 : f32
      %jit3A_3299 = arith.constant 0.000000e+00 : f32
      %broadcast_in_dim3A_3300 = vector.broadcast %jit3A_3298 : f32 to vector<16xf32>
      %broadcast_in_dim3A_3301 = vector.broadcast %jit3A_3299 : f32 to vector<16xf32>
      %select_n3A_3302 = arith.select %or3A_3297, %broadcast_in_dim3A_3300, %broadcast_in_dim3A_3301 : vector<16xi1>, vector<16xf32>
      %add3A_3303 = arith.addf %add3A_3181, %select_n3A_3302 : vector<16xf32>
      %gt3A_3304 = arith.cmpf ogt, %get3A_3223, %while3A_1004 : vector<16xf32>
      %eq3A_3305 = arith.cmpf oeq, %get3A_3223, %while3A_1004 : vector<16xf32>
      %lt3A_3306 = arith.cmpi slt, %add3A_3211, %while3A_999 : vector<16xi32>
      %and3A_3307 = arith.andi %eq3A_3305, %lt3A_3306 : vector<16xi1>
      %or3A_3308 = arith.ori %gt3A_3304, %and3A_3307 : vector<16xi1>
      %jit3A_3309 = arith.constant 1.000000e+00 : f32
      %jit3A_3310 = arith.constant 0.000000e+00 : f32
      %broadcast_in_dim3A_3311 = vector.broadcast %jit3A_3309 : f32 to vector<16xf32>
      %broadcast_in_dim3A_3312 = vector.broadcast %jit3A_3310 : f32 to vector<16xf32>
      %select_n3A_3313 = arith.select %or3A_3308, %broadcast_in_dim3A_3311, %broadcast_in_dim3A_3312 : vector<16xi1>, vector<16xf32>
      %add3A_3314 = arith.addf %add3A_3192, %select_n3A_3313 : vector<16xf32>
      %gt3A_3315 = arith.constant 5.000000e-01 : f32
      %gt3A_3316 = vector.broadcast %gt3A_3315 : f32 to vector<16xf32>
      %gt3A_3317 = arith.cmpf ogt, %select_n3A_3290, %gt3A_3316 : vector<16xf32>
      %jit3A_3318 = arith.constant -1.000000e+30 : f32
      %broadcast_in_dim3A_3319 = vector.broadcast %jit3A_3318 : f32 to vector<16xf32>
      %select_n3A_3320 = arith.select %gt3A_3317, %get3A_3223, %broadcast_in_dim3A_3319 : vector<16xi1>, vector<16xf32>
      %convert_element_type3A_3321 = arith.sitofp %add3A_3211 : vector<16xi32> to vector<16xf32>
      %gt3A_3322 = arith.cmpf ogt, %select_n3A_3320, %select_n3A_3206 : vector<16xf32>
      %gt3A_3323 = arith.cmpf ogt, %select_n3A_3320, %select_n3A_3203 : vector<16xf32>
      %select_n3A_3324 = arith.select %gt3A_3323, %select_n3A_3320, %select_n3A_3203 : vector<16xi1>, vector<16xf32>
      %select_n3A_3325 = arith.select %gt3A_3322, %select_n3A_3206, %select_n3A_3324 : vector<16xi1>, vector<16xf32>
      %select_n3A_3326 = arith.select %gt3A_3323, %convert_element_type3A_3321, %select_n3A_3205 : vector<16xi1>, vector<16xf32>
      %select_n3A_3327 = arith.select %gt3A_3322, %select_n3A_3207, %select_n3A_3326 : vector<16xi1>, vector<16xf32>
      %select_n3A_3328 = arith.select %gt3A_3322, %select_n3A_3320, %select_n3A_3206 : vector<16xi1>, vector<16xf32>
      %select_n3A_3329 = arith.select %gt3A_3322, %convert_element_type3A_3321, %select_n3A_3207 : vector<16xi1>, vector<16xf32>
      %add3A_3330 = arith.constant 304 : i32
      %add3A_3331 = arith.addi %mul3A_0, %add3A_3330 : i32
      %add3A_3332 = vector.broadcast %add3A_3331 : i32 to vector<16xi32>
      %add3A_3333 = arith.addi %add3A_3332, %iota3A : vector<16xi32>
      %get3A_3334 = arith.constant 304 : index
      %get3A_3335 = tpu.vector_load %arg13[%get3A_3334] {strides = array<i32>} : memref<320xf32, #tpu.memory_space<vmem>>, vector<16xf32>,
      %get3A_3336 = arith.constant 304 : index
      %get3A_3337 = tpu.vector_load %arg7[%get3A_3336] {strides = array<i32>} : memref<320xf32, #tpu.memory_space<vmem>>, vector<16xf32>,
      %get3A_3338 = arith.constant 304 : index
      %get3A_3339 = tpu.vector_load %arg8[%get3A_3338] {strides = array<i32>} : memref<320xf32, #tpu.memory_space<vmem>>, vector<16xf32>,
      %get3A_3340 = arith.constant 304 : index
      %get3A_3341 = tpu.vector_load %arg9[%get3A_3340] {strides = array<i32>} : memref<320xf32, #tpu.memory_space<vmem>>, vector<16xf32>,
      %get3A_3342 = arith.constant 304 : index
      %get3A_3343 = tpu.vector_load %arg10[%get3A_3342] {strides = array<i32>} : memref<320xf32, #tpu.memory_space<vmem>>, vector<16xf32>,
      %get3A_3344 = arith.constant 304 : index
      %get3A_3345 = tpu.vector_load %arg11[%get3A_3344] {strides = array<i32>} : memref<320xf32, #tpu.memory_space<vmem>>, vector<16xf32>,
      %sub3A_3346 = arith.subf %get3A_3341, %get3A_3337 : vector<16xf32>
      %sub3A_3347 = arith.subf %get3A_3343, %get3A_3339 : vector<16xf32>
      %mul3A_3348 = arith.mulf %sub3A_3346, %sub3A_3347 : vector<16xf32>
      %min3A_3349 = arith.minimumf %get3A_3341, %while3A_995 : vector<16xf32>
      %max3A_3350 = arith.maximumf %get3A_3337, %while3A_993 : vector<16xf32>
      %sub3A_3351 = arith.subf %min3A_3349, %max3A_3350 : vector<16xf32>
      %max3A_3352 = arith.constant 0.000000e+00 : f32
      %max3A_3353 = vector.broadcast %max3A_3352 : f32 to vector<16xf32>
      %max3A_3354 = arith.maximumf %sub3A_3351, %max3A_3353 : vector<16xf32>
      %min3A_3355 = arith.minimumf %get3A_3343, %while3A_996 : vector<16xf32>
      %max3A_3356 = arith.maximumf %get3A_3339, %while3A_994 : vector<16xf32>
      %sub3A_3357 = arith.subf %min3A_3355, %max3A_3356 : vector<16xf32>
      %max3A_3358 = arith.constant 0.000000e+00 : f32
      %max3A_3359 = vector.broadcast %max3A_3358 : f32 to vector<16xf32>
      %max3A_3360 = arith.maximumf %sub3A_3357, %max3A_3359 : vector<16xf32>
      %mul3A_3361 = arith.mulf %max3A_3354, %max3A_3360 : vector<16xf32>
      %add3A_3362 = arith.addf %mul3A_3348, %while3A_998 : vector<16xf32>
      %sub3A_3363 = arith.subf %add3A_3362, %mul3A_3361 : vector<16xf32>
      %max3A_3364 = arith.constant 9.99999971E-10 : f32
      %max3A_3365 = vector.broadcast %max3A_3364 : f32 to vector<16xf32>
      %max3A_3366 = arith.maximumf %sub3A_3363, %max3A_3365 : vector<16xf32>
      %mul3A_3367 = arith.constant 5.000000e-01 : f32
      %mul3A_3368 = vector.broadcast %mul3A_3367 : f32 to vector<16xf32>
      %mul3A_3369 = arith.mulf %mul3A_3368, %max3A_3366 : vector<16xf32>
      %gt3A_3370 = arith.cmpf ogt, %mul3A_3361, %mul3A_3369 : vector<16xf32>
      %and3A_3371 = arith.andi %gt3A_3370, %lt3A_1008 : vector<16xi1>
      %min3A_3372 = arith.minimumf %get3A_3341, %while3A_1002 : vector<16xf32>
      %max3A_3373 = arith.maximumf %get3A_3337, %while3A_1000 : vector<16xf32>
      %sub3A_3374 = arith.subf %min3A_3372, %max3A_3373 : vector<16xf32>
      %max3A_3375 = arith.constant 0.000000e+00 : f32
      %max3A_3376 = vector.broadcast %max3A_3375 : f32 to vector<16xf32>
      %max3A_3377 = arith.maximumf %sub3A_3374, %max3A_3376 : vector<16xf32>
      %min3A_3378 = arith.minimumf %get3A_3343, %while3A_1003 : vector<16xf32>
      %max3A_3379 = arith.maximumf %get3A_3339, %while3A_1001 : vector<16xf32>
      %sub3A_3380 = arith.subf %min3A_3378, %max3A_3379 : vector<16xf32>
      %max3A_3381 = arith.constant 0.000000e+00 : f32
      %max3A_3382 = vector.broadcast %max3A_3381 : f32 to vector<16xf32>
      %max3A_3383 = arith.maximumf %sub3A_3380, %max3A_3382 : vector<16xf32>
      %mul3A_3384 = arith.mulf %max3A_3377, %max3A_3383 : vector<16xf32>
      %add3A_3385 = arith.addf %mul3A_3348, %while3A_1005 : vector<16xf32>
      %sub3A_3386 = arith.subf %add3A_3385, %mul3A_3384 : vector<16xf32>
      %max3A_3387 = arith.constant 9.99999971E-10 : f32
      %max3A_3388 = vector.broadcast %max3A_3387 : f32 to vector<16xf32>
      %max3A_3389 = arith.maximumf %sub3A_3386, %max3A_3388 : vector<16xf32>
      %mul3A_3390 = arith.constant 5.000000e-01 : f32
      %mul3A_3391 = vector.broadcast %mul3A_3390 : f32 to vector<16xf32>
      %mul3A_3392 = arith.mulf %mul3A_3391, %max3A_3389 : vector<16xf32>
      %gt3A_3393 = arith.cmpf ogt, %mul3A_3384, %mul3A_3392 : vector<16xf32>
      %and3A_3394 = arith.andi %gt3A_3393, %lt3A_1011 : vector<16xi1>
      %ne3A_3395 = arith.cmpi ne, %add3A_3333, %while3A_992 : vector<16xi32>
      %ne3A_3396 = arith.cmpi ne, %add3A_3333, %while3A_999 : vector<16xi32>
      %and3A_3397 = arith.andi %ne3A_3395, %ne3A_3396 : vector<16xi1>
      %not3A_3398 = arith.constant dense<true> : vector<16xi1>
      %not3A_3399 = arith.xori %and3A_3371, %not3A_3398 : vector<16xi1>
      %and3A_3400 = arith.andi %and3A_3397, %not3A_3399 : vector<16xi1>
      %not3A_3401 = arith.constant dense<true> : vector<16xi1>
      %not3A_3402 = arith.xori %and3A_3394, %not3A_3401 : vector<16xi1>
      %and3A_3403 = arith.andi %and3A_3400, %not3A_3402 : vector<16xi1>
      %gt3A_3404 = arith.constant 5.000000e-01 : f32
      %gt3A_3405 = vector.broadcast %gt3A_3404 : f32 to vector<16xf32>
      %gt3A_3406 = arith.cmpf ogt, %get3A_3335, %gt3A_3405 : vector<16xf32>
      %and3A_3407 = arith.andi %and3A_3403, %gt3A_3406 : vector<16xi1>
      %jit3A_3408 = arith.constant 1.000000e+00 : f32
      %jit3A_3409 = arith.constant 0.000000e+00 : f32
      %broadcast_in_dim3A_3410 = vector.broadcast %jit3A_3408 : f32 to vector<16xf32>
      %broadcast_in_dim3A_3411 = vector.broadcast %jit3A_3409 : f32 to vector<16xf32>
      %select_n3A_3412 = arith.select %and3A_3407, %broadcast_in_dim3A_3410, %broadcast_in_dim3A_3411 : vector<16xi1>, vector<16xf32>
      %swap3A_3413 = arith.constant 304 : index
      %swap3A_3414 = tpu.vector_load %arg13[%swap3A_3413] {strides = array<i32>} : memref<320xf32, #tpu.memory_space<vmem>>, vector<16xf32>,
      tpu.vector_store %arg13[%swap3A_3413], %select_n3A_3412 {strides = array<i32>} : memref<320xf32, #tpu.memory_space<vmem>>, vector<16xf32>,
      %gt3A_3415 = arith.cmpf ogt, %get3A_3345, %while3A_997 : vector<16xf32>
      %eq3A_3416 = arith.cmpf oeq, %get3A_3345, %while3A_997 : vector<16xf32>
      %lt3A_3417 = arith.cmpi slt, %add3A_3333, %while3A_992 : vector<16xi32>
      %and3A_3418 = arith.andi %eq3A_3416, %lt3A_3417 : vector<16xi1>
      %or3A_3419 = arith.ori %gt3A_3415, %and3A_3418 : vector<16xi1>
      %jit3A_3420 = arith.constant 1.000000e+00 : f32
      %jit3A_3421 = arith.constant 0.000000e+00 : f32
      %broadcast_in_dim3A_3422 = vector.broadcast %jit3A_3420 : f32 to vector<16xf32>
      %broadcast_in_dim3A_3423 = vector.broadcast %jit3A_3421 : f32 to vector<16xf32>
      %select_n3A_3424 = arith.select %or3A_3419, %broadcast_in_dim3A_3422, %broadcast_in_dim3A_3423 : vector<16xi1>, vector<16xf32>
      %add3A_3425 = arith.addf %add3A_3303, %select_n3A_3424 : vector<16xf32>
      %gt3A_3426 = arith.cmpf ogt, %get3A_3345, %while3A_1004 : vector<16xf32>
      %eq3A_3427 = arith.cmpf oeq, %get3A_3345, %while3A_1004 : vector<16xf32>
      %lt3A_3428 = arith.cmpi slt, %add3A_3333, %while3A_999 : vector<16xi32>
      %and3A_3429 = arith.andi %eq3A_3427, %lt3A_3428 : vector<16xi1>
      %or3A_3430 = arith.ori %gt3A_3426, %and3A_3429 : vector<16xi1>
      %jit3A_3431 = arith.constant 1.000000e+00 : f32
      %jit3A_3432 = arith.constant 0.000000e+00 : f32
      %broadcast_in_dim3A_3433 = vector.broadcast %jit3A_3431 : f32 to vector<16xf32>
      %broadcast_in_dim3A_3434 = vector.broadcast %jit3A_3432 : f32 to vector<16xf32>
      %select_n3A_3435 = arith.select %or3A_3430, %broadcast_in_dim3A_3433, %broadcast_in_dim3A_3434 : vector<16xi1>, vector<16xf32>
      %add3A_3436 = arith.addf %add3A_3314, %select_n3A_3435 : vector<16xf32>
      %gt3A_3437 = arith.constant 5.000000e-01 : f32
      %gt3A_3438 = vector.broadcast %gt3A_3437 : f32 to vector<16xf32>
      %gt3A_3439 = arith.cmpf ogt, %select_n3A_3412, %gt3A_3438 : vector<16xf32>
      %jit3A_3440 = arith.constant -1.000000e+30 : f32
      %broadcast_in_dim3A_3441 = vector.broadcast %jit3A_3440 : f32 to vector<16xf32>
      %select_n3A_3442 = arith.select %gt3A_3439, %get3A_3345, %broadcast_in_dim3A_3441 : vector<16xi1>, vector<16xf32>
      %convert_element_type3A_3443 = arith.sitofp %add3A_3333 : vector<16xi32> to vector<16xf32>
      %gt3A_3444 = arith.cmpf ogt, %select_n3A_3442, %select_n3A_3328 : vector<16xf32>
      %gt3A_3445 = arith.cmpf ogt, %select_n3A_3442, %select_n3A_3325 : vector<16xf32>
      %select_n3A_3446 = arith.select %gt3A_3445, %select_n3A_3442, %select_n3A_3325 : vector<16xi1>, vector<16xf32>
      %select_n3A_3447 = arith.select %gt3A_3444, %select_n3A_3328, %select_n3A_3446 : vector<16xi1>, vector<16xf32>
      %select_n3A_3448 = arith.select %gt3A_3445, %convert_element_type3A_3443, %select_n3A_3327 : vector<16xi1>, vector<16xf32>
      %select_n3A_3449 = arith.select %gt3A_3444, %select_n3A_3329, %select_n3A_3448 : vector<16xi1>, vector<16xf32>
      %select_n3A_3450 = arith.select %gt3A_3444, %select_n3A_3442, %select_n3A_3328 : vector<16xi1>, vector<16xf32>
      %select_n3A_3451 = arith.select %gt3A_3444, %convert_element_type3A_3443, %select_n3A_3329 : vector<16xi1>, vector<16xf32>
      %reduce_max3A_3452 = arith.constant true
      %reduce_max3A_3453 = vector.broadcast %reduce_max3A_3452 : i1 to vector<16xi1>
      %reduce_max3A_3454 = tpu.scan <max>, %select_n3A_3450 masked %reduce_max3A_3453 : vector<16xf32>, vector<16xi1> -> vector<16xf32>
      %reduce_max3A_3455 = vector.extract %reduce_max3A_3454[15] : f32 from vector<16xf32>
      %eq3A_3456 = vector.broadcast %reduce_max3A_3455 : f32 to vector<16xf32>
      %eq3A_3457 = arith.cmpf oeq, %select_n3A_3450, %eq3A_3456 : vector<16xf32>
      %jit3A_3458 = arith.constant 1.000000e+09 : f32
      %broadcast_in_dim3A_3459 = vector.broadcast %jit3A_3458 : f32 to vector<16xf32>
      %select_n3A_3460 = arith.select %eq3A_3457, %select_n3A_3451, %broadcast_in_dim3A_3459 : vector<16xi1>, vector<16xf32>
      %reduce_min3A = arith.constant true
      %reduce_min3A_3461 = vector.broadcast %reduce_min3A : i1 to vector<16xi1>
      %reduce_min3A_3462 = tpu.scan <min>, %select_n3A_3460 masked %reduce_min3A_3461 : vector<16xf32>, vector<16xi1> -> vector<16xf32>
      %reduce_min3A_3463 = vector.extract %reduce_min3A_3462[15] : f32 from vector<16xf32>
      %broadcast_in_dim3A_3464 = vector.broadcast %reduce_min3A_3463 : f32 to vector<16xf32>
      %eq3A_3465 = arith.cmpf oeq, %select_n3A_3451, %broadcast_in_dim3A_3464 : vector<16xf32>
      %select_n3A_3466 = arith.select %eq3A_3465, %select_n3A_3447, %select_n3A_3450 : vector<16xi1>, vector<16xf32>
      %eq3A_3467 = arith.cmpf oeq, %select_n3A_3451, %broadcast_in_dim3A_3464 : vector<16xf32>
      %select_n3A_3468 = arith.select %eq3A_3467, %select_n3A_3449, %select_n3A_3451 : vector<16xi1>, vector<16xf32>
      %reduce_max3A_3469 = arith.constant true
      %reduce_max3A_3470 = vector.broadcast %reduce_max3A_3469 : i1 to vector<16xi1>
      %reduce_max3A_3471 = tpu.scan <max>, %select_n3A_3466 masked %reduce_max3A_3470 : vector<16xf32>, vector<16xi1> -> vector<16xf32>
      %reduce_max3A_3472 = vector.extract %reduce_max3A_3471[15] : f32 from vector<16xf32>
      %eq3A_3473 = vector.broadcast %reduce_max3A_3472 : f32 to vector<16xf32>
      %eq3A_3474 = arith.cmpf oeq, %select_n3A_3466, %eq3A_3473 : vector<16xf32>
      %jit3A_3475 = arith.constant 1.000000e+09 : f32
      %broadcast_in_dim3A_3476 = vector.broadcast %jit3A_3475 : f32 to vector<16xf32>
      %select_n3A_3477 = arith.select %eq3A_3474, %select_n3A_3468, %broadcast_in_dim3A_3476 : vector<16xi1>, vector<16xf32>
      %reduce_min3A_3478 = arith.constant true
      %reduce_min3A_3479 = vector.broadcast %reduce_min3A_3478 : i1 to vector<16xi1>
      %reduce_min3A_3480 = tpu.scan <min>, %select_n3A_3477 masked %reduce_min3A_3479 : vector<16xf32>, vector<16xi1> -> vector<16xf32>
      %reduce_min3A_3481 = vector.extract %reduce_min3A_3480[15] : f32 from vector<16xf32>
      %reduce_sum3A = arith.constant true
      %reduce_sum3A_3482 = vector.broadcast %reduce_sum3A : i1 to vector<16xi1>
      %reduce_sum3A_3483 = tpu.scan <sum>, %add3A_3425 masked %reduce_sum3A_3482 : vector<16xf32>, vector<16xi1> -> vector<16xf32>
      %reduce_sum3A_3484 = vector.extract %reduce_sum3A_3483[15] : f32 from vector<16xf32>
      %reduce_sum3A_3485 = arith.constant true
      %reduce_sum3A_3486 = vector.broadcast %reduce_sum3A_3485 : i1 to vector<16xi1>
      %reduce_sum3A_3487 = tpu.scan <sum>, %add3A_3436 masked %reduce_sum3A_3486 : vector<16xf32>, vector<16xi1> -> vector<16xf32>
      %reduce_sum3A_3488 = vector.extract %reduce_sum3A_3487[15] : f32 from vector<16xf32>
      %convert_element_type3A_3489 = arith.fptosi %reduce_min3A_3463 : f32 to i32
      %broadcast_in_dim3A_3490 = vector.broadcast %convert_element_type3A_3489 : i32 to vector<16xi32>
      %sub3A_3491 = vector.broadcast %mul3A_0 : i32 to vector<16xi32>
      %sub3A_3492 = arith.subi %broadcast_in_dim3A_3490, %sub3A_3491 : vector<16xi32>
      %jit3A_3493 = arith.constant 0 : i32
      %jit3A_3494 = arith.constant 319 : i32
      %max3A_3495 = vector.broadcast %jit3A_3493 : i32 to vector<16xi32>
      %max3A_3496 = arith.maxsi %max3A_3495, %sub3A_3492 : vector<16xi32>
      %min3A_3497 = vector.broadcast %jit3A_3494 : i32 to vector<16xi32>
      %min3A_3498 = arith.minsi %min3A_3497, %max3A_3496 : vector<16xi32>
      %convert_element_type3A_3499 = arith.fptosi %reduce_min3A_3481 : f32 to i32
      %broadcast_in_dim3A_3500 = vector.broadcast %convert_element_type3A_3499 : i32 to vector<16xi32>
      %sub3A_3501 = vector.broadcast %mul3A_0 : i32 to vector<16xi32>
      %sub3A_3502 = arith.subi %broadcast_in_dim3A_3500, %sub3A_3501 : vector<16xi32>
      %jit3A_3503 = arith.constant 0 : i32
      %jit3A_3504 = arith.constant 319 : i32
      %max3A_3505 = vector.broadcast %jit3A_3503 : i32 to vector<16xi32>
      %max3A_3506 = arith.maxsi %max3A_3505, %sub3A_3502 : vector<16xi32>
      %min3A_3507 = vector.broadcast %jit3A_3504 : i32 to vector<16xi32>
      %min3A_3508 = arith.minsi %min3A_3507, %max3A_3506 : vector<16xi32>
      %gather3A_3509 = tpu.vector_load_idx %arg7[%min3A_3498] : memref<320xf32, #tpu.memory_space<vmem>>[vector<16xi32>], vector<16xf32>,
      %gather3A_3510 = tpu.vector_load_idx %arg8[%min3A_3498] : memref<320xf32, #tpu.memory_space<vmem>>[vector<16xi32>], vector<16xf32>,
      %gather3A_3511 = tpu.vector_load_idx %arg9[%min3A_3498] : memref<320xf32, #tpu.memory_space<vmem>>[vector<16xi32>], vector<16xf32>,
      %gather3A_3512 = tpu.vector_load_idx %arg10[%min3A_3498] : memref<320xf32, #tpu.memory_space<vmem>>[vector<16xi32>], vector<16xf32>,
      %gather3A_3513 = tpu.vector_load_idx %arg7[%min3A_3508] : memref<320xf32, #tpu.memory_space<vmem>>[vector<16xi32>], vector<16xf32>,
      %gather3A_3514 = tpu.vector_load_idx %arg8[%min3A_3508] : memref<320xf32, #tpu.memory_space<vmem>>[vector<16xi32>], vector<16xf32>,
      %gather3A_3515 = tpu.vector_load_idx %arg9[%min3A_3508] : memref<320xf32, #tpu.memory_space<vmem>>[vector<16xi32>], vector<16xf32>,
      %gather3A_3516 = tpu.vector_load_idx %arg10[%min3A_3508] : memref<320xf32, #tpu.memory_space<vmem>>[vector<16xi32>], vector<16xf32>,
      %eq3A_3517 = arith.constant 0 : i32
      %eq3A_3518 = vector.broadcast %eq3A_3517 : i32 to vector<16xi32>
      %eq3A_3519 = arith.cmpi eq, %iota3A, %eq3A_3518 : vector<16xi32>
      %eq3A_3520 = arith.constant 1 : i32
      %eq3A_3521 = vector.broadcast %eq3A_3520 : i32 to vector<16xi32>
      %eq3A_3522 = arith.cmpi eq, %iota3A, %eq3A_3521 : vector<16xi32>
      %eq3A_3523 = arith.constant 2 : i32
      %eq3A_3524 = vector.broadcast %eq3A_3523 : i32 to vector<16xi32>
      %eq3A_3525 = arith.cmpi eq, %iota3A, %eq3A_3524 : vector<16xi32>
      %eq3A_3526 = arith.constant 3 : i32
      %eq3A_3527 = vector.broadcast %eq3A_3526 : i32 to vector<16xi32>
      %eq3A_3528 = arith.cmpi eq, %iota3A, %eq3A_3527 : vector<16xi32>
      %eq3A_3529 = arith.constant 4 : i32
      %eq3A_3530 = vector.broadcast %eq3A_3529 : i32 to vector<16xi32>
      %eq3A_3531 = arith.cmpi eq, %iota3A, %eq3A_3530 : vector<16xi32>
      %eq3A_3532 = arith.constant 5 : i32
      %eq3A_3533 = vector.broadcast %eq3A_3532 : i32 to vector<16xi32>
      %eq3A_3534 = arith.cmpi eq, %iota3A, %eq3A_3533 : vector<16xi32>
      %eq3A_3535 = arith.constant 6 : i32
      %eq3A_3536 = vector.broadcast %eq3A_3535 : i32 to vector<16xi32>
      %eq3A_3537 = arith.cmpi eq, %iota3A, %eq3A_3536 : vector<16xi32>
      %eq3A_3538 = arith.constant 7 : i32
      %eq3A_3539 = vector.broadcast %eq3A_3538 : i32 to vector<16xi32>
      %eq3A_3540 = arith.cmpi eq, %iota3A, %eq3A_3539 : vector<16xi32>
      %eq3A_3541 = arith.constant 8 : i32
      %eq3A_3542 = vector.broadcast %eq3A_3541 : i32 to vector<16xi32>
      %eq3A_3543 = arith.cmpi eq, %iota3A, %eq3A_3542 : vector<16xi32>
      %eq3A_3544 = arith.constant 9 : i32
      %eq3A_3545 = vector.broadcast %eq3A_3544 : i32 to vector<16xi32>
      %eq3A_3546 = arith.cmpi eq, %iota3A, %eq3A_3545 : vector<16xi32>
      %eq3A_3547 = arith.constant 10 : i32
      %eq3A_3548 = vector.broadcast %eq3A_3547 : i32 to vector<16xi32>
      %eq3A_3549 = arith.cmpi eq, %iota3A, %eq3A_3548 : vector<16xi32>
      %eq3A_3550 = arith.constant 11 : i32
      %eq3A_3551 = vector.broadcast %eq3A_3550 : i32 to vector<16xi32>
      %eq3A_3552 = arith.cmpi eq, %iota3A, %eq3A_3551 : vector<16xi32>
      %eq3A_3553 = arith.constant 12 : i32
      %eq3A_3554 = vector.broadcast %eq3A_3553 : i32 to vector<16xi32>
      %eq3A_3555 = arith.cmpi eq, %iota3A, %eq3A_3554 : vector<16xi32>
      %eq3A_3556 = arith.constant 13 : i32
      %eq3A_3557 = vector.broadcast %eq3A_3556 : i32 to vector<16xi32>
      %eq3A_3558 = arith.cmpi eq, %iota3A, %eq3A_3557 : vector<16xi32>
      %jit3A_3559 = arith.constant 0.000000e+00 : f32
      %broadcast_in_dim3A_3560 = vector.broadcast %jit3A_3559 : f32 to vector<16xf32>
      %select_n3A_3561 = arith.select %eq3A_3558, %gather3A_3516, %broadcast_in_dim3A_3560 : vector<16xi1>, vector<16xf32>
      %select_n3A_3562 = arith.select %eq3A_3555, %gather3A_3515, %select_n3A_3561 : vector<16xi1>, vector<16xf32>
      %select_n3A_3563 = arith.select %eq3A_3552, %gather3A_3514, %select_n3A_3562 : vector<16xi1>, vector<16xf32>
      %select_n3A_3564 = arith.select %eq3A_3549, %gather3A_3513, %select_n3A_3563 : vector<16xi1>, vector<16xf32>
      %select_n3A_3565 = arith.select %eq3A_3546, %gather3A_3512, %select_n3A_3564 : vector<16xi1>, vector<16xf32>
      %select_n3A_3566 = arith.select %eq3A_3543, %gather3A_3511, %select_n3A_3565 : vector<16xi1>, vector<16xf32>
      %select_n3A_3567 = arith.select %eq3A_3540, %gather3A_3510, %select_n3A_3566 : vector<16xi1>, vector<16xf32>
      %select_n3A_3568 = arith.select %eq3A_3537, %gather3A_3509, %select_n3A_3567 : vector<16xi1>, vector<16xf32>
      %broadcast_in_dim3A_3569 = vector.broadcast %reduce_sum3A_3488 : f32 to vector<16xf32>
      %select_n3A_3570 = arith.select %eq3A_3534, %broadcast_in_dim3A_3569, %select_n3A_3568 : vector<16xi1>, vector<16xf32>
      %broadcast_in_dim3A_3571 = vector.broadcast %reduce_sum3A_3484 : f32 to vector<16xf32>
      %select_n3A_3572 = arith.select %eq3A_3531, %broadcast_in_dim3A_3571, %select_n3A_3570 : vector<16xi1>, vector<16xf32>
      %broadcast_in_dim3A_3573 = vector.broadcast %reduce_min3A_3481 : f32 to vector<16xf32>
      %select_n3A_3574 = arith.select %eq3A_3528, %broadcast_in_dim3A_3573, %select_n3A_3572 : vector<16xi1>, vector<16xf32>
      %broadcast_in_dim3A_3575 = vector.broadcast %reduce_max3A_3472 : f32 to vector<16xf32>
      %select_n3A_3576 = arith.select %eq3A_3525, %broadcast_in_dim3A_3575, %select_n3A_3574 : vector<16xi1>, vector<16xf32>
      %broadcast_in_dim3A_3577 = vector.broadcast %reduce_min3A_3463 : f32 to vector<16xf32>
      %select_n3A_3578 = arith.select %eq3A_3522, %broadcast_in_dim3A_3577, %select_n3A_3576 : vector<16xi1>, vector<16xf32>
      %broadcast_in_dim3A_3579 = vector.broadcast %reduce_max3A_3455 : f32 to vector<16xf32>
      %select_n3A_3580 = arith.select %eq3A_3519, %broadcast_in_dim3A_3579, %select_n3A_3578 : vector<16xi1>, vector<16xf32>
      %swap3A_3581 = arith.constant 0 : index
      %swap3A_3582 = tpu.vector_load %arg15[%swap3A_3581] {strides = array<i32>} : memref<16xf32, #tpu.memory_space<vmem>>, vector<16xf32>,
      tpu.vector_store %arg15[%swap3A_3581], %select_n3A_3580 {strides = array<i32>} : memref<16xf32, #tpu.memory_space<vmem>>, vector<16xf32>,
      %and3A_3583 = arith.constant 1 : i32
      %and3A_3584 = arith.andi %while3A_987, %and3A_3583 : i32
      "tpu.region"() ({
        %run_scoped3A = tpu.sem_alloc : memref<!tpu.dma_semaphore, #tpu.memory_space<semaphore_mem>>
        %dma_start3A = arith.constant 0 : i32
        %dma_start3A_3857 = tpu.memref_slice %arg17[%and3A_3584, %arg1, %dma_start3A] : memref<2x16x16xf32, #tpu.memory_space<vmem_shared>> -> memref<1x1x16xf32, #tpu.memory_space<vmem_shared>>
        %dma_start3A_3858 = tpu.memref_squeeze %dma_start3A_3857 : memref<1x1x16xf32, #tpu.memory_space<vmem_shared>> -> memref<16xf32, #tpu.memory_space<vmem_shared>>
        %dma_start3A_3859 = arith.constant 0 : i32
        %dma_start3A_3860 = tpu.memref_slice %arg17[%and3A_3584, %arg1, %dma_start3A_3859] : memref<2x16x16xf32, #tpu.memory_space<vmem_shared>> -> memref<1x1x16xf32, #tpu.memory_space<vmem_shared>>
        %dma_start3A_3861 = tpu.memref_squeeze %dma_start3A_3860 : memref<1x1x16xf32, #tpu.memory_space<vmem_shared>> -> memref<16xf32, #tpu.memory_space<vmem_shared>>
        tpu.enqueue_dma source(%arg15 : memref<16xf32, #tpu.memory_space<vmem>>) target(%dma_start3A_3861 : memref<16xf32, #tpu.memory_space<vmem_shared>>) target_semaphore(%run_scoped3A : memref<!tpu.dma_semaphore, #tpu.memory_space<semaphore_mem>>)
        %dma_wait3A = arith.constant 0 : i32
        %dma_wait3A_3862 = tpu.memref_slice %arg17[%and3A_3584, %arg1, %dma_wait3A] : memref<2x16x16xf32, #tpu.memory_space<vmem_shared>> -> memref<1x1x16xf32, #tpu.memory_space<vmem_shared>>
        %dma_wait3A_3863 = tpu.memref_squeeze %dma_wait3A_3862 : memref<1x1x16xf32, #tpu.memory_space<vmem_shared>> -> memref<16xf32, #tpu.memory_space<vmem_shared>>
        %dma_wait3A_3864 = arith.constant 0 : i32
        %dma_wait3A_3865 = tpu.memref_slice %arg17[%and3A_3584, %arg1, %dma_wait3A_3864] : memref<2x16x16xf32, #tpu.memory_space<vmem_shared>> -> memref<1x1x16xf32, #tpu.memory_space<vmem_shared>>
        %dma_wait3A_3866 = tpu.memref_squeeze %dma_wait3A_3865 : memref<1x1x16xf32, #tpu.memory_space<vmem_shared>> -> memref<16xf32, #tpu.memory_space<vmem_shared>>
        tpu.wait_dma2 semaphore(%run_scoped3A : memref<!tpu.dma_semaphore, #tpu.memory_space<semaphore_mem>>) src(%arg15 : memref<16xf32, #tpu.memory_space<vmem>>) dst(%dma_wait3A_3866 : memref<16xf32, #tpu.memory_space<vmem_shared>>)
        tpu.yield
      }) : () -> ()
      %barrier3A = arith.constant 0 : index
      tpu.barrier barrier_id(%barrier3A)
      "tpu.region"() ({
        %run_scoped3A = tpu.sem_alloc : memref<!tpu.dma_semaphore, #tpu.memory_space<semaphore_mem>>
        %dma_start3A = arith.constant 0 : i32
        %dma_start3A_3857 = arith.constant 0 : i32
        %dma_start3A_3858 = tpu.memref_slice %arg17[%and3A_3584, %dma_start3A, %dma_start3A_3857] : memref<2x16x16xf32, #tpu.memory_space<vmem_shared>> -> memref<1x16x16xf32, #tpu.memory_space<vmem_shared>>
        %dma_start3A_3859 = tpu.memref_squeeze %dma_start3A_3858 : memref<1x16x16xf32, #tpu.memory_space<vmem_shared>> -> memref<16x16xf32, #tpu.memory_space<vmem_shared>>
        %dma_start3A_3860 = arith.constant 0 : i32
        %dma_start3A_3861 = arith.constant 0 : i32
        %dma_start3A_3862 = tpu.memref_slice %arg17[%and3A_3584, %dma_start3A_3860, %dma_start3A_3861] : memref<2x16x16xf32, #tpu.memory_space<vmem_shared>> -> memref<1x16x16xf32, #tpu.memory_space<vmem_shared>>
        %dma_start3A_3863 = tpu.memref_squeeze %dma_start3A_3862 : memref<1x16x16xf32, #tpu.memory_space<vmem_shared>> -> memref<16x16xf32, #tpu.memory_space<vmem_shared>>
        tpu.enqueue_dma source(%dma_start3A_3863 : memref<16x16xf32, #tpu.memory_space<vmem_shared>>) target(%arg16 : memref<16x16xf32, #tpu.memory_space<vmem>>) target_semaphore(%run_scoped3A : memref<!tpu.dma_semaphore, #tpu.memory_space<semaphore_mem>>)
        %dma_wait3A = arith.constant 0 : i32
        %dma_wait3A_3864 = arith.constant 0 : i32
        %dma_wait3A_3865 = tpu.memref_slice %arg17[%and3A_3584, %dma_wait3A, %dma_wait3A_3864] : memref<2x16x16xf32, #tpu.memory_space<vmem_shared>> -> memref<1x16x16xf32, #tpu.memory_space<vmem_shared>>
        %dma_wait3A_3866 = tpu.memref_squeeze %dma_wait3A_3865 : memref<1x16x16xf32, #tpu.memory_space<vmem_shared>> -> memref<16x16xf32, #tpu.memory_space<vmem_shared>>
        %dma_wait3A_3867 = arith.constant 0 : i32
        %dma_wait3A_3868 = arith.constant 0 : i32
        %dma_wait3A_3869 = tpu.memref_slice %arg17[%and3A_3584, %dma_wait3A_3867, %dma_wait3A_3868] : memref<2x16x16xf32, #tpu.memory_space<vmem_shared>> -> memref<1x16x16xf32, #tpu.memory_space<vmem_shared>>
        %dma_wait3A_3870 = tpu.memref_squeeze %dma_wait3A_3869 : memref<1x16x16xf32, #tpu.memory_space<vmem_shared>> -> memref<16x16xf32, #tpu.memory_space<vmem_shared>>
        tpu.wait_dma2 semaphore(%run_scoped3A : memref<!tpu.dma_semaphore, #tpu.memory_space<semaphore_mem>>) src(%dma_wait3A_3870 : memref<16x16xf32, #tpu.memory_space<vmem_shared>>) dst(%arg16 : memref<16x16xf32, #tpu.memory_space<vmem>>)
        tpu.yield
      }) : () -> ()
      %broadcast_in_dim3A_3585 = arith.constant 0 : i32
      %broadcast_in_dim3A_3586 = vector.broadcast %broadcast_in_dim3A_3585 : i32 to vector<16xi32>
      %gather3A_3587 = tpu.vector_load_idx %arg16[%iota3A, %broadcast_in_dim3A_3586] : memref<16x16xf32, #tpu.memory_space<vmem>>[vector<16xi32>, vector<16xi32>], vector<16xf32>,
      %add3A_3588 = arith.constant 1 : i32
      %add3A_3589 = vector.broadcast %add3A_3588 : i32 to vector<16xi32>
      %add3A_3590 = arith.addi %broadcast_in_dim3A_3586, %add3A_3589 : vector<16xi32>
      %gather3A_3591 = tpu.vector_load_idx %arg16[%iota3A, %add3A_3590] : memref<16x16xf32, #tpu.memory_space<vmem>>[vector<16xi32>, vector<16xi32>], vector<16xf32>,
      %add3A_3592 = arith.constant 2 : i32
      %add3A_3593 = vector.broadcast %add3A_3592 : i32 to vector<16xi32>
      %add3A_3594 = arith.addi %broadcast_in_dim3A_3586, %add3A_3593 : vector<16xi32>
      %gather3A_3595 = tpu.vector_load_idx %arg16[%iota3A, %add3A_3594] : memref<16x16xf32, #tpu.memory_space<vmem>>[vector<16xi32>, vector<16xi32>], vector<16xf32>,
      %add3A_3596 = arith.constant 3 : i32
      %add3A_3597 = vector.broadcast %add3A_3596 : i32 to vector<16xi32>
      %add3A_3598 = arith.addi %broadcast_in_dim3A_3586, %add3A_3597 : vector<16xi32>
      %gather3A_3599 = tpu.vector_load_idx %arg16[%iota3A, %add3A_3598] : memref<16x16xf32, #tpu.memory_space<vmem>>[vector<16xi32>, vector<16xi32>], vector<16xf32>,
      %add3A_3600 = arith.constant 4 : i32
      %add3A_3601 = vector.broadcast %add3A_3600 : i32 to vector<16xi32>
      %add3A_3602 = arith.addi %broadcast_in_dim3A_3586, %add3A_3601 : vector<16xi32>
      %gather3A_3603 = tpu.vector_load_idx %arg16[%iota3A, %add3A_3602] : memref<16x16xf32, #tpu.memory_space<vmem>>[vector<16xi32>, vector<16xi32>], vector<16xf32>,
      %add3A_3604 = arith.constant 5 : i32
      %add3A_3605 = vector.broadcast %add3A_3604 : i32 to vector<16xi32>
      %add3A_3606 = arith.addi %broadcast_in_dim3A_3586, %add3A_3605 : vector<16xi32>
      %gather3A_3607 = tpu.vector_load_idx %arg16[%iota3A, %add3A_3606] : memref<16x16xf32, #tpu.memory_space<vmem>>[vector<16xi32>, vector<16xi32>], vector<16xf32>,
      %reduce_max3A_3608 = arith.constant true
      %reduce_max3A_3609 = vector.broadcast %reduce_max3A_3608 : i1 to vector<16xi1>
      %reduce_max3A_3610 = tpu.scan <max>, %gather3A_3587 masked %reduce_max3A_3609 : vector<16xf32>, vector<16xi1> -> vector<16xf32>
      %reduce_max3A_3611 = vector.extract %reduce_max3A_3610[15] : f32 from vector<16xf32>
      %eq3A_3612 = vector.broadcast %reduce_max3A_3611 : f32 to vector<16xf32>
      %eq3A_3613 = arith.cmpf oeq, %gather3A_3587, %eq3A_3612 : vector<16xf32>
      %all_reduce_ffs3A = tpu.all_reduce %eq3A_3613 {dim = 0 : i64, kind = #tpu.reduction_kind<find_first_set>} : vector<16xi1> -> vector<16xi32>
      %add3A_3614 = arith.constant 1 : i32
      %add3A_3615 = vector.broadcast %add3A_3614 : i32 to vector<16xi32>
      %add3A_3616 = arith.addi %broadcast_in_dim3A_3586, %add3A_3615 : vector<16xi32>
      %gather3A_3617 = tpu.vector_load_idx %arg16[%all_reduce_ffs3A, %add3A_3616] : memref<16x16xf32, #tpu.memory_space<vmem>>[vector<16xi32>, vector<16xi32>], vector<16xf32>,
      %reduce_max3A_3618 = arith.constant true
      %reduce_max3A_3619 = vector.broadcast %reduce_max3A_3618 : i1 to vector<16xi1>
      %reduce_max3A_3620 = tpu.scan <max>, %gather3A_3617 masked %reduce_max3A_3619 : vector<16xf32>, vector<16xi1> -> vector<16xf32>
      %reduce_max3A_3621 = vector.extract %reduce_max3A_3620[15] : f32 from vector<16xf32>
      %add3A_3622 = arith.constant 6 : i32
      %add3A_3623 = vector.broadcast %add3A_3622 : i32 to vector<16xi32>
      %add3A_3624 = arith.addi %broadcast_in_dim3A_3586, %add3A_3623 : vector<16xi32>
      %gather3A_3625 = tpu.vector_load_idx %arg16[%all_reduce_ffs3A, %add3A_3624] : memref<16x16xf32, #tpu.memory_space<vmem>>[vector<16xi32>, vector<16xi32>], vector<16xf32>,
      %add3A_3626 = arith.constant 7 : i32
      %add3A_3627 = vector.broadcast %add3A_3626 : i32 to vector<16xi32>
      %add3A_3628 = arith.addi %broadcast_in_dim3A_3586, %add3A_3627 : vector<16xi32>
      %gather3A_3629 = tpu.vector_load_idx %arg16[%all_reduce_ffs3A, %add3A_3628] : memref<16x16xf32, #tpu.memory_space<vmem>>[vector<16xi32>, vector<16xi32>], vector<16xf32>,
      %add3A_3630 = arith.constant 8 : i32
      %add3A_3631 = vector.broadcast %add3A_3630 : i32 to vector<16xi32>
      %add3A_3632 = arith.addi %broadcast_in_dim3A_3586, %add3A_3631 : vector<16xi32>
      %gather3A_3633 = tpu.vector_load_idx %arg16[%all_reduce_ffs3A, %add3A_3632] : memref<16x16xf32, #tpu.memory_space<vmem>>[vector<16xi32>, vector<16xi32>], vector<16xf32>,
      %add3A_3634 = arith.constant 9 : i32
      %add3A_3635 = vector.broadcast %add3A_3634 : i32 to vector<16xi32>
      %add3A_3636 = arith.addi %broadcast_in_dim3A_3586, %add3A_3635 : vector<16xi32>
      %gather3A_3637 = tpu.vector_load_idx %arg16[%all_reduce_ffs3A, %add3A_3636] : memref<16x16xf32, #tpu.memory_space<vmem>>[vector<16xi32>, vector<16xi32>], vector<16xf32>,
      %eq3A_3638 = arith.cmpi eq, %iota3A, %all_reduce_ffs3A : vector<16xi32>
      %select_n3A_3639 = arith.select %eq3A_3638, %gather3A_3595, %gather3A_3587 : vector<16xi1>, vector<16xf32>
      %eq3A_3640 = arith.cmpi eq, %iota3A, %all_reduce_ffs3A : vector<16xi32>
      %select_n3A_3641 = arith.select %eq3A_3640, %gather3A_3599, %gather3A_3591 : vector<16xi1>, vector<16xf32>
      %reduce_max3A_3642 = arith.constant true
      %reduce_max3A_3643 = vector.broadcast %reduce_max3A_3642 : i1 to vector<16xi1>
      %reduce_max3A_3644 = tpu.scan <max>, %select_n3A_3639 masked %reduce_max3A_3643 : vector<16xf32>, vector<16xi1> -> vector<16xf32>
      %reduce_max3A_3645 = vector.extract %reduce_max3A_3644[15] : f32 from vector<16xf32>
      %eq3A_3646 = vector.broadcast %reduce_max3A_3645 : f32 to vector<16xf32>
      %eq3A_3647 = arith.cmpf oeq, %select_n3A_3639, %eq3A_3646 : vector<16xf32>
      %all_reduce_ffs3A_3648 = tpu.all_reduce %eq3A_3647 {dim = 0 : i64, kind = #tpu.reduction_kind<find_first_set>} : vector<16xi1> -> vector<16xi32>
      %eq3A_3649 = arith.cmpi eq, %iota3A, %all_reduce_ffs3A_3648 : vector<16xi32>
      %jit3A_3650 = arith.constant -1.000000e+00 : f32
      %broadcast_in_dim3A_3651 = vector.broadcast %jit3A_3650 : f32 to vector<16xf32>
      %select_n3A_3652 = arith.select %eq3A_3649, %select_n3A_3641, %broadcast_in_dim3A_3651 : vector<16xi1>, vector<16xf32>
      %reduce_max3A_3653 = arith.constant true
      %reduce_max3A_3654 = vector.broadcast %reduce_max3A_3653 : i1 to vector<16xi1>
      %reduce_max3A_3655 = tpu.scan <max>, %select_n3A_3652 masked %reduce_max3A_3654 : vector<16xf32>, vector<16xi1> -> vector<16xf32>
      %reduce_max3A_3656 = vector.extract %reduce_max3A_3655[15] : f32 from vector<16xf32>
      %eq3A_3657 = arith.cmpi eq, %all_reduce_ffs3A_3648, %all_reduce_ffs3A : vector<16xi32>
      %add3A_3658 = arith.constant 10 : i32
      %add3A_3659 = vector.broadcast %add3A_3658 : i32 to vector<16xi32>
      %add3A_3660 = arith.addi %broadcast_in_dim3A_3586, %add3A_3659 : vector<16xi32>
      %add3A_3661 = arith.constant 6 : i32
      %add3A_3662 = vector.broadcast %add3A_3661 : i32 to vector<16xi32>
      %add3A_3663 = arith.addi %broadcast_in_dim3A_3586, %add3A_3662 : vector<16xi32>
      %select_n3A_3664 = arith.select %eq3A_3657, %add3A_3660, %add3A_3663 : vector<16xi1>, vector<16xi32>
      %gather3A_3665 = tpu.vector_load_idx %arg16[%all_reduce_ffs3A_3648, %select_n3A_3664] : memref<16x16xf32, #tpu.memory_space<vmem>>[vector<16xi32>, vector<16xi32>], vector<16xf32>,
      %add3A_3666 = arith.constant 1 : i32
      %add3A_3667 = vector.broadcast %add3A_3666 : i32 to vector<16xi32>
      %add3A_3668 = arith.addi %select_n3A_3664, %add3A_3667 : vector<16xi32>
      %gather3A_3669 = tpu.vector_load_idx %arg16[%all_reduce_ffs3A_3648, %add3A_3668] : memref<16x16xf32, #tpu.memory_space<vmem>>[vector<16xi32>, vector<16xi32>], vector<16xf32>,
      %add3A_3670 = arith.constant 2 : i32
      %add3A_3671 = vector.broadcast %add3A_3670 : i32 to vector<16xi32>
      %add3A_3672 = arith.addi %select_n3A_3664, %add3A_3671 : vector<16xi32>
      %gather3A_3673 = tpu.vector_load_idx %arg16[%all_reduce_ffs3A_3648, %add3A_3672] : memref<16x16xf32, #tpu.memory_space<vmem>>[vector<16xi32>, vector<16xi32>], vector<16xf32>,
      %add3A_3674 = arith.constant 3 : i32
      %add3A_3675 = vector.broadcast %add3A_3674 : i32 to vector<16xi32>
      %add3A_3676 = arith.addi %select_n3A_3664, %add3A_3675 : vector<16xi32>
      %gather3A_3677 = tpu.vector_load_idx %arg16[%all_reduce_ffs3A_3648, %add3A_3676] : memref<16x16xf32, #tpu.memory_space<vmem>>[vector<16xi32>, vector<16xi32>], vector<16xf32>,
      %reduce_sum3A_3678 = arith.constant true
      %reduce_sum3A_3679 = vector.broadcast %reduce_sum3A_3678 : i1 to vector<16xi1>
      %reduce_sum3A_3680 = tpu.scan <sum>, %gather3A_3603 masked %reduce_sum3A_3679 : vector<16xf32>, vector<16xi1> -> vector<16xf32>
      %reduce_sum3A_3681 = vector.extract %reduce_sum3A_3680[15] : f32 from vector<16xf32>
      %convert_element_type3A_3682 = arith.fptosi %reduce_sum3A_3681 : f32 to i32
      %broadcast_in_dim3A_3683 = vector.broadcast %convert_element_type3A_3682 : i32 to vector<16xi32>
      %reduce_sum3A_3684 = arith.constant true
      %reduce_sum3A_3685 = vector.broadcast %reduce_sum3A_3684 : i1 to vector<16xi1>
      %reduce_sum3A_3686 = tpu.scan <sum>, %gather3A_3607 masked %reduce_sum3A_3685 : vector<16xf32>, vector<16xi1> -> vector<16xf32>
      %reduce_sum3A_3687 = vector.extract %reduce_sum3A_3686[15] : f32 from vector<16xf32>
      %convert_element_type3A_3688 = arith.fptosi %reduce_sum3A_3687 : f32 to i32
      %broadcast_in_dim3A_3689 = vector.broadcast %convert_element_type3A_3688 : i32 to vector<16xi32>
      %ge3A = arith.cmpi sge, %broadcast_in_dim3A_3683, %broadcast_in_dim3A_7 : vector<16xi32>
      %and3A_3690 = arith.andi %lt3A_1008, %ge3A : vector<16xi1>
      %add3A_3691 = arith.constant 320 : i32
      %add3A_3692 = vector.broadcast %add3A_3691 : i32 to vector<16xi32>
      %add3A_3693 = arith.addi %broadcast_in_dim3A_7, %add3A_3692 : vector<16xi32>
      %lt3A_3694 = arith.cmpi slt, %broadcast_in_dim3A_3683, %add3A_3693 : vector<16xi32>
      %and3A_3695 = arith.andi %and3A_3690, %lt3A_3694 : vector<16xi1>
      %eq3A_3696 = arith.constant 0 : i32
      %eq3A_3697 = vector.broadcast %eq3A_3696 : i32 to vector<16xi32>
      %eq3A_3698 = arith.cmpi eq, %iota3A, %eq3A_3697 : vector<16xi32>
      %eq3A_3699 = arith.constant 1 : i32
      %eq3A_3700 = vector.broadcast %eq3A_3699 : i32 to vector<16xi32>
      %eq3A_3701 = arith.cmpi eq, %iota3A, %eq3A_3700 : vector<16xi32>
      %eq3A_3702 = arith.constant 2 : i32
      %eq3A_3703 = vector.broadcast %eq3A_3702 : i32 to vector<16xi32>
      %eq3A_3704 = arith.cmpi eq, %iota3A, %eq3A_3703 : vector<16xi32>
      %eq3A_3705 = arith.constant 3 : i32
      %eq3A_3706 = vector.broadcast %eq3A_3705 : i32 to vector<16xi32>
      %eq3A_3707 = arith.cmpi eq, %iota3A, %eq3A_3706 : vector<16xi32>
      %eq3A_3708 = arith.constant 4 : i32
      %eq3A_3709 = vector.broadcast %eq3A_3708 : i32 to vector<16xi32>
      %eq3A_3710 = arith.cmpi eq, %iota3A, %eq3A_3709 : vector<16xi32>
      %jit3A_3711 = arith.constant 0.000000e+00 : f32
      %broadcast_in_dim3A_3712 = vector.broadcast %jit3A_3711 : f32 to vector<16xf32>
      %select_n3A_3713 = arith.select %eq3A_3710, %while3A_997, %broadcast_in_dim3A_3712 : vector<16xi1>, vector<16xf32>
      %select_n3A_3714 = arith.select %eq3A_3707, %while3A_996, %select_n3A_3713 : vector<16xi1>, vector<16xf32>
      %select_n3A_3715 = arith.select %eq3A_3704, %while3A_995, %select_n3A_3714 : vector<16xi1>, vector<16xf32>
      %select_n3A_3716 = arith.select %eq3A_3701, %while3A_994, %select_n3A_3715 : vector<16xi1>, vector<16xf32>
      %select_n3A_3717 = arith.select %eq3A_3698, %while3A_993, %select_n3A_3716 : vector<16xi1>, vector<16xf32>
      %sub3A_3718 = arith.subi %broadcast_in_dim3A_3683, %broadcast_in_dim3A_7 : vector<16xi32>
      %mul3A_3719 = arith.constant 5 : i32
      %mul3A_3720 = vector.broadcast %mul3A_3719 : i32 to vector<16xi32>
      %mul3A_3721 = arith.muli %sub3A_3718, %mul3A_3720 : vector<16xi32>
      %jit3A_3722 = arith.constant 0 : i32
      %broadcast_in_dim3A_3723 = vector.broadcast %jit3A_3722 : i32 to vector<16xi32>
      %select_n3A_3724 = arith.select %and3A_3695, %mul3A_3721, %broadcast_in_dim3A_3723 : vector<16xi1>, vector<16xi32>
      %add3A_3725 = arith.addi %select_n3A_3724, %iota3A : vector<16xi32>
      %lt3A_3726 = arith.constant 5 : i32
      %lt3A_3727 = vector.broadcast %lt3A_3726 : i32 to vector<16xi32>
      %lt3A_3728 = arith.cmpi slt, %iota3A, %lt3A_3727 : vector<16xi32>
      %and3A_3729 = arith.andi %and3A_3695, %lt3A_3728 : vector<16xi1>
      tpu.vector_store_idx %arg14[%add3A_3725], %select_n3A_3717 masked %and3A_3729 : memref<1600xf32, #tpu.memory_space<vmem>>[vector<16xi32>], vector<16xf32>, vector<16xi1>
      %ge3A_3730 = arith.cmpi sge, %broadcast_in_dim3A_3689, %broadcast_in_dim3A_7 : vector<16xi32>
      %and3A_3731 = arith.andi %lt3A_1011, %ge3A_3730 : vector<16xi1>
      %add3A_3732 = arith.constant 320 : i32
      %add3A_3733 = vector.broadcast %add3A_3732 : i32 to vector<16xi32>
      %add3A_3734 = arith.addi %broadcast_in_dim3A_7, %add3A_3733 : vector<16xi32>
      %lt3A_3735 = arith.cmpi slt, %broadcast_in_dim3A_3689, %add3A_3734 : vector<16xi32>
      %and3A_3736 = arith.andi %and3A_3731, %lt3A_3735 : vector<16xi1>
      %eq3A_3737 = arith.constant 0 : i32
      %eq3A_3738 = vector.broadcast %eq3A_3737 : i32 to vector<16xi32>
      %eq3A_3739 = arith.cmpi eq, %iota3A, %eq3A_3738 : vector<16xi32>
      %eq3A_3740 = arith.constant 1 : i32
      %eq3A_3741 = vector.broadcast %eq3A_3740 : i32 to vector<16xi32>
      %eq3A_3742 = arith.cmpi eq, %iota3A, %eq3A_3741 : vector<16xi32>
      %eq3A_3743 = arith.constant 2 : i32
      %eq3A_3744 = vector.broadcast %eq3A_3743 : i32 to vector<16xi32>
      %eq3A_3745 = arith.cmpi eq, %iota3A, %eq3A_3744 : vector<16xi32>
      %eq3A_3746 = arith.constant 3 : i32
      %eq3A_3747 = vector.broadcast %eq3A_3746 : i32 to vector<16xi32>
      %eq3A_3748 = arith.cmpi eq, %iota3A, %eq3A_3747 : vector<16xi32>
      %eq3A_3749 = arith.constant 4 : i32
      %eq3A_3750 = vector.broadcast %eq3A_3749 : i32 to vector<16xi32>
      %eq3A_3751 = arith.cmpi eq, %iota3A, %eq3A_3750 : vector<16xi32>
      %jit3A_3752 = arith.constant 0.000000e+00 : f32
      %broadcast_in_dim3A_3753 = vector.broadcast %jit3A_3752 : f32 to vector<16xf32>
      %select_n3A_3754 = arith.select %eq3A_3751, %while3A_1004, %broadcast_in_dim3A_3753 : vector<16xi1>, vector<16xf32>
      %select_n3A_3755 = arith.select %eq3A_3748, %while3A_1003, %select_n3A_3754 : vector<16xi1>, vector<16xf32>
      %select_n3A_3756 = arith.select %eq3A_3745, %while3A_1002, %select_n3A_3755 : vector<16xi1>, vector<16xf32>
      %select_n3A_3757 = arith.select %eq3A_3742, %while3A_1001, %select_n3A_3756 : vector<16xi1>, vector<16xf32>
      %select_n3A_3758 = arith.select %eq3A_3739, %while3A_1000, %select_n3A_3757 : vector<16xi1>, vector<16xf32>
      %sub3A_3759 = arith.subi %broadcast_in_dim3A_3689, %broadcast_in_dim3A_7 : vector<16xi32>
      %mul3A_3760 = arith.constant 5 : i32
      %mul3A_3761 = vector.broadcast %mul3A_3760 : i32 to vector<16xi32>
      %mul3A_3762 = arith.muli %sub3A_3759, %mul3A_3761 : vector<16xi32>
      %jit3A_3763 = arith.constant 0 : i32
      %broadcast_in_dim3A_3764 = vector.broadcast %jit3A_3763 : i32 to vector<16xi32>
      %select_n3A_3765 = arith.select %and3A_3736, %mul3A_3762, %broadcast_in_dim3A_3764 : vector<16xi1>, vector<16xi32>
      %add3A_3766 = arith.addi %select_n3A_3765, %iota3A : vector<16xi32>
      %lt3A_3767 = arith.constant 5 : i32
      %lt3A_3768 = vector.broadcast %lt3A_3767 : i32 to vector<16xi32>
      %lt3A_3769 = arith.cmpi slt, %iota3A, %lt3A_3768 : vector<16xi32>
      %and3A_3770 = arith.andi %and3A_3736, %lt3A_3769 : vector<16xi1>
      tpu.vector_store_idx %arg14[%add3A_3766], %select_n3A_3758 masked %and3A_3770 : memref<1600xf32, #tpu.memory_space<vmem>>[vector<16xi32>], vector<16xf32>, vector<16xi1>
      %lt3A_3771 = arith.constant 5.000000e+03 : f32
      %lt3A_3772 = arith.cmpf olt, %reduce_max3A_3621, %lt3A_3771 : f32
      %lt3A_3773 = arith.cmpi slt, %while3A_988, %convert_element_type3A_15 : i32
      %and3A_3774 = arith.andi %lt3A_3772, %lt3A_3773 : i1
      %le3A = arith.constant 100 : i32
      %le3A_3775 = arith.cmpi sle, %while3A_987, %le3A : i32
      %and3A_3776 = arith.andi %and3A_3774, %le3A_3775 : i1
      %min3A_3777 = arith.minimumf %gather3A_3633, %gather3A_3673 : vector<16xf32>
      %max3A_3778 = arith.maximumf %gather3A_3625, %gather3A_3665 : vector<16xf32>
      %sub3A_3779 = arith.subf %min3A_3777, %max3A_3778 : vector<16xf32>
      %max3A_3780 = arith.constant 0.000000e+00 : f32
      %max3A_3781 = vector.broadcast %max3A_3780 : f32 to vector<16xf32>
      %max3A_3782 = arith.maximumf %sub3A_3779, %max3A_3781 : vector<16xf32>
      %min3A_3783 = arith.minimumf %gather3A_3637, %gather3A_3677 : vector<16xf32>
      %max3A_3784 = arith.maximumf %gather3A_3629, %gather3A_3669 : vector<16xf32>
      %sub3A_3785 = arith.subf %min3A_3783, %max3A_3784 : vector<16xf32>
      %max3A_3786 = arith.constant 0.000000e+00 : f32
      %max3A_3787 = vector.broadcast %max3A_3786 : f32 to vector<16xf32>
      %max3A_3788 = arith.maximumf %sub3A_3785, %max3A_3787 : vector<16xf32>
      %mul3A_3789 = arith.mulf %max3A_3782, %max3A_3788 : vector<16xf32>
      %sub3A_3790 = arith.subf %gather3A_3633, %gather3A_3625 : vector<16xf32>
      %sub3A_3791 = arith.subf %gather3A_3637, %gather3A_3629 : vector<16xf32>
      %mul3A_3792 = arith.mulf %sub3A_3790, %sub3A_3791 : vector<16xf32>
      %sub3A_3793 = arith.subf %gather3A_3673, %gather3A_3665 : vector<16xf32>
      %sub3A_3794 = arith.subf %gather3A_3677, %gather3A_3669 : vector<16xf32>
      %mul3A_3795 = arith.mulf %sub3A_3793, %sub3A_3794 : vector<16xf32>
      %add3A_3796 = arith.addf %mul3A_3792, %mul3A_3795 : vector<16xf32>
      %sub3A_3797 = arith.subf %add3A_3796, %mul3A_3789 : vector<16xf32>
      %max3A_3798 = arith.constant 9.99999971E-10 : f32
      %max3A_3799 = vector.broadcast %max3A_3798 : f32 to vector<16xf32>
      %max3A_3800 = arith.maximumf %sub3A_3797, %max3A_3799 : vector<16xf32>
      %mul3A_3801 = arith.constant 5.000000e-01 : f32
      %mul3A_3802 = vector.broadcast %mul3A_3801 : f32 to vector<16xf32>
      %mul3A_3803 = arith.mulf %mul3A_3802, %max3A_3800 : vector<16xf32>
      %le3A_3804 = arith.cmpf ole, %mul3A_3789, %mul3A_3803 : vector<16xf32>
      %jit3A_3805 = arith.constant 1.000000e+00 : f32
      %jit3A_3806 = arith.constant 0.000000e+00 : f32
      %broadcast_in_dim3A_3807 = vector.broadcast %jit3A_3805 : f32 to vector<16xf32>
      %broadcast_in_dim3A_3808 = vector.broadcast %jit3A_3806 : f32 to vector<16xf32>
      %select_n3A_3809 = arith.select %le3A_3804, %broadcast_in_dim3A_3807, %broadcast_in_dim3A_3808 : vector<16xi1>, vector<16xf32>
      %reduce_max3A_3810 = arith.constant true
      %reduce_max3A_3811 = vector.broadcast %reduce_max3A_3810 : i1 to vector<16xi1>
      %reduce_max3A_3812 = tpu.scan <max>, %select_n3A_3809 masked %reduce_max3A_3811 : vector<16xf32>, vector<16xi1> -> vector<16xf32>
      %reduce_max3A_3813 = vector.extract %reduce_max3A_3812[15] : f32 from vector<16xf32>
      %gt3A_3814 = arith.constant 5.000000e-01 : f32
      %gt3A_3815 = arith.cmpf ogt, %reduce_max3A_3813, %gt3A_3814 : f32
      %lt3A_3816 = arith.constant 5.000000e+03 : f32
      %lt3A_3817 = arith.cmpf olt, %reduce_max3A_3656, %lt3A_3816 : f32
      %and3A_3818 = arith.andi %and3A_3776, %lt3A_3817 : i1
      %and3A_3819 = arith.andi %and3A_3818, %gt3A_3815 : i1
      %add3A_3820 = arith.constant 1 : i32
      %add3A_3821 = arith.addi %while3A_988, %add3A_3820 : i32
      %lt3A_3822 = arith.cmpi slt, %add3A_3821, %convert_element_type3A_15 : i32
      %and3A_3823 = arith.andi %and3A_3819, %lt3A_3822 : i1
      %jit3A_3824 = arith.constant 1 : i32
      %jit3A_3825 = arith.constant 0 : i32
      %select_n3A_3826 = arith.select %and3A_3776, %jit3A_3824, %jit3A_3825 : i32
      %add3A_3827 = arith.addi %while3A_988, %select_n3A_3826 : i32
      %jit3A_3828 = arith.constant 1 : i32
      %jit3A_3829 = arith.constant 0 : i32
      %select_n3A_3830 = arith.select %and3A_3823, %jit3A_3828, %jit3A_3829 : i32
      %add3A_3831 = arith.addi %add3A_3827, %select_n3A_3830 : i32
      %lt3A_3832 = arith.constant 5.000000e+03 : f32
      %lt3A_3833 = arith.cmpf olt, %reduce_max3A_3621, %lt3A_3832 : f32
      %jit3A_3834 = arith.constant 0 : i32
      %jit3A_3835 = arith.constant 1 : i32
      %select_n3A_3836 = arith.select %lt3A_3833, %jit3A_3834, %jit3A_3835 : i32
      %broadcast_in_dim3A_3837 = arith.constant 1073741824 : i32
      %broadcast_in_dim3A_3838 = vector.broadcast %broadcast_in_dim3A_3837 : i32 to vector<16xi32>
      %broadcast_in_dim3A_3839 = arith.constant 3.000000e+38 : f32
      %broadcast_in_dim3A_3840 = vector.broadcast %broadcast_in_dim3A_3839 : f32 to vector<16xf32>
      %convert_element_type3A_3841 = arith.fptosi %reduce_max3A_3621 : f32 to i32
      %broadcast_in_dim3A_3842 = vector.broadcast %convert_element_type3A_3841 : i32 to vector<16xi32>
      %select_n3A_3843 = arith.select %and3A_3776, %broadcast_in_dim3A_3842, %broadcast_in_dim3A_3838 : vector<16xi32>
      %broadcast_in_dim3A_3844 = vector.broadcast %reduce_max3A_3611 : f32 to vector<16xf32>
      %select_n3A_3845 = arith.select %and3A_3776, %broadcast_in_dim3A_3844, %broadcast_in_dim3A_3840 : vector<16xf32>
      %convert_element_type3A_3846 = arith.fptosi %reduce_max3A_3656 : f32 to i32
      %broadcast_in_dim3A_3847 = vector.broadcast %convert_element_type3A_3846 : i32 to vector<16xi32>
      %select_n3A_3848 = arith.select %and3A_3823, %broadcast_in_dim3A_3847, %broadcast_in_dim3A_3838 : vector<16xi32>
      %broadcast_in_dim3A_3849 = vector.broadcast %reduce_max3A_3645 : f32 to vector<16xf32>
      %select_n3A_3850 = arith.select %and3A_3823, %broadcast_in_dim3A_3849, %broadcast_in_dim3A_3840 : vector<16xf32>
      %jit3A_3851 = arith.constant 1.000000e+09 : f32
      %select_n3A_3852 = arith.select %and3A_3776, %reduce_max3A_3621, %jit3A_3851 : f32
      %jit3A_3853 = arith.constant 1.000000e+09 : f32
      %select_n3A_3854 = arith.select %and3A_3823, %reduce_max3A_3656, %jit3A_3853 : f32
      %add3A_3855 = arith.constant 1 : i32
      %add3A_3856 = arith.addi %while3A_987, %add3A_3855 : i32
      scf.yield %add3A_3856, %add3A_3831, %select_n3A_3836, %select_n3A_3852, %select_n3A_3854, %select_n3A_3843, %gather3A_3625, %gather3A_3629, %gather3A_3633, %gather3A_3637, %select_n3A_3845, %mul3A_3792, %select_n3A_3848, %gather3A_3665, %gather3A_3669, %gather3A_3673, %gather3A_3677, %select_n3A_3850, %mul3A_3795 : i32, i32, i32, f32, f32, vector<16xi32>, vector<16xf32>, vector<16xf32>, vector<16xf32>, vector<16xf32>, vector<16xf32>, vector<16xf32>, vector<16xi32>, vector<16xf32>, vector<16xf32>, vector<16xf32>, vector<16xf32>, vector<16xf32>, vector<16xf32>
    }
    %lt3A_979 = arith.constant 15 : i32
    %lt3A_980 = arith.cmpi slt, %arg1, %lt3A_979 : i32
    %convert_element_type3A_981 = arith.extui %lt3A_980 : i1 to i32
    %cond3A = arith.constant 0 : i32
    %cond3A_982 = arith.cmpi ne, %convert_element_type3A_981, %cond3A : i32
    scf.if %cond3A_982 {
      %mul3A_987 = arith.constant 320 : i32
      %mul3A_988 = arith.muli %arg1, %mul3A_987 : i32
      %mul3A_989 = arith.constant 5 : i32
      %mul3A_990 = arith.muli %mul3A_988, %mul3A_989 : i32
      "tpu.region"() ({
        %run_scoped3A = tpu.sem_alloc : memref<!tpu.dma_semaphore, #tpu.memory_space<semaphore_mem>>
        %dma_start3A = tpu.memref_slice %arg5[%mul3A_990] : memref<25000xf32, #tpu.memory_space<hbm>> -> memref<1600xf32, #tpu.memory_space<hbm>>
        %dma_start3A_991 = tpu.memref_slice %arg5[%mul3A_990] : memref<25000xf32, #tpu.memory_space<hbm>> -> memref<1600xf32, #tpu.memory_space<hbm>>
        tpu.enqueue_dma source(%arg14 : memref<1600xf32, #tpu.memory_space<vmem>>) target(%dma_start3A_991 : memref<1600xf32, #tpu.memory_space<hbm>>) target_semaphore(%run_scoped3A : memref<!tpu.dma_semaphore, #tpu.memory_space<semaphore_mem>>)
        %dma_wait3A = tpu.memref_slice %arg5[%mul3A_990] : memref<25000xf32, #tpu.memory_space<hbm>> -> memref<1600xf32, #tpu.memory_space<hbm>>
        %dma_wait3A_992 = tpu.memref_slice %arg5[%mul3A_990] : memref<25000xf32, #tpu.memory_space<hbm>> -> memref<1600xf32, #tpu.memory_space<hbm>>
        tpu.wait_dma2 semaphore(%run_scoped3A : memref<!tpu.dma_semaphore, #tpu.memory_space<semaphore_mem>>) src(%arg14 : memref<1600xf32, #tpu.memory_space<vmem>>) dst(%dma_wait3A_992 : memref<1600xf32, #tpu.memory_space<hbm>>)
        tpu.yield
      }) : () -> ()
    } else {
    }
    %eq3A = arith.constant 15 : i32
    %eq3A_983 = arith.cmpi eq, %arg1, %eq3A : i32
    %convert_element_type3A_984 = arith.extui %eq3A_983 : i1 to i32
    %cond3A_985 = arith.constant 0 : i32
    %cond3A_986 = arith.cmpi ne, %convert_element_type3A_984, %cond3A_985 : i32
    scf.if %cond3A_986 {
      "tpu.region"() ({
        %run_scoped3A = tpu.sem_alloc : memref<!tpu.dma_semaphore, #tpu.memory_space<semaphore_mem>>
        %dma_start3A = arith.constant 0 : i32
        %dma_start3A_987 = tpu.memref_slice %arg14[%dma_start3A] : memref<1600xf32, #tpu.memory_space<vmem>> -> memref<1000xf32, #tpu.memory_space<vmem>>
        %dma_start3A_988 = arith.constant 24000 : i32
        %dma_start3A_989 = tpu.memref_slice %arg5[%dma_start3A_988] : memref<25000xf32, #tpu.memory_space<hbm>> -> memref<1000xf32, #tpu.memory_space<hbm>>
        %dma_start3A_990 = arith.constant 24000 : i32
        %dma_start3A_991 = tpu.memref_slice %arg5[%dma_start3A_990] : memref<25000xf32, #tpu.memory_space<hbm>> -> memref<1000xf32, #tpu.memory_space<hbm>>
        %dma_start3A_992 = arith.constant 0 : i32
        %dma_start3A_993 = tpu.memref_slice %arg14[%dma_start3A_992] : memref<1600xf32, #tpu.memory_space<vmem>> -> memref<1000xf32, #tpu.memory_space<vmem>>
        tpu.enqueue_dma source(%dma_start3A_993 : memref<1000xf32, #tpu.memory_space<vmem>>) target(%dma_start3A_991 : memref<1000xf32, #tpu.memory_space<hbm>>) target_semaphore(%run_scoped3A : memref<!tpu.dma_semaphore, #tpu.memory_space<semaphore_mem>>)
        %dma_wait3A = arith.constant 0 : i32
        %dma_wait3A_994 = tpu.memref_slice %arg14[%dma_wait3A] : memref<1600xf32, #tpu.memory_space<vmem>> -> memref<1000xf32, #tpu.memory_space<vmem>>
        %dma_wait3A_995 = arith.constant 24000 : i32
        %dma_wait3A_996 = tpu.memref_slice %arg5[%dma_wait3A_995] : memref<25000xf32, #tpu.memory_space<hbm>> -> memref<1000xf32, #tpu.memory_space<hbm>>
        %dma_wait3A_997 = arith.constant 24000 : i32
        %dma_wait3A_998 = tpu.memref_slice %arg5[%dma_wait3A_997] : memref<25000xf32, #tpu.memory_space<hbm>> -> memref<1000xf32, #tpu.memory_space<hbm>>
        %dma_wait3A_999 = arith.constant 0 : i32
        %dma_wait3A_1000 = tpu.memref_slice %arg14[%dma_wait3A_999] : memref<1600xf32, #tpu.memory_space<vmem>> -> memref<1000xf32, #tpu.memory_space<vmem>>
        tpu.wait_dma2 semaphore(%run_scoped3A : memref<!tpu.dma_semaphore, #tpu.memory_space<semaphore_mem>>) src(%dma_wait3A_1000 : memref<1000xf32, #tpu.memory_space<vmem>>) dst(%dma_wait3A_998 : memref<1000xf32, #tpu.memory_space<hbm>>)
        tpu.yield
      }) : () -> ()
    } else {
    }
    return
  }
}

</mosaic_0001>

<sc_bundles>
// kernel: _nms_sc.3.cloned.1.call-start
scs
__scs_entry_jumppad:
0x0: {  	(pc) =	sbr.rel $0x88, $3  }
0x1: {  	(tag) =	ssettag $0x0;
	lr =	simm.s32 $0x1  }
0x2: {  	[smem:$0x3F9E] =	sst lr;
	_ =	strace $0xD0000000  }
0x3: {  	_ = 	snop  }
0x4: {  	_ = 	snop  }
0x5: {  	_ = 	snop  }
0x6: {  	_ = 	snop  }
0x7: {  	_ = 	snop  }
__scs_overlays_trampoline_lowered:
0x8: {  	[smem:$0x3FAD] =	sst s0  }
0x9: {  	[smem:$0x3FAE] =	sst s1  }
0xa: {  	[smem:$0x3FAF] =	sst s2  }
0xb: {  	[smem:$0x3FB0] =	sst s3  }
0xc: {  	[smem:$0x3FB1] =	sst s4  }
0xd: {  	[smem:$0x3FB2] =	sst s5  }
0xe: {  	[smem:$0x3FB3] =	sst s6  }
0xf: {  	[smem:$0x3FB4] =	sst s7  }
0x10: {  	[smem:$0x3FB5] =	sst s8  }
0x11: {  	[smem:$0x3FB6] =	sst s9;
	s0 =	simm.s32 @!p0 $0x0  }
0x12: {  	s1 =	sld [smem:$0x3F9C];
	s0 =	simm.s32 @p0 $0x1  }
0x13: {  	[smem:$0x3FB7] =	sst s0;
	s0 =	simm.s32 @!p1 $0x0  }
0x14: {  	s2 =	sld [smem:$0x3F9B];
	s0 =	simm.s32 @p1 $0x1  }
0x15: {  	[smem:$0x3FB8] =	sst s0;
	s0 =	simm.s32 @!p2 $0x0  }
0x16: {  	s3 =	sld [smem:$0x3FDB];
	s0 =	simm.s32 @p2 $0x1  }
0x17: {  	s4 =	simm.s32 $0x1BF5;
	[smem:$0x3FBA] =	sst s0  }
0x18: {  	s0 =	sld [smem:$0x3F9D];
	_ =	swait.ge [sflag:s4], $0x0  }
0x19: {  	s7 =	sld [smem:$0x3F9E]  }
0x1a: {  	s8 =	sadd.s32 $0xFFFFE003, lr  }
0x1b: {  	s9 =	sadd.s32 $0xFFFFFEF7, lr;
	s5 =	simm.s32 $0xFFFFFFFF;
	p2 =	slt.u32 s8, $0xFFFFF086  }
0x1c: {  	p1 =	slt.u32 s9, $0xF7A;
	s5 =	simm.s32 @!p2 $0x0  }
0x1d: {  	s5 =	simm.s32 @p1 $0x1;
	p0 =	seq.s32 s7, s2  }
0x1e: {  	s7 =	smul.u32 @!p0 $0xF7A, s2;
	p2 =	seq.s32 @!p0 s5, $0x0  }
0x1f: {  	s9 =	smul.u32 $0xF7A, s1;
	s8 =	simm.s32 @!p0 $0x1BF5;
	p2 =	por !p2, p0  }
0x20: {  	[sflag:s8] =	ssyncset.s32 @!p0 $0xFFFFF086;
	s6 =	sadd.s32 @!p0 s3, s7;
	s7 =	simm.s32 @!p0 $0x108  }
0x21: {  	s3 =	sadd.s32 s3, s9;
	s6 =	sadd.s32 @!p0 $0x88, s6;
	s7 =	simm.s32 @p2 $0x1082  }
0x22: {  	[simem:s7], [sflag:s8] =	dma.local @!p0 [hbm:s6], $0xF7A  }
0x23: {  	s9 =	sor.u32 $0xD0000000, s2;
	s6 =	simm.s32 $0x108;
	_ =	swait.ge @!p0 [sflag:s8], $0x0  }
0x24: {  	s3 =	sadd.s32 $0x88, s3;
	s6 =	simm.s32 @!p1 $0x1082;
	[sflag:s4] =	ssyncset.s32 $0xFFFFF086  }
0x25: {  	[simem:s6], [sflag:s4] =	dma.local [hbm:s3], $0xF7A  }
0x26: {  	[smem:$0x3F9E] =	sst s1;
	(tag) =	ssettag s2;
	_ =	strace s9  }
0x27: {  	s1 =	sld [smem:$0x3FAE]  }
0x28: {  	s2 =	sld [smem:$0x3FAF]  }
0x29: {  	s4 =	sld [smem:$0x3FB1]  }
0x2a: {  	p0 =	seq.s32 s5, $0x0;
	s5 =	sld [smem:$0x3FB2]  }
0x2b: {  	s6 =	sld [smem:$0x3FB3]  }
0x2c: {  	s7 =	sld [smem:$0x3FB4]  }
0x2d: {  	s3 =	simm.s32 $0x108;
	s8 =	sld [smem:$0x3FB5]  }
0x2e: {  	s3 =	simm.s32 @!p0 $0x1082;
	s9 =	sld [smem:$0x3FB6]  }
0x2f: {  	lr =	sadd.s32 s0, s3;
	s0 =	sld [smem:$0x3FAD]  }
0x30: {  	s3 =	sld [smem:$0x3FB0]  }
0x31: {  	[smem:$0x3FB9] =	sst s10  }
0x32: {  	s10 =	sld [smem:$0x3FB7];
	_ =	sdelay $0x3  }
0x33: {  	p0 =	seq.s32 s10, $0x1;
	s10 =	sld [smem:$0x3FB9];
	_ =	sdelay $0x3  }
0x34: {  	[smem:$0x3FB9] =	sst s10  }
0x35: {  	s10 =	sld [smem:$0x3FB8];
	_ =	sdelay $0x3  }
0x36: {  	p1 =	seq.s32 s10, $0x1;
	s10 =	sld [smem:$0x3FB9];
	_ =	sdelay $0x3  }
0x37: {  	[smem:$0x3FB9] =	sst s10  }
0x38: {  	s10 =	sld [smem:$0x3FBA]  }
0x39: {  	_ = 	snop;
	(pc) =	sbr.ind lr, $3  }
0x3a: {  	_ = 	snop  }
0x3b: {  	_ = 	snop  }
0x3c: {  	p2 =	seq.s32 s10, $0x1;
	s10 =	sld [smem:$0x3FB9]  }
0x3d: {  	_ =	shalt  }
0x3e: {  	_ =	shalt  }
0x3f: {  	_ =	shalt  }
0x40: {  	_ =	shalt  }
0x41: {  	_ =	shalt  }
0x42: {  	_ =	shalt  }
0x43: {  	_ =	shalt  }
0x44: {  	_ =	shalt  }
0x45: {  	_ =	shalt  }
0x46: {  	_ =	shalt  }
0x47: {  	_ =	shalt  }
0x48: {  	_ =	shalt  }
0x49: {  	_ =	shalt  }
0x4a: {  	_ =	shalt  }
0x4b: {  	_ =	shalt  }
0x4c: {  	_ =	shalt  }
0x4d: {  	_ =	shalt  }
0x4e: {  	_ =	shalt  }
0x4f: {  	_ =	shalt  }
0x50: {  	_ =	shalt  }
0x51: {  	_ =	shalt  }
0x52: {  	_ =	shalt  }
0x53: {  	_ =	shalt  }
0x54: {  	_ =	shalt  }
0x55: {  	_ =	shalt  }
0x56: {  	_ =	shalt  }
0x57: {  	_ =	shalt  }
0x58: {  	_ =	shalt  }
0x59: {  	_ =	shalt  }
0x5a: {  	_ =	shalt  }
0x5b: {  	_ =	shalt  }
0x5c: {  	_ =	shalt  }
0x5d: {  	_ =	shalt  }
0x5e: {  	_ =	shalt  }
0x5f: {  	_ =	shalt  }
0x60: {  	_ =	shalt  }
0x61: {  	_ =	shalt  }
0x62: {  	_ =	shalt  }
0x63: {  	_ =	shalt  }
0x64: {  	_ =	shalt  }
0x65: {  	_ =	shalt  }
0x66: {  	_ =	shalt  }
0x67: {  	_ =	shalt  }
0x68: {  	_ =	shalt  }
0x69: {  	_ =	shalt  }
0x6a: {  	_ =	shalt  }
0x6b: {  	_ =	shalt  }
0x6c: {  	_ =	shalt  }
0x6d: {  	_ =	shalt  }
0x6e: {  	_ =	shalt  }
0x6f: {  	_ =	shalt  }
0x70: {  	_ =	shalt  }
0x71: {  	_ =	shalt  }
0x72: {  	_ =	shalt  }
0x73: {  	_ =	shalt  }
0x74: {  	_ =	shalt  }
0x75: {  	_ =	shalt  }
0x76: {  	_ =	shalt  }
0x77: {  	_ =	shalt  }
0x78: {  	_ =	shalt  }
0x79: {  	_ =	shalt  }
0x7a: {  	_ =	shalt  }
0x7b: {  	_ =	shalt  }
0x7c: {  	_ =	shalt  }
0x7d: {  	_ =	shalt  }
0x7e: {  	_ =	shalt  }
0x7f: {  	_ =	shalt  }
0x80: {  	_ =	shalt  }
0x81: {  	_ =	shalt  }
0x82: {  	_ =	shalt  }
0x83: {  	_ =	shalt  }
0x84: {  	_ =	shalt  }
0x85: {  	_ =	shalt  }
0x86: {  	_ =	shalt  }
0x87: {  	_ =	shalt  }
.Lfunc_end0:
.L_simem_size_0:
called_computation_lowered:
.L_overlay_start_0:
0x88: {  	s0 =	sld [smem:$0x3FD9]  }
0x89: {  	s1 =	sld [smem:$0x3FFE];
	_ =	sdelay $0x3  }
0x8a: {  	s0 =	sadd.s32 s1, s0  }
0x8b: {  	[smem:$0x3FC5] =	sst s0  }
0x8c: {  	_ = 	snop  }
0x8d: {  	s0 =	sld [smem:$0x3FD0];
	(tm) =	ssettm $0x1  }
0x8e: {  	s16 =	sld [smem:$0x3FFB];
	_ =	sdelay $0x3  }
0x8f: {  	_ =	strace s16  }
0x90: {  	s1 =	sld [smem:$0x3FFC];
	_ =	sdelay $0x3  }
0x91: {  	_ =	strace s1  }
0x92: {  	s1 =	sld [smem:$0x3FFD];
	_ =	sdelay $0x3  }
0x93: {  	_ =	strace s1  }
0x94: {  	_ =	strace $0x8FFFFFFF  }
0x95: {  	s17 =	sld [smem:$0x3FDB];
	_ =	sdelay $0x1  }
0x96: {  	s2 =	simm.s32 $_scs_section_size  }
0x97: {  	s3 =	simm.s32 $_size__tile_overlayer_lowered;
	s4 =	simm.s32 $_tile_overlayer_lowered  }
0x98: {  	s20 =	simm.s32 $0x1BFF;
	s19 =	sshll.u32 s4, $0x1;
	s1 =	sadd.s32 s2, s17  }
0x99: {  	s5 =	simm.s32 $0x0;
	s18 =	sshll.u32 s3, $0x1;
	s3 =	sadd.s32 s19, s1  }
0x9a: {  	[timem:s5], [sflag:s20] =	dma.local [hbm:s3], s18  }
0x9b: {  	_ =	swait.ge [sflag:s20], s18  }
0x9c: {  	s2 =	ssub.s32 $0x0, s18;
	[sflag:s20] =	ssyncset.done $0x0  }
0x9d: {  	[sflag:s20] =	ssyncadd.s32 s2;
	_ =	sdelay $0x1  }
0x9e: {  	s21 =	simm.s32 $0x1B8B  }
0x9f: {  	_ =	swait.ge [sflag:s21], $0x1  }
0xa0: {  	[sflag:s21] =	ssyncset.done $0x0  }
0xa1: {  	s23 =	simm.s32 $0x1B8E;
	s22 =	sld [smem:$0x3FFE];
	[sflag:s21] =	ssyncadd.s32 $0xFFFFFFFF  }
0xa2: {  	s24 =	simm.s32 $execute0_lowered;
	[smem:$0x3FD2] =	sst s23  }
0xa3: {  	s3 =	sshll.u32 s24, $0x1;
	_ =	strace $0x80000046;
	[dreg:$0x1] =	wrdreg $0xFFFFFFFF  }
0xa4: {  	s25 =	simm.s32 $_size_execute0_lowered;
	s1 =	sadd.s32 s1, s3;
	[dreg:$0x0] =	wrdreg $0x0  }
0xa5: {  	s3 =	sshll.u32 s25, $0x1;
	[dreg:$0x2] =	wrdreg s1  }
0xa6: {  	[dreg:$0x3] =	wrdreg s3  }
0xa7: {  	[dreg:$0x4] =	wrdreg $0xC0  }
0xa8: {  	_ =	task [dreg:s5], $0x5FFFF  }
0xa9: {  	[dreg:$0x1] =	wrdreg $0xFFFFFFFF  }
0xaa: {  	[dreg:$0x0] =	wrdreg $0x60  }
0xab: {  	[dreg:$0x2] =	wrdreg s22  }
0xac: {  	[dreg:$0x3] =	wrdreg s0  }
0xad: {  	[dreg:$0x4] =	wrdreg $0x13E00  }
0xae: {  	[dreg:$0x5] =	wrdreg $0x9  }
0xaf: {  	_ =	task.clear_ibuf [dreg:s5], $0x6FFFF;
	_ =	strace $0x90000046  }
0xb0: {  	s26 =	simm.s32 $0x9;
	_ =	strace $0x80000048  }
0xb1: {  	_ =	swait.ge [sflag:s26], $0x1  }
0xb2: {  	[sflag:s26] =	ssyncadd.s32 $0xFFFFFFFF  }
0xb3: {  	_ =	strace $0x90000048  }
0xb4: {  	_ =	sfence  }
0xb5: {  	s28 =	sld [smem:$0x0];
	_ =	sdelay $0x1  }
0xb6: {  	s29 =	srdreg.scid  }
0xb7: {  	s30 =	sshll.u32 s29, $0xD;
	s31 =	sshrl.u32 s29, $0x2  }
0xb8: {  	s2 =	sand.u32 $0x4000, s30;
	s1 =	sand.u32 $0x1, s29;
	s0 =	sadd.s32 s31, s28  }
0xb9: {  	s1 =	sor.u32 s2, s1;
	s0 =	sshll.u32 s0, $0x11  }
0xba: {  	s0 =	sor.u32 s0, s1  }
0xbb: {  	s0 =	sadd.s32 $0x8F2B, s0  }
0xbc: {  	[sflag:s0] =	ssyncadd.remote.s32 $0x1  }
0xbd: {  	_ =	sfence.sel $0xFFFF  }
0xbe: {  	[dreg:$0x0] =	wrdreg $0xFFFFFFFF;
	(pc) =	sbr.abs _section_cstart, $3  }
0xbf: {  	[dreg:$0x1] =	wrdreg $0xFFFFFFFF  }
0xc0: {  	_ =	task.clear_ibuf [dreg:s5], $0x2FFFF;
	_ =	strace $0x9FFFFFFF  }
0xc1: {  	(tm) =	ssettm $0x7FFFFFFF  }
tec
execute0_lowered:
.L_overlay_start_1:
0x0: {  	(tag) =	ssettag $0x1  }
0x1: {  	s6 =	rddreg [dreg:$0x0]  }
0x2: {  	s8 =	rddreg [dreg:$0x1];
	s0 =	stileid.u32  }
0x3: {  	s2 =	rddreg [dreg:$0x2];
	s4 =	smul.u32 $0xA0, s0  }
0x4: {  	s1 =	rddreg [dreg:$0x3];
	s3 =	simm.s32 $0x0  }
0x5: {  	[smem:$0x7FF] =	sst s3;
	s5 =	sadd.s32 s4, s6  }
0x6: {  	_ =	strace $0x80000047;
	s4 =	smul.u32 $0x140, s0;
	s5 =	sadd.s32 $0xA00, s5  }
0x7: {  	[tilespmem:s3], [sflag:$0x1] =	stream.linear.gather [hbm4b:s5+s3], $0x500, $0x38;
	[tilespmem:$0x1400] =	vst v63  }
0x8: {  	s5 =	simm.s32 $0x1  }
0x9: {  	s7 =	sshrl.u32 s4, $0x3;
	_ =	swait.ge [sflag:s5], $0x500  }
0xa: {  	s7 =	sadd.s32 s7, s6;
	[sflag:s5] =	ssyncset.done $0x0  }
0xb: {  	s9 =	simm.s32 $0xA00;
	s7 =	sadd.s32 $0x600, s7;
	[sflag:s5] =	ssyncadd.s32 $0xFFFFFB00  }
0xc: {  	[tilespmem:s9], [sflag:$0x1] =	stream.linear.gather [hbm4b:s7+s3], $0x140, $0x38;
	[tilespmem:$0x1400] =	vst v63  }
0xd: {  	v3 =	vlaneseq.u32;
	_ =	swait.ge [sflag:s5], $0x140  }
0xe: {  	v0 =	vmul.u32 $0x4, v3;
	[sflag:s5] =	ssyncset.done $0x0  }
0xf: {  	s6 =	sadd.s32 $0x1400, s6;
	s9 =	simm.s32 $0xB40;
	[sflag:s5] =	ssyncadd.s32 $0xFFFFFEC0  }
0x10: {  	[tilespmem:s9], [sflag:$0x1] =	stream.linear.gather [hbm4b:s6+s3], $0x10, $0x38;
	[tilespmem:$0x1400] =	vst v63  }
0x11: {  	_ =	swait.ge [sflag:s5], $0x10  }
0x12: {  	[sflag:s5] =	ssyncset.done $0x0  }
0x13: {  	[sflag:s5] =	ssyncadd.s32 $0xFFFFFFF0  }
0x14: {  	v1 =	vld.idx.msk [tilespmem:v0+s3+$0x0], $0xffff  }
0x15: {  	v2 =	vor.u32 $0x1, v0;
	_ =	sdelay $0x3  }
0x16: {  	[tilespmem:$0x500] =	vst v1  }
0x17: {  	v1 =	vld.idx.msk [tilespmem:v2+s3+$0x0], $0xffff  }
0x18: {  	v2 =	vor.u32 $0x2, v0;
	_ =	sdelay $0x3  }
0x19: {  	[tilespmem:$0x640] =	vst v1  }
0x1a: {  	v1 =	vld.idx.msk [tilespmem:v2+s3+$0x0], $0xffff  }
0x1b: {  	v2 =	vor.u32 $0x3, v0;
	_ =	sdelay $0x3  }
0x1c: {  	[tilespmem:$0x780] =	vst v1  }
0x1d: {  	v1 =	vld.idx.msk [tilespmem:v2+s3+$0x0], $0xffff  }
0x1e: {  	v2 =	vor.u32 $0x40, v0;
	_ =	sdelay $0x3  }
0x1f: {  	[tilespmem:$0x8C0] =	vst v1  }
0x20: {  	v1 =	vld.idx.msk [tilespmem:v2+s3+$0x0], $0xffff  }
0x21: {  	v2 =	vor.u32 $0x41, v0;
	_ =	sdelay $0x3  }
0x22: {  	[tilespmem:$0x510] =	vst v1  }
0x23: {  	v1 =	vld.idx.msk [tilespmem:v2+s3+$0x0], $0xffff  }
0x24: {  	v2 =	vor.u32 $0x42, v0;
	_ =	sdelay $0x3  }
0x25: {  	[tilespmem:$0x650] =	vst v1  }
0x26: {  	v1 =	vld.idx.msk [tilespmem:v2+s3+$0x0], $0xffff  }
0x27: {  	v2 =	vor.u32 $0x43, v0;
	_ =	sdelay $0x3  }
0x28: {  	[tilespmem:$0x790] =	vst v1  }
0x29: {  	v1 =	vld.idx.msk [tilespmem:v2+s3+$0x0], $0xffff  }
0x2a: {  	v2 =	vor.u32 $0x80, v0;
	_ =	sdelay $0x3  }
0x2b: {  	[tilespmem:$0x8D0] =	vst v1  }
0x2c: {  	v1 =	vld.idx.msk [tilespmem:v2+s3+$0x0], $0xffff  }
0x2d: {  	v2 =	vor.u32 $0x81, v0;
	_ =	sdelay $0x3  }
0x2e: {  	[tilespmem:$0x520] =	vst v1  }
0x2f: {  	v1 =	vld.idx.msk [tilespmem:v2+s3+$0x0], $0xffff  }
0x30: {  	v2 =	vor.u32 $0x82, v0;
	_ =	sdelay $0x3  }
0x31: {  	[tilespmem:$0x660] =	vst v1  }
0x32: {  	v1 =	vld.idx.msk [tilespmem:v2+s3+$0x0], $0xffff  }
0x33: {  	v2 =	vor.u32 $0x83, v0;
	_ =	sdelay $0x3  }
0x34: {  	[tilespmem:$0x7A0] =	vst v1  }
0x35: {  	v1 =	vld.idx.msk [tilespmem:v2+s3+$0x0], $0xffff  }
0x36: {  	v2 =	vor.u32 $0xC0, v0;
	_ =	sdelay $0x3  }
0x37: {  	[tilespmem:$0x8E0] =	vst v1  }
0x38: {  	v1 =	vld.idx.msk [tilespmem:v2+s3+$0x0], $0xffff  }
0x39: {  	v2 =	vor.u32 $0xC1, v0;
	_ =	sdelay $0x3  }
0x3a: {  	[tilespmem:$0x530] =	vst v1  }
0x3b: {  	v1 =	vld.idx.msk [tilespmem:v2+s3+$0x0], $0xffff  }
0x3c: {  	v2 =	vor.u32 $0xC2, v0;
	_ =	sdelay $0x3  }
0x3d: {  	[tilespmem:$0x670] =	vst v1  }
0x3e: {  	v1 =	vld.idx.msk [tilespmem:v2+s3+$0x0], $0xffff  }
0x3f: {  	v2 =	vor.u32 $0xC3, v0;
	_ =	sdelay $0x3  }
0x40: {  	[tilespmem:$0x7B0] =	vst v1  }
0x41: {  	v1 =	vld.idx.msk [tilespmem:v2+s3+$0x0], $0xffff  }
0x42: {  	v2 =	vor.u32 $0x100, v0;
	_ =	sdelay $0x3  }
0x43: {  	[tilespmem:$0x8F0] =	vst v1  }
0x44: {  	v1 =	vld.idx.msk [tilespmem:v2+s3+$0x0], $0xffff  }
0x45: {  	v2 =	vor.u32 $0x101, v0;
	_ =	sdelay $0x3  }
0x46: {  	[tilespmem:$0x540] =	vst v1  }
0x47: {  	v1 =	vld.idx.msk [tilespmem:v2+s3+$0x0], $0xffff  }
0x48: {  	v2 =	vor.u32 $0x102, v0;
	_ =	sdelay $0x3  }
0x49: {  	[tilespmem:$0x680] =	vst v1  }
0x4a: {  	v1 =	vld.idx.msk [tilespmem:v2+s3+$0x0], $0xffff  }
0x4b: {  	v2 =	vor.u32 $0x103, v0;
	_ =	sdelay $0x3  }
0x4c: {  	[tilespmem:$0x7C0] =	vst v1  }
0x4d: {  	v1 =	vld.idx.msk [tilespmem:v2+s3+$0x0], $0xffff  }
0x4e: {  	v2 =	vor.u32 $0x140, v0;
	_ =	sdelay $0x3  }
0x4f: {  	[tilespmem:$0x900] =	vst v1  }
0x50: {  	v1 =	vld.idx.msk [tilespmem:v2+s3+$0x0], $0xffff  }
0x51: {  	v2 =	vor.u32 $0x141, v0;
	_ =	sdelay $0x3  }
0x52: {  	[tilespmem:$0x550] =	vst v1  }
0x53: {  	v1 =	vld.idx.msk [tilespmem:v2+s3+$0x0], $0xffff  }
0x54: {  	v2 =	vor.u32 $0x142, v0;
	_ =	sdelay $0x3  }
0x55: {  	[tilespmem:$0x690] =	vst v1  }
0x56: {  	v1 =	vld.idx.msk [tilespmem:v2+s3+$0x0], $0xffff  }
0x57: {  	v2 =	vor.u32 $0x143, v0;
	_ =	sdelay $0x3  }
0x58: {  	[tilespmem:$0x7D0] =	vst v1  }
0x59: {  	v1 =	vld.idx.msk [tilespmem:v2+s3+$0x0], $0xffff  }
0x5a: {  	v2 =	vor.u32 $0x180, v0;
	_ =	sdelay $0x3  }
0x5b: {  	[tilespmem:$0x910] =	vst v1  }
0x5c: {  	v1 =	vld.idx.msk [tilespmem:v2+s3+$0x0], $0xffff  }
0x5d: {  	v2 =	vor.u32 $0x181, v0;
	_ =	sdelay $0x3  }
0x5e: {  	[tilespmem:$0x560] =	vst v1  }
0x5f: {  	v1 =	vld.idx.msk [tilespmem:v2+s3+$0x0], $0xffff  }
0x60: {  	v2 =	vor.u32 $0x182, v0;
	_ =	sdelay $0x3  }
0x61: {  	[tilespmem:$0x6A0] =	vst v1  }
0x62: {  	v1 =	vld.idx.msk [tilespmem:v2+s3+$0x0], $0xffff  }
0x63: {  	v2 =	vor.u32 $0x183, v0;
	_ =	sdelay $0x3  }
0x64: {  	[tilespmem:$0x7E0] =	vst v1  }
0x65: {  	v1 =	vld.idx.msk [tilespmem:v2+s3+$0x0], $0xffff  }
0x66: {  	v2 =	vor.u32 $0x1C0, v0;
	_ =	sdelay $0x3  }
0x67: {  	[tilespmem:$0x920] =	vst v1  }
0x68: {  	v1 =	vld.idx.msk [tilespmem:v2+s3+$0x0], $0xffff  }
0x69: {  	v2 =	vor.u32 $0x1C1, v0;
	_ =	sdelay $0x3  }
0x6a: {  	[tilespmem:$0x570] =	vst v1  }
0x6b: {  	v1 =	vld.idx.msk [tilespmem:v2+s3+$0x0], $0xffff  }
0x6c: {  	v2 =	vor.u32 $0x1C2, v0;
	_ =	sdelay $0x3  }
0x6d: {  	[tilespmem:$0x6B0] =	vst v1  }
0x6e: {  	v1 =	vld.idx.msk [tilespmem:v2+s3+$0x0], $0xffff  }
0x6f: {  	v2 =	vor.u32 $0x1C3, v0;
	_ =	sdelay $0x3  }
0x70: {  	[tilespmem:$0x7F0] =	vst v1  }
0x71: {  	v1 =	vld.idx.msk [tilespmem:v2+s3+$0x0], $0xffff  }
0x72: {  	v2 =	vor.u32 $0x200, v0;
	_ =	sdelay $0x3  }
0x73: {  	[tilespmem:$0x930] =	vst v1  }
0x74: {  	v1 =	vld.idx.msk [tilespmem:v2+s3+$0x0], $0xffff  }
0x75: {  	v2 =	vor.u32 $0x201, v0;
	_ =	sdelay $0x3  }
0x76: {  	[tilespmem:$0x580] =	vst v1  }
0x77: {  	v1 =	vld.idx.msk [tilespmem:v2+s3+$0x0], $0xffff  }
0x78: {  	v2 =	vor.u32 $0x202, v0;
	_ =	sdelay $0x3  }
0x79: {  	[tilespmem:$0x6C0] =	vst v1  }
0x7a: {  	v1 =	vld.idx.msk [tilespmem:v2+s3+$0x0], $0xffff  }
0x7b: {  	v2 =	vor.u32 $0x203, v0;
	_ =	sdelay $0x3  }
0x7c: {  	[tilespmem:$0x800] =	vst v1  }
0x7d: {  	v1 =	vld.idx.msk [tilespmem:v2+s3+$0x0], $0xffff  }
0x7e: {  	v2 =	vor.u32 $0x240, v0;
	_ =	sdelay $0x3  }
0x7f: {  	[tilespmem:$0x940] =	vst v1  }
0x80: {  	v1 =	vld.idx.msk [tilespmem:v2+s3+$0x0], $0xffff  }
0x81: {  	v2 =	vor.u32 $0x241, v0;
	_ =	sdelay $0x3  }
0x82: {  	[tilespmem:$0x590] =	vst v1  }
0x83: {  	v1 =	vld.idx.msk [tilespmem:v2+s3+$0x0], $0xffff  }
0x84: {  	v2 =	vor.u32 $0x242, v0;
	_ =	sdelay $0x3  }
0x85: {  	[tilespmem:$0x6D0] =	vst v1  }
0x86: {  	v1 =	vld.idx.msk [tilespmem:v2+s3+$0x0], $0xffff  }
0x87: {  	v2 =	vor.u32 $0x243, v0;
	_ =	sdelay $0x3  }
0x88: {  	[tilespmem:$0x810] =	vst v1  }
0x89: {  	v1 =	vld.idx.msk [tilespmem:v2+s3+$0x0], $0xffff  }
0x8a: {  	v2 =	vor.u32 $0x280, v0;
	_ =	sdelay $0x3  }
0x8b: {  	[tilespmem:$0x950] =	vst v1  }
0x8c: {  	v1 =	vld.idx.msk [tilespmem:v2+s3+$0x0], $0xffff  }
0x8d: {  	v2 =	vor.u32 $0x281, v0;
	_ =	sdelay $0x3  }
0x8e: {  	[tilespmem:$0x5A0] =	vst v1  }
0x8f: {  	v1 =	vld.idx.msk [tilespmem:v2+s3+$0x0], $0xffff  }
0x90: {  	v2 =	vor.u32 $0x282, v0;
	_ =	sdelay $0x3  }
0x91: {  	[tilespmem:$0x6E0] =	vst v1  }
0x92: {  	v1 =	vld.idx.msk [tilespmem:v2+s3+$0x0], $0xffff  }
0x93: {  	v2 =	vor.u32 $0x283, v0;
	_ =	sdelay $0x3  }
0x94: {  	[tilespmem:$0x820] =	vst v1  }
0x95: {  	v1 =	vld.idx.msk [tilespmem:v2+s3+$0x0], $0xffff  }
0x96: {  	v2 =	vor.u32 $0x2C0, v0;
	_ =	sdelay $0x3  }
0x97: {  	[tilespmem:$0x960] =	vst v1  }
0x98: {  	v1 =	vld.idx.msk [tilespmem:v2+s3+$0x0], $0xffff  }
0x99: {  	v2 =	vor.u32 $0x2C1, v0;
	_ =	sdelay $0x3  }
0x9a: {  	[tilespmem:$0x5B0] =	vst v1  }
0x9b: {  	v1 =	vld.idx.msk [tilespmem:v2+s3+$0x0], $0xffff  }
0x9c: {  	v2 =	vor.u32 $0x2C2, v0;
	_ =	sdelay $0x3  }
0x9d: {  	[tilespmem:$0x6F0] =	vst v1  }
0x9e: {  	v1 =	vld.idx.msk [tilespmem:v2+s3+$0x0], $0xffff  }
0x9f: {  	v2 =	vor.u32 $0x2C3, v0;
	_ =	sdelay $0x3  }
0xa0: {  	[tilespmem:$0x830] =	vst v1  }
0xa1: {  	v1 =	vld.idx.msk [tilespmem:v2+s3+$0x0], $0xffff  }
0xa2: {  	v2 =	vor.u32 $0x300, v0;
	_ =	sdelay $0x3  }
0xa3: {  	[tilespmem:$0x970] =	vst v1  }
0xa4: {  	v1 =	vld.idx.msk [tilespmem:v2+s3+$0x0], $0xffff  }
0xa5: {  	v2 =	vor.u32 $0x301, v0;
	_ =	sdelay $0x3  }
0xa6: {  	[tilespmem:$0x5C0] =	vst v1  }
0xa7: {  	v1 =	vld.idx.msk [tilespmem:v2+s3+$0x0], $0xffff  }
0xa8: {  	v2 =	vor.u32 $0x302, v0;
	_ =	sdelay $0x3  }
0xa9: {  	[tilespmem:$0x700] =	vst v1  }
0xaa: {  	v1 =	vld.idx.msk [tilespmem:v2+s3+$0x0], $0xffff  }
0xab: {  	v2 =	vor.u32 $0x303, v0;
	_ =	sdelay $0x3  }
0xac: {  	[tilespmem:$0x840] =	vst v1  }
0xad: {  	v1 =	vld.idx.msk [tilespmem:v2+s3+$0x0], $0xffff  }
0xae: {  	v2 =	vor.u32 $0x340, v0;
	_ =	sdelay $0x3  }
0xaf: {  	[tilespmem:$0x980] =	vst v1  }
0xb0: {  	v1 =	vld.idx.msk [tilespmem:v2+s3+$0x0], $0xffff  }
0xb1: {  	v2 =	vor.u32 $0x341, v0;
	_ =	sdelay $0x3  }
0xb2: {  	[tilespmem:$0x5D0] =	vst v1  }
0xb3: {  	v1 =	vld.idx.msk [tilespmem:v2+s3+$0x0], $0xffff  }
0xb4: {  	v2 =	vor.u32 $0x342, v0;
	_ =	sdelay $0x3  }
0xb5: {  	[tilespmem:$0x710] =	vst v1  }
0xb6: {  	v1 =	vld.idx.msk [tilespmem:v2+s3+$0x0], $0xffff  }
0xb7: {  	v2 =	vor.u32 $0x343, v0;
	_ =	sdelay $0x3  }
0xb8: {  	[tilespmem:$0x850] =	vst v1  }
0xb9: {  	v1 =	vld.idx.msk [tilespmem:v2+s3+$0x0], $0xffff  }
0xba: {  	v2 =	vor.u32 $0x380, v0;
	_ =	sdelay $0x3  }
0xbb: {  	[tilespmem:$0x990] =	vst v1  }
0xbc: {  	v1 =	vld.idx.msk [tilespmem:v2+s3+$0x0], $0xffff  }
0xbd: {  	v2 =	vor.u32 $0x381, v0;
	_ =	sdelay $0x3  }
0xbe: {  	[tilespmem:$0x5E0] =	vst v1  }
0xbf: {  	v1 =	vld.idx.msk [tilespmem:v2+s3+$0x0], $0xffff  }
0xc0: {  	v2 =	vor.u32 $0x382, v0;
	_ =	sdelay $0x3  }
0xc1: {  	[tilespmem:$0x720] =	vst v1  }
0xc2: {  	v1 =	vld.idx.msk [tilespmem:v2+s3+$0x0], $0xffff  }
0xc3: {  	v2 =	vor.u32 $0x383, v0;
	_ =	sdelay $0x3  }
0xc4: {  	[tilespmem:$0x860] =	vst v1  }
0xc5: {  	v1 =	vld.idx.msk [tilespmem:v2+s3+$0x0], $0xffff  }
0xc6: {  	v2 =	vor.u32 $0x3C0, v0;
	_ =	sdelay $0x3  }
0xc7: {  	[tilespmem:$0x9A0] =	vst v1  }
0xc8: {  	v1 =	vld.idx.msk [tilespmem:v2+s3+$0x0], $0xffff  }
0xc9: {  	v2 =	vor.u32 $0x3C1, v0;
	_ =	sdelay $0x3  }
0xca: {  	[tilespmem:$0x5F0] =	vst v1  }
0xcb: {  	v1 =	vld.idx.msk [tilespmem:v2+s3+$0x0], $0xffff  }
0xcc: {  	v2 =	vor.u32 $0x3C2, v0;
	_ =	sdelay $0x3  }
0xcd: {  	[tilespmem:$0x730] =	vst v1  }
0xce: {  	v1 =	vld.idx.msk [tilespmem:v2+s3+$0x0], $0xffff  }
0xcf: {  	v2 =	vor.u32 $0x3C3, v0;
	_ =	sdelay $0x3  }
0xd0: {  	[tilespmem:$0x870] =	vst v1  }
0xd1: {  	v1 =	vld.idx.msk [tilespmem:v2+s3+$0x0], $0xffff  }
0xd2: {  	v2 =	vor.u32 $0x400, v0;
	_ =	sdelay $0x3  }
0xd3: {  	[tilespmem:$0x9B0] =	vst v1  }
0xd4: {  	v1 =	vld.idx.msk [tilespmem:v2+s3+$0x0], $0xffff  }
0xd5: {  	v2 =	vor.u32 $0x401, v0;
	_ =	sdelay $0x3  }
0xd6: {  	[tilespmem:$0x600] =	vst v1  }
0xd7: {  	v1 =	vld.idx.msk [tilespmem:v2+s3+$0x0], $0xffff  }
0xd8: {  	v2 =	vor.u32 $0x402, v0;
	_ =	sdelay $0x3  }
0xd9: {  	[tilespmem:$0x740] =	vst v1  }
0xda: {  	v1 =	vld.idx.msk [tilespmem:v2+s3+$0x0], $0xffff  }
0xdb: {  	v2 =	vor.u32 $0x403, v0;
	_ =	sdelay $0x3  }
0xdc: {  	[tilespmem:$0x880] =	vst v1  }
0xdd: {  	v1 =	vld.idx.msk [tilespmem:v2+s3+$0x0], $0xffff  }
0xde: {  	v2 =	vor.u32 $0x440, v0;
	_ =	sdelay $0x3  }
0xdf: {  	[tilespmem:$0x9C0] =	vst v1  }
0xe0: {  	v1 =	vld.idx.msk [tilespmem:v2+s3+$0x0], $0xffff  }
0xe1: {  	v2 =	vor.u32 $0x441, v0;
	_ =	sdelay $0x3  }
0xe2: {  	[tilespmem:$0x610] =	vst v1  }
0xe3: {  	v1 =	vld.idx.msk [tilespmem:v2+s3+$0x0], $0xffff  }
0xe4: {  	v2 =	vor.u32 $0x442, v0;
	_ =	sdelay $0x3  }
0xe5: {  	[tilespmem:$0x750] =	vst v1  }
0xe6: {  	v1 =	vld.idx.msk [tilespmem:v2+s3+$0x0], $0xffff  }
0xe7: {  	v2 =	vor.u32 $0x443, v0;
	_ =	sdelay $0x3  }
0xe8: {  	[tilespmem:$0x890] =	vst v1  }
0xe9: {  	v1 =	vld.idx.msk [tilespmem:v2+s3+$0x0], $0xffff  }
0xea: {  	v2 =	vor.u32 $0x480, v0;
	_ =	sdelay $0x3  }
0xeb: {  	[tilespmem:$0x9D0] =	vst v1  }
0xec: {  	v1 =	vld.idx.msk [tilespmem:v2+s3+$0x0], $0xffff  }
0xed: {  	v2 =	vor.u32 $0x481, v0;
	_ =	sdelay $0x3  }
0xee: {  	[tilespmem:$0x620] =	vst v1  }
0xef: {  	v1 =	vld.idx.msk [tilespmem:v2+s3+$0x0], $0xffff  }
0xf0: {  	v2 =	vor.u32 $0x482, v0;
	_ =	sdelay $0x3  }
0xf1: {  	[tilespmem:$0x760] =	vst v1  }
0xf2: {  	v1 =	vld.idx.msk [tilespmem:v2+s3+$0x0], $0xffff  }
0xf3: {  	v2 =	vor.u32 $0x483, v0;
	_ =	sdelay $0x3  }
0xf4: {  	[tilespmem:$0x8A0] =	vst v1  }
0xf5: {  	v1 =	vld.idx.msk [tilespmem:v2+s3+$0x0], $0xffff  }
0xf6: {  	v2 =	vor.u32 $0x4C0, v0;
	_ =	sdelay $0x3  }
0xf7: {  	[tilespmem:$0x9E0] =	vst v1  }
0xf8: {  	v1 =	vld.idx.msk [tilespmem:v2+s3+$0x0], $0xffff  }
0xf9: {  	v2 =	vor.u32 $0x4C1, v0;
	_ =	sdelay $0x3  }
0xfa: {  	[tilespmem:$0x630] =	vst v1  }
0xfb: {  	v1 =	vld.idx.msk [tilespmem:v2+s3+$0x0], $0xffff  }
0xfc: {  	v2 =	vor.u32 $0x4C2, v0;
	_ =	sdelay $0x3  }
0xfd: {  	s10 =	sor.u32 $0x10, s4;
	[tilespmem:$0x770] =	vst v1  }
0xfe: {  	s11 =	sor.u32 $0x20, s4;
	v1 =	vld.idx.msk [tilespmem:v2+s3+$0x0], $0xffff;
	v2 =	vor.u32 s10, v3  }
0xff: {  	s12 =	sor.u32 $0x30, s4;
	[tilespmem:$0x1FED0] =	vst v2;
	vm9 =	vlt.u32 v2, $0x1388;
	v2 =	vor.u32 s11, v3  }
0x100: {  	s13 =	sadd.s32 $0x40, s4;
	[tilespmem:$0x1FEE0] =	vst v2;
	vm10 =	vlt.u32 v2, $0x1388;
	v2 =	vor.u32 s12, v3  }
0x101: {  	[tilespmem:$0x1FEF0] =	vst v2;
	vm11 =	vlt.u32 v2, $0x1388;
	v2 =	vor.u32 s13, v3  }
0x102: {  	s14 =	sadd.s32 $0x50, s4;
	v0 =	vor.u32 $0x4C3, v0;
	[tilespmem:$0x1FF00] =	vst v2  }
0x103: {  	vm12 =	vlt.u32 v2, $0x1388;
	v2 =	vor.u32 s14, v3;
	[tilespmem:$0x8B0] =	vst v1  }
0x104: {  	s15 =	sadd.s32 $0x60, s4;
	v1 =	vor.u32 s4, v3;
	[tilespmem:$0x1FF10] =	vst v2  }
0x105: {  	vm13 =	vlt.u32 v2, $0x1388;
	v2 =	vor.u32 s15, v3;
	[tilespmem:$0x1FEC0] =	vst v1  }
0x106: {  	v62 =	vimm.f32 $0.0e+00;
	[tilespmem:$0x1FF20] =	vst v2  }
0x107: {  	v0 =	vld.idx.msk [tilespmem:v0+s3+$0x0], $0xffff;
	[tilespmem:$0xC90] =	vst v62  }
0x108: {  	[tilespmem:$0xCA0] =	vst v62  }
0x109: {  	[tilespmem:$0xCB0] =	vst v62  }
0x10a: {  	[tilespmem:$0xCC0] =	vst v62  }
0x10b: {  	[tilespmem:$0xCD0] =	vst v62  }
0x10c: {  	[tilespmem:$0xCE0] =	vst v62  }
0x10d: {  	[tilespmem:$0xCF0] =	vst v62  }
0x10e: {  	[tilespmem:$0xD00] =	vst v62  }
0x10f: {  	[tilespmem:$0xD10] =	vst v62  }
0x110: {  	[tilespmem:$0xD20] =	vst v62  }
0x111: {  	[tilespmem:$0xD30] =	vst v62  }
0x112: {  	[tilespmem:$0xD40] =	vst v62  }
0x113: {  	[tilespmem:$0xD50] =	vst v62  }
0x114: {  	[tilespmem:$0xD60] =	vst v62  }
0x115: {  	[tilespmem:$0xD70] =	vst v62  }
0x116: {  	[tilespmem:$0xD80] =	vst v62  }
0x117: {  	[tilespmem:$0xD90] =	vst v62  }
0x118: {  	[tilespmem:$0xDA0] =	vst v62  }
0x119: {  	[tilespmem:$0xDB0] =	vst v62  }
0x11a: {  	[tilespmem:$0xDC0] =	vst v62  }
0x11b: {  	[tilespmem:$0xDD0] =	vst v62  }
0x11c: {  	[tilespmem:$0xDE0] =	vst v62  }
0x11d: {  	[tilespmem:$0xDF0] =	vst v62  }
0x11e: {  	[tilespmem:$0xE00] =	vst v62  }
0x11f: {  	[tilespmem:$0xE10] =	vst v62  }
0x120: {  	[tilespmem:$0xE20] =	vst v62  }
0x121: {  	[tilespmem:$0xE30] =	vst v62  }
0x122: {  	[tilespmem:$0xE40] =	vst v62  }
0x123: {  	[tilespmem:$0xE50] =	vst v62  }
0x124: {  	[tilespmem:$0xE60] =	vst v62  }
0x125: {  	[tilespmem:$0xE70] =	vst v62  }
0x126: {  	[tilespmem:$0xE80] =	vst v62  }
0x127: {  	[tilespmem:$0xE90] =	vst v62  }
0x128: {  	[tilespmem:$0xEA0] =	vst v62  }
0x129: {  	[tilespmem:$0xEB0] =	vst v62  }
0x12a: {  	[tilespmem:$0xEC0] =	vst v62  }
0x12b: {  	[tilespmem:$0xED0] =	vst v62  }
0x12c: {  	[tilespmem:$0xEE0] =	vst v62  }
0x12d: {  	[tilespmem:$0xEF0] =	vst v62  }
0x12e: {  	[tilespmem:$0xF00] =	vst v62  }
0x12f: {  	[tilespmem:$0xF10] =	vst v62  }
0x130: {  	[tilespmem:$0xF20] =	vst v62  }
0x131: {  	[tilespmem:$0xF30] =	vst v62  }
0x132: {  	[tilespmem:$0xF40] =	vst v62  }
0x133: {  	[tilespmem:$0xF50] =	vst v62  }
0x134: {  	[tilespmem:$0xF60] =	vst v62  }
0x135: {  	[tilespmem:$0xF70] =	vst v62  }
0x136: {  	[tilespmem:$0xF80] =	vst v62  }
0x137: {  	[tilespmem:$0xF90] =	vst v62  }
0x138: {  	[tilespmem:$0xFA0] =	vst v62  }
0x139: {  	[tilespmem:$0xFB0] =	vst v62  }
0x13a: {  	[tilespmem:$0xFC0] =	vst v62  }
0x13b: {  	[tilespmem:$0xFD0] =	vst v62  }
0x13c: {  	[tilespmem:$0xFE0] =	vst v62  }
0x13d: {  	[tilespmem:$0xFF0] =	vst v62  }
0x13e: {  	[tilespmem:$0x1000] =	vst v62  }
0x13f: {  	[tilespmem:$0x1010] =	vst v62  }
0x140: {  	[tilespmem:$0x1020] =	vst v62  }
0x141: {  	[tilespmem:$0x1030] =	vst v62  }
0x142: {  	[tilespmem:$0x1040] =	vst v62  }
0x143: {  	[tilespmem:$0x1050] =	vst v62  }
0x144: {  	[tilespmem:$0x1060] =	vst v62  }
0x145: {  	[tilespmem:$0x1070] =	vst v62  }
0x146: {  	[tilespmem:$0x1080] =	vst v62  }
0x147: {  	[tilespmem:$0x1090] =	vst v62  }
0x148: {  	[tilespmem:$0x10A0] =	vst v62  }
0x149: {  	[tilespmem:$0x10B0] =	vst v62  }
0x14a: {  	[tilespmem:$0x10C0] =	vst v62  }
0x14b: {  	[tilespmem:$0x10D0] =	vst v62  }
0x14c: {  	[tilespmem:$0x10E0] =	vst v62  }
0x14d: {  	[tilespmem:$0x10F0] =	vst v62  }
0x14e: {  	s16 =	sadd.s32 $0x70, s4;
	[tilespmem:$0x1100] =	vst v62  }
0x14f: {  	vm0 =	vlt.u32 v1, $0x1388;
	vm14 =	vlt.u32 v2, $0x1388;
	v2 =	vor.u32 s16, v3;
	[tilespmem:$0x1110] =	vst v62  }
0x150: {  	s17 =	sadd.s32 $0x80, s4;
	v1 =	vsel vm0, $0x3F800000, v62;
	[tilespmem:$0x1FF30] =	vst v2  }
0x151: {  	vm15 =	vlt.u32 v2, $0x1388;
	v2 =	vor.u32 s17, v3;
	[tilespmem:$0xB50] =	vst v1  }
0x152: {  	s18 =	sadd.s32 $0x90, s4;
	v1 =	vsel vm10, $0x3F800000, v62;
	[tilespmem:$0x1FF40] =	vst v2  }
0x153: {  	s19 =	sadd.s32 $0xA0, s4;
	vm4 =	vlt.u32 v2, $0x1388;
	v2 =	vor.u32 s18, v3;
	[tilespmem:$0xB70] =	vst v1  }
0x154: {  	[tilespmem:$0x1FF50] =	vst v2;
	vm5 =	vlt.u32 v2, $0x1388;
	v2 =	vor.u32 s19, v3  }
0x155: {  	s20 =	sadd.s32 $0xB0, s4;
	[tilespmem:$0x1FF60] =	vst v2  }
0x156: {  	vm6 =	vlt.u32 v2, $0x1388;
	v2 =	vor.u32 s20, v3;
	[tilespmem:$0x9F0] =	vst v0  }
0x157: {  	s21 =	sadd.s32 $0xC0, s4;
	v0 =	vsel vm9, $0x3F800000, v62;
	[tilespmem:$0x1FF70] =	vst v2  }
0x158: {  	vm7 =	vlt.u32 v2, $0x1388;
	v2 =	vor.u32 s21, v3;
	[tilespmem:$0xB60] =	vst v0  }
0x159: {  	s22 =	sadd.s32 $0xD0, s4;
	v0 =	vsel vm11, $0x3F800000, v62;
	[tilespmem:$0x1FF80] =	vst v2  }
0x15a: {  	vm8 =	vlt.u32 v2, $0x1388;
	v2 =	vor.u32 s22, v3;
	[tilespmem:$0xB80] =	vst v0  }
0x15b: {  	s23 =	sadd.s32 $0xE0, s4;
	v0 =	vsel vm13, $0x3F800000, v62;
	[tilespmem:$0x1FF90] =	vst v2  }
0x15c: {  	vm9 =	vlt.u32 v2, $0x1388;
	v2 =	vor.u32 s23, v3;
	[tilespmem:$0xBA0] =	vst v0  }
0x15d: {  	s24 =	sadd.s32 $0xF0, s4;
	v0 =	vsel vm15, $0x3F800000, v62;
	[tilespmem:$0x1FFA0] =	vst v2  }
0x15e: {  	vm10 =	vlt.u32 v2, $0x1388;
	v2 =	vor.u32 s24, v3;
	[tilespmem:$0xBC0] =	vst v0  }
0x15f: {  	s25 =	sadd.s32 $0x100, s4;
	v0 =	vsel vm5, $0x3F800000, v62;
	[tilespmem:$0x1FFB0] =	vst v2  }
0x160: {  	vm11 =	vlt.u32 v2, $0x1388;
	v2 =	vor.u32 s25, v3;
	[tilespmem:$0xBE0] =	vst v0  }
0x161: {  	s26 =	sadd.s32 $0x110, s4;
	v0 =	vsel vm7, $0x3F800000, v62;
	[tilespmem:$0x1FFC0] =	vst v2  }
0x162: {  	v1 =	vsel vm12, $0x3F800000, v62;
	vm12 =	vlt.u32 v2, $0x1388;
	v2 =	vor.u32 s26, v3;
	[tilespmem:$0xC00] =	vst v0  }
0x163: {  	s28 =	sadd.s32 $0x120, s4;
	s29 =	sadd.s32 $0x130, s4;
	v0 =	vsel vm9, $0x3F800000, v62;
	[tilespmem:$0x1FFD0] =	vst v2;
	vm13 =	vlt.u32 v2, $0x1388  }
0x164: {  	v2 =	vor.u32 s28, v3;
	v3 =	vor.u32 s29, v3;
	[tilespmem:$0xC20] =	vst v0;
	v0 =	vsel vm11, $0x3F800000, v62  }
0x165: {  	vm15 =	vlt.u32 v3, $0x1388;
	[tilespmem:$0xC40] =	vst v0;
	v0 =	vsel vm13, $0x3F800000, v62  }
0x166: {  	[tilespmem:$0xC60] =	vst v0;
	v0 =	vsel vm15, $0x3F800000, v62  }
0x167: {  	[tilespmem:$0xC80] =	vst v0;
	v0 =	vld [tilespmem:$0xB40]  }
0x168: {  	[tilespmem:$0x1120] =	vst v62  }
0x169: {  	[tilespmem:$0x1130] =	vst v62  }
0x16a: {  	[tilespmem:$0x1140] =	vst v62  }
0x16b: {  	[tilespmem:$0x1150] =	vst v62  }
0x16c: {  	[tilespmem:$0x1160] =	vst v62;
	v0 =	vcvt.s32.f32 v0  }
0x16d: {  	[tilespmem:$0x1170] =	vst v62  }
0x16e: {  	[tilespmem:$0x1180] =	vst v62;
	(xrf0) =	vmax.scan.msk.f32 $0xffff, v0  }
0x16f: {  	[tilespmem:$0x1190] =	vst v62  }
0x170: {  	[tilespmem:$0x11A0] =	vst v62  }
0x171: {  	[tilespmem:$0x11B0] =	vst v62  }
0x172: {  	[tilespmem:$0x11C0] =	vst v62  }
0x173: {  	[tilespmem:$0x11D0] =	vst v62  }
0x174: {  	[tilespmem:$0x11E0] =	vst v62;
	v0, _, _ =	vpop (xrf0)  }
0x175: {  	[tilespmem:$0x11F0] =	vst v62;
	(v2sf) =	vpush v0, $0xF  }
0x176: {  	[tilespmem:$0x1200] =	vst v62  }
0x177: {  	[tilespmem:$0x1210] =	vst v62  }
0x178: {  	[tilespmem:$0x1220] =	vst v62  }
0x179: {  	[tilespmem:$0x1230] =	vst v62  }
0x17a: {  	[tilespmem:$0x1240] =	vst v62  }
0x17b: {  	[tilespmem:$0x1250] =	vst v62  }
0x17c: {  	[tilespmem:$0x1260] =	vst v62  }
0x17d: {  	[tilespmem:$0x1270] =	vst v62  }
0x17e: {  	[tilespmem:$0x1280] =	vst v62  }
0x17f: {  	[tilespmem:$0x1290] =	vst v62  }
0x180: {  	[tilespmem:$0x12A0] =	vst v62  }
0x181: {  	[tilespmem:$0x12B0] =	vst v62  }
0x182: {  	[tilespmem:$0x12C0] =	vst v62  }
0x183: {  	[tilespmem:$0xB90] =	vst v1;
	v1 =	vsel vm14, $0x3F800000, v62  }
0x184: {  	[tilespmem:$0xBB0] =	vst v1;
	v1 =	vsel vm4, $0x3F800000, v62;
	s30 =	spop (v2sf)  }
0x185: {  	[tilespmem:$0xBD0] =	vst v1;
	v1 =	vsel vm6, $0x3F800000, v62;
	s7 =	scvt.f32.s32 s30  }
0x186: {  	[tilespmem:$0xBF0] =	vst v1;
	v1 =	vsel vm8, $0x3F800000, v62  }
0x187: {  	[tilespmem:$0xC10] =	vst v1;
	v1 =	vsel vm10, $0x3F800000, v62;
	p0 =	slt.s32 s7, $0x1  }
.Ltmp0:
0x188: {  	[tilespmem:$0xC30] =	vst v1;
	(pc) =	sbr.rel @p0 .LBB2_3-.Ltmp0, $4  }
0x189: {  	v1 =	vsel vm12, $0x3F800000, v62;
	[tilespmem:$0x1FFE0] =	vst v2  }
0x18a: {  	s31 =	smul.u32 $0xC8, s0;
	vm14 =	vlt.u32 v2, $0x1388;
	[tilespmem:$0xC50] =	vst v1  }
0x18b: {  	[tilespmem:$0x1FFF0] =	vst v3;
	v1 =	vsel vm14, $0x3F800000, v62  }
0x18c: {  	s6 =	sadd.s32 s8, s31;
	s8 =	sadd.s32 $0xBB8, s8;
	v2 =	vlaneseq.u32;
	[tilespmem:$0xC70] =	vst v1  }
0x18d: {  	v0 =	vld [tilespmem:$0x1FEC0];
	_ =	sdelay $0x4  }
0x18e: {  	v0 =	vcvt.s32.f32 v0;
	_ =	sdelay $0x1  }
0x18f: {  	[tilespmem:$0x1FCE0] =	vst v0;
	v0 =	vld [tilespmem:$0x1FED0];
	_ =	sdelay $0x4  }
0x190: {  	v0 =	vcvt.s32.f32 v0;
	_ =	sdelay $0x1  }
0x191: {  	[tilespmem:$0x1FCF0] =	vst v0;
	v0 =	vld [tilespmem:$0x1FEE0];
	_ =	sdelay $0x4  }
0x192: {  	v0 =	vcvt.s32.f32 v0;
	_ =	sdelay $0x1  }
0x193: {  	[tilespmem:$0x1FD00] =	vst v0;
	v0 =	vld [tilespmem:$0x1FEF0];
	_ =	sdelay $0x4  }
0x194: {  	v0 =	vcvt.s32.f32 v0;
	_ =	sdelay $0x1  }
0x195: {  	[tilespmem:$0x1FD10] =	vst v0;
	v0 =	vld [tilespmem:$0x1FF00];
	_ =	sdelay $0x4  }
0x196: {  	v0 =	vcvt.s32.f32 v0;
	_ =	sdelay $0x1  }
0x197: {  	[tilespmem:$0x1FD20] =	vst v0;
	v0 =	vld [tilespmem:$0x1FF10];
	_ =	sdelay $0x4  }
0x198: {  	v0 =	vcvt.s32.f32 v0;
	_ =	sdelay $0x1  }
0x199: {  	[tilespmem:$0x1FD30] =	vst v0;
	v0 =	vld [tilespmem:$0x1FF20];
	_ =	sdelay $0x4  }
0x19a: {  	v0 =	vcvt.s32.f32 v0;
	_ =	sdelay $0x1  }
0x19b: {  	[tilespmem:$0x1FD40] =	vst v0;
	v0 =	vld [tilespmem:$0x1FF30];
	_ =	sdelay $0x4  }
0x19c: {  	v0 =	vcvt.s32.f32 v0;
	_ =	sdelay $0x1  }
0x19d: {  	[tilespmem:$0x1FD50] =	vst v0;
	v0 =	vld [tilespmem:$0x1FF40];
	_ =	sdelay $0x4  }
0x19e: {  	v0 =	vcvt.s32.f32 v0;
	_ =	sdelay $0x1  }
0x19f: {  	[tilespmem:$0x1FD60] =	vst v0;
	v0 =	vld [tilespmem:$0x1FF50];
	_ =	sdelay $0x4  }
0x1a0: {  	v0 =	vcvt.s32.f32 v0;
	_ =	sdelay $0x1  }
0x1a1: {  	[tilespmem:$0x1FD70] =	vst v0;
	v0 =	vld [tilespmem:$0x1FF60];
	_ =	sdelay $0x4  }
0x1a2: {  	v0 =	vcvt.s32.f32 v0;
	_ =	sdelay $0x1  }
0x1a3: {  	[tilespmem:$0x1FD80] =	vst v0;
	v0 =	vld [tilespmem:$0x1FF70];
	_ =	sdelay $0x4  }
0x1a4: {  	v0 =	vcvt.s32.f32 v0;
	_ =	sdelay $0x1  }
0x1a5: {  	[tilespmem:$0x1FD90] =	vst v0;
	v0 =	vld [tilespmem:$0x1FF80];
	_ =	sdelay $0x4  }
0x1a6: {  	v0 =	vcvt.s32.f32 v0;
	_ =	sdelay $0x1  }
0x1a7: {  	[tilespmem:$0x1FDA0] =	vst v0;
	v0 =	vld [tilespmem:$0x1FF90];
	_ =	sdelay $0x4  }
0x1a8: {  	v0 =	vcvt.s32.f32 v0;
	_ =	sdelay $0x1  }
0x1a9: {  	[tilespmem:$0x1FDB0] =	vst v0;
	v0 =	vld [tilespmem:$0x1FFA0];
	_ =	sdelay $0x4  }
0x1aa: {  	v0 =	vcvt.s32.f32 v0;
	_ =	sdelay $0x1  }
0x1ab: {  	[tilespmem:$0x1FDC0] =	vst v0;
	v0 =	vld [tilespmem:$0x1FFB0];
	_ =	sdelay $0x4  }
0x1ac: {  	v0 =	vcvt.s32.f32 v0;
	_ =	sdelay $0x1  }
0x1ad: {  	[tilespmem:$0x1FDD0] =	vst v0;
	v0 =	vld [tilespmem:$0x1FFC0];
	_ =	sdelay $0x4  }
0x1ae: {  	v0 =	vcvt.s32.f32 v0;
	_ =	sdelay $0x1  }
0x1af: {  	[tilespmem:$0x1FDE0] =	vst v0;
	v0 =	vld [tilespmem:$0x1FFD0];
	_ =	sdelay $0x4  }
0x1b0: {  	v0 =	vcvt.s32.f32 v0;
	_ =	sdelay $0x1  }
0x1b1: {  	[tilespmem:$0x1FDF0] =	vst v0;
	v0 =	vld [tilespmem:$0x1FFE0];
	_ =	sdelay $0x4  }
0x1b2: {  	v0 =	vcvt.s32.f32 v0;
	_ =	sdelay $0x1  }
0x1b3: {  	[tilespmem:$0x1FE00] =	vst v0;
	v0 =	vld [tilespmem:$0x1FFF0];
	_ =	sdelay $0x4  }
0x1b4: {  	v0 =	vcvt.s32.f32 v0  }
0x1b5: {  	v1 =	vmov s4  }
0x1b6: {  	[tilespmem:$0x1FE10] =	vst v0;
	v0 =	vadd.s32 $0x140, v1  }
0x1b7: {  	[tilespmem:$0x1FE30] =	vst v0;
	v0 =	vmul.u32 $0x10, v2  }
0x1b8: {  	[tilespmem:$0x1FE20] =	vst v1  }
0x1b9: {  	v1 =	vor.u32 $0x1, v0;
	[tilespmem:$0x1FE80] =	vst v0  }
0x1ba: {  	v61 =	vimm.s32 $0x40000000;
	v51 =	vimm.f32 $3.000000010e+38;
	[tilespmem:$0x1FE40] =	vst v1;
	v1 =	vor.u32 $0x2, v0  }
0x1bb: {  	v43 =	vimm.f32 $0.0e+00;
	vm0 =	vmmov $0x1;
	[tilespmem:$0x1FE50] =	vst v1;
	v1 =	vor.u32 $0x3, v0  }
0x1bc: {  	vm15 =	vmmov $0x1f;
	[tilespmem:$0x1FE60] =	vst v1;
	v1 =	vor.u32 $0x4, v0;
	v0 =	vor.u32 $0x5, v0  }
0x1bd: {  	s13 =	sshll.u32 s0, $0x6;
	v55 =	vimm.f32 $0.0e+00;
	v5 =	vimm.f32 $0.0e+00;
	[tilespmem:$0x1FE90] =	vst v0;
	v0 =	vimm.s32 $0x0  }
0x1be: {  	s9 =	simm.s32 $0x500;
	s10 =	simm.s32 $0x640;
	s11 =	simm.s32 $0x780;
	v3 =	vimm.f32 $0.0e+00;
	v45 =	vimm.f32 $0.0e+00;
	v0 =	vsel vm0, $0xFFFFFFFF, v0  }
0x1bf: {  	p0 =	por $0x1, $0x1;
	s12 =	simm.s32 $0x8C0;
	s14 =	simm.s32 $0x12D0;
	v60 =	vimm.f32 $3.000000010e+38;
	v59 =	vimm.f32 $0.0e+00;
	[tilespmem:$0x1FEA0] =	vst v0;
	v0 =	vimm.s32 $0x0  }
0x1c0: {  	s15 =	simm.s32 $0x1;
	s16 =	simm.s32 $0x12E0;
	v57 =	vimm.f32 $0.0e+00;
	s17 =	simm.s32 $0xC90;
	v58 =	vimm.f32 $0.0e+00;
	[tilespmem:$0x1FE70] =	vst v1;
	v0 =	vsel vm15, $0xFFFFFFFF, v0  }
0x1c1: {  	p1 =	por $0x1, $0x1;
	v56 =	vimm.f32 $0.0e+00;
	v63 =	vimm.s32 $0x40000000;
	s18 =	simm.s32 $0x0;
	s13 =	sshrl.u32 s13, $0x2;
	v2 =	vimm.f32 $0.0e+00;
	[tilespmem:$0x1FEB0] =	vst v0  }
.LBB2_2:
0x1c2: {  	v0 =	vld [tilespmem:$0x500]  }
0x1c3: {  	v1 =	vld [tilespmem:$0x640]  }
0x1c4: {  	v21 =	vld [tilespmem:$0x780]  }
0x1c5: {  	v22 =	vld [tilespmem:$0x8C0]  }
0x1c6: {  	v33 =	vld [tilespmem:$0xB50]  }
0x1c7: {  	v34 =	vld [tilespmem:$0x510]  }
0x1c8: {  	v35 =	vld [tilespmem:$0x650]  }
0x1c9: {  	vm10 =	vlt.s32 v63, $0x1388;
	v36 =	vld [tilespmem:$0x790]  }
0x1ca: {  	vm11 =	vlt.s32 v61, $0x1388;
	v44 =	vld [tilespmem:$0xA00];
	v23 =	vsub.f32 v21, v0;
	v24 =	vsub.f32 v22, v1  }
0x1cb: {  	v26 =	vmin.f32 v21, v57;
	v27 =	vmax.f32 v0, v56;
	v28 =	vmin.f32 v22, v59  }
0x1cc: {  	v29 =	vmax.f32 v1, v58;
	v21 =	vmin.f32 v21, v2;
	v0 =	vmax.f32 v0, v3  }
0x1cd: {  	v22 =	vmin.f32 v22, v55;
	v1 =	vmax.f32 v1, v5;
	vm8 =	vgt.f32 v33, $5.000000000e-01  }
0x1ce: {  	v38 =	vmin.f32 v36, v57;
	v39 =	vmax.f32 v34, v56;
	v41 =	vmax.f32 v35, v58  }
0x1cf: {  	vm9 =	vgt.f32 v44, v60;
	v26 =	vsub.f32 v26, v27;
	v19 =	vsub.f32 v28, v29  }
0x1d0: {  	vm12 =	veq.f32 v44, v60;
	v0 =	vsub.f32 v21, v0;
	v1 =	vsub.f32 v22, v1  }
0x1d1: {  	v54 =	vld [tilespmem:$0x520];
	v28 =	vmul.f32 v24, v23;
	v29 =	vmax.f32 v26, $0.0e+00;
	v30 =	vmax.f32 v19, $0.0e+00  }
0x1d2: {  	v4 =	vmovc v2;
	v2 =	vld [tilespmem:$0x1FEC0];
	v0 =	vmax.f32 v0, $0.0e+00;
	v1 =	vmax.f32 v1, $0.0e+00;
	v22 =	vmul.f32 v30, v29  }
0x1d3: {  	v31 =	vadd.f32 v28, v45;
	v0 =	vmul.f32 v1, v0;
	v1 =	vadd.f32 v28, v62  }
0x1d4: {  	vm14 =	vgt.f32 v44, v51;
	vm15 =	veq.f32 v44, v51;
	v27 =	vmin.f32 v36, v4  }
0x1d5: {  	v24 =	vmax.f32 v34, v3;
	v32 =	vsub.f32 v31, v22;
	v1 =	vsub.f32 v1, v0  }
0x1d6: {  	v26 =	vmax.f32 v35, v5;
	v24 =	vsub.f32 v27, v24;
	v30 =	vmax.f32 v54, v56  }
0x1d7: {  	vm2 =	vne.s32 v2, v63;
	v21 =	vmax.f32 v32, $9.999999710e-10;
	v1 =	vmax.f32 v1, $9.999999710e-10  }
0x1d8: {  	v9 =	vld [tilespmem:$0x8E0];
	vm3 =	vne.s32 v2, v61;
	v21 =	vmul.f32 $5.000000000e-01, v21;
	v1 =	vmul.f32 $5.000000000e-01, v1  }
0x1d9: {  	v8 =	vld [tilespmem:$0x7A0];
	v48 =	vmax.f32 v24, $0.0e+00;
	vm13 =	vlt.s32 v2, v63;
	vm4 =	vlt.s32 v2, v61  }
0x1da: {  	vm7 =	vmand vm2, vm3;
	vm0 =	vgt.f32 v22, v21;
	vm1 =	vgt.f32 v0, v1;
	v0 =	vld [tilespmem:$0x8D0]  }
0x1db: {  	vm2 =	vmand vm13, vm12;
	vm0 =	vmand vm10, vm0;
	vm1 =	vmand vm11, vm1  }
0x1dc: {  	v52 =	vld [tilespmem:$0xB60];
	vm3 =	vmand vm4, vm15;
	v22 =	vsub.f32 v38, v39;
	vm0 =	vmor vm0, vm1  }
0x1dd: {  	v31 =	vmin.f32 v9, v59;
	v1 =	vsub.f32 v36, v34;
	vm0 =	vmneg vm0  }
0x1de: {  	v38 =	vmin.f32 v8, v57;
	v46 =	vmax.f32 v22, $0.0e+00;
	vm0 =	vmand vm7, vm0  }
0x1df: {  	vm7 =	vmor vm14, vm3;
	v37 =	vsub.f32 v0, v35;
	v40 =	vmin.f32 v0, v59  }
0x1e0: {  	v0 =	vmin.f32 v0, v55;
	vm0 =	vmand vm8, vm0;
	v42 =	vsub.f32 v40, v41  }
0x1e1: {  	v16 =	vsel vm7, $0x3F800000, v43;
	vm7 =	vgt.f32 v52, $5.000000000e-01;
	v0 =	vsub.f32 v0, v26  }
0x1e2: {  	v52 =	vld [tilespmem:$0x530];
	v2 =	vsel vm0, $0x3F800000, v43;
	v1 =	vmul.f32 v37, v1;
	v47 =	vmax.f32 v42, $0.0e+00  }
0x1e3: {  	vm1 =	vmor vm9, vm2;
	[tilespmem:$0x1FC50] =	vst v2;
	v2 =	vld [tilespmem:$0x1FED0];
	v0 =	vmax.f32 v0, $0.0e+00;
	v21 =	vmul.f32 v47, v46  }
0x1e4: {  	v49 =	vadd.f32 v1, v45;
	v0 =	vmul.f32 v0, v48;
	v1 =	vadd.f32 v1, v62  }
0x1e5: {  	v53 =	vld [tilespmem:$0xA10];
	v11 =	vmovc v4;
	v4 =	vmovc v3;
	v36 =	vsub.f32 v8, v54;
	v29 =	vsub.f32 v38, v30;
	v17 =	vsel vm1, $0x3F800000, v43  }
0x1e6: {  	v26 =	vmax.f32 v54, v4;
	v50 =	vsub.f32 v49, v21;
	v1 =	vsub.f32 v1, v0  }
0x1e7: {  	v41 =	vmax.f32 v29, $0.0e+00;
	v18 =	vmax.f32 v52, v56;
	v30 =	vmax.f32 v52, v4  }
0x1e8: {  	vm14 =	vne.s32 v2, v63;
	v22 =	vmax.f32 v50, $9.999999710e-10;
	v1 =	vmax.f32 v1, $9.999999710e-10  }
0x1e9: {  	vm15 =	vne.s32 v2, v61;
	v22 =	vmul.f32 $5.000000000e-01, v22;
	v1 =	vmul.f32 $5.000000000e-01, v1  }
0x1ea: {  	v3 =	vld [tilespmem:$0x1FCE0];
	vm2 =	vmand vm14, vm15;
	vm14 =	veq.f32 v53, v51;
	vm15 =	vlt.s32 v2, v61  }
0x1eb: {  	vm3 =	vmand vm15, vm14;
	vm8 =	vgt.f32 v21, v22;
	vm9 =	vgt.f32 v0, v1  }
0x1ec: {  	v1 =	vnsel vm0, $0xF149F2CA, v44;
	v21 =	vmin.f32 v8, v11;
	v22 =	vmin.f32 v9, v55  }
0x1ed: {  	v0 =	vld [tilespmem:$0x660];
	vm12 =	vmand vm10, vm8;
	vm13 =	vmand vm11, vm9;
	vm6 =	vgt.f32 v1, $-1.000000020e+30  }
0x1ee: {  	vm8 =	veq.f32 v53, v60;
	vm9 =	vlt.s32 v2, v63;
	v21 =	vsub.f32 v21, v26  }
0x1ef: {  	v8 =	vld [tilespmem:$0x7B0];
	vm0 =	vmor vm12, vm13;
	v1 =	vnsel vm6, $0xF149F2CA, v1;
	v10 =	vnsel vm6, $0x4E6E6B28, v3  }
0x1f0: {  	vm12 =	vgt.f32 v53, v60;
	vm13 =	vgt.f32 v53, v51;
	vm0 =	vmneg vm0  }
0x1f1: {  	v48 =	vld [tilespmem:$0xB70];
	v21 =	vmax.f32 v21, $0.0e+00;
	vm0 =	vmand vm2, vm0;
	vm2 =	vmand vm9, vm8  }
0x1f2: {  	vm0 =	vmand vm7, vm0;
	v37 =	vsub.f32 v9, v0;
	v32 =	vmax.f32 v0, v58  }
0x1f3: {  	v0 =	vmax.f32 v0, v5;
	vm1 =	vmor vm12, vm2;
	vm7 =	vmor vm13, vm3  }
0x1f4: {  	v13 =	vsub.f32 v8, v52;
	v15 =	vmin.f32 v8, v57;
	v39 =	vsub.f32 v31, v32  }
0x1f5: {  	v3 =	vld [tilespmem:$0x1FCF0];
	v0 =	vsub.f32 v22, v0;
	v2 =	vsel vm0, $0x3F800000, v43;
	v20 =	vsel vm1, $0x3F800000, v43  }
0x1f6: {  	v24 =	vnsel vm0, $0xF149F2CA, v53;
	v53 =	vsel vm7, $0x3F800000, v43;
	vm7 =	vgt.f32 v48, $5.000000000e-01  }
0x1f7: {  	v9 =	vld [tilespmem:$0x8F0];
	v31 =	vsub.f32 v15, v18;
	v40 =	vmul.f32 v37, v36;
	vm0 =	vgt.f32 v24, $-1.000000020e+30  }
0x1f8: {  	[tilespmem:$0x1FC60] =	vst v2;
	vm1 =	vgt.f32 v24, v1;
	v2 =	vld [tilespmem:$0x1FEE0];
	v42 =	vmax.f32 v39, $0.0e+00;
	v0 =	vmax.f32 v0, $0.0e+00  }
0x1f9: {  	v49 =	vld [tilespmem:$0xA20];
	v50 =	vnsel vm0, $0xF149F2CA, v24;
	v23 =	vmul.f32 v42, v41;
	v44 =	vadd.f32 v40, v45  }
0x1fa: {  	v54 =	vnsel vm0, $0x4E6E6B28, v3;
	v0 =	vmul.f32 v0, v21;
	v46 =	vadd.f32 v40, v62;
	v40 =	vld [tilespmem:$0x540]  }
0x1fb: {  	v31 =	vmax.f32 v31, $0.0e+00;
	v29 =	vsel vm1, v1, v50;
	v41 =	vld [tilespmem:$0x7C0];
	v47 =	vsub.f32 v44, v23  }
0x1fc: {  	v1 =	vsel vm1, v24, v1;
	v33 =	vmin.f32 v9, v59;
	v21 =	vsub.f32 v46, v0  }
0x1fd: {  	vm14 =	vne.s32 v2, v63;
	vm15 =	vne.s32 v2, v61;
	v22 =	vmax.f32 v47, $9.999999710e-10  }
0x1fe: {  	v21 =	vmax.f32 v21, $9.999999710e-10;
	vm6 =	vmand vm14, vm15;
	vm14 =	veq.f32 v49, v51  }
0x1ff: {  	vm15 =	vlt.s32 v2, v61;
	v22 =	vmul.f32 $5.000000000e-01, v22;
	v21 =	vmul.f32 $5.000000000e-01, v21  }
0x200: {  	vm3 =	vmand vm15, vm14;
	v44 =	vsub.f32 v41, v40;
	v47 =	vmin.f32 v41, v57  }
0x201: {  	v48 =	vmax.f32 v40, v56;
	vm8 =	vgt.f32 v23, v22;
	vm9 =	vgt.f32 v0, v21  }
0x202: {  	v21 =	vsel vm1, v10, v54;
	v10 =	vsel vm1, v3, v10;
	v22 =	vmin.f32 v8, v11  }
0x203: {  	v0 =	vld [tilespmem:$0x670];
	v23 =	vmin.f32 v9, v55;
	vm12 =	vmand vm10, vm8;
	vm13 =	vmand vm11, vm9  }
0x204: {  	vm8 =	veq.f32 v49, v60;
	vm9 =	vlt.s32 v2, v63;
	v22 =	vsub.f32 v22, v30  }
0x205: {  	vm0 =	vmor vm12, vm13;
	vm12 =	vgt.f32 v49, v60;
	vm2 =	vmand vm9, vm8  }
0x206: {  	v42 =	vld [tilespmem:$0x900];
	vm13 =	vgt.f32 v49, v51;
	vm0 =	vmneg vm0;
	vm1 =	vmor vm12, vm2  }
0x207: {  	v22 =	vmax.f32 v22, $0.0e+00;
	vm0 =	vmand vm6, vm0;
	v54 =	vsel vm1, $0x3F800000, v43  }
0x208: {  	v3 =	vld [tilespmem:$0x1FD00];
	vm0 =	vmand vm7, vm0;
	v14 =	vsub.f32 v9, v0;
	v34 =	vmax.f32 v0, v58  }
0x209: {  	v0 =	vmax.f32 v0, v5;
	vm7 =	vmor vm13, vm3;
	v19 =	vsub.f32 v33, v34  }
0x20a: {  	v0 =	vsub.f32 v23, v0;
	v2 =	vsel vm0, $0x3F800000, v43;
	v36 =	vnsel vm0, $0xF149F2CA, v49  }
0x20b: {  	v49 =	vmin.f32 v42, v59;
	v30 =	vmul.f32 v14, v13;
	vm0 =	vgt.f32 v36, v29  }
0x20c: {  	vm1 =	vgt.f32 v36, v1;
	v32 =	vmax.f32 v19, $0.0e+00;
	v0 =	vmax.f32 v0, $0.0e+00  }
0x20d: {  	[tilespmem:$0x1FC70] =	vst v2;
	v2 =	vld [tilespmem:$0x1FEF0];
	v29 =	vsel vm0, v36, v29;
	v21 =	vsel vm0, v3, v21;
	v24 =	vsel vm1, v3, v10  }
0x20e: {  	v38 =	vld [tilespmem:$0xA30];
	v26 =	vmul.f32 v32, v31;
	v33 =	vadd.f32 v30, v45;
	v0 =	vmul.f32 v0, v22  }
0x20f: {  	v19 =	vld [tilespmem:$0x550];
	v34 =	vadd.f32 v30, v62;
	v29 =	vsel vm1, v1, v29;
	v31 =	vsub.f32 v47, v48  }
0x210: {  	v21 =	vsel vm1, v10, v21;
	v1 =	vsel vm1, v36, v1;
	v35 =	vsub.f32 v33, v26  }
0x211: {  	v37 =	vld [tilespmem:$0xB80];
	v32 =	vmax.f32 v40, v4;
	v22 =	vsub.f32 v34, v0;
	v8 =	vmax.f32 v31, $0.0e+00  }
0x212: {  	vm14 =	vne.s32 v2, v63;
	vm15 =	vne.s32 v2, v61;
	v23 =	vmax.f32 v35, $9.999999710e-10  }
0x213: {  	v22 =	vmax.f32 v22, $9.999999710e-10;
	vm6 =	vmand vm14, vm15;
	vm14 =	veq.f32 v38, v51  }
0x214: {  	vm15 =	vlt.s32 v2, v61;
	v47 =	vmax.f32 v19, v56;
	v23 =	vmul.f32 $5.000000000e-01, v23  }
0x215: {  	v34 =	vmax.f32 v19, v4;
	v39 =	vmul.f32 $5.000000000e-01, v22;
	v22 =	vsel vm7, $0x3F800000, v43  }
0x216: {  	vm7 =	vgt.f32 v37, $5.000000000e-01;
	vm3 =	vmand vm15, vm14;
	vm8 =	vgt.f32 v26, v23  }
0x217: {  	vm9 =	vgt.f32 v0, v39;
	v0 =	vld [tilespmem:$0x680];
	v23 =	vmin.f32 v41, v11;
	v26 =	vmin.f32 v42, v55  }
0x218: {  	v40 =	vld [tilespmem:$0x7D0];
	vm12 =	vmand vm10, vm8;
	vm13 =	vmand vm11, vm9;
	vm8 =	veq.f32 v38, v60  }
0x219: {  	v41 =	vld [tilespmem:$0x910];
	vm9 =	vlt.s32 v2, v63;
	v23 =	vsub.f32 v23, v32;
	vm0 =	vmor vm12, vm13  }
0x21a: {  	vm12 =	vgt.f32 v38, v60;
	vm2 =	vmand vm9, vm8;
	vm0 =	vmneg vm0  }
0x21b: {  	vm13 =	vgt.f32 v38, v51;
	vm1 =	vmor vm12, vm2;
	vm0 =	vmand vm6, vm0  }
0x21c: {  	v23 =	vmax.f32 v23, $0.0e+00;
	vm0 =	vmand vm7, vm0;
	v46 =	vsub.f32 v42, v0  }
0x21d: {  	v35 =	vmax.f32 v0, v58;
	v0 =	vmax.f32 v0, v5;
	vm7 =	vmor vm13, vm3  }
0x21e: {  	v3 =	vld [tilespmem:$0x1FD10];
	v42 =	vsub.f32 v40, v19;
	v36 =	vmin.f32 v41, v59;
	v50 =	vsub.f32 v49, v35  }
0x21f: {  	v15 =	vld [tilespmem:$0xB90];
	v0 =	vsub.f32 v26, v0;
	v2 =	vsel vm0, $0x3F800000, v43;
	v30 =	vnsel vm0, $0xF149F2CA, v38  }
0x220: {  	v52 =	vmul.f32 v46, v44;
	[tilespmem:$0x1FC80] =	vst v2;
	v2 =	vsel vm1, $0x3F800000, v43;
	vm0 =	vgt.f32 v30, v29  }
0x221: {  	vm1 =	vgt.f32 v30, v1;
	v46 =	vmin.f32 v40, v57;
	v9 =	vmax.f32 v50, $0.0e+00  }
0x222: {  	v18 =	vld [tilespmem:$0xA40];
	v0 =	vmax.f32 v0, $0.0e+00;
	[tilespmem:$0x1FB40] =	vst v2;
	v2 =	vsel vm7, $0x3F800000, v43;
	v29 =	vsel vm0, v30, v29  }
0x223: {  	v19 =	vld [tilespmem:$0x920];
	v21 =	vsel vm0, v3, v21;
	v31 =	vmul.f32 v9, v8;
	v10 =	vadd.f32 v52, v45  }
0x224: {  	vm7 =	vgt.f32 v15, $5.000000000e-01;
	v0 =	vmul.f32 v0, v23;
	v13 =	vadd.f32 v52, v62;
	[tilespmem:$0x1FB50] =	vst v2;
	v2 =	vld [tilespmem:$0x1FF00]  }
0x225: {  	v32 =	vsub.f32 v46, v47;
	v15 =	vld [tilespmem:$0x560];
	v29 =	vsel vm1, v1, v29;
	v14 =	vsub.f32 v10, v31  }
0x226: {  	v21 =	vsel vm1, v24, v21;
	v1 =	vsel vm1, v30, v1;
	v23 =	vsub.f32 v13, v0  }
0x227: {  	v24 =	vsel vm1, v3, v24;
	v50 =	vmax.f32 v32, $0.0e+00;
	v26 =	vmax.f32 v14, $9.999999710e-10  }
0x228: {  	v39 =	vmin.f32 v19, v59;
	v23 =	vmax.f32 v23, $9.999999710e-10;
	v26 =	vmul.f32 $5.000000000e-01, v26  }
0x229: {  	v23 =	vmul.f32 $5.000000000e-01, v23;
	vm14 =	vne.s32 v2, v63;
	vm15 =	vne.s32 v2, v61  }
0x22a: {  	v46 =	vmax.f32 v15, v56;
	vm6 =	vmand vm14, vm15;
	vm14 =	veq.f32 v18, v51  }
0x22b: {  	vm15 =	vlt.s32 v2, v61;
	vm8 =	vgt.f32 v31, v26;
	vm9 =	vgt.f32 v0, v23  }
0x22c: {  	v0 =	vld [tilespmem:$0x690];
	v23 =	vmin.f32 v40, v11;
	v26 =	vmin.f32 v41, v55;
	vm3 =	vmand vm15, vm14  }
0x22d: {  	vm12 =	vmand vm10, vm8;
	vm13 =	vmand vm11, vm9;
	vm8 =	veq.f32 v18, v60  }
0x22e: {  	vm9 =	vlt.s32 v2, v63;
	v23 =	vsub.f32 v23, v34;
	vm0 =	vmor vm12, vm13  }
0x22f: {  	vm12 =	vgt.f32 v18, v60;
	vm2 =	vmand vm9, vm8;
	vm0 =	vmneg vm0  }
0x230: {  	vm13 =	vgt.f32 v18, v51;
	vm1 =	vmor vm12, vm2;
	vm0 =	vmand vm6, vm0  }
0x231: {  	v23 =	vmax.f32 v23, $0.0e+00;
	vm0 =	vmand vm7, vm0;
	v44 =	vsub.f32 v41, v0  }
0x232: {  	v3 =	vld [tilespmem:$0x1FD20];
	v37 =	vmax.f32 v0, v58;
	v0 =	vmax.f32 v0, v5;
	vm7 =	vmor vm13, vm3  }
0x233: {  	v48 =	vsub.f32 v36, v37;
	v0 =	vsub.f32 v26, v0;
	v2 =	vsel vm0, $0x3F800000, v43  }
0x234: {  	v13 =	vld [tilespmem:$0xBA0];
	v33 =	vnsel vm0, $0xF149F2CA, v18;
	v36 =	vmax.f32 v15, v4;
	v49 =	vmul.f32 v44, v42  }
0x235: {  	[tilespmem:$0x1FCA0] =	vst v2;
	v2 =	vsel vm1, $0x3F800000, v43;
	vm0 =	vgt.f32 v33, v29;
	vm1 =	vgt.f32 v33, v1  }
0x236: {  	v18 =	vld [tilespmem:$0x7E0];
	v52 =	vmax.f32 v48, $0.0e+00;
	v0 =	vmax.f32 v0, $0.0e+00;
	[tilespmem:$0x1FB70] =	vst v2;
	v2 =	vsel vm7, $0x3F800000, v43  }
0x237: {  	v29 =	vsel vm0, v33, v29;
	v21 =	vsel vm0, v3, v21;
	v32 =	vmul.f32 v52, v50  }
0x238: {  	v8 =	vadd.f32 v49, v45;
	v0 =	vmul.f32 v0, v23;
	v9 =	vadd.f32 v49, v62;
	[tilespmem:$0x1FB80] =	vst v2;
	v2 =	vld [tilespmem:$0x1FF10]  }
0x239: {  	vm7 =	vgt.f32 v13, $5.000000000e-01;
	v29 =	vsel vm1, v1, v29;
	v21 =	vsel vm1, v24, v21  }
0x23a: {  	v14 =	vld [tilespmem:$0xA50];
	v1 =	vsel vm1, v33, v1;
	v10 =	vsub.f32 v8, v32;
	v23 =	vsub.f32 v9, v0  }
0x23b: {  	v24 =	vsel vm1, v3, v24;
	v28 =	vsub.f32 v18, v15;
	v44 =	vmin.f32 v18, v57  }
0x23c: {  	v34 =	vsub.f32 v44, v46;
	v26 =	vmax.f32 v10, $9.999999710e-10;
	v23 =	vmax.f32 v23, $9.999999710e-10  }
0x23d: {  	v26 =	vmul.f32 $5.000000000e-01, v26;
	vm14 =	vne.s32 v2, v63;
	vm15 =	vne.s32 v2, v61  }
0x23e: {  	v23 =	vmul.f32 $5.000000000e-01, v23;
	v49 =	vmax.f32 v34, $0.0e+00;
	vm6 =	vmand vm14, vm15  }
0x23f: {  	vm14 =	veq.f32 v14, v51;
	vm15 =	vlt.s32 v2, v61;
	vm8 =	vgt.f32 v32, v26  }
0x240: {  	v15 =	vld [tilespmem:$0x570];
	vm9 =	vgt.f32 v0, v23;
	v23 =	vmin.f32 v18, v11;
	v26 =	vmin.f32 v19, v55  }
0x241: {  	v0 =	vld [tilespmem:$0x6A0];
	vm3 =	vmand vm15, vm14;
	vm12 =	vmand vm10, vm8;
	vm13 =	vmand vm11, vm9  }
0x242: {  	v18 =	vld [tilespmem:$0x7F0];
	vm8 =	veq.f32 v14, v60;
	vm9 =	vlt.s32 v2, v63;
	vm0 =	vmor vm12, vm13  }
0x243: {  	v23 =	vsub.f32 v23, v36;
	vm12 =	vgt.f32 v14, v60;
	vm0 =	vmneg vm0  }
0x244: {  	vm2 =	vmand vm9, vm8;
	vm13 =	vgt.f32 v14, v51;
	vm0 =	vmand vm6, vm0  }
0x245: {  	vm1 =	vmor vm12, vm2;
	v23 =	vmax.f32 v23, $0.0e+00;
	vm0 =	vmand vm7, vm0  }
0x246: {  	v31 =	vsub.f32 v19, v0;
	v40 =	vmax.f32 v0, v58;
	v0 =	vmax.f32 v0, v5  }
0x247: {  	v3 =	vld [tilespmem:$0x1FD30];
	vm7 =	vmor vm13, vm3;
	v25 =	vsub.f32 v18, v15;
	v33 =	vmin.f32 v18, v57  }
0x248: {  	v47 =	vsub.f32 v39, v40;
	v0 =	vsub.f32 v26, v0;
	v2 =	vsel vm0, $0x3F800000, v43  }
0x249: {  	v35 =	vnsel vm0, $0xF149F2CA, v14;
	v40 =	vmax.f32 v15, v4;
	v48 =	vmul.f32 v31, v28  }
0x24a: {  	[tilespmem:$0x1FCB0] =	vst v2;
	v2 =	vsel vm1, $0x3F800000, v43;
	vm0 =	vgt.f32 v35, v29;
	vm1 =	vgt.f32 v35, v1  }
0x24b: {  	v19 =	vld [tilespmem:$0x930];
	v50 =	vmax.f32 v47, $0.0e+00;
	v0 =	vmax.f32 v0, $0.0e+00;
	v29 =	vsel vm0, v35, v29  }
0x24c: {  	v21 =	vsel vm0, v3, v21;
	v32 =	vmul.f32 v50, v49;
	v52 =	vadd.f32 v48, v45  }
0x24d: {  	[tilespmem:$0x1FB90] =	vst v2;
	v2 =	vld [tilespmem:$0x1FF20];
	v0 =	vmul.f32 v0, v23;
	v8 =	vadd.f32 v48, v62;
	v48 =	vmax.f32 v15, v56  }
0x24e: {  	v13 =	vld [tilespmem:$0xA60];
	v41 =	vsel vm1, v1, v29;
	v21 =	vsel vm1, v24, v21;
	v36 =	vsub.f32 v33, v48  }
0x24f: {  	v10 =	vld [tilespmem:$0xBB0];
	v1 =	vsel vm1, v35, v1;
	v9 =	vsub.f32 v52, v32;
	v23 =	vsub.f32 v8, v0  }
0x250: {  	v24 =	vsel vm1, v3, v24;
	v42 =	vmin.f32 v19, v59;
	v29 =	vmin.f32 v19, v55  }
0x251: {  	v52 =	vmax.f32 v36, $0.0e+00;
	v34 =	vmax.f32 v9, $9.999999710e-10;
	v23 =	vmax.f32 v23, $9.999999710e-10  }
0x252: {  	vm14 =	vne.s32 v2, v63;
	vm15 =	vne.s32 v2, v61;
	v14 =	vmul.f32 $5.000000000e-01, v34  }
0x253: {  	v23 =	vmul.f32 $5.000000000e-01, v23;
	v34 =	vsel vm7, $0x3F800000, v43;
	vm6 =	vmand vm14, vm15  }
0x254: {  	vm7 =	vgt.f32 v10, $5.000000000e-01;
	vm14 =	veq.f32 v13, v51;
	vm15 =	vlt.s32 v2, v61  }
0x255: {  	v15 =	vld [tilespmem:$0x580];
	vm3 =	vmand vm15, vm14;
	vm8 =	vgt.f32 v32, v14;
	vm9 =	vgt.f32 v0, v23  }
0x256: {  	v0 =	vld [tilespmem:$0x6B0];
	v23 =	vmin.f32 v18, v11;
	vm12 =	vmand vm10, vm8;
	vm13 =	vmand vm11, vm9  }
0x257: {  	v18 =	vld [tilespmem:$0x800];
	vm8 =	veq.f32 v13, v60;
	vm9 =	vlt.s32 v2, v63;
	v23 =	vsub.f32 v23, v40  }
0x258: {  	vm0 =	vmor vm12, vm13;
	vm12 =	vgt.f32 v13, v60;
	vm2 =	vmand vm9, vm8  }
0x259: {  	v14 =	vld [tilespmem:$0xBC0];
	vm13 =	vgt.f32 v13, v51;
	vm0 =	vmneg vm0;
	vm1 =	vmor vm12, vm2  }
0x25a: {  	v23 =	vmax.f32 v23, $0.0e+00;
	vm0 =	vmand vm6, vm0;
	v36 =	vsel vm1, $0x3F800000, v43  }
0x25b: {  	vm0 =	vmand vm7, vm0;
	v26 =	vsub.f32 v19, v0;
	v44 =	vmax.f32 v0, v58  }
0x25c: {  	v3 =	vld [tilespmem:$0x1FD40];
	v0 =	vmax.f32 v0, v5;
	vm7 =	vmor vm13, vm3;
	v28 =	vsub.f32 v18, v15  }
0x25d: {  	v49 =	vsub.f32 v42, v44;
	v0 =	vsub.f32 v29, v0;
	v2 =	vsel vm0, $0x3F800000, v43  }
0x25e: {  	v13 =	vnsel vm0, $0xF149F2CA, v13;
	v37 =	vsel vm7, $0x3F800000, v43;
	vm7 =	vgt.f32 v14, $5.000000000e-01  }
0x25f: {  	v31 =	vld [tilespmem:$0x950];
	v44 =	vmax.f32 v15, v4;
	v50 =	vmul.f32 v26, v25;
	vm0 =	vgt.f32 v13, v41  }
0x260: {  	v19 =	vld [tilespmem:$0x940];
	vm1 =	vgt.f32 v13, v1;
	v8 =	vmax.f32 v49, $0.0e+00;
	v0 =	vmax.f32 v0, $0.0e+00  }
0x261: {  	[tilespmem:$0x1FCC0] =	vst v2;
	v2 =	vld [tilespmem:$0x1FF30];
	v41 =	vsel vm0, v13, v41;
	v21 =	vsel vm0, v3, v21;
	v32 =	vmul.f32 v8, v52  }
0x262: {  	v9 =	vadd.f32 v50, v45;
	v0 =	vmul.f32 v0, v23;
	v10 =	vadd.f32 v50, v62  }
0x263: {  	v46 =	vsel vm1, v1, v41;
	v21 =	vsel vm1, v24, v21;
	v1 =	vsel vm1, v13, v1  }
0x264: {  	v42 =	vld [tilespmem:$0xA70];
	v24 =	vsel vm1, v3, v24;
	v52 =	vmin.f32 v18, v57;
	v8 =	vmax.f32 v15, v56  }
0x265: {  	v50 =	vmin.f32 v31, v59;
	v35 =	vsub.f32 v9, v32;
	v23 =	vsub.f32 v10, v0  }
0x266: {  	v47 =	vmin.f32 v19, v59;
	v40 =	vsub.f32 v52, v8;
	vm14 =	vne.s32 v2, v63  }
0x267: {  	vm15 =	vne.s32 v2, v61;
	v35 =	vmax.f32 v35, $9.999999710e-10;
	v23 =	vmax.f32 v23, $9.999999710e-10  }
0x268: {  	v13 =	vmax.f32 v40, $0.0e+00;
	v35 =	vmul.f32 $5.000000000e-01, v35;
	v23 =	vmul.f32 $5.000000000e-01, v23  }
0x269: {  	vm6 =	vmand vm14, vm15;
	vm14 =	veq.f32 v42, v51;
	vm15 =	vlt.s32 v2, v61  }
0x26a: {  	vm3 =	vmand vm15, vm14;
	vm8 =	vgt.f32 v32, v35;
	vm9 =	vgt.f32 v0, v23  }
0x26b: {  	v0 =	vld [tilespmem:$0x6C0];
	v23 =	vmin.f32 v18, v11;
	v32 =	vmin.f32 v19, v55;
	vm12 =	vmand vm10, vm8  }
0x26c: {  	vm13 =	vmand vm11, vm9;
	vm8 =	veq.f32 v42, v60;
	vm9 =	vlt.s32 v2, v63  }
0x26d: {  	v23 =	vsub.f32 v23, v44;
	vm0 =	vmor vm12, vm13;
	vm12 =	vgt.f32 v42, v60  }
0x26e: {  	vm2 =	vmand vm9, vm8;
	vm13 =	vgt.f32 v42, v51;
	vm0 =	vmneg vm0  }
0x26f: {  	vm1 =	vmor vm12, vm2;
	v23 =	vmax.f32 v23, $0.0e+00;
	vm0 =	vmand vm6, vm0  }
0x270: {  	v3 =	vld [tilespmem:$0x1FD50];
	v40 =	vsel vm1, $0x3F800000, v43;
	vm0 =	vmand vm7, vm0;
	v29 =	vsub.f32 v19, v0  }
0x271: {  	v30 =	vld [tilespmem:$0x810];
	v48 =	vmax.f32 v0, v58;
	v0 =	vmax.f32 v0, v5;
	vm7 =	vmor vm13, vm3  }
0x272: {  	v9 =	vsub.f32 v47, v48;
	v0 =	vsub.f32 v32, v0;
	v2 =	vsel vm0, $0x3F800000, v43  }
0x273: {  	v19 =	vld [tilespmem:$0xBD0];
	v42 =	vnsel vm0, $0xF149F2CA, v42;
	v41 =	vsel vm7, $0x3F800000, v43;
	v10 =	vmul.f32 v29, v28  }
0x274: {  	vm0 =	vgt.f32 v42, v46;
	vm1 =	vgt.f32 v42, v1;
	v29 =	vld [tilespmem:$0x590];
	v14 =	vmax.f32 v9, $0.0e+00  }
0x275: {  	[tilespmem:$0x1FCD0] =	vst v2;
	v2 =	vld [tilespmem:$0x1FF40];
	v0 =	vmax.f32 v0, $0.0e+00;
	v46 =	vsel vm0, v42, v46;
	v21 =	vsel vm0, v3, v21  }
0x276: {  	v9 =	vmin.f32 v30, v57;
	v35 =	vmul.f32 v14, v13;
	v15 =	vadd.f32 v10, v45  }
0x277: {  	v28 =	vld [tilespmem:$0xA80];
	v0 =	vmul.f32 v0, v23;
	v18 =	vadd.f32 v10, v62;
	v46 =	vsel vm1, v1, v46  }
0x278: {  	v21 =	vsel vm1, v24, v21;
	v1 =	vsel vm1, v42, v1;
	v24 =	vsel vm1, v3, v24  }
0x279: {  	vm7 =	vgt.f32 v19, $5.000000000e-01;
	v39 =	vsub.f32 v15, v35;
	v23 =	vsub.f32 v18, v0  }
0x27a: {  	v19 =	vld [tilespmem:$0x5A0];
	vm14 =	vne.s32 v2, v63;
	vm15 =	vne.s32 v2, v61;
	v52 =	vsub.f32 v30, v29  }
0x27b: {  	v15 =	vld [tilespmem:$0xBE0];
	v49 =	vmax.f32 v29, v56;
	v39 =	vmax.f32 v39, $9.999999710e-10;
	v23 =	vmax.f32 v23, $9.999999710e-10  }
0x27c: {  	vm6 =	vmand vm14, vm15;
	v44 =	vsub.f32 v9, v49;
	vm14 =	veq.f32 v28, v51  }
0x27d: {  	vm15 =	vlt.s32 v2, v61;
	v39 =	vmul.f32 $5.000000000e-01, v39;
	v23 =	vmul.f32 $5.000000000e-01, v23  }
0x27e: {  	v48 =	vmax.f32 v29, v4;
	vm3 =	vmand vm15, vm14;
	v13 =	vmax.f32 v44, $0.0e+00  }
0x27f: {  	v12 =	vmovc v4;
	vm8 =	vgt.f32 v35, v39;
	vm9 =	vgt.f32 v0, v23;
	v23 =	vmin.f32 v30, v11  }
0x280: {  	v35 =	vmin.f32 v31, v55;
	vm5 =	vgt.f32 v15, $5.000000000e-01;
	v15 =	vmax.f32 v19, v12  }
0x281: {  	v0 =	vld [tilespmem:$0x6D0];
	vm12 =	vmand vm10, vm8;
	vm13 =	vmand vm11, vm9;
	vm8 =	veq.f32 v28, v60  }
0x282: {  	vm9 =	vlt.s32 v2, v63;
	v23 =	vsub.f32 v23, v48;
	vm0 =	vmor vm12, vm13  }
0x283: {  	v48 =	vld [tilespmem:$0xA90];
	vm12 =	vgt.f32 v28, v60;
	vm2 =	vmand vm9, vm8;
	vm0 =	vmneg vm0  }
0x284: {  	v2 =	vld [tilespmem:$0x6E0];
	vm13 =	vgt.f32 v28, v51;
	vm1 =	vmor vm12, vm2;
	vm0 =	vmand vm6, vm0  }
0x285: {  	v23 =	vmax.f32 v23, $0.0e+00;
	v42 =	vsel vm1, $0x3F800000, v43;
	vm0 =	vmand vm7, vm0  }
0x286: {  	v3 =	vld [tilespmem:$0x1FD60];
	v8 =	vsub.f32 v31, v0;
	v25 =	vmax.f32 v0, v58;
	v0 =	vmax.f32 v0, v5  }
0x287: {  	vm7 =	vmor vm13, vm3;
	v25 =	vsub.f32 v50, v25;
	v0 =	vsub.f32 v35, v0  }
0x288: {  	v35 =	vsel vm0, $0x3F800000, v43;
	v47 =	vnsel vm0, $0xF149F2CA, v28;
	v32 =	vsel vm7, $0x3F800000, v43  }
0x289: {  	vm6 =	veq.f32 v48, v60;
	v4 =	vmax.f32 v2, v58;
	v10 =	vmul.f32 v8, v52  }
0x28a: {  	v28 =	vmovc v5;
	v5 =	vld [tilespmem:$0x1FF50];
	vm0 =	vgt.f32 v47, v46;
	vm1 =	vgt.f32 v47, v1;
	v25 =	vmax.f32 v25, $0.0e+00  }
0x28b: {  	v52 =	vld [tilespmem:$0x820];
	v0 =	vmax.f32 v0, $0.0e+00;
	v46 =	vsel vm0, v47, v46;
	v21 =	vsel vm0, v3, v21  }
0x28c: {  	v8 =	vld [tilespmem:$0x960];
	v25 =	vmul.f32 v25, v13;
	v14 =	vadd.f32 v10, v45;
	v23 =	vmul.f32 v0, v23  }
0x28d: {  	v6 =	vld [tilespmem:$0x1FF60];
	v0 =	vadd.f32 v10, v62;
	v46 =	vsel vm1, v1, v46;
	v21 =	vsel vm1, v24, v21  }
0x28e: {  	v38 =	vld [tilespmem:$0xAA0];
	v1 =	vsel vm1, v47, v1;
	v24 =	vsel vm1, v3, v24;
	v39 =	vsub.f32 v14, v25  }
0x28f: {  	v0 =	vsub.f32 v0, v23;
	vm14 =	vne.s32 v5, v63;
	vm15 =	vne.s32 v5, v61  }
0x290: {  	v14 =	vmax.f32 v19, v56;
	vm7 =	vlt.s32 v5, v63;
	vm4 =	vmand vm14, vm15  }
0x291: {  	v9 =	vsub.f32 v52, v19;
	v10 =	vsub.f32 v8, v2;
	v13 =	vmin.f32 v52, v57  }
0x292: {  	v3 =	vmin.f32 v8, v59;
	v2 =	vmax.f32 v2, v28;
	vm1 =	vmand vm7, vm6  }
0x293: {  	vm6 =	vlt.s32 v6, v63;
	vm7 =	veq.f32 v38, v51;
	v39 =	vmax.f32 v39, $9.999999710e-10  }
0x294: {  	v0 =	vmax.f32 v0, $9.999999710e-10;
	v47 =	vsub.f32 v13, v14;
	v3 =	vsub.f32 v3, v4  }
0x295: {  	v4 =	vmin.f32 v52, v11;
	v39 =	vmul.f32 $5.000000000e-01, v39;
	v18 =	vmul.f32 $5.000000000e-01, v0  }
0x296: {  	v4 =	vsub.f32 v4, v15;
	v0 =	vimm.s32 $0x0;
	v19 =	vmax.f32 v47, $0.0e+00  }
0x297: {  	v52 =	vld [tilespmem:$0x5B0];
	v3 =	vmax.f32 v3, $0.0e+00;
	vm8 =	vgt.f32 v25, v39;
	vm9 =	vgt.f32 v23, v18  }
0x298: {  	v25 =	vmin.f32 v8, v55;
	v18 =	vmul.f32 v10, v9;
	v3 =	vmul.f32 v3, v19  }
0x299: {  	v4 =	vmax.f32 v4, $0.0e+00;
	vm12 =	vmand vm10, vm8;
	vm13 =	vmand vm11, vm9  }
0x29a: {  	v2 =	vsub.f32 v25, v2;
	vm8 =	vgt.f32 v48, v60;
	vm9 =	vgt.f32 v48, v51  }
0x29b: {  	vm0 =	vmor vm12, vm13;
	v29 =	vadd.f32 v18, v45;
	vm1 =	vmor vm8, vm1  }
0x29c: {  	v31 =	vld [tilespmem:$0xBF0];
	vm12 =	veq.f32 v48, v51;
	vm13 =	vlt.s32 v5, v61;
	v15 =	vmax.f32 v52, v56  }
0x29d: {  	v9 =	vld [tilespmem:$0x970];
	vm0 =	vmneg vm0;
	v2 =	vmax.f32 v2, $0.0e+00;
	v0 =	vsel vm1, $0xFFFFFFFF, v0  }
0x29e: {  	vm2 =	vmand vm13, vm12;
	vm12 =	vne.s32 v6, v63;
	vm0 =	vmand vm4, vm0  }
0x29f: {  	v2 =	vmul.f32 v2, v4;
	v4 =	vadd.f32 v18, v62;
	v30 =	vsub.f32 v29, v3  }
0x2a0: {  	[tilespmem:$0x1FB30] =	vst v0;
	vm14 =	vmor vm9, vm2;
	v0 =	vimm.s32 $0x0;
	vm4 =	vgt.f32 v38, v60  }
0x2a1: {  	vm0 =	vmand vm5, vm0;
	v0 =	vsel vm14, $0xFFFFFFFF, v0;
	vm5 =	vne.s32 v6, v61  }
0x2a2: {  	vm14 =	vgt.f32 v31, $5.000000000e-01;
	v18 =	vmin.f32 v9, v59;
	v4 =	vsub.f32 v4, v2  }
0x2a3: {  	v5 =	vld [tilespmem:$0x1FD70];
	v39 =	vsel vm0, $0x3F800000, v43;
	v23 =	vmax.f32 v30, $9.999999710e-10;
	v33 =	vnsel vm0, $0xF149F2CA, v48  }
0x2a4: {  	[tilespmem:$0x1FB60] =	vst v0;
	vm13 =	vmand vm12, vm5;
	v0 =	vimm.s32 $0x0;
	v4 =	vmax.f32 v4, $9.999999710e-10  }
0x2a5: {  	vm5 =	veq.f32 v38, v60;
	v23 =	vmul.f32 $5.000000000e-01, v23;
	v4 =	vmul.f32 $5.000000000e-01, v4  }
0x2a6: {  	v48 =	vmax.f32 v52, v12;
	vm0 =	vgt.f32 v33, v1;
	vm15 =	vgt.f32 v33, v46  }
0x2a7: {  	v46 =	vsel vm15, v33, v46;
	vm8 =	vgt.f32 v3, v23;
	vm9 =	vgt.f32 v2, v4;
	v4 =	vld [tilespmem:$0x830]  }
0x2a8: {  	v21 =	vsel vm15, v5, v21;
	vm2 =	vmand vm10, vm8;
	v2 =	vld [tilespmem:$0x6F0];
	vm3 =	vmand vm11, vm9  }
0x2a9: {  	v3 =	vsel vm0, v1, v46;
	v21 =	vsel vm0, v24, v21;
	vm2 =	vmor vm2, vm3  }
0x2aa: {  	v1 =	vsel vm0, v33, v1;
	vm8 =	vlt.s32 v6, v61;
	v6 =	vld [tilespmem:$0x1FF70];
	vm2 =	vmneg vm2  }
0x2ab: {  	v24 =	vsel vm0, v5, v24;
	v23 =	vmin.f32 v9, v55;
	vm1 =	vmand vm13, vm2  }
0x2ac: {  	vm9 =	vgt.f32 v38, v51;
	vm15 =	vmand vm14, vm1;
	v10 =	vsub.f32 v4, v52  }
0x2ad: {  	v13 =	vsub.f32 v9, v2;
	v14 =	vmin.f32 v4, v57;
	v5 =	vmax.f32 v2, v58  }
0x2ae: {  	v4 =	vmin.f32 v4, v11;
	v2 =	vmax.f32 v2, v28;
	vm1 =	vmand vm6, vm5  }
0x2af: {  	vm6 =	vlt.s32 v6, v61;
	v46 =	vsub.f32 v14, v15;
	v5 =	vsub.f32 v18, v5  }
0x2b0: {  	v0 =	vsel vm15, $0xFFFFFFFF, v0;
	v4 =	vsub.f32 v4, v48;
	v2 =	vsub.f32 v23, v2  }
0x2b1: {  	vm0 =	vmor vm4, vm1;
	v31 =	vnsel vm15, $0xF149F2CA, v38;
	vm15 =	vne.s32 v6, v63  }
0x2b2: {  	v7 =	vld [tilespmem:$0x1FD80];
	[tilespmem:$0x1FBA0] =	vst v0;
	v19 =	vmul.f32 v13, v10;
	v0 =	vimm.s32 $0x0;
	vm12 =	vgt.f32 v31, v1  }
0x2b3: {  	vm3 =	vgt.f32 v31, v3;
	v29 =	vmax.f32 v46, $0.0e+00;
	v5 =	vmax.f32 v5, $0.0e+00  }
0x2b4: {  	v4 =	vmax.f32 v4, $0.0e+00;
	v2 =	vmax.f32 v2, $0.0e+00;
	v0 =	vsel vm0, $0xFFFFFFFF, v0  }
0x2b5: {  	vm0 =	vmand vm8, vm7;
	v2 =	vmul.f32 v2, v4;
	v4 =	vadd.f32 v19, v62  }
0x2b6: {  	v3 =	vsel vm3, v31, v3;
	v5 =	vmul.f32 v5, v29;
	v30 =	vadd.f32 v19, v45  }
0x2b7: {  	v52 =	vld [tilespmem:$0x5C0];
	v21 =	vsel vm3, v7, v21;
	vm8 =	vne.s32 v6, v61;
	v4 =	vsub.f32 v4, v2  }
0x2b8: {  	v38 =	vld [tilespmem:$0xAB0];
	v23 =	vsel vm12, v7, v24;
	vm0 =	vmor vm9, vm0;
	v25 =	vsub.f32 v30, v5  }
0x2b9: {  	[tilespmem:$0x1FBB0] =	vst v0;
	v0 =	vimm.s32 $0x0;
	v3 =	vsel vm12, v1, v3;
	v4 =	vmax.f32 v4, $9.999999710e-10  }
0x2ba: {  	v21 =	vsel vm12, v24, v21;
	v25 =	vmax.f32 v25, $9.999999710e-10;
	v4 =	vmul.f32 $5.000000000e-01, v4  }
0x2bb: {  	v33 =	vld [tilespmem:$0xC00];
	v1 =	vsel vm12, v31, v1;
	vm9 =	vmand vm15, vm8;
	v25 =	vmul.f32 $5.000000000e-01, v25  }
0x2bc: {  	v0 =	vsel vm0, $0xFFFFFFFF, v0;
	v14 =	vmax.f32 v52, v56;
	vm14 =	vgt.f32 v2, v4;
	v2 =	vld [tilespmem:$0x700]  }
0x2bd: {  	v47 =	vmax.f32 v52, v12;
	vm12 =	veq.f32 v38, v60;
	vm13 =	vgt.f32 v5, v25;
	v4 =	vld [tilespmem:$0x840]  }
0x2be: {  	vm15 =	vgt.f32 v38, v60;
	v5 =	vld [tilespmem:$0x980];
	vm0 =	vmand vm10, vm13;
	vm2 =	vmand vm11, vm14  }
0x2bf: {  	[tilespmem:$0x1FBC0] =	vst v0;
	v0 =	vimm.s32 $0x0;
	vm5 =	veq.f32 v38, v51;
	vm0 =	vmor vm0, vm2  }
0x2c0: {  	vm7 =	vgt.f32 v38, v51;
	vm13 =	vlt.s32 v6, v63;
	vm0 =	vmneg vm0  }
0x2c1: {  	vm14 =	vgt.f32 v33, $5.000000000e-01;
	vm1 =	vmand vm13, vm12;
	vm0 =	vmand vm9, vm0  }
0x2c2: {  	vm4 =	vmor vm15, vm1;
	vm3 =	vmand vm14, vm0;
	v9 =	vsub.f32 v4, v52  }
0x2c3: {  	v50 =	vld [tilespmem:$0xAC0];
	v10 =	vsub.f32 v5, v2;
	v13 =	vmin.f32 v4, v57;
	v15 =	vmin.f32 v5, v59  }
0x2c4: {  	v18 =	vmax.f32 v2, v58;
	v4 =	vmin.f32 v4, v11;
	v5 =	vmin.f32 v5, v55  }
0x2c5: {  	v2 =	vmax.f32 v2, v28;
	vm0 =	vmand vm6, vm5;
	v44 =	vsub.f32 v13, v14  }
0x2c6: {  	v7 =	vld [tilespmem:$0x1FD90];
	v0 =	vsel vm3, $0xFFFFFFFF, v0;
	v19 =	vsub.f32 v15, v18;
	v4 =	vsub.f32 v4, v47  }
0x2c7: {  	v2 =	vsub.f32 v5, v2;
	v33 =	vnsel vm3, $0xF149F2CA, v38;
	vm0 =	vmor vm7, vm0  }
0x2c8: {  	v52 =	vld [tilespmem:$0x850];
	vm7 =	veq.f32 v50, v60;
	[tilespmem:$0x1FBD0] =	vst v0;
	v0 =	vimm.s32 $0x0;
	v5 =	vmul.f32 v10, v9  }
0x2c9: {  	v38 =	vld [tilespmem:$0x710];
	vm8 =	vgt.f32 v33, v3;
	vm9 =	vgt.f32 v33, v1;
	v0 =	vsel vm4, $0xFFFFFFFF, v0  }
0x2ca: {  	v14 =	vld [tilespmem:$0x1FF80];
	v29 =	vmax.f32 v44, $0.0e+00;
	v30 =	vmax.f32 v19, $0.0e+00;
	v4 =	vmax.f32 v4, $0.0e+00  }
0x2cb: {  	v18 =	vld [tilespmem:$0x5F0];
	v2 =	vmax.f32 v2, $0.0e+00;
	v3 =	vsel vm8, v33, v3;
	v21 =	vsel vm8, v7, v21  }
0x2cc: {  	v9 =	vld [tilespmem:$0xC10];
	v48 =	vsel vm9, v33, v1;
	v24 =	vmul.f32 v30, v29;
	v31 =	vadd.f32 v5, v45  }
0x2cd: {  	v10 =	vld [tilespmem:$0x860];
	[tilespmem:$0x1FBE0] =	vst v0;
	v2 =	vmul.f32 v2, v4;
	v4 =	vadd.f32 v5, v62;
	v0 =	vimm.s32 $0x0  }
0x2ce: {  	v19 =	vld [tilespmem:$0x730];
	v47 =	vsel vm9, v1, v3;
	v46 =	vsel vm9, v23, v21;
	v21 =	vsel vm9, v7, v23  }
0x2cf: {  	v5 =	vld [tilespmem:$0x5D0];
	vm9 =	vgt.f32 v50, v60;
	v0 =	vsel vm0, $0xFFFFFFFF, v0;
	v25 =	vsub.f32 v31, v24  }
0x2d0: {  	v30 =	vld [tilespmem:$0x870];
	v4 =	vsub.f32 v4, v2;
	v8 =	vmax.f32 v38, v28;
	vm14 =	vne.s32 v14, v63  }
0x2d1: {  	v29 =	vld [tilespmem:$0x1FF90];
	[tilespmem:$0x1FBF0] =	vst v0;
	vm15 =	vne.s32 v14, v61;
	v0 =	vimm.s32 $0x0;
	vm8 =	vlt.s32 v14, v63  }
0x2d2: {  	v6 =	vld [tilespmem:$0x990];
	v7 =	vmax.f32 v18, v56;
	vm5 =	vmand vm14, vm15;
	vm6 =	vgt.f32 v9, $5.000000000e-01  }
0x2d3: {  	v13 =	vld [tilespmem:$0x9A0];
	v23 =	vmin.f32 v10, v11;
	v3 =	vmax.f32 v25, $9.999999710e-10;
	v4 =	vmax.f32 v4, $9.999999710e-10  }
0x2d4: {  	v25 =	vmax.f32 v18, v12;
	v44 =	vmax.f32 v19, v28;
	v3 =	vmul.f32 $5.000000000e-01, v3  }
0x2d5: {  	v4 =	vmul.f32 $5.000000000e-01, v4;
	v1 =	vsub.f32 v52, v5;
	v33 =	vmin.f32 v30, v57  }
0x2d6: {  	vm14 =	vne.s32 v29, v61;
	v7 =	vsub.f32 v33, v7;
	vm12 =	vgt.f32 v24, v3  }
0x2d7: {  	vm13 =	vgt.f32 v2, v4;
	v2 =	vsub.f32 v6, v38;
	v3 =	vmin.f32 v52, v57  }
0x2d8: {  	v4 =	vmax.f32 v5, v56;
	v5 =	vmax.f32 v5, v12;
	v24 =	vmin.f32 v13, v55  }
0x2d9: {  	vm0 =	vmand vm10, vm12;
	vm1 =	vmand vm11, vm13;
	v3 =	vsub.f32 v3, v4  }
0x2da: {  	v4 =	vmax.f32 v38, v58;
	vm13 =	vne.s32 v29, v63;
	v38 =	vmax.f32 v19, v58  }
0x2db: {  	v7 =	vmax.f32 v7, $0.0e+00;
	v1 =	vmul.f32 v2, v1;
	v2 =	vmin.f32 v6, v59  }
0x2dc: {  	v6 =	vmin.f32 v6, v55;
	vm0 =	vmor vm0, vm1;
	v2 =	vsub.f32 v2, v4  }
0x2dd: {  	v3 =	vmax.f32 v3, $0.0e+00;
	v4 =	vmin.f32 v52, v11;
	vm0 =	vmneg vm0  }
0x2de: {  	v4 =	vsub.f32 v4, v5;
	v5 =	vsub.f32 v6, v8;
	v2 =	vmax.f32 v2, $0.0e+00  }
0x2df: {  	v27 =	vld [tilespmem:$0x1FFA0];
	vm1 =	vmand vm8, vm7;
	vm0 =	vmand vm5, vm0;
	v2 =	vmul.f32 v2, v3  }
0x2e0: {  	v52 =	vld [tilespmem:$0x740];
	v3 =	vadd.f32 v1, v45;
	v4 =	vmax.f32 v4, $0.0e+00;
	v5 =	vmax.f32 v5, $0.0e+00  }
0x2e1: {  	v6 =	vld [tilespmem:$0x720];
	vm6 =	vmand vm6, vm0;
	v1 =	vadd.f32 v1, v62;
	v4 =	vmul.f32 v5, v4  }
0x2e2: {  	vm2 =	vmand vm13, vm14;
	v0 =	vsel vm6, $0xFFFFFFFF, v0;
	v3 =	vsub.f32 v3, v2  }
0x2e3: {  	vm0 =	vmor vm9, vm1;
	[tilespmem:$0x1FC10] =	vst v0;
	v0 =	vimm.s32 $0x0;
	v1 =	vsub.f32 v1, v4  }
0x2e4: {  	vm14 =	vne.s32 v27, v63;
	v5 =	vld [tilespmem:$0x5E0];
	v0 =	vsel vm0, $0xFFFFFFFF, v0;
	v3 =	vmax.f32 v3, $9.999999710e-10  }
0x2e5: {  	v31 =	vld [tilespmem:$0x9B0];
	v9 =	vmax.f32 v52, v58;
	v3 =	vmul.f32 $5.000000000e-01, v3;
	v1 =	vmax.f32 v1, $9.999999710e-10  }
0x2e6: {  	v26 =	vmax.f32 v52, v28;
	v15 =	vmax.f32 v6, v58;
	v1 =	vmul.f32 $5.000000000e-01, v1  }
0x2e7: {  	[tilespmem:$0x1FC00] =	vst v0;
	v0 =	vimm.s32 $0x0;
	vm12 =	vgt.f32 v2, v3;
	v2 =	vsub.f32 v13, v6  }
0x2e8: {  	v3 =	vmin.f32 v10, v57;
	v6 =	vmax.f32 v6, v28;
	vm15 =	vgt.f32 v4, v1  }
0x2e9: {  	v1 =	vsub.f32 v10, v5;
	v4 =	vmax.f32 v5, v56;
	vm3 =	vmand vm10, vm12  }
0x2ea: {  	v5 =	vmax.f32 v5, v12;
	v6 =	vsub.f32 v24, v6;
	v24 =	vmin.f32 v31, v55  }
0x2eb: {  	vm4 =	vmand vm11, vm15;
	v3 =	vsub.f32 v3, v4;
	v5 =	vsub.f32 v23, v5  }
0x2ec: {  	v23 =	vmin.f32 v30, v11;
	v1 =	vmul.f32 v2, v1;
	v2 =	vmin.f32 v13, v59  }
0x2ed: {  	v4 =	vld [tilespmem:$0xC20];
	v24 =	vsub.f32 v24, v44;
	vm15 =	vne.s32 v27, v61;
	v2 =	vsub.f32 v2, v15  }
0x2ee: {  	vm3 =	vmor vm3, vm4;
	v6 =	vmax.f32 v6, $0.0e+00;
	v23 =	vsub.f32 v23, v25  }
0x2ef: {  	v3 =	vmax.f32 v3, $0.0e+00;
	vm3 =	vmneg vm3;
	v2 =	vmax.f32 v2, $0.0e+00  }
0x2f0: {  	v5 =	vmax.f32 v5, $0.0e+00;
	v2 =	vmul.f32 v2, v3;
	v3 =	vadd.f32 v1, v45  }
0x2f1: {  	v10 =	vld [tilespmem:$0xC30];
	v5 =	vmul.f32 v6, v5;
	v6 =	vsub.f32 v31, v19;
	v1 =	vadd.f32 v1, v62  }
0x2f2: {  	vm9 =	vgt.f32 v4, $5.000000000e-01;
	v4 =	vsub.f32 v30, v18;
	v3 =	vsub.f32 v3, v2  }
0x2f3: {  	v49 =	vmax.f32 v24, $0.0e+00;
	vm8 =	vmand vm2, vm3;
	v1 =	vsub.f32 v1, v5  }
0x2f4: {  	v4 =	vmul.f32 v6, v4;
	v6 =	vmin.f32 v31, v59;
	v3 =	vmax.f32 v3, $9.999999710e-10  }
0x2f5: {  	vm7 =	vmand vm9, vm8;
	v6 =	vsub.f32 v6, v38;
	v3 =	vmul.f32 $5.000000000e-01, v3  }
0x2f6: {  	v33 =	vld [tilespmem:$0x750];
	vm9 =	vmand vm14, vm15;
	vm15 =	vgt.f32 v10, $5.000000000e-01;
	v1 =	vmax.f32 v1, $9.999999710e-10  }
0x2f7: {  	v38 =	vld [tilespmem:$0x9D0];
	v6 =	vmax.f32 v6, $0.0e+00;
	v1 =	vmul.f32 $5.000000000e-01, v1;
	vm12 =	vgt.f32 v2, v3  }
0x2f8: {  	v2 =	vmul.f32 v6, v7;
	v3 =	vld [tilespmem:$0x600];
	v6 =	vadd.f32 v4, v45;
	v7 =	vmax.f32 v23, $0.0e+00  }
0x2f9: {  	vm13 =	vgt.f32 v5, v1;
	v4 =	vadd.f32 v4, v62;
	v5 =	vld [tilespmem:$0x880];
	v1 =	vmul.f32 v49, v7  }
0x2fa: {  	v0 =	vsel vm7, $0xFFFFFFFF, v0;
	vm2 =	vmand vm10, vm12;
	vm3 =	vmand vm11, vm13  }
0x2fb: {  	v7 =	vld [tilespmem:$0x9C0];
	v6 =	vsub.f32 v6, v2;
	vm12 =	vmor vm2, vm3;
	v4 =	vsub.f32 v4, v1  }
0x2fc: {  	[tilespmem:$0x1FC20] =	vst v0;
	v0 =	vimm.s32 $0x0;
	v49 =	vsub.f32 v38, v33;
	vm1 =	vmneg vm12  }
0x2fd: {  	v6 =	vmax.f32 v6, $9.999999710e-10;
	vm0 =	vmand vm9, vm1;
	v4 =	vmax.f32 v4, $9.999999710e-10  }
0x2fe: {  	v6 =	vmul.f32 $5.000000000e-01, v6;
	v13 =	vsub.f32 v5, v3;
	v18 =	vmin.f32 v5, v57  }
0x2ff: {  	v19 =	vmax.f32 v3, v56;
	v5 =	vmin.f32 v5, v11;
	v3 =	vmax.f32 v3, v12  }
0x300: {  	vm5 =	vmand vm15, vm0;
	v4 =	vmul.f32 $5.000000000e-01, v4;
	v15 =	vsub.f32 v7, v52  }
0x301: {  	v8 =	vmin.f32 v7, v59;
	v7 =	vmin.f32 v7, v55;
	v3 =	vsub.f32 v5, v3  }
0x302: {  	v0 =	vsel vm5, $0xFFFFFFFF, v0;
	vm13 =	vgt.f32 v2, v6;
	v2 =	vsub.f32 v18, v19  }
0x303: {  	v6 =	vsub.f32 v8, v9;
	v5 =	vsub.f32 v7, v26;
	v18 =	vmax.f32 v33, v58  }
0x304: {  	[tilespmem:$0x1FC30] =	vst v0;
	v8 =	vmin.f32 v38, v55;
	v9 =	vmax.f32 v33, v28;
	v0 =	vimm.s32 $0x0  }
0x305: {  	v26 =	vld [tilespmem:$0x1FFB0];
	vm1 =	vmand vm10, vm13;
	vm14 =	vgt.f32 v1, v4;
	v1 =	vmul.f32 v15, v13  }
0x306: {  	v7 =	vld [tilespmem:$0x890];
	v3 =	vmax.f32 v3, $0.0e+00;
	v15 =	vmin.f32 v38, v59;
	vm2 =	vmand vm11, vm14  }
0x307: {  	v38 =	vld [tilespmem:$0x1FFC0];
	v2 =	vmax.f32 v2, $0.0e+00;
	v4 =	vmax.f32 v6, $0.0e+00;
	v5 =	vmax.f32 v5, $0.0e+00  }
0x308: {  	v6 =	vld [tilespmem:$0x610];
	v19 =	vsub.f32 v15, v18;
	v2 =	vmul.f32 v4, v2;
	v4 =	vadd.f32 v1, v45  }
0x309: {  	vm4 =	vmor vm1, vm2;
	v3 =	vmul.f32 v5, v3;
	v1 =	vadd.f32 v1, v62  }
0x30a: {  	vm0 =	vmneg vm4;
	v25 =	vmax.f32 v19, $0.0e+00;
	vm8 =	vne.s32 v26, v63  }
0x30b: {  	v4 =	vsub.f32 v4, v2;
	vm9 =	vne.s32 v26, v61;
	v1 =	vsub.f32 v1, v3  }
0x30c: {  	v52 =	vmin.f32 v7, v57;
	vm1 =	vmand vm8, vm9;
	vm4 =	vne.s32 v38, v63  }
0x30d: {  	vm8 =	vne.s32 v38, v61;
	v4 =	vmax.f32 v4, $9.999999710e-10;
	v5 =	vsub.f32 v7, v6  }
0x30e: {  	v13 =	vmax.f32 v6, v56;
	v1 =	vmax.f32 v1, $9.999999710e-10;
	v7 =	vmin.f32 v7, v11  }
0x30f: {  	v6 =	vmax.f32 v6, v12;
	v4 =	vmul.f32 $5.000000000e-01, v4;
	v23 =	vsub.f32 v52, v13  }
0x310: {  	v1 =	vmul.f32 $5.000000000e-01, v1;
	v6 =	vsub.f32 v7, v6;
	v7 =	vsub.f32 v8, v9;
	v8 =	vld [tilespmem:$0x620]  }
0x311: {  	vm0 =	vmand vm1, vm0;
	v9 =	vld [tilespmem:$0x8A0];
	vm12 =	vgt.f32 v2, v4;
	v2 =	vmul.f32 v49, v5  }
0x312: {  	v44 =	vld [tilespmem:$0x630];
	v5 =	vmax.f32 v23, $0.0e+00;
	vm13 =	vgt.f32 v3, v1;
	v6 =	vmax.f32 v6, $0.0e+00  }
0x313: {  	v4 =	vld [tilespmem:$0xC40];
	v7 =	vmax.f32 v7, $0.0e+00;
	vm1 =	vmand vm10, vm12;
	vm2 =	vmand vm11, vm13  }
0x314: {  	v3 =	vld [tilespmem:$0x760];
	v1 =	vmul.f32 v25, v5;
	v6 =	vmul.f32 v7, v6;
	v5 =	vadd.f32 v2, v45  }
0x315: {  	v23 =	vld [tilespmem:$0xAE0];
	v2 =	vadd.f32 v2, v62;
	vm15 =	vmor vm1, vm2;
	vm1 =	vmand vm4, vm8  }
0x316: {  	v7 =	vld [tilespmem:$0x9E0];
	v10 =	vsub.f32 v9, v8;
	v52 =	vmin.f32 v9, v57;
	v13 =	vmax.f32 v8, v56  }
0x317: {  	v9 =	vmin.f32 v9, v11;
	v8 =	vmax.f32 v8, v12;
	v2 =	vsub.f32 v2, v6  }
0x318: {  	v24 =	vsub.f32 v52, v13;
	v8 =	vsub.f32 v9, v8;
	v52 =	vmax.f32 v44, v56  }
0x319: {  	vm14 =	vgt.f32 v4, $5.000000000e-01;
	v4 =	vsub.f32 v5, v1;
	v18 =	vmax.f32 v3, v58  }
0x31a: {  	v25 =	vnsel vm5, $0xF149F2CA, v23;
	vm12 =	vmand vm14, vm0;
	vm0 =	vmneg vm15  }
0x31b: {  	v5 =	vld [tilespmem:$0xC50];
	v2 =	vmax.f32 v2, $9.999999710e-10;
	v33 =	vsub.f32 v7, v3;
	v15 =	vmin.f32 v7, v59  }
0x31c: {  	v24 =	vmax.f32 v24, $0.0e+00;
	v7 =	vmin.f32 v7, v55;
	v3 =	vmax.f32 v3, v28  }
0x31d: {  	v0 =	vsel vm12, $0xFFFFFFFF, v0;
	v4 =	vmax.f32 v4, $9.999999710e-10;
	vm0 =	vmand vm1, vm0  }
0x31e: {  	v19 =	vsub.f32 v15, v18;
	v2 =	vmul.f32 $5.000000000e-01, v2;
	v3 =	vsub.f32 v7, v3  }
0x31f: {  	v7 =	vmax.f32 v8, $0.0e+00;
	v18 =	vld [tilespmem:$0x1FFD0];
	[tilespmem:$0x1FC40] =	vst v0;
	v4 =	vmul.f32 $5.000000000e-01, v4;
	v0 =	vimm.s32 $0x0  }
0x320: {  	v3 =	vmax.f32 v3, $0.0e+00;
	vm14 =	vgt.f32 v6, v2;
	vm9 =	vgt.f32 v5, $5.000000000e-01  }
0x321: {  	v5 =	vmul.f32 v33, v10;
	v33 =	vmax.f32 v19, $0.0e+00;
	vm13 =	vgt.f32 v1, v4  }
0x322: {  	v6 =	vld [tilespmem:$0x8B0];
	vm1 =	vmand vm11, vm14;
	v3 =	vmul.f32 v3, v7;
	vm8 =	vmand vm9, vm0  }
0x323: {  	v19 =	vld [tilespmem:$0x1FFE0];
	vm0 =	vmand vm10, vm13;
	v1 =	vmul.f32 v33, v24;
	v4 =	vadd.f32 v5, v45  }
0x324: {  	v7 =	vld [tilespmem:$0x9F0];
	v33 =	vnsel vm6, $0xF149F2CA, v50;
	v5 =	vadd.f32 v5, v62;
	vm15 =	vne.s32 v18, v63  }
0x325: {  	vm9 =	vne.s32 v18, v61;
	vm0 =	vmor vm0, vm1;
	v2 =	vsub.f32 v4, v1;
	v4 =	vld [tilespmem:$0x770]  }
0x326: {  	v0 =	vsel vm8, $0xFFFFFFFF, v0;
	vm2 =	vmand vm15, vm9;
	vm0 =	vmneg vm0  }
0x327: {  	v5 =	vsub.f32 v5, v3;
	vm4 =	vmand vm2, vm0;
	v2 =	vmax.f32 v2, $9.999999710e-10  }
0x328: {  	v49 =	vmin.f32 v6, v57;
	vm13 =	vne.s32 v19, v63;
	v2 =	vmul.f32 $5.000000000e-01, v2  }
0x329: {  	vm14 =	vne.s32 v19, v61;
	v13 =	vmin.f32 v7, v59;
	v5 =	vmax.f32 v5, $9.999999710e-10  }
0x32a: {  	vm9 =	vgt.f32 v1, v2;
	v1 =	vmul.f32 $5.000000000e-01, v5;
	v5 =	vsub.f32 v7, v4  }
0x32b: {  	v15 =	vmax.f32 v4, v58;
	v7 =	vmin.f32 v7, v55;
	v4 =	vmax.f32 v4, v28  }
0x32c: {  	vm15 =	vmand vm13, vm14;
	v2 =	vsub.f32 v6, v44;
	v4 =	vsub.f32 v7, v4  }
0x32d: {  	v24 =	vld [tilespmem:$0xAD0];
	vm13 =	vgt.f32 v3, v1;
	v1 =	vsub.f32 v49, v52;
	v3 =	vsub.f32 v13, v15  }
0x32e: {  	v2 =	vmul.f32 v5, v2;
	v5 =	vmin.f32 v6, v11;
	v6 =	vmax.f32 v44, v12  }
0x32f: {  	vm0 =	vmand vm10, vm9;
	vm9 =	vgt.f32 v33, v48;
	v52 =	vld [tilespmem:$0xC70];
	v5 =	vsub.f32 v5, v6  }
0x330: {  	v4 =	vmax.f32 v4, $0.0e+00;
	v1 =	vmax.f32 v1, $0.0e+00;
	v3 =	vmax.f32 v3, $0.0e+00  }
0x331: {  	v3 =	vmul.f32 v3, v1;
	v1 =	vadd.f32 v2, v45;
	v5 =	vmax.f32 v5, $0.0e+00  }
0x332: {  	v7 =	vnsel vm7, $0xF149F2CA, v24;
	v49 =	vld [tilespmem:$0xC60];
	v2 =	vadd.f32 v2, v62;
	v4 =	vmul.f32 v4, v5  }
0x333: {  	v44 =	vld [tilespmem:$0xAF0];
	vm1 =	vmand vm11, vm13;
	v6 =	vsel vm9, v33, v48;
	v45 =	vsub.f32 v1, v3  }
0x334: {  	vm1 =	vmor vm0, vm1;
	vm0 =	vgt.f32 v52, $5.000000000e-01;
	v52 =	vld [tilespmem:$0x1FFF0];
	v2 =	vsub.f32 v2, v4  }
0x335: {  	vm2 =	vgt.f32 v7, v6;
	vm14 =	vmneg vm1;
	v1 =	vld [tilespmem:$0xB00];
	v45 =	vmax.f32 v45, $9.999999710e-10  }
0x336: {  	v5 =	vsel vm2, v7, v6;
	v45 =	vmul.f32 $5.000000000e-01, v45;
	v2 =	vmax.f32 v2, $9.999999710e-10  }
0x337: {  	vm3 =	vmand vm15, vm14;
	vm15 =	vgt.f32 v49, $5.000000000e-01;
	v2 =	vmul.f32 $5.000000000e-01, v2  }
0x338: {  	v31 =	vmovc v12;
	v12 =	vnsel vm12, $0xF149F2CA, v44;
	vm12 =	vmand vm15, vm4;
	vm15 =	vgt.f32 v3, v45;
	v3 =	vld [tilespmem:$0xC80]  }
0x339: {  	vm13 =	vmand vm0, vm3;
	vm0 =	vne.s32 v52, v63;
	vm14 =	vgt.f32 v4, v2  }
0x33a: {  	v15 =	vld [tilespmem:$0x1FDA0];
	v2 =	vnsel vm8, $0xF149F2CA, v1;
	vm15 =	vmand vm10, vm15;
	vm5 =	vmand vm11, vm14  }
0x33b: {  	vm8 =	vgt.f32 v33, v47;
	vm14 =	vne.s32 v52, v61;
	vm5 =	vmor vm15, vm5  }
0x33c: {  	v62 =	vld [tilespmem:$0xB20];
	v9 =	vsel vm8, v33, v47;
	vm7 =	vmand vm0, vm14;
	vm5 =	vmneg vm5  }
0x33d: {  	v49 =	vld [tilespmem:$0xB10];
	vm15 =	vmand vm7, vm5;
	vm0 =	vgt.f32 v3, $5.000000000e-01;
	v3 =	vsel vm9, v48, v9  }
0x33e: {  	vm1 =	vgt.f32 v25, v5;
	v33 =	vld [tilespmem:$0x1FDB0];
	vm14 =	vmand vm0, vm15;
	vm0 =	vgt.f32 v7, v3  }
0x33f: {  	v30 =	vmovc v11;
	v11 =	vsel vm1, v25, v5;
	v46 =	vsel vm8, v15, v46;
	v3 =	vsel vm0, v7, v3  }
0x340: {  	vm4 =	vgt.f32 v12, v11;
	v3 =	vsel vm2, v6, v3;
	v6 =	vsel vm9, v21, v46;
	v46 =	vld [tilespmem:$0x1FDC0]  }
0x341: {  	v8 =	vsel vm4, v12, v11  }
0x342: {  	v13 =	vnsel vm13, $0xF149F2CA, v62;
	v10 =	vnsel vm12, $0xF149F2CA, v49;
	vm3 =	vgt.f32 v2, v8  }
0x343: {  	v21 =	vsel vm9, v15, v21;
	v6 =	vsel vm0, v33, v6;
	vm9 =	vgt.f32 v25, v3  }
0x344: {  	[tilespmem:$0x1FC90] =	vst v0;
	v0 =	vld [tilespmem:$0x1FB30];
	v4 =	vsel vm3, v2, v8;
	v6 =	vsel vm2, v21, v6;
	v3 =	vsel vm9, v25, v3  }
0x345: {  	v45 =	vld [tilespmem:$0xB30];
	v21 =	vsel vm2, v33, v21;
	v3 =	vsel vm1, v5, v3;
	v6 =	vsel vm9, v46, v6  }
0x346: {  	v5 =	vsel vm1, v21, v6;
	v6 =	vsel vm1, v46, v21;
	v21 =	vadd.f32 v20, v17;
	v20 =	vld [tilespmem:$0x1FDD0]  }
0x347: {  	vm8 =	veq.f32 v50, v51;
	vm5 =	vgt.f32 v10, v4;
	vm15 =	vlt.s32 v14, v61  }
0x348: {  	v47 =	vsel vm5, v10, v4;
	vm8 =	vmand vm15, vm8;
	vm9 =	vgt.f32 v12, v3  }
0x349: {  	vm15 =	vnez.u8 v0;
	v0 =	vld [tilespmem:$0x1FDE0];
	v33 =	vadd.f32 v53, v16;
	v3 =	vsel vm9, v12, v3  }
0x34a: {  	vm6 =	vgt.f32 v13, v47;
	v48 =	vnsel vm14, $0xF149F2CA, v45;
	v3 =	vsel vm4, v11, v3  }
0x34b: {  	v15 =	vadd.f32 v22, v33;
	v33 =	vld [tilespmem:$0x1FB40];
	vm0 =	vgt.f32 v2, v3;
	v5 =	vsel vm9, v20, v5  }
0x34c: {  	v9 =	vsel vm6, v13, v47;
	v2 =	vsel vm0, v2, v3;
	v3 =	vsel vm4, v6, v5;
	v5 =	vld [tilespmem:$0x1FB50]  }
0x34d: {  	vm7 =	vgt.f32 v48, v9;
	v12 =	vsel vm4, v20, v6  }
0x34e: {  	v7 =	vsel vm7, v48, v9;
	v14 =	vsel vm3, v0, v12;
	v3 =	vsel vm0, v0, v3;
	v0 =	vld [tilespmem:$0x1FB80]  }
0x34f: {  	(xrf0) =	vmax.scan.msk.f32 $0xffff, v7;
	v16 =	vadd.f32 v54, v21;
	_ =	sdelay $0x1  }
0x350: {  	v16 =	vadd.f32 v33, v16;
	v33 =	vld [tilespmem:$0x1FB70];
	v5 =	vadd.f32 v5, v15;
	_ =	sdelay $0x1  }
0x351: {  	v5 =	vadd.f32 v0, v5;
	v0 =	vld [tilespmem:$0x1FB90];
	_ =	sdelay $0x1  }
0x352: {  	v53, _, _ =	vpop (xrf0);
	v20 =	vld [tilespmem:$0x1FDF0]  }
0x353: {  	v21 =	vbroadcast v53, $0xF;
	v53 =	vld [tilespmem:$0x1FE00];
	v2 =	vsel vm3, v8, v2;
	v8 =	vadd.f32 v33, v16  }
0x354: {  	v54 =	vld [tilespmem:$0x1FE10]  }
0x355: {  	v8 =	vadd.f32 v0, v8;
	v0 =	vld [tilespmem:$0x1FBA0];
	_ =	sdelay $0x1  }
0x356: {  	v17 =	vsel vm5, v20, v14  }
0x357: {  	v11 =	vsel vm6, v53, v17  }
0x358: {  	v25 =	vsel vm15, $0x3F800000, v43;
	vm15 =	veq.f32 v7, v21;
	v6 =	vld [tilespmem:$0x1FB60];
	v46 =	vsel vm7, v54, v11  }
0x359: {  	v22 =	vnsel vm15, $0x4E6E6B28, v46;
	vm15 =	vnez.u8 v0;
	v0 =	vld [tilespmem:$0x1FBB0];
	_ =	sdelay $0x2  }
0x35a: {  	vm4 =	vgt.f32 v10, v2  }
0x35b: {  	v2 =	vsel vm4, v10, v2;
	vm9 =	vnez.u8 v6;
	(xrf0) =	vmin.scan.msk.f32 $0xffff, v22  }
0x35c: {  	v2 =	vsel vm5, v4, v2;
	v6 =	vsel vm9, $0x3F800000, v43;
	vm9 =	vnez.u8 v0;
	v0 =	vld [tilespmem:$0x1FBC0]  }
0x35d: {  	v3 =	vsel vm3, v12, v3;
	vm0 =	vgt.f32 v13, v2  }
0x35e: {  	v2 =	vsel vm0, v13, v2;
	v3 =	vsel vm4, v20, v3  }
0x35f: {  	v2 =	vsel vm6, v47, v2;
	v3 =	vsel vm5, v14, v3  }
0x360: {  	vm1 =	vgt.f32 v48, v2;
	v4 =	vadd.f32 v34, v5;
	v8 =	vadd.f32 v36, v8  }
0x361: {  	v2 =	vsel vm1, v48, v2;
	v47, _, _ =	vpop (xrf0);
	v15 =	vsel vm15, $0x3F800000, v43;
	vm15 =	vnez.u8 v0;
	v0 =	vld [tilespmem:$0x1FBD0]  }
0x362: {  	v4 =	vadd.f32 v37, v4;
	v22 =	vbroadcast v47, $0xF;
	v8 =	vadd.f32 v40, v8  }
0x363: {  	v3 =	vsel vm0, v53, v3;
	v2 =	vsel vm7, v9, v2  }
0x364: {  	v4 =	vadd.f32 v41, v4;
	vm2 =	veq.f32 v46, v22;
	v8 =	vadd.f32 v42, v8  }
0x365: {  	v3 =	vsel vm6, v17, v3;
	v2 =	vsel vm2, v2, v7;
	v5 =	vsel vm9, $0x3F800000, v43  }
0x366: {  	v7 =	vld [tilespmem:$0x1FBE0];
	vm9 =	vnez.u8 v0;
	v0 =	vadd.f32 v32, v4;
	v4 =	vadd.f32 v25, v8  }
0x367: {  	v33 =	vld [tilespmem:$0x1FBF0];
	v3 =	vsel vm1, v54, v3  }
0x368: {  	v3 =	vsel vm7, v11, v3;
	v4 =	vadd.f32 v5, v4;
	v5 =	vld [tilespmem:$0x1FC00]  }
0x369: {  	(xrf0) =	vmax.scan.msk.f32 $0xffff, v2;
	v36 =	vsel vm15, $0x3F800000, v43;
	vm15 =	vgt.f32 v50, v51;
	v0 =	vadd.f32 v6, v0  }
0x36a: {  	vm4 =	veq.f32 v24, v60;
	v3 =	vsel vm2, v3, v46;
	vm3 =	vmor vm15, vm8  }
0x36b: {  	vm8 =	vnez.u8 v7;
	vm15 =	vlt.s32 v29, v63;
	v0 =	vadd.f32 v36, v0  }
0x36c: {  	v7 =	vsel vm8, $0x3F800000, v43;
	vm4 =	vmand vm15, vm4;
	v16 =	vsel vm9, $0x3F800000, v43  }
0x36d: {  	vm9 =	vnez.u8 v33;
	v4 =	vadd.f32 v7, v4;
	vm8 =	vnez.u8 v5  }
0x36e: {  	v8 =	vsel vm9, $0x3F800000, v43;
	vm9 =	vgt.f32 v24, v60;
	v5 =	vsel vm8, $0x3F800000, v43  }
0x36f: {  	vm15 =	vmor vm9, vm4;
	v7 =	vadd.f32 v8, v0;
	v0, _, _ =	vpop (xrf0);
	v4 =	vadd.f32 v5, v4  }
0x370: {  	v6 =	vsel vm3, $0x3F800000, v43;
	v5 =	vsel vm15, $0x3F800000, v43;
	v0 =	vbroadcast v0, $0xF  }
0x371: {  	vm9 =	vlt.s32 v29, v61;
	vm8 =	veq.f32 v24, v51;
	v4 =	vadd.f32 v5, v4;
	v5 =	vld [tilespmem:$0x1FC10]  }
0x372: {  	vm1 =	vmand vm9, vm8;
	vm15 =	vgt.f32 v24, v51;
	vm6 =	veq.f32 v2, v0;
	v2 =	vld [tilespmem:$0x1FC20]  }
0x373: {  	v6 =	vadd.f32 v6, v7;
	vm4 =	vmor vm15, vm1;
	v3 =	vnsel vm6, $0x4E6E6B28, v3  }
0x374: {  	(v2sf) =	vpush v47, $0xF;
	(xrf0) =	vmin.scan.msk.f32 $0xffff, v3;
	v3 =	vsel vm4, $0x3F800000, v43  }
0x375: {  	vm8 =	veq.f32 v23, v51;
	vm9 =	vlt.s32 v27, v61;
	v3 =	vadd.f32 v3, v6;
	v6 =	vld [tilespmem:$0x1FC30]  }
0x376: {  	vm15 =	vgt.f32 v23, v51;
	vm6 =	vlt.s32 v27, v63;
	vm5 =	vnez.u8 v5  }
0x377: {  	vm7 =	vnez.u8 v2;
	v5 =	vsel vm5, $0x3F800000, v43;
	vm5 =	veq.f32 v23, v60  }
0x378: {  	v2 =	vsel vm7, $0x3F800000, v43;
	vm7 =	vgt.f32 v23, v60;
	vm1 =	vmand vm6, vm5  }
0x379: {  	vm5 =	vgt.f32 v1, v60;
	vm0 =	vmor vm7, vm1;
	vm1 =	vmand vm9, vm8  }
0x37a: {  	vm6 =	vnez.u8 v6;
	vm8 =	veq.f32 v44, v60;
	vm9 =	vlt.s32 v26, v63  }
0x37b: {  	v6 =	vsel vm6, $0x3F800000, v43;
	v7 =	vsel vm0, $0x3F800000, v43;
	vm7 =	vmor vm15, vm1  }
0x37c: {  	v36, _, _ =	vpop (xrf0);
	vm15 =	vgt.f32 v44, v60;
	vm0 =	vmand vm9, vm8;
	vm6 =	veq.f32 v44, v51  }
0x37d: {  	(v2sf) =	vpush v36, $0xF;
	vm8 =	vgt.f32 v44, v51;
	v34 =	vsel vm7, $0x3F800000, v43  }
0x37e: {  	vm7 =	vlt.s32 v26, v61;
	vm0 =	vmor vm15, vm0;
	v4 =	vadd.f32 v7, v4  }
0x37f: {  	v37 =	vld [tilespmem:$0x1FC40];
	vm15 =	veq.f32 v1, v60;
	vm1 =	vmand vm7, vm6;
	v7 =	vsel vm0, $0x3F800000, v43  }
0x380: {  	vm6 =	veq.f32 v1, v51;
	vm0 =	vmor vm8, vm1;
	vm8 =	vgt.f32 v1, v51;
	v1 =	vld [tilespmem:$0x1FC50]  }
0x381: {  	vm4 =	vlt.s32 v38, v63;
	v3 =	vadd.f32 v34, v3;
	vm7 =	vlt.s32 v38, v61  }
0x382: {  	v4 =	vadd.f32 v7, v4;
	v7 =	vsel vm0, $0x3F800000, v43;
	vm0 =	vmand vm4, vm15  }
0x383: {  	s19 =	spop (v2sf);
	vm1 =	vmand vm7, vm6;
	vm0 =	vmor vm5, vm0  }
0x384: {  	s19 =	scvt.f32.s32 s19;
	v3 =	vadd.f32 v7, v3;
	v7 =	vsel vm0, $0x3F800000, v43;
	vm0 =	vmor vm8, vm1  }
0x385: {  	vm9 =	vnez.u8 v37;
	[tilespmem:$0xB50] =	vst v1;
	v1 =	vsel vm0, $0x3F800000, v43  }
0x386: {  	s19 =	ssub.s32 s19, s4;
	v8 =	vsel vm9, $0x3F800000, v43;
	vm9 =	veq.f32 v49, v60;
	v1 =	vadd.f32 v1, v3;
	v3 =	vld [tilespmem:$0x1FC80]  }
0x387: {  	v41 =	vld [tilespmem:$0x1FCA0];
	[tilespmem:$0xC30] =	vst v6;
	v6 =	vmov s19;
	vm6 =	veq.f32 v49, v51;
	vm15 =	vlt.s32 v18, v63  }
0x388: {  	v47 =	vld [tilespmem:$0x1FCD0];
	vm7 =	vlt.s32 v18, v61;
	vm4 =	vmand vm15, vm9;
	vm5 =	vgt.f32 v49, v60  }
0x389: {  	[tilespmem:$0xBD0] =	vst v35;
	v40 =	vld [tilespmem:$0x1FC70];
	vm9 =	vgt.f32 v49, v51;
	vm15 =	veq.f32 v62, v60;
	v49 =	vsel vm13, $0x3F800000, v43  }
0x38a: {  	[tilespmem:$0xBE0] =	vst v39;
	v42 =	vld [tilespmem:$0x1FCB0];
	vm13 =	vgt.s32 v6, $0x0;
	vm1 =	vmand vm7, vm6;
	vm6 =	vlt.s32 v19, v63  }
0x38b: {  	v4 =	vadd.f32 v7, v4;
	v7 =	vsel vm12, $0x3F800000, v43;
	vm1 =	vmor vm9, vm1;
	[tilespmem:$0xB80] =	vst v3;
	v3 =	vld [tilespmem:$0x1FC90]  }
0x38c: {  	[tilespmem:$0xB90] =	vst v41;
	v46 =	vld [tilespmem:$0x1FCC0];
	vm7 =	vmand vm6, vm15;
	vm9 =	veq.f32 v62, v51;
	vm12 =	vlt.s32 v19, v61  }
0x38d: {  	[tilespmem:$0xBF0] =	vst v15;
	vm15 =	vgt.f32 v62, v51;
	vm6 =	vgt.f32 v45, v60;
	vm0 =	vmor vm5, vm4;
	s20 =	spop (v2sf)  }
0x38e: {  	[tilespmem:$0xBC0] =	vst v47;
	vm2 =	vmand vm12, vm9;
	v48 =	vsel vm1, $0x3F800000, v43;
	vm4 =	veq.f32 v45, v60;
	s20 =	scvt.f32.s32 s20  }
0x38f: {  	[tilespmem:$0xB70] =	vst v40;
	vm5 =	vlt.s32 v52, v63;
	vm9 =	vlt.s32 v52, v61;
	vm12 =	vgt.f32 v45, v51  }
0x390: {  	[tilespmem:$0xBA0] =	vst v42;
	v44 =	vsel vm0, $0x3F800000, v43;
	vm1 =	vmor vm15, vm2;
	s20 =	ssub.s32 s20, s4;
	vm8 =	vnez.u8 v3  }
0x391: {  	[tilespmem:$0xBB0] =	vst v46;
	v54 =	vmov s20;
	v3 =	vsel vm8, $0x3F800000, v43;
	vm8 =	vgt.f32 v62, v60  }
0x392: {  	[tilespmem:$0xC00] =	vst v16;
	v38 =	vld [tilespmem:$0x1FC60];
	v4 =	vadd.f32 v44, v4;
	vm0 =	vmor vm8, vm7;
	vm7 =	vgt.s32 v54, $0x0  }
0x393: {  	[tilespmem:$0xC10] =	vst v5;
	v53 =	vsel vm1, $0x3F800000, v43;
	v1 =	vadd.f32 v48, v1;
	v5 =	vnsel vm7, $0x0, v54  }
0x394: {  	[tilespmem:$0xC20] =	vst v2;
	v50 =	vsel vm0, $0x3F800000, v43;
	vm0 =	vmand vm5, vm4;
	v5 =	vmin.u32 v5, $0x13F  }
0x395: {  	[tilespmem:$0xC40] =	vst v8;
	vm8 =	veq.f32 v45, v51;
	vm0 =	vmor vm6, vm0;
	v5 =	vbroadcast v5, $0x0  }
0x396: {  	[tilespmem:$0xC70] =	vst v49;
	v4 =	vadd.f32 v50, v4;
	v2 =	vsel vm0, $0x3F800000, v43;
	vm0 =	vmand vm9, vm8  }
0x397: {  	v6 =	vnsel vm13, $0x0, v6;
	[tilespmem:$0xB60] =	vst v38;
	v1 =	vadd.f32 v53, v1;
	vm0 =	vmor vm12, vm0  }
0x398: {  	[tilespmem:$0xC50] =	vst v3;
	v2 =	vadd.f32 v2, v4;
	v4 =	vmin.u32 v6, $0x13F;
	v3 =	vsel vm0, $0x3F800000, v43  }
0x399: {  	[tilespmem:$0xC60] =	vst v7;
	v6 =	vsel vm14, $0x3F800000, v43;
	v1 =	vadd.f32 v3, v1;
	v3 =	vbroadcast v4, $0x0  }
0x39a: {  	[tilespmem:$0xC80] =	vst v6;
	(xrf2) =	vadd.scan.msk.f32 $0xffff, v2  }
0x39b: {  	(xrf2) =	vadd.scan.msk.f32 $0xffff, v1;
	v1 =	vld.idx.msk [tilespmem:v5+s12+$0x0], $0xffff  }
0x39c: {  	v2 =	vld.idx.msk [tilespmem:v5+s11+$0x0], $0xffff  }
0x39d: {  	v4 =	vld.idx.msk [tilespmem:v5+s10+$0x0], $0xffff  }
0x39e: {  	v5 =	vld.idx.msk [tilespmem:v5+s9+$0x0], $0xffff  }
0x39f: {  	vm14 =	vcmask $0x3F38;
	v6 =	vld.idx.msk [tilespmem:v3+s12+$0x0], $0xffff  }
0x3a0: {  	vm15 =	vcmask $0x3F34;
	v7 =	vld.idx.msk [tilespmem:v3+s11+$0x0], $0xffff;
	v1 =	vsel vm14, $0x0, v1  }
0x3a1: {  	vm4 =	vcmask $0x3F30;
	v8 =	vld.idx.msk [tilespmem:v3+s10+$0x0], $0xffff;
	v1 =	vsel vm15, v1, v2  }
0x3a2: {  	vm5 =	vcmask $0x3F2C;
	v2 =	vld.idx.msk [tilespmem:v3+s9+$0x0], $0xffff;
	v1 =	vsel vm4, v1, v4  }
0x3a3: {  	vm6 =	vcmask $0x3F28;
	v1 =	vsel vm5, v1, v5  }
0x3a4: {  	vm7 =	vcmask $0x3F24;
	v3, _, _ =	vpop (xrf2);
	v1 =	vsel vm6, v1, v6  }
0x3a5: {  	vm8 =	vcmask $0x3F20;
	v4, _, _ =	vpop (xrf2);
	v1 =	vsel vm7, v1, v7  }
0x3a6: {  	vm9 =	vcmask $0x3F1C;
	v4 =	vbroadcast v4, $0xF;
	v1 =	vsel vm8, v1, v8  }
0x3a7: {  	vm12 =	vcmask $0x3F18;
	v1 =	vsel vm9, v1, v2;
	v2 =	vbroadcast v3, $0xF  }
0x3a8: {  	vm3 =	vcmask $0x3F14;
	v3 =	vbroadcast v36, $0xF;
	v1 =	vsel vm12, v1, v4  }
0x3a9: {  	vm4 =	vcmask $0x3F10;
	v1 =	vsel vm3, v1, v2  }
0x3aa: {  	vm5 =	vcmask $0x3F0C;
	v1 =	vsel vm4, v1, v3  }
0x3ab: {  	vm6 =	vcmask $0x3F08;
	v0 =	vsel vm5, v1, v0  }
0x3ac: {  	s24 =	sand.u32 $0x100, s3;
	vm13 =	vcmask $0x3F04;
	v0 =	vsel vm6, v0, v22  }
0x3ad: {  	s19 =	sadd.s32 s24, s2;
	v0 =	vsel vm13, v0, v21  }
0x3ae: {  	s25 =	sadd.s32 s13, s19;
	[tilespmem:$0x12D0] =	vst v0  }
0x3af: {  	[spmem:s25] =	stream.linear.scatter [tilespmem:s14], [sflag:$0x1], $0x10, $0x38;
	[tilespmem:$0x1400] =	vst v63  }
0x3b0: {  	_ =	swait.ge [sflag:s15], $0x10  }
0x3b1: {  	[sflag:s15] =	ssyncset.done $0x0  }
0x3b2: {  	[sflag:s15] =	ssyncadd.s32 $0xFFFFFFF0  }
0x3b3: {  	[bflag:$0x0] =	sbarrier.arrive $0xFFFF  }
0x3b4: {  	[tilespmem:s16], [sflag:$0x1] =	stream.linear.gather [spmem:s19], $0x100, $0x38;
	[tilespmem:$0x1400] =	vst v63  }
0x3b5: {  	_ =	swait.ge [sflag:s15], $0x100  }
0x3b6: {  	v0 =	vld [tilespmem:$0x1FE80];
	_ =	sdelay $0x5  }
0x3b7: {  	[sflag:s15] =	ssyncset.done $0x0  }
0x3b8: {  	[sflag:s15] =	ssyncadd.s32 $0xFFFFFF00  }
0x3b9: {  	v1 =	vld.idx.msk [tilespmem:v0+s16+$0x0], $0xffff;
	_ =	sdelay $0x4  }
0x3ba: {  	(xrf0) =	vmax.scan.msk.f32 $0xffff, v1;
	_ =	sdelay $0x5  }
0x3bb: {  	v0, _, _ =	vpop (xrf0)  }
0x3bc: {  	v0 =	vbroadcast v0, $0xF;
	_ =	sdelay $0x1  }
0x3bd: {  	v5 =	vld [tilespmem:$0x1FE50];
	vm14 =	veq.f32 v1, v0  }
0x3be: {  	v2 =	vmctz.xlane vm14;
	_ =	sdelay $0x1  }
0x3bf: {  	v3 =	vshll.u32 v2, $0x4  }
0x3c0: {  	v4 =	vor.u32 $0x1, v3;
	_ =	sdelay $0x3  }
0x3c1: {  	v5 =	vld.idx.msk [tilespmem:v5+s16+$0x0], $0xffff  }
0x3c2: {  	v4 =	vld.idx.msk [tilespmem:v4+s16+$0x0], $0xffff;
	_ =	sdelay $0x2  }
0x3c3: {  	v62 =	vlaneseq.u32  }
0x3c4: {  	vm0 =	veq.s32 v2, v62  }
0x3c5: {  	v1 =	vsel vm0, v5, v1;
	(xrf0) =	vmax.scan.msk.f32 $0xffff, v4  }
0x3c6: {  	(xrf0) =	vmax.scan.msk.f32 $0xffff, v1;
	_ =	sdelay $0x4  }
0x3c7: {  	v4, _, _ =	vpop (xrf0)  }
0x3c8: {  	v5, _, _ =	vpop (xrf0)  }
0x3c9: {  	v63 =	vbroadcast v5, $0xF;
	_ =	sdelay $0x1  }
0x3ca: {  	vm15 =	veq.f32 v1, v63  }
0x3cb: {  	v6 =	vor.u32 $0x7, v3;
	v5 =	vmctz.xlane vm15  }
0x3cc: {  	v37 =	vld [tilespmem:$0x1FE40];
	v7 =	vor.u32 $0x8, v3  }
0x3cd: {  	v42 =	vld [tilespmem:$0x1FE60];
	v1 =	vor.u32 $0x6, v3;
	vm1 =	veq.s32 v5, v2;
	v2 =	vimm.s32 $0x6  }
0x3ce: {  	v44 =	vld [tilespmem:$0x1FE70];
	v3 =	vor.u32 $0x9, v3;
	v18 =	vshll.u32 v5, $0x4;
	v2 =	vsel vm1, $0xA, v2  }
0x3cf: {  	v46 =	vld [tilespmem:$0x1FE90];
	v8 =	vor.u32 $0x8, v18;
	v19 =	vor.u32 v18, v2;
	v27 =	vadd.s32 $0x2, v2  }
0x3d0: {  	v21 =	vld.idx.msk [tilespmem:v6+s16+$0x0], $0xffff;
	v2 =	vadd.s32 $0x3, v2;
	v10 =	vand.u32 $0x4, v27;
	v6 =	vor.u32 $0x1, v19  }
0x3d1: {  	v29 =	vld.idx.msk [tilespmem:v7+s16+$0x0], $0xffff;
	v2 =	vand.u32 $0x5, v2;
	v10 =	vor.u32 v8, v10  }
0x3d2: {  	v1 =	vld.idx.msk [tilespmem:v1+s16+$0x0], $0xffff;
	v2 =	vor.u32 v8, v2  }
0x3d3: {  	v32 =	vld.idx.msk [tilespmem:v3+s16+$0x0], $0xffff  }
0x3d4: {  	v3 =	vld.idx.msk [tilespmem:v19+s16+$0x0], $0xffff  }
0x3d5: {  	v6 =	vld.idx.msk [tilespmem:v6+s16+$0x0], $0xffff  }
0x3d6: {  	v7 =	vld.idx.msk [tilespmem:v10+s16+$0x0], $0xffff  }
0x3d7: {  	v2 =	vld.idx.msk [tilespmem:v2+s16+$0x0], $0xffff;
	_ =	sdelay $0x2  }
0x3d8: {  	v35 =	vsub.f32 v29, v1;
	v36 =	vsub.f32 v32, v21  }
0x3d9: {  	v9 =	vmax.f32 v1, v3;
	v38 =	vmax.f32 v21, v6;
	v33 =	vmin.f32 v29, v7  }
0x3da: {  	v13 =	vld.idx.msk [tilespmem:v37+s16+$0x0], $0xffff;
	v34 =	vmin.f32 v32, v2;
	v39 =	vsub.f32 v7, v3;
	v40 =	vsub.f32 v2, v6  }
0x3db: {  	v12 =	vld.idx.msk [tilespmem:v44+s16+$0x0], $0xffff;
	v8 =	vsub.f32 v33, v9;
	v41 =	vsub.f32 v34, v38  }
0x3dc: {  	v15 =	vld.idx.msk [tilespmem:v46+s16+$0x0], $0xffff;
	v11 =	vmul.f32 v36, v35;
	v45 =	vmul.f32 v40, v39  }
0x3dd: {  	v10 =	vld.idx.msk [tilespmem:v42+s16+$0x0], $0xffff;
	v8 =	vmax.f32 v8, $0.0e+00;
	v9 =	vmax.f32 v41, $0.0e+00  }
0x3de: {  	v8 =	vmul.f32 v9, v8;
	v47 =	vadd.f32 v45, v11;
	_ =	sdelay $0x1  }
0x3df: {  	v9 =	vsub.f32 v47, v8  }
0x3e0: {  	(xrf2) =	vadd.scan.msk.f32 $0xffff, v12  }
0x3e1: {  	(xrf2) =	vadd.scan.msk.f32 $0xffff, v15;
	vm7 =	veq.s32 v5, v62;
	v10 =	vsel vm0, v10, v13;
	v5 =	vmax.f32 v9, $9.999999710e-10  }
0x3e2: {  	v48 =	vnsel vm7, $0xBF800000, v10;
	v5 =	vmul.f32 $5.000000000e-01, v5  }
0x3e3: {  	(xrf0) =	vmax.scan.msk.f32 $0xffff, v48  }
0x3e4: {  	vm8 =	vle.f32 v8, v5  }
0x3e5: {  	v5 =	vsel vm8, $0x3F800000, v43  }
0x3e6: {  	(xrf0) =	vmax.scan.msk.f32 $0xffff, v5;
	_ =	sdelay $0x2  }
0x3e7: {  	(v2sf) =	vpush v4, $0xF;
	v5, _, _ =	vpop (xrf0)  }
0x3e8: {  	v4, _, _ =	vpop (xrf2);
	(v2sf) =	vpush v5, $0xF  }
0x3e9: {  	(v2sf) =	vpush v4, $0xF;
	v4, _, _ =	vpop (xrf2)  }
0x3ea: {  	(v2sf) =	vpush v4, $0xF;
	v4, _, _ =	vpop (xrf0)  }
0x3eb: {  	(v2sf) =	vpush v4, $0xF;
	_ =	sdelay $0xa  }
0x3ec: {  	s26 =	spop (v2sf)  }
0x3ed: {  	s28 =	spop (v2sf)  }
0x3ee: {  	s21 =	spop (v2sf)  }
0x3ef: {  	v53 =	vld [tilespmem:$0x1FEB0];
	s22 =	spop (v2sf)  }
0x3f0: {  	v49 =	vld [tilespmem:$0x1FE30];
	s23 =	spop (v2sf)  }
0x3f1: {  	v50 =	vld [tilespmem:$0x1FE20];
	p4 =	slt.f32 s28, $5.000000000e+03;
	p2 =	sgt.f32 s23, $5.000000000e-01  }
0x3f2: {  	p0 =	por !p1, !p0;
	s29 =	sadd.s32 $0x1, s18;
	s21 =	scvt.f32.s32 s21  }
0x3f3: {  	v52 =	vsel vm3, $0x0, v60;
	p3 =	slt.f32 s26, $5.000000000e+03;
	s22 =	scvt.f32.s32 s22;
	p4 =	por !p4, !p2  }
0x3f4: {  	p5 =	slt.s32 s29, s7;
	p0 =	por !p0, !p0;
	vm14 =	vnez.u8 v53;
	v8 =	vsel vm4, v52, v59;
	v4 =	vmov s21;
	p1 =	por !p4, !p4  }
0x3f5: {  	p0 =	por !p0, !p3;
	v8 =	vsel vm5, v8, v57;
	v5 =	vmov s22;
	vm9 =	vlt.s32 v4, v49;
	p1 =	por !p5, !p1  }
0x3f6: {  	vm0 =	vmand vm9, vm10;
	vm10 =	vge.s32 v4, v50;
	v4 =	vsub.s32 s21, v50;
	p2 =	por !p0, !p0;
	p6 =	por !p1, !p1  }
0x3f7: {  	v8 =	vsel vm6, v8, v58;
	vm12 =	vlt.s32 v5, v49;
	s21 =	simm.s32 $0x1;
	v4 =	vmul.u32 $0x5, v4;
	p0 =	por !p2, !p6  }
0x3f8: {  	vm13 =	vge.s32 v5, v50;
	v5 =	vsub.s32 s22, v50;
	s22 =	simm.s32 $0x1;
	vm0 =	vmand vm0, vm10;
	s21 =	simm.s32 @!p2 $0x0;
	p4 =	por !p0, !p0  }
0x3f9: {  	v58 =	vld [tilespmem:$0x1FEA0];
	vm1 =	vmand vm12, vm11;
	v5 =	vmul.u32 $0x5, v5;
	v4 =	vadd.s32 v62, v4;
	s30 =	sadd.s32 s21, s18;
	s22 =	simm.s32 @!p4 $0x0  }
0x3fa: {  	vm1 =	vmand vm1, vm13;
	v4 =	vsel vm0, v4, v62;
	vm0 =	vmand vm0, vm14;
	s18 =	sadd.s32 s22, s30  }
0x3fb: {  	v54 =	vsel vm3, $0x0, v51;
	v5 =	vadd.s32 v62, v5;
	vm2 =	vmand vm1, vm14;
	p0 =	slt.s32 s5, $0x65;
	p1 =	slt.s32 s18, s7  }
0x3fc: {  	s19 =	scvt.f32.s32 s26;
	v9 =	vsel vm4, v54, v55;
	v5 =	vsel vm1, v5, v62;
	p5 =	por !p0, !p1  }
0x3fd: {  	v9 =	vsel vm5, v9, v30;
	p5 =	por !p5, !p5  }
0x3fe: {  	v9 =	vsel vm6, v9, v28;
	v57 =	vmov s19;
	vm15 =	vnez.u8 v58;
	s31 =	scvt.f32.s32 s28;
	p3 =	por !p5, !p3  }
0x3ff: {  	v8 =	vsel vm15, v56, v8;
	v9 =	vsel vm15, v31, v9;
	v10 =	vpsel !p2, $0x40000000, v57;
	p3 =	por !p3, !p3  }
0x400: {  	v0 =	vpsel !p2, $0x7F61B1E6, v0;
	v59 =	vpsel !p4, $0x7F61B1E6, v63;
	[tilespmem:v4+s17+$0x0] =	vst.idx.msk vm0, v8;
	v4 =	vmov s31;
	p2 =	por p3, p2  }
.Ltmp1:
0x401: {  	[tilespmem:v5+s17+$0x0] =	vst.idx.msk vm2, v9;
	v4 =	vpsel !p4, $0x40000000, v4;
	v62 =	vpsel p3, v45, v45;
	v51 =	vpsel p3, v59, v59;
	(pc) =	sbr.rel @p2 .LBB2_2-.Ltmp1, $4  }
0x402: {  	v55 =	vpsel p3, v2, v2;
	v2 =	vpsel p3, v7, v7;
	v5 =	vpsel p3, v6, v6  }
0x403: {  	s3 =	sadd.s32 $0x100, s3;
	s5 =	sadd.s32 $0x1, s5;
	v3 =	vpsel p3, v3, v3;
	v61 =	vpsel p3, v4, v4;
	v45 =	vpsel p3, v11, v11  }
0x404: {  	s3 =	smov.u32 @p3 s3;
	s5 =	smov.u32 @p3 s5;
	v60 =	vpsel p3, v0, v0;
	v59 =	vpsel p3, v32, v32;
	v57 =	vpsel p3, v29, v29  }
0x405: {  	p0 =	por @!p3 p0, p0;
	p1 =	por @!p3 p1, p1;
	v58 =	vpsel p3, v21, v21;
	v56 =	vpsel p3, v1, v1;
	v63 =	vpsel p3, v10, v10;
	s18 =	smov.u32 @p3 s18  }
.LBB2_3:
0x406: {  	p0 =	seq.s32 s0, $0xF  }
0x407: {  	s2 =	simm.s32 @p0 $0x0;
	s3 =	simm.s32 @p0 $0xC90  }
0x408: {  	[hbm4b:s8+s2] =	stream.linear.scatter @p0 [tilespmem:s3], [sflag:$0x1], $0x3E8, $0x38;
	[tilespmem:$0x1400] =	vst v63  }
0x409: {  	s2 =	simm.s32 @p0 $0x1  }
0x40a: {  	_ =	swait.ge @p0 [sflag:s2], $0x3E8  }
0x40b: {  	[sflag:s2] =	ssyncset.done @p0 $0x0  }
0x40c: {  	s3 =	simm.s32 @!p0 $0xC90;
	[sflag:s2] =	ssyncadd.s32 @p0 $0xFFFFFC18;
	s2 =	simm.s32 @!p0 $0x0  }
0x40d: {  	[hbm4b:s6+s2] =	stream.linear.scatter @!p0 [tilespmem:s3], [sflag:$0x1], $0x640, $0x38;
	[tilespmem:$0x1400] =	vst v63  }
0x40e: {  	s2 =	simm.s32 @!p0 $0x1  }
0x40f: {  	_ =	swait.ge @!p0 [sflag:s2], $0x640  }
0x410: {  	[sflag:s2] =	ssyncset.done @!p0 $0x0  }
0x411: {  	[sflag:s2] =	ssyncadd.s32 @!p0 $0xFFFFF9C0  }
0x412: {  	_ =	sfence.sel $0x180000  }
0x413: {  	[bflag:$0x0] =	sbarrier.arrive $0xFFFF  }
0x414: {  	p0 =	sne.s32 s0, $0x0;
	_ =	strace $0x90000047  }
0x415: {  	s0 =	sadd.s32 @!p0 $0x100000, s1;
	[bflag:$0x2] =	sbarrier.arrive $0xFFFF  }
0x416: {  	[sflag:s0] =	ssyncadd.tile.s32 @!p0 $0x1;
	_ =	shalt  }
.Lfunc_end2:
_tile_overlayer_lowered:
.L_overlay_start_2:
0x417: {  	(tag) =	ssettag $0x2  }
0x418: {  	s0 =	rddreg [dreg:$0x0];
	s2 =	stileid.u32  }
0x419: {  	s1 =	rddreg [dreg:$0x1];
	p0 =	sne.s32 s2, $0x0  }
0x41a: {  	s3 =	rddreg [dreg:$0x2];
	[bflag:$0x3] =	sbarrier.arrive $0xFFFF;
	s2 =	simm.s32 @!p0 $0x1C01  }
0x41b: {  	[timem:s3], [sflag:s2] =	dma.local @!p0 [hbm:s0], s1  }
0x41c: {  	s0 =	simm.s32 @!p0 $0x1  }
0x41d: {  	_ =	swait.ge @!p0 [sflag:s0], s1  }
0x41e: {  	s1 =	ssub.s32 @!p0 $0x0, s1;
	[sflag:s0] =	ssyncset.done @!p0 $0x0  }
0x41f: {  	[sflag:s0] =	ssyncadd.s32 @!p0 s1  }
0x420: {  	[bflag:$0x3] =	sbarrier.arrive $0xFFFF  }
0x421: {  	_ =	shalt  }

</sc_bundles>
